<compile_context>
chip_gen: v7x
topology: tpu7x:2x2x1
jax: 0.10.2.dev20260603
libtpu: 0.0.44.dev20260713+nightly
codegen_flags: <defaults>
</compile_context>

<pallas_src>
import functools

import jax
import jax.numpy as jnp
from jax import lax
from jax.experimental import pallas as pl
from jax.experimental.pallas import tpu as pltpu
from jax.experimental.pallas import tpu_sc as plsc

N = 10000
NP = 10240
G = 64
PAD = NP - 1
RB = 256
NB = NP // RB
RPT = NP // 16
CHUNK = 128
KB = 16



def _sc_mesh():
    return plsc.VectorSubcoreMesh(core_axis_name="c", subcore_axis_name="s")


def _make_degree_kernel(K):

    @functools.partial(
        pl.kernel,
        out_type=jax.ShapeDtypeStruct((2, NP), jnp.float32),
        mesh=_sc_mesh(),
        scratch_types=[
            pltpu.VMEM((K, CHUNK), jnp.int32),
            pltpu.VMEM((CHUNK,), jnp.float32),
            pltpu.VMEM_SHARED((NP,), jnp.float32),
        ],
    )
    def deg_kernel(dst_hbm, ones_hbm, zeros_hbm, out_hbm, dstv, onesv, deg_sh):
        c = lax.axis_index("c")
        s = lax.axis_index("s")
        pltpu.sync_copy(dst_hbm.at[c, s], dstv)
        pltpu.sync_copy(ones_hbm, onesv)
        pltpu.sync_copy(zeros_hbm, deg_sh.at[pl.ds(s * RPT, RPT)])
        plsc.subcore_barrier()

        def body(j, carry):
            pltpu.sync_copy(onesv, deg_sh.at[dstv.at[j]], add=True)
            return carry

        lax.fori_loop(0, K, body, 0)
        plsc.subcore_barrier()
        pltpu.sync_copy(deg_sh.at[pl.ds(s * RPT, RPT)],
                        out_hbm.at[c, pl.ds(s * RPT, RPT)])

    return deg_kernel


def _make_scatter_kernel(K, CH=CHUNK, NBUF=2):

    assert K % KB == 0

    @functools.partial(
        pl.kernel,
        out_type=jax.ShapeDtypeStruct((2, NP, 128), jnp.float32),
        mesh=_sc_mesh(),
        scratch_types=(
            [pltpu.VMEM((KB, CH), jnp.int32),
             pltpu.VMEM((KB, CH), jnp.int32)]
            + [pltpu.VMEM((CH, 128), jnp.float32)] * NBUF
            + [pltpu.VMEM_SHARED((NP, 128), jnp.float32)]
            + [pltpu.SemaphoreType.DMA] * (2 * NBUF)
        ),
    )
    def scat_kernel(table_hbm, src_hbm, dst_hbm, zeros_hbm, out_hbm,
                    srcv, dstv, *rest):
        bufs = rest[:NBUF]
        acc_sh = rest[NBUF]
        gsem = rest[NBUF + 1:NBUF + 1 + NBUF]
        ssem = rest[NBUF + 1 + NBUF:]
        c = lax.axis_index("c")
        s = lax.axis_index("s")
        pltpu.sync_copy(zeros_hbm, acc_sh.at[pl.ds(s * RPT, RPT)])
        plsc.subcore_barrier()

        def outer(b, carry):
            pltpu.sync_copy(src_hbm.at[c, s, pl.ds(b * KB, KB)], srcv)
            pltpu.sync_copy(dst_hbm.at[c, s, pl.ds(b * KB, KB)], dstv)
            pg = [None] * NBUF
            for j in range(min(NBUF, KB)):
                pg[j] = pltpu.async_copy(table_hbm.at[srcv.at[j]], bufs[j],
                                         gsem[j])
            tail = [None] * NBUF
            for j in range(KB):
                bj = j % NBUF
                pg[bj].wait()
                sd = pltpu.async_copy(bufs[bj], acc_sh.at[dstv.at[j]],
                                      ssem[bj], add=True)
                if j + NBUF < KB:
                    sd.wait()
                    pg[bj] = pltpu.async_copy(
                        table_hbm.at[srcv.at[j + NBUF]], bufs[bj], gsem[bj])
                else:
                    tail[bj] = sd
            for sd in tail:
                if sd is not None:
                    sd.wait()
            return carry

        lax.fori_loop(0, K // KB, outer, 0)
        plsc.subcore_barrier()
        pltpu.sync_copy(acc_sh.at[pl.ds(s * RPT, RPT)],
                        out_hbm.at[c, pl.ds(s * RPT, RPT)])

    return scat_kernel



def _dis_of(deg_ref):
    deg = deg_ref[0] + deg_ref[1]
    return lax.rsqrt(jnp.maximum(deg + 1.0, 1.0))


def _scale_kernel(x_ref, deg_ref, o_ref):
    o_ref[...] = x_ref[...] * _dis_of(deg_ref)


def _tc_scale(xp, deg):
    return pl.pallas_call(
        _scale_kernel,
        grid=(NB,),
        in_specs=[
            pl.BlockSpec((RB, 128), lambda i: (i, 0)),
            pl.BlockSpec((2, RB, 1), lambda i: (0, i, 0)),
        ],
        out_specs=pl.BlockSpec((RB, 128), lambda i: (i, 0)),
        out_shape=jax.ShapeDtypeStruct((NP, 128), jnp.float32),
    )(xp, deg)


def _layer1_kernel(acc_ref, xs_ref, deg_ref, w_ref, b_ref, o_ref):
    dis = _dis_of(deg_ref)
    m = dis * (acc_ref[0] + acc_ref[1] + xs_ref[...])
    h = jnp.dot(m, w_ref[...], preferred_element_type=jnp.float32)
    h = jnp.maximum(h + b_ref[0:1, :], 0.0)
    hs = dis * h
    o_ref[0] = hs[:, :128]
    o_ref[1] = hs[:, 128:]


def _tc_layer1(acc, xs, deg, W, bt):
    return pl.pallas_call(
        _layer1_kernel,
        grid=(NB,),
        in_specs=[
            pl.BlockSpec((2, RB, 128), lambda i: (0, i, 0)),
            pl.BlockSpec((RB, 128), lambda i: (i, 0)),
            pl.BlockSpec((2, RB, 1), lambda i: (0, i, 0)),
            pl.BlockSpec((128, 256), lambda i: (0, 0)),
            pl.BlockSpec((8, 256), lambda i: (0, 0)),
        ],
        out_specs=pl.BlockSpec((2, RB, 128), lambda i: (0, i, 0)),
        out_shape=jax.ShapeDtypeStruct((2, NP, 128), jnp.float32),
    )(acc, xs, deg, W, bt)


def _layer2_kernel(acc_ref, tbl_ref, deg_ref, w_ref, b_ref, o_ref):
    dis = _dis_of(deg_ref)
    m = jnp.concatenate(
        [dis * (acc_ref[0] + tbl_ref[0]), dis * (acc_ref[1] + tbl_ref[1])],
        axis=1)
    h = jnp.dot(m, w_ref[...], preferred_element_type=jnp.float32)
    h = jnp.maximum(h + b_ref[0:1, :], 0.0)
    hs = dis * h
    o_ref[0] = hs[:, :128]
    o_ref[1] = hs[:, 128:]


def _tc_layer2(acc, tbl, deg, W, bt):
    return pl.pallas_call(
        _layer2_kernel,
        grid=(NB,),
        in_specs=[
            pl.BlockSpec((2, RB, 128), lambda i: (0, i, 0)),
            pl.BlockSpec((2, RB, 128), lambda i: (0, i, 0)),
            pl.BlockSpec((2, RB, 1), lambda i: (0, i, 0)),
            pl.BlockSpec((256, 256), lambda i: (0, 0)),
            pl.BlockSpec((8, 256), lambda i: (0, 0)),
        ],
        out_specs=pl.BlockSpec((2, RB, 128), lambda i: (0, i, 0)),
        out_shape=jax.ShapeDtypeStruct((2, NP, 128), jnp.float32),
    )(acc, tbl, deg, W, bt)


def _final_kernel(acc_ref, tbl_ref, deg_ref, w3_ref, b3_ref, wl_ref, bl_ref,
                  bt_ref, o_ref, sums, cnts):
    i = pl.program_id(0)

    @pl.when(i == 0)
    def _init():
        sums[...] = jnp.zeros_like(sums)
        cnts[...] = jnp.zeros_like(cnts)

    dis = _dis_of(deg_ref)
    m = jnp.concatenate(
        [dis * (acc_ref[0] + tbl_ref[0]), dis * (acc_ref[1] + tbl_ref[1])],
        axis=1)
    h3 = jnp.dot(m, w3_ref[...], preferred_element_type=jnp.float32)
    h3 = h3 + b3_ref[0:1, :]

    bb = jnp.broadcast_to(bt_ref[...], (RB, G))
    gi = lax.broadcasted_iota(jnp.int32, (RB, G), 1)
    oh = (bb == gi).astype(jnp.float32)
    sums[...] += lax.dot_general(oh, h3, (((0,), (0,)), ((), ())),
                                 preferred_element_type=jnp.float32)
    ones = jnp.ones((RB, 128), jnp.float32)
    cnts[...] += lax.dot_general(oh, ones, (((0,), (0,)), ((), ())),
                                 preferred_element_type=jnp.float32)

    @pl.when(i == NB - 1)
    def _fin():
        pooled = sums[...] / jnp.maximum(cnts[...][:, 0:1], 1.0)
        o_ref[...] = (jnp.dot(pooled, wl_ref[...],
                              preferred_element_type=jnp.float32)
                      + bl_ref[0:1, :])


def _tc_final(acc, tbl, deg, W3, b3t, Wlp, blt, batchp):
    return pl.pallas_call(
        _final_kernel,
        grid=(NB,),
        in_specs=[
            pl.BlockSpec((2, RB, 128), lambda i: (0, i, 0)),
            pl.BlockSpec((2, RB, 128), lambda i: (0, i, 0)),
            pl.BlockSpec((2, RB, 1), lambda i: (0, i, 0)),
            pl.BlockSpec((256, 256), lambda i: (0, 0)),
            pl.BlockSpec((8, 256), lambda i: (0, 0)),
            pl.BlockSpec((256, 128), lambda i: (0, 0)),
            pl.BlockSpec((8, 128), lambda i: (0, 0)),
            pl.BlockSpec((RB, 1), lambda i: (i, 0)),
        ],
        out_specs=pl.BlockSpec((G, 128), lambda i: (0, 0)),
        out_shape=jax.ShapeDtypeStruct((G, 128), jnp.float32),
        scratch_shapes=[
            pltpu.VMEM((G, 256), jnp.float32),
            pltpu.VMEM((G, 128), jnp.float32),
        ],
    )(acc, tbl, deg, W3, b3t, Wlp, blt, batchp)



def _pad_edges(a, total, fill):
    return jnp.concatenate(
        [a, jnp.full((total - a.shape[0],), fill, jnp.int32)])


def kernel(x, edge_index, batch, W1, b1, W2, b2, W3, b3, Wl, bl):
    E = edge_index.shape[1]
    OUT = Wl.shape[1]
    src = edge_index[0]
    dst = edge_index[1]

    def _ceil_mult(a, b):
        return -(-a // b) * b

    K1 = _ceil_mult(-(-E // (32 * CHUNK)), KB)
    s1 = _pad_edges(src, 32 * K1 * CHUNK, PAD).reshape(2, 16, K1, CHUNK)
    d1 = _pad_edges(dst, 32 * K1 * CHUNK, PAD).reshape(2, 16, K1, CHUNK)

    CH2 = CHUNK
    K2 = _ceil_mult(-(-E // (16 * CH2)), KB)
    sp = _pad_edges(src, 16 * K2 * CH2, PAD).reshape(16, K2, CH2)
    dp = _pad_edges(dst, 16 * K2 * CH2, PAD).reshape(16, K2, CH2)
    s23 = jnp.stack([sp, sp + NP])
    d23 = jnp.stack([dp, dp])

    xp = jnp.pad(x, ((0, NP - N), (0, 0)))
    batchp = _pad_edges(batch, NP, G)[:, None]
    ones_c = jnp.ones((CHUNK,), jnp.float32)
    zeros_r = jnp.zeros((RPT,), jnp.float32)
    zeros_m = jnp.zeros((RPT, 128), jnp.float32)
    b1t = jnp.tile(b1[None, :], (8, 1))
    b2t = jnp.tile(b2[None, :], (8, 1))
    b3t = jnp.tile(b3[None, :], (8, 1))
    Wlp = jnp.pad(Wl, ((0, 0), (0, 128 - OUT)))
    blt = jnp.tile(jnp.pad(bl, (0, 128 - OUT))[None, :], (8, 1))

    deg = _make_degree_kernel(K1)(d1, ones_c, zeros_r)[:, :, None]

    xs = _tc_scale(xp, deg)
    acc1 = _make_scatter_kernel(K1)(xs, s1, d1, zeros_m)
    h1s = _tc_layer1(acc1, xs, deg, W1, b1t)

    scat23 = _make_scatter_kernel(K2, CH=CH2, NBUF=2)
    acc2 = scat23(h1s.reshape(2 * NP, 128), s23, d23, zeros_m)
    h2s = _tc_layer2(acc2, h1s, deg, W2, b2t)
    acc3 = scat23(h2s.reshape(2 * NP, 128), s23, d23, zeros_m)

    logits = _tc_final(acc3, h2s, deg, W3, b3t, Wlp, blt, batchp)
    return logits[:, :OUT]

# --- scband reference (transcript-rebuilt; emitter-appended) ---
"""Pipeline reference for scband-gcn-24146306138569 (READ-ONLY COPY).

The authoritative reference and input builder live on the scoring server;
editing this copy changes nothing except your own understanding.
"""

import jax, jax.numpy as jnp
import numpy as np

N = 10000
E = 320000
F_IN = 128
H = 256
NUM_GRAPHS = 64
OUT = 5

def setup_inputs(seed: int = 0):
    key = jax.random.key(seed)
    ks = jax.random.split(key, 12)
    x = jax.random.normal(ks[0], (N, F_IN), dtype=jnp.float32)
    edge_index = jax.random.randint(ks[1], (2, E), 0, N, dtype=jnp.int32)
    batch = jnp.sort(jax.random.randint(ks[2], (N,), 0, NUM_GRAPHS, dtype=jnp.int32))
    def glorot(k, fan_in, fan_out):
        s = jnp.sqrt(6.0 / (fan_in + fan_out))
        return jax.random.uniform(k, (fan_in, fan_out), minval=-s, maxval=s, dtype=jnp.float32)
    W1 = glorot(ks[3], F_IN, H); b1 = jnp.zeros((H,), jnp.float32)
    W2 = glorot(ks[4], H, H); b2 = jnp.zeros((H,), jnp.float32)
    W3 = glorot(ks[5], H, H); b3 = jnp.zeros((H,), jnp.float32)
    Wl = glorot(ks[6], H, OUT); bl = jnp.zeros((OUT,), jnp.float32)
    return {"x": x, "edge_index": edge_index, "batch": batch,
            "W1": W1, "b1": b1, "W2": W2, "b2": b2, "W3": W3, "b3": b3,
            "Wl": Wl, "bl": bl}

def _build_norm(edge_index, n):
    # GCN: add self-loops, symmetric normalization D^-1/2 (A+I) D^-1/2
    loop = jnp.arange(n, dtype=edge_index.dtype)
    src = jnp.concatenate([edge_index[0], loop])
    dst = jnp.concatenate([edge_index[1], loop])
    deg = jnp.zeros((n,), jnp.float32).at[dst].add(1.0)
    dis = jax.lax.rsqrt(jnp.maximum(deg, 1.0))
    norm = dis[src] * dis[dst]
    return src, dst, norm

def _gcn_conv(x, src, dst, norm, W, b):
    h = x @ W
    msg = h[src] * norm[:, None]
    out = jnp.zeros_like(h).at[dst].add(msg)
    return out + b

def reference(x, edge_index, batch, W1, b1, W2, b2, W3, b3, Wl, bl):
    n = x.shape[0]
    src, dst, norm = _build_norm(edge_index, n)
    h = jax.nn.relu(_gcn_conv(x, src, dst, norm, W1, b1))
    h = jax.nn.relu(_gcn_conv(h, src, dst, norm, W2, b2))
    h = _gcn_conv(h, src, dst, norm, W3, b3)
    sums = jax.ops.segment_sum(h, batch, num_segments=NUM_GRAPHS)
    cnts = jax.ops.segment_sum(jnp.ones((n,), jnp.float32), batch, num_segments=NUM_GRAPHS)
    pooled = sums / jnp.maximum(cnts, 1.0)[:, None]
    # F.dropout(p=0.5, training=self.training) is identity in eval mode
    return pooled @ Wl + bl

if __name__ == "__main__":
    import jax
    _d = setup_inputs()
    print(jax.jit(kernel)(*tuple(_d.values())))

</pallas_src>

<mosaic_0001>
#map = affine_map<(d0, d1) -> (0, 0)>
#map1 = affine_map<(d0, d1) -> (0, 0, 0, 0)>
#map2 = affine_map<(d0, d1) -> (0, 0, 0)>
module attributes {stable_mosaic.version = 14 : i64} {
  func.func @scat_kernel(%arg0: i32, %arg1: i32, %arg2: memref<20480x128xf32, #tpu.memory_space<hbm>>, %arg3: memref<2x16x160x128xi32, #tpu.memory_space<hbm>>, %arg4: memref<2x16x160x128xi32, #tpu.memory_space<hbm>>, %arg5: memref<640x128xf32, #tpu.memory_space<hbm>>, %arg6: memref<2x10240x128xf32, #tpu.memory_space<hbm>>, %arg7: memref<16x128xi32, #tpu.memory_space<vmem>>, %arg8: memref<16x128xi32, #tpu.memory_space<vmem>>, %arg9: memref<128x128xf32, #tpu.memory_space<vmem>>, %arg10: memref<128x128xf32, #tpu.memory_space<vmem>>, %arg11: memref<10240x128xf32, #tpu.memory_space<vmem_shared>>, %arg12: memref<!tpu.dma_semaphore, #tpu.memory_space<semaphore_mem>>, %arg13: memref<!tpu.dma_semaphore, #tpu.memory_space<semaphore_mem>>, %arg14: memref<!tpu.dma_semaphore, #tpu.memory_space<semaphore_mem>>, %arg15: memref<!tpu.dma_semaphore, #tpu.memory_space<semaphore_mem>>) attributes {dimension_semantics = [#tpu.dimension_semantics<core_parallel>, #tpu.dimension_semantics<subcore_parallel>], iteration_bounds = array<i64: 2, 16>, scalar_prefetch = 0 : i64, scratch_operands = 9 : i64, tpu.core_type = #tpu.core_type<sc_vector_subcore>, window_params = [{transform_indices = #map}, {transform_indices = #map1}, {transform_indices = #map1}, {transform_indices = #map}, {transform_indices = #map2}]} {
    %mul3A = arith.constant 640 : i32
    %mul3A_0 = arith.muli %arg1, %mul3A : i32
    "tpu.region"() ({
      %run_scoped3A = tpu.sem_alloc : memref<!tpu.dma_semaphore, #tpu.memory_space<semaphore_mem>>
      %dma_start3A = arith.constant 0 : i32
      %dma_start3A_11 = tpu.memref_slice %arg11[%mul3A_0, %dma_start3A] : memref<10240x128xf32, #tpu.memory_space<vmem_shared>> -> memref<640x128xf32, #tpu.memory_space<vmem_shared>>
      tpu.enqueue_dma source(%arg5 : memref<640x128xf32, #tpu.memory_space<hbm>>) target(%dma_start3A_11 : memref<640x128xf32, #tpu.memory_space<vmem_shared>>) target_semaphore(%run_scoped3A : memref<!tpu.dma_semaphore, #tpu.memory_space<semaphore_mem>>)
      %dma_wait3A = arith.constant 0 : i32
      %dma_wait3A_12 = tpu.memref_slice %arg11[%mul3A_0, %dma_wait3A] : memref<10240x128xf32, #tpu.memory_space<vmem_shared>> -> memref<640x128xf32, #tpu.memory_space<vmem_shared>>
      tpu.wait_dma2 semaphore(%run_scoped3A : memref<!tpu.dma_semaphore, #tpu.memory_space<semaphore_mem>>) src(%arg5 : memref<640x128xf32, #tpu.memory_space<hbm>>) dst(%dma_wait3A_12 : memref<640x128xf32, #tpu.memory_space<vmem_shared>>)
      tpu.yield
    }) : () -> ()
    %barrier3A = arith.constant 0 : index
    tpu.barrier barrier_id(%barrier3A)
    %scan3A = arith.constant 0 : i32
    %scan3A_1 = arith.constant 0 : i32
    %scan3A_2 = arith.constant 10 : i32
    %scan3A_3 = arith.addi %scan3A_1, %scan3A_2 : i32
    %scan3A_4 = arith.constant 1 : i32
    scf.for %scan3A_11 = %scan3A_1 to %scan3A_3 step %scan3A_4  : i32 {
      %mul3A_12 = arith.constant 16 : i32
      %mul3A_13 = arith.muli %scan3A_11, %mul3A_12 : i32
      "tpu.region"() ({
        %run_scoped3A = tpu.sem_alloc : memref<!tpu.dma_semaphore, #tpu.memory_space<semaphore_mem>>
        %dma_start3A_462 = arith.constant 0 : i32
        %dma_start3A_463 = tpu.memref_slice %arg3[%arg0, %arg1, %mul3A_13, %dma_start3A_462] : memref<2x16x160x128xi32, #tpu.memory_space<hbm>> -> memref<1x1x16x128xi32, #tpu.memory_space<hbm>>
        %dma_start3A_464 = tpu.memref_squeeze %dma_start3A_463 : memref<1x1x16x128xi32, #tpu.memory_space<hbm>> -> memref<16x128xi32, #tpu.memory_space<hbm>>
        %dma_start3A_465 = arith.constant 0 : i32
        %dma_start3A_466 = tpu.memref_slice %arg3[%arg0, %arg1, %mul3A_13, %dma_start3A_465] : memref<2x16x160x128xi32, #tpu.memory_space<hbm>> -> memref<1x1x16x128xi32, #tpu.memory_space<hbm>>
        %dma_start3A_467 = tpu.memref_squeeze %dma_start3A_466 : memref<1x1x16x128xi32, #tpu.memory_space<hbm>> -> memref<16x128xi32, #tpu.memory_space<hbm>>
        tpu.enqueue_dma source(%dma_start3A_467 : memref<16x128xi32, #tpu.memory_space<hbm>>) target(%arg7 : memref<16x128xi32, #tpu.memory_space<vmem>>) target_semaphore(%run_scoped3A : memref<!tpu.dma_semaphore, #tpu.memory_space<semaphore_mem>>)
        %dma_wait3A_468 = arith.constant 0 : i32
        %dma_wait3A_469 = tpu.memref_slice %arg3[%arg0, %arg1, %mul3A_13, %dma_wait3A_468] : memref<2x16x160x128xi32, #tpu.memory_space<hbm>> -> memref<1x1x16x128xi32, #tpu.memory_space<hbm>>
        %dma_wait3A_470 = tpu.memref_squeeze %dma_wait3A_469 : memref<1x1x16x128xi32, #tpu.memory_space<hbm>> -> memref<16x128xi32, #tpu.memory_space<hbm>>
        %dma_wait3A_471 = arith.constant 0 : i32
        %dma_wait3A_472 = tpu.memref_slice %arg3[%arg0, %arg1, %mul3A_13, %dma_wait3A_471] : memref<2x16x160x128xi32, #tpu.memory_space<hbm>> -> memref<1x1x16x128xi32, #tpu.memory_space<hbm>>
        %dma_wait3A_473 = tpu.memref_squeeze %dma_wait3A_472 : memref<1x1x16x128xi32, #tpu.memory_space<hbm>> -> memref<16x128xi32, #tpu.memory_space<hbm>>
        tpu.wait_dma2 semaphore(%run_scoped3A : memref<!tpu.dma_semaphore, #tpu.memory_space<semaphore_mem>>) src(%dma_wait3A_473 : memref<16x128xi32, #tpu.memory_space<hbm>>) dst(%arg7 : memref<16x128xi32, #tpu.memory_space<vmem>>)
        tpu.yield
      }) : () -> ()
      %mul3A_14 = arith.constant 16 : i32
      %mul3A_15 = arith.muli %scan3A_11, %mul3A_14 : i32
      "tpu.region"() ({
        %run_scoped3A = tpu.sem_alloc : memref<!tpu.dma_semaphore, #tpu.memory_space<semaphore_mem>>
        %dma_start3A_462 = arith.constant 0 : i32
        %dma_start3A_463 = tpu.memref_slice %arg4[%arg0, %arg1, %mul3A_15, %dma_start3A_462] : memref<2x16x160x128xi32, #tpu.memory_space<hbm>> -> memref<1x1x16x128xi32, #tpu.memory_space<hbm>>
        %dma_start3A_464 = tpu.memref_squeeze %dma_start3A_463 : memref<1x1x16x128xi32, #tpu.memory_space<hbm>> -> memref<16x128xi32, #tpu.memory_space<hbm>>
        %dma_start3A_465 = arith.constant 0 : i32
        %dma_start3A_466 = tpu.memref_slice %arg4[%arg0, %arg1, %mul3A_15, %dma_start3A_465] : memref<2x16x160x128xi32, #tpu.memory_space<hbm>> -> memref<1x1x16x128xi32, #tpu.memory_space<hbm>>
        %dma_start3A_467 = tpu.memref_squeeze %dma_start3A_466 : memref<1x1x16x128xi32, #tpu.memory_space<hbm>> -> memref<16x128xi32, #tpu.memory_space<hbm>>
        tpu.enqueue_dma source(%dma_start3A_467 : memref<16x128xi32, #tpu.memory_space<hbm>>) target(%arg8 : memref<16x128xi32, #tpu.memory_space<vmem>>) target_semaphore(%run_scoped3A : memref<!tpu.dma_semaphore, #tpu.memory_space<semaphore_mem>>)
        %dma_wait3A_468 = arith.constant 0 : i32
        %dma_wait3A_469 = tpu.memref_slice %arg4[%arg0, %arg1, %mul3A_15, %dma_wait3A_468] : memref<2x16x160x128xi32, #tpu.memory_space<hbm>> -> memref<1x1x16x128xi32, #tpu.memory_space<hbm>>
        %dma_wait3A_470 = tpu.memref_squeeze %dma_wait3A_469 : memref<1x1x16x128xi32, #tpu.memory_space<hbm>> -> memref<16x128xi32, #tpu.memory_space<hbm>>
        %dma_wait3A_471 = arith.constant 0 : i32
        %dma_wait3A_472 = tpu.memref_slice %arg4[%arg0, %arg1, %mul3A_15, %dma_wait3A_471] : memref<2x16x160x128xi32, #tpu.memory_space<hbm>> -> memref<1x1x16x128xi32, #tpu.memory_space<hbm>>
        %dma_wait3A_473 = tpu.memref_squeeze %dma_wait3A_472 : memref<1x1x16x128xi32, #tpu.memory_space<hbm>> -> memref<16x128xi32, #tpu.memory_space<hbm>>
        tpu.wait_dma2 semaphore(%run_scoped3A : memref<!tpu.dma_semaphore, #tpu.memory_space<semaphore_mem>>) src(%dma_wait3A_473 : memref<16x128xi32, #tpu.memory_space<hbm>>) dst(%arg8 : memref<16x128xi32, #tpu.memory_space<vmem>>)
        tpu.yield
      }) : () -> ()
      %dma_start3A = arith.constant 0 : i32
      %dma_start3A_16 = arith.constant 0 : i32
      %dma_start3A_17 = tpu.memref_slice %arg7[%dma_start3A, %dma_start3A_16] : memref<16x128xi32, #tpu.memory_space<vmem>> -> memref<1x128xi32, #tpu.memory_space<vmem>>
      %dma_start3A_18 = tpu.memref_squeeze %dma_start3A_17 : memref<1x128xi32, #tpu.memory_space<vmem>> -> memref<128xi32, #tpu.memory_space<vmem>>
      %dma_start3A_19 = arith.constant 0 : i32
      %dma_start3A_20 = arith.constant 0 : i32
      %dma_start3A_21 = tpu.memref_slice %arg2[%dma_start3A_19, %dma_start3A_20] : memref<20480x128xf32, #tpu.memory_space<hbm>> -> memref<20480x128xf32, #tpu.memory_space<hbm>>
      tpu.enqueue_indirect_dma source(%dma_start3A_21 : memref<20480x128xf32, #tpu.memory_space<hbm>>) target(%arg9 : memref<128x128xf32, #tpu.memory_space<vmem>>) offsets(%dma_start3A_18 : memref<128xi32, #tpu.memory_space<vmem>>) semaphore(%arg12 : memref<!tpu.dma_semaphore, #tpu.memory_space<semaphore_mem>>)
      %dma_start3A_22 = arith.constant 1 : i32
      %dma_start3A_23 = arith.constant 0 : i32
      %dma_start3A_24 = tpu.memref_slice %arg7[%dma_start3A_22, %dma_start3A_23] : memref<16x128xi32, #tpu.memory_space<vmem>> -> memref<1x128xi32, #tpu.memory_space<vmem>>
      %dma_start3A_25 = tpu.memref_squeeze %dma_start3A_24 : memref<1x128xi32, #tpu.memory_space<vmem>> -> memref<128xi32, #tpu.memory_space<vmem>>
      %dma_start3A_26 = arith.constant 0 : i32
      %dma_start3A_27 = arith.constant 0 : i32
      %dma_start3A_28 = tpu.memref_slice %arg2[%dma_start3A_26, %dma_start3A_27] : memref<20480x128xf32, #tpu.memory_space<hbm>> -> memref<20480x128xf32, #tpu.memory_space<hbm>>
      tpu.enqueue_indirect_dma source(%dma_start3A_28 : memref<20480x128xf32, #tpu.memory_space<hbm>>) target(%arg10 : memref<128x128xf32, #tpu.memory_space<vmem>>) offsets(%dma_start3A_25 : memref<128xi32, #tpu.memory_space<vmem>>) semaphore(%arg13 : memref<!tpu.dma_semaphore, #tpu.memory_space<semaphore_mem>>)
      %dma_wait3A = arith.constant 0 : i32
      %dma_wait3A_29 = arith.constant 0 : i32
      %dma_wait3A_30 = tpu.memref_slice %arg7[%dma_wait3A, %dma_wait3A_29] : memref<16x128xi32, #tpu.memory_space<vmem>> -> memref<1x128xi32, #tpu.memory_space<vmem>>
      %dma_wait3A_31 = tpu.memref_squeeze %dma_wait3A_30 : memref<1x128xi32, #tpu.memory_space<vmem>> -> memref<128xi32, #tpu.memory_space<vmem>>
      %dma_wait3A_32 = arith.constant 0 : i32
      %dma_wait3A_33 = arith.constant 0 : i32
      %dma_wait3A_34 = tpu.memref_slice %arg2[%dma_wait3A_32, %dma_wait3A_33] : memref<20480x128xf32, #tpu.memory_space<hbm>> -> memref<20480x128xf32, #tpu.memory_space<hbm>>
      tpu.wait_indirect_dma semaphore(%arg12 : memref<!tpu.dma_semaphore, #tpu.memory_space<semaphore_mem>>) src(%dma_wait3A_34 : memref<20480x128xf32, #tpu.memory_space<hbm>>) dst(%arg9 : memref<128x128xf32, #tpu.memory_space<vmem>>)
      %dma_start3A_35 = arith.constant 0 : i32
      %dma_start3A_36 = arith.constant 0 : i32
      %dma_start3A_37 = tpu.memref_slice %arg8[%dma_start3A_35, %dma_start3A_36] : memref<16x128xi32, #tpu.memory_space<vmem>> -> memref<1x128xi32, #tpu.memory_space<vmem>>
      %dma_start3A_38 = tpu.memref_squeeze %dma_start3A_37 : memref<1x128xi32, #tpu.memory_space<vmem>> -> memref<128xi32, #tpu.memory_space<vmem>>
      %dma_start3A_39 = arith.constant 0 : i32
      %dma_start3A_40 = arith.constant 0 : i32
      %dma_start3A_41 = tpu.memref_slice %arg11[%dma_start3A_39, %dma_start3A_40] : memref<10240x128xf32, #tpu.memory_space<vmem_shared>> -> memref<10240x128xf32, #tpu.memory_space<vmem_shared>>
      tpu.enqueue_indirect_dma source(%arg9 : memref<128x128xf32, #tpu.memory_space<vmem>>) target(%dma_start3A_41 : memref<10240x128xf32, #tpu.memory_space<vmem_shared>>) offsets(%dma_start3A_38 : memref<128xi32, #tpu.memory_space<vmem>>) semaphore(%arg14 : memref<!tpu.dma_semaphore, #tpu.memory_space<semaphore_mem>>) {add = true}
      %dma_wait3A_42 = arith.constant 0 : i32
      %dma_wait3A_43 = arith.constant 0 : i32
      %dma_wait3A_44 = tpu.memref_slice %arg8[%dma_wait3A_42, %dma_wait3A_43] : memref<16x128xi32, #tpu.memory_space<vmem>> -> memref<1x128xi32, #tpu.memory_space<vmem>>
      %dma_wait3A_45 = tpu.memref_squeeze %dma_wait3A_44 : memref<1x128xi32, #tpu.memory_space<vmem>> -> memref<128xi32, #tpu.memory_space<vmem>>
      %dma_wait3A_46 = arith.constant 0 : i32
      %dma_wait3A_47 = arith.constant 0 : i32
      %dma_wait3A_48 = tpu.memref_slice %arg11[%dma_wait3A_46, %dma_wait3A_47] : memref<10240x128xf32, #tpu.memory_space<vmem_shared>> -> memref<10240x128xf32, #tpu.memory_space<vmem_shared>>
      tpu.wait_indirect_dma semaphore(%arg14 : memref<!tpu.dma_semaphore, #tpu.memory_space<semaphore_mem>>) src(%arg9 : memref<128x128xf32, #tpu.memory_space<vmem>>) dst(%dma_wait3A_48 : memref<10240x128xf32, #tpu.memory_space<vmem_shared>>)
      %dma_start3A_49 = arith.constant 2 : i32
      %dma_start3A_50 = arith.constant 0 : i32
      %dma_start3A_51 = tpu.memref_slice %arg7[%dma_start3A_49, %dma_start3A_50] : memref<16x128xi32, #tpu.memory_space<vmem>> -> memref<1x128xi32, #tpu.memory_space<vmem>>
      %dma_start3A_52 = tpu.memref_squeeze %dma_start3A_51 : memref<1x128xi32, #tpu.memory_space<vmem>> -> memref<128xi32, #tpu.memory_space<vmem>>
      %dma_start3A_53 = arith.constant 0 : i32
      %dma_start3A_54 = arith.constant 0 : i32
      %dma_start3A_55 = tpu.memref_slice %arg2[%dma_start3A_53, %dma_start3A_54] : memref<20480x128xf32, #tpu.memory_space<hbm>> -> memref<20480x128xf32, #tpu.memory_space<hbm>>
      tpu.enqueue_indirect_dma source(%dma_start3A_55 : memref<20480x128xf32, #tpu.memory_space<hbm>>) target(%arg9 : memref<128x128xf32, #tpu.memory_space<vmem>>) offsets(%dma_start3A_52 : memref<128xi32, #tpu.memory_space<vmem>>) semaphore(%arg12 : memref<!tpu.dma_semaphore, #tpu.memory_space<semaphore_mem>>)
      %dma_wait3A_56 = arith.constant 1 : i32
      %dma_wait3A_57 = arith.constant 0 : i32
      %dma_wait3A_58 = tpu.memref_slice %arg7[%dma_wait3A_56, %dma_wait3A_57] : memref<16x128xi32, #tpu.memory_space<vmem>> -> memref<1x128xi32, #tpu.memory_space<vmem>>
      %dma_wait3A_59 = tpu.memref_squeeze %dma_wait3A_58 : memref<1x128xi32, #tpu.memory_space<vmem>> -> memref<128xi32, #tpu.memory_space<vmem>>
      %dma_wait3A_60 = arith.constant 0 : i32
      %dma_wait3A_61 = arith.constant 0 : i32
      %dma_wait3A_62 = tpu.memref_slice %arg2[%dma_wait3A_60, %dma_wait3A_61] : memref<20480x128xf32, #tpu.memory_space<hbm>> -> memref<20480x128xf32, #tpu.memory_space<hbm>>
      tpu.wait_indirect_dma semaphore(%arg13 : memref<!tpu.dma_semaphore, #tpu.memory_space<semaphore_mem>>) src(%dma_wait3A_62 : memref<20480x128xf32, #tpu.memory_space<hbm>>) dst(%arg10 : memref<128x128xf32, #tpu.memory_space<vmem>>)
      %dma_start3A_63 = arith.constant 1 : i32
      %dma_start3A_64 = arith.constant 0 : i32
      %dma_start3A_65 = tpu.memref_slice %arg8[%dma_start3A_63, %dma_start3A_64] : memref<16x128xi32, #tpu.memory_space<vmem>> -> memref<1x128xi32, #tpu.memory_space<vmem>>
      %dma_start3A_66 = tpu.memref_squeeze %dma_start3A_65 : memref<1x128xi32, #tpu.memory_space<vmem>> -> memref<128xi32, #tpu.memory_space<vmem>>
      %dma_start3A_67 = arith.constant 0 : i32
      %dma_start3A_68 = arith.constant 0 : i32
      %dma_start3A_69 = tpu.memref_slice %arg11[%dma_start3A_67, %dma_start3A_68] : memref<10240x128xf32, #tpu.memory_space<vmem_shared>> -> memref<10240x128xf32, #tpu.memory_space<vmem_shared>>
      tpu.enqueue_indirect_dma source(%arg10 : memref<128x128xf32, #tpu.memory_space<vmem>>) target(%dma_start3A_69 : memref<10240x128xf32, #tpu.memory_space<vmem_shared>>) offsets(%dma_start3A_66 : memref<128xi32, #tpu.memory_space<vmem>>) semaphore(%arg15 : memref<!tpu.dma_semaphore, #tpu.memory_space<semaphore_mem>>) {add = true}
      %dma_wait3A_70 = arith.constant 1 : i32
      %dma_wait3A_71 = arith.constant 0 : i32
      %dma_wait3A_72 = tpu.memref_slice %arg8[%dma_wait3A_70, %dma_wait3A_71] : memref<16x128xi32, #tpu.memory_space<vmem>> -> memref<1x128xi32, #tpu.memory_space<vmem>>
      %dma_wait3A_73 = tpu.memref_squeeze %dma_wait3A_72 : memref<1x128xi32, #tpu.memory_space<vmem>> -> memref<128xi32, #tpu.memory_space<vmem>>
      %dma_wait3A_74 = arith.constant 0 : i32
      %dma_wait3A_75 = arith.constant 0 : i32
      %dma_wait3A_76 = tpu.memref_slice %arg11[%dma_wait3A_74, %dma_wait3A_75] : memref<10240x128xf32, #tpu.memory_space<vmem_shared>> -> memref<10240x128xf32, #tpu.memory_space<vmem_shared>>
      tpu.wait_indirect_dma semaphore(%arg15 : memref<!tpu.dma_semaphore, #tpu.memory_space<semaphore_mem>>) src(%arg10 : memref<128x128xf32, #tpu.memory_space<vmem>>) dst(%dma_wait3A_76 : memref<10240x128xf32, #tpu.memory_space<vmem_shared>>)
      %dma_start3A_77 = arith.constant 3 : i32
      %dma_start3A_78 = arith.constant 0 : i32
      %dma_start3A_79 = tpu.memref_slice %arg7[%dma_start3A_77, %dma_start3A_78] : memref<16x128xi32, #tpu.memory_space<vmem>> -> memref<1x128xi32, #tpu.memory_space<vmem>>
      %dma_start3A_80 = tpu.memref_squeeze %dma_start3A_79 : memref<1x128xi32, #tpu.memory_space<vmem>> -> memref<128xi32, #tpu.memory_space<vmem>>
      %dma_start3A_81 = arith.constant 0 : i32
      %dma_start3A_82 = arith.constant 0 : i32
      %dma_start3A_83 = tpu.memref_slice %arg2[%dma_start3A_81, %dma_start3A_82] : memref<20480x128xf32, #tpu.memory_space<hbm>> -> memref<20480x128xf32, #tpu.memory_space<hbm>>
      tpu.enqueue_indirect_dma source(%dma_start3A_83 : memref<20480x128xf32, #tpu.memory_space<hbm>>) target(%arg10 : memref<128x128xf32, #tpu.memory_space<vmem>>) offsets(%dma_start3A_80 : memref<128xi32, #tpu.memory_space<vmem>>) semaphore(%arg13 : memref<!tpu.dma_semaphore, #tpu.memory_space<semaphore_mem>>)
      %dma_wait3A_84 = arith.constant 2 : i32
      %dma_wait3A_85 = arith.constant 0 : i32
      %dma_wait3A_86 = tpu.memref_slice %arg7[%dma_wait3A_84, %dma_wait3A_85] : memref<16x128xi32, #tpu.memory_space<vmem>> -> memref<1x128xi32, #tpu.memory_space<vmem>>
      %dma_wait3A_87 = tpu.memref_squeeze %dma_wait3A_86 : memref<1x128xi32, #tpu.memory_space<vmem>> -> memref<128xi32, #tpu.memory_space<vmem>>
      %dma_wait3A_88 = arith.constant 0 : i32
      %dma_wait3A_89 = arith.constant 0 : i32
      %dma_wait3A_90 = tpu.memref_slice %arg2[%dma_wait3A_88, %dma_wait3A_89] : memref<20480x128xf32, #tpu.memory_space<hbm>> -> memref<20480x128xf32, #tpu.memory_space<hbm>>
      tpu.wait_indirect_dma semaphore(%arg12 : memref<!tpu.dma_semaphore, #tpu.memory_space<semaphore_mem>>) src(%dma_wait3A_90 : memref<20480x128xf32, #tpu.memory_space<hbm>>) dst(%arg9 : memref<128x128xf32, #tpu.memory_space<vmem>>)
      %dma_start3A_91 = arith.constant 2 : i32
      %dma_start3A_92 = arith.constant 0 : i32
      %dma_start3A_93 = tpu.memref_slice %arg8[%dma_start3A_91, %dma_start3A_92] : memref<16x128xi32, #tpu.memory_space<vmem>> -> memref<1x128xi32, #tpu.memory_space<vmem>>
      %dma_start3A_94 = tpu.memref_squeeze %dma_start3A_93 : memref<1x128xi32, #tpu.memory_space<vmem>> -> memref<128xi32, #tpu.memory_space<vmem>>
      %dma_start3A_95 = arith.constant 0 : i32
      %dma_start3A_96 = arith.constant 0 : i32
      %dma_start3A_97 = tpu.memref_slice %arg11[%dma_start3A_95, %dma_start3A_96] : memref<10240x128xf32, #tpu.memory_space<vmem_shared>> -> memref<10240x128xf32, #tpu.memory_space<vmem_shared>>
      tpu.enqueue_indirect_dma source(%arg9 : memref<128x128xf32, #tpu.memory_space<vmem>>) target(%dma_start3A_97 : memref<10240x128xf32, #tpu.memory_space<vmem_shared>>) offsets(%dma_start3A_94 : memref<128xi32, #tpu.memory_space<vmem>>) semaphore(%arg14 : memref<!tpu.dma_semaphore, #tpu.memory_space<semaphore_mem>>) {add = true}
      %dma_wait3A_98 = arith.constant 2 : i32
      %dma_wait3A_99 = arith.constant 0 : i32
      %dma_wait3A_100 = tpu.memref_slice %arg8[%dma_wait3A_98, %dma_wait3A_99] : memref<16x128xi32, #tpu.memory_space<vmem>> -> memref<1x128xi32, #tpu.memory_space<vmem>>
      %dma_wait3A_101 = tpu.memref_squeeze %dma_wait3A_100 : memref<1x128xi32, #tpu.memory_space<vmem>> -> memref<128xi32, #tpu.memory_space<vmem>>
      %dma_wait3A_102 = arith.constant 0 : i32
      %dma_wait3A_103 = arith.constant 0 : i32
      %dma_wait3A_104 = tpu.memref_slice %arg11[%dma_wait3A_102, %dma_wait3A_103] : memref<10240x128xf32, #tpu.memory_space<vmem_shared>> -> memref<10240x128xf32, #tpu.memory_space<vmem_shared>>
      tpu.wait_indirect_dma semaphore(%arg14 : memref<!tpu.dma_semaphore, #tpu.memory_space<semaphore_mem>>) src(%arg9 : memref<128x128xf32, #tpu.memory_space<vmem>>) dst(%dma_wait3A_104 : memref<10240x128xf32, #tpu.memory_space<vmem_shared>>)
      %dma_start3A_105 = arith.constant 4 : i32
      %dma_start3A_106 = arith.constant 0 : i32
      %dma_start3A_107 = tpu.memref_slice %arg7[%dma_start3A_105, %dma_start3A_106] : memref<16x128xi32, #tpu.memory_space<vmem>> -> memref<1x128xi32, #tpu.memory_space<vmem>>
      %dma_start3A_108 = tpu.memref_squeeze %dma_start3A_107 : memref<1x128xi32, #tpu.memory_space<vmem>> -> memref<128xi32, #tpu.memory_space<vmem>>
      %dma_start3A_109 = arith.constant 0 : i32
      %dma_start3A_110 = arith.constant 0 : i32
      %dma_start3A_111 = tpu.memref_slice %arg2[%dma_start3A_109, %dma_start3A_110] : memref<20480x128xf32, #tpu.memory_space<hbm>> -> memref<20480x128xf32, #tpu.memory_space<hbm>>
      tpu.enqueue_indirect_dma source(%dma_start3A_111 : memref<20480x128xf32, #tpu.memory_space<hbm>>) target(%arg9 : memref<128x128xf32, #tpu.memory_space<vmem>>) offsets(%dma_start3A_108 : memref<128xi32, #tpu.memory_space<vmem>>) semaphore(%arg12 : memref<!tpu.dma_semaphore, #tpu.memory_space<semaphore_mem>>)
      %dma_wait3A_112 = arith.constant 3 : i32
      %dma_wait3A_113 = arith.constant 0 : i32
      %dma_wait3A_114 = tpu.memref_slice %arg7[%dma_wait3A_112, %dma_wait3A_113] : memref<16x128xi32, #tpu.memory_space<vmem>> -> memref<1x128xi32, #tpu.memory_space<vmem>>
      %dma_wait3A_115 = tpu.memref_squeeze %dma_wait3A_114 : memref<1x128xi32, #tpu.memory_space<vmem>> -> memref<128xi32, #tpu.memory_space<vmem>>
      %dma_wait3A_116 = arith.constant 0 : i32
      %dma_wait3A_117 = arith.constant 0 : i32
      %dma_wait3A_118 = tpu.memref_slice %arg2[%dma_wait3A_116, %dma_wait3A_117] : memref<20480x128xf32, #tpu.memory_space<hbm>> -> memref<20480x128xf32, #tpu.memory_space<hbm>>
      tpu.wait_indirect_dma semaphore(%arg13 : memref<!tpu.dma_semaphore, #tpu.memory_space<semaphore_mem>>) src(%dma_wait3A_118 : memref<20480x128xf32, #tpu.memory_space<hbm>>) dst(%arg10 : memref<128x128xf32, #tpu.memory_space<vmem>>)
      %dma_start3A_119 = arith.constant 3 : i32
      %dma_start3A_120 = arith.constant 0 : i32
      %dma_start3A_121 = tpu.memref_slice %arg8[%dma_start3A_119, %dma_start3A_120] : memref<16x128xi32, #tpu.memory_space<vmem>> -> memref<1x128xi32, #tpu.memory_space<vmem>>
      %dma_start3A_122 = tpu.memref_squeeze %dma_start3A_121 : memref<1x128xi32, #tpu.memory_space<vmem>> -> memref<128xi32, #tpu.memory_space<vmem>>
      %dma_start3A_123 = arith.constant 0 : i32
      %dma_start3A_124 = arith.constant 0 : i32
      %dma_start3A_125 = tpu.memref_slice %arg11[%dma_start3A_123, %dma_start3A_124] : memref<10240x128xf32, #tpu.memory_space<vmem_shared>> -> memref<10240x128xf32, #tpu.memory_space<vmem_shared>>
      tpu.enqueue_indirect_dma source(%arg10 : memref<128x128xf32, #tpu.memory_space<vmem>>) target(%dma_start3A_125 : memref<10240x128xf32, #tpu.memory_space<vmem_shared>>) offsets(%dma_start3A_122 : memref<128xi32, #tpu.memory_space<vmem>>) semaphore(%arg15 : memref<!tpu.dma_semaphore, #tpu.memory_space<semaphore_mem>>) {add = true}
      %dma_wait3A_126 = arith.constant 3 : i32
      %dma_wait3A_127 = arith.constant 0 : i32
      %dma_wait3A_128 = tpu.memref_slice %arg8[%dma_wait3A_126, %dma_wait3A_127] : memref<16x128xi32, #tpu.memory_space<vmem>> -> memref<1x128xi32, #tpu.memory_space<vmem>>
      %dma_wait3A_129 = tpu.memref_squeeze %dma_wait3A_128 : memref<1x128xi32, #tpu.memory_space<vmem>> -> memref<128xi32, #tpu.memory_space<vmem>>
      %dma_wait3A_130 = arith.constant 0 : i32
      %dma_wait3A_131 = arith.constant 0 : i32
      %dma_wait3A_132 = tpu.memref_slice %arg11[%dma_wait3A_130, %dma_wait3A_131] : memref<10240x128xf32, #tpu.memory_space<vmem_shared>> -> memref<10240x128xf32, #tpu.memory_space<vmem_shared>>
      tpu.wait_indirect_dma semaphore(%arg15 : memref<!tpu.dma_semaphore, #tpu.memory_space<semaphore_mem>>) src(%arg10 : memref<128x128xf32, #tpu.memory_space<vmem>>) dst(%dma_wait3A_132 : memref<10240x128xf32, #tpu.memory_space<vmem_shared>>)
      %dma_start3A_133 = arith.constant 5 : i32
      %dma_start3A_134 = arith.constant 0 : i32
      %dma_start3A_135 = tpu.memref_slice %arg7[%dma_start3A_133, %dma_start3A_134] : memref<16x128xi32, #tpu.memory_space<vmem>> -> memref<1x128xi32, #tpu.memory_space<vmem>>
      %dma_start3A_136 = tpu.memref_squeeze %dma_start3A_135 : memref<1x128xi32, #tpu.memory_space<vmem>> -> memref<128xi32, #tpu.memory_space<vmem>>
      %dma_start3A_137 = arith.constant 0 : i32
      %dma_start3A_138 = arith.constant 0 : i32
      %dma_start3A_139 = tpu.memref_slice %arg2[%dma_start3A_137, %dma_start3A_138] : memref<20480x128xf32, #tpu.memory_space<hbm>> -> memref<20480x128xf32, #tpu.memory_space<hbm>>
      tpu.enqueue_indirect_dma source(%dma_start3A_139 : memref<20480x128xf32, #tpu.memory_space<hbm>>) target(%arg10 : memref<128x128xf32, #tpu.memory_space<vmem>>) offsets(%dma_start3A_136 : memref<128xi32, #tpu.memory_space<vmem>>) semaphore(%arg13 : memref<!tpu.dma_semaphore, #tpu.memory_space<semaphore_mem>>)
      %dma_wait3A_140 = arith.constant 4 : i32
      %dma_wait3A_141 = arith.constant 0 : i32
      %dma_wait3A_142 = tpu.memref_slice %arg7[%dma_wait3A_140, %dma_wait3A_141] : memref<16x128xi32, #tpu.memory_space<vmem>> -> memref<1x128xi32, #tpu.memory_space<vmem>>
      %dma_wait3A_143 = tpu.memref_squeeze %dma_wait3A_142 : memref<1x128xi32, #tpu.memory_space<vmem>> -> memref<128xi32, #tpu.memory_space<vmem>>
      %dma_wait3A_144 = arith.constant 0 : i32
      %dma_wait3A_145 = arith.constant 0 : i32
      %dma_wait3A_146 = tpu.memref_slice %arg2[%dma_wait3A_144, %dma_wait3A_145] : memref<20480x128xf32, #tpu.memory_space<hbm>> -> memref<20480x128xf32, #tpu.memory_space<hbm>>
      tpu.wait_indirect_dma semaphore(%arg12 : memref<!tpu.dma_semaphore, #tpu.memory_space<semaphore_mem>>) src(%dma_wait3A_146 : memref<20480x128xf32, #tpu.memory_space<hbm>>) dst(%arg9 : memref<128x128xf32, #tpu.memory_space<vmem>>)
      %dma_start3A_147 = arith.constant 4 : i32
      %dma_start3A_148 = arith.constant 0 : i32
      %dma_start3A_149 = tpu.memref_slice %arg8[%dma_start3A_147, %dma_start3A_148] : memref<16x128xi32, #tpu.memory_space<vmem>> -> memref<1x128xi32, #tpu.memory_space<vmem>>
      %dma_start3A_150 = tpu.memref_squeeze %dma_start3A_149 : memref<1x128xi32, #tpu.memory_space<vmem>> -> memref<128xi32, #tpu.memory_space<vmem>>
      %dma_start3A_151 = arith.constant 0 : i32
      %dma_start3A_152 = arith.constant 0 : i32
      %dma_start3A_153 = tpu.memref_slice %arg11[%dma_start3A_151, %dma_start3A_152] : memref<10240x128xf32, #tpu.memory_space<vmem_shared>> -> memref<10240x128xf32, #tpu.memory_space<vmem_shared>>
      tpu.enqueue_indirect_dma source(%arg9 : memref<128x128xf32, #tpu.memory_space<vmem>>) target(%dma_start3A_153 : memref<10240x128xf32, #tpu.memory_space<vmem_shared>>) offsets(%dma_start3A_150 : memref<128xi32, #tpu.memory_space<vmem>>) semaphore(%arg14 : memref<!tpu.dma_semaphore, #tpu.memory_space<semaphore_mem>>) {add = true}
      %dma_wait3A_154 = arith.constant 4 : i32
      %dma_wait3A_155 = arith.constant 0 : i32
      %dma_wait3A_156 = tpu.memref_slice %arg8[%dma_wait3A_154, %dma_wait3A_155] : memref<16x128xi32, #tpu.memory_space<vmem>> -> memref<1x128xi32, #tpu.memory_space<vmem>>
      %dma_wait3A_157 = tpu.memref_squeeze %dma_wait3A_156 : memref<1x128xi32, #tpu.memory_space<vmem>> -> memref<128xi32, #tpu.memory_space<vmem>>
      %dma_wait3A_158 = arith.constant 0 : i32
      %dma_wait3A_159 = arith.constant 0 : i32
      %dma_wait3A_160 = tpu.memref_slice %arg11[%dma_wait3A_158, %dma_wait3A_159] : memref<10240x128xf32, #tpu.memory_space<vmem_shared>> -> memref<10240x128xf32, #tpu.memory_space<vmem_shared>>
      tpu.wait_indirect_dma semaphore(%arg14 : memref<!tpu.dma_semaphore, #tpu.memory_space<semaphore_mem>>) src(%arg9 : memref<128x128xf32, #tpu.memory_space<vmem>>) dst(%dma_wait3A_160 : memref<10240x128xf32, #tpu.memory_space<vmem_shared>>)
      %dma_start3A_161 = arith.constant 6 : i32
      %dma_start3A_162 = arith.constant 0 : i32
      %dma_start3A_163 = tpu.memref_slice %arg7[%dma_start3A_161, %dma_start3A_162] : memref<16x128xi32, #tpu.memory_space<vmem>> -> memref<1x128xi32, #tpu.memory_space<vmem>>
      %dma_start3A_164 = tpu.memref_squeeze %dma_start3A_163 : memref<1x128xi32, #tpu.memory_space<vmem>> -> memref<128xi32, #tpu.memory_space<vmem>>
      %dma_start3A_165 = arith.constant 0 : i32
      %dma_start3A_166 = arith.constant 0 : i32
      %dma_start3A_167 = tpu.memref_slice %arg2[%dma_start3A_165, %dma_start3A_166] : memref<20480x128xf32, #tpu.memory_space<hbm>> -> memref<20480x128xf32, #tpu.memory_space<hbm>>
      tpu.enqueue_indirect_dma source(%dma_start3A_167 : memref<20480x128xf32, #tpu.memory_space<hbm>>) target(%arg9 : memref<128x128xf32, #tpu.memory_space<vmem>>) offsets(%dma_start3A_164 : memref<128xi32, #tpu.memory_space<vmem>>) semaphore(%arg12 : memref<!tpu.dma_semaphore, #tpu.memory_space<semaphore_mem>>)
      %dma_wait3A_168 = arith.constant 5 : i32
      %dma_wait3A_169 = arith.constant 0 : i32
      %dma_wait3A_170 = tpu.memref_slice %arg7[%dma_wait3A_168, %dma_wait3A_169] : memref<16x128xi32, #tpu.memory_space<vmem>> -> memref<1x128xi32, #tpu.memory_space<vmem>>
      %dma_wait3A_171 = tpu.memref_squeeze %dma_wait3A_170 : memref<1x128xi32, #tpu.memory_space<vmem>> -> memref<128xi32, #tpu.memory_space<vmem>>
      %dma_wait3A_172 = arith.constant 0 : i32
      %dma_wait3A_173 = arith.constant 0 : i32
      %dma_wait3A_174 = tpu.memref_slice %arg2[%dma_wait3A_172, %dma_wait3A_173] : memref<20480x128xf32, #tpu.memory_space<hbm>> -> memref<20480x128xf32, #tpu.memory_space<hbm>>
      tpu.wait_indirect_dma semaphore(%arg13 : memref<!tpu.dma_semaphore, #tpu.memory_space<semaphore_mem>>) src(%dma_wait3A_174 : memref<20480x128xf32, #tpu.memory_space<hbm>>) dst(%arg10 : memref<128x128xf32, #tpu.memory_space<vmem>>)
      %dma_start3A_175 = arith.constant 5 : i32
      %dma_start3A_176 = arith.constant 0 : i32
      %dma_start3A_177 = tpu.memref_slice %arg8[%dma_start3A_175, %dma_start3A_176] : memref<16x128xi32, #tpu.memory_space<vmem>> -> memref<1x128xi32, #tpu.memory_space<vmem>>
      %dma_start3A_178 = tpu.memref_squeeze %dma_start3A_177 : memref<1x128xi32, #tpu.memory_space<vmem>> -> memref<128xi32, #tpu.memory_space<vmem>>
      %dma_start3A_179 = arith.constant 0 : i32
      %dma_start3A_180 = arith.constant 0 : i32
      %dma_start3A_181 = tpu.memref_slice %arg11[%dma_start3A_179, %dma_start3A_180] : memref<10240x128xf32, #tpu.memory_space<vmem_shared>> -> memref<10240x128xf32, #tpu.memory_space<vmem_shared>>
      tpu.enqueue_indirect_dma source(%arg10 : memref<128x128xf32, #tpu.memory_space<vmem>>) target(%dma_start3A_181 : memref<10240x128xf32, #tpu.memory_space<vmem_shared>>) offsets(%dma_start3A_178 : memref<128xi32, #tpu.memory_space<vmem>>) semaphore(%arg15 : memref<!tpu.dma_semaphore, #tpu.memory_space<semaphore_mem>>) {add = true}
      %dma_wait3A_182 = arith.constant 5 : i32
      %dma_wait3A_183 = arith.constant 0 : i32
      %dma_wait3A_184 = tpu.memref_slice %arg8[%dma_wait3A_182, %dma_wait3A_183] : memref<16x128xi32, #tpu.memory_space<vmem>> -> memref<1x128xi32, #tpu.memory_space<vmem>>
      %dma_wait3A_185 = tpu.memref_squeeze %dma_wait3A_184 : memref<1x128xi32, #tpu.memory_space<vmem>> -> memref<128xi32, #tpu.memory_space<vmem>>
      %dma_wait3A_186 = arith.constant 0 : i32
      %dma_wait3A_187 = arith.constant 0 : i32
      %dma_wait3A_188 = tpu.memref_slice %arg11[%dma_wait3A_186, %dma_wait3A_187] : memref<10240x128xf32, #tpu.memory_space<vmem_shared>> -> memref<10240x128xf32, #tpu.memory_space<vmem_shared>>
      tpu.wait_indirect_dma semaphore(%arg15 : memref<!tpu.dma_semaphore, #tpu.memory_space<semaphore_mem>>) src(%arg10 : memref<128x128xf32, #tpu.memory_space<vmem>>) dst(%dma_wait3A_188 : memref<10240x128xf32, #tpu.memory_space<vmem_shared>>)
      %dma_start3A_189 = arith.constant 7 : i32
      %dma_start3A_190 = arith.constant 0 : i32
      %dma_start3A_191 = tpu.memref_slice %arg7[%dma_start3A_189, %dma_start3A_190] : memref<16x128xi32, #tpu.memory_space<vmem>> -> memref<1x128xi32, #tpu.memory_space<vmem>>
      %dma_start3A_192 = tpu.memref_squeeze %dma_start3A_191 : memref<1x128xi32, #tpu.memory_space<vmem>> -> memref<128xi32, #tpu.memory_space<vmem>>
      %dma_start3A_193 = arith.constant 0 : i32
      %dma_start3A_194 = arith.constant 0 : i32
      %dma_start3A_195 = tpu.memref_slice %arg2[%dma_start3A_193, %dma_start3A_194] : memref<20480x128xf32, #tpu.memory_space<hbm>> -> memref<20480x128xf32, #tpu.memory_space<hbm>>
      tpu.enqueue_indirect_dma source(%dma_start3A_195 : memref<20480x128xf32, #tpu.memory_space<hbm>>) target(%arg10 : memref<128x128xf32, #tpu.memory_space<vmem>>) offsets(%dma_start3A_192 : memref<128xi32, #tpu.memory_space<vmem>>) semaphore(%arg13 : memref<!tpu.dma_semaphore, #tpu.memory_space<semaphore_mem>>)
      %dma_wait3A_196 = arith.constant 6 : i32
      %dma_wait3A_197 = arith.constant 0 : i32
      %dma_wait3A_198 = tpu.memref_slice %arg7[%dma_wait3A_196, %dma_wait3A_197] : memref<16x128xi32, #tpu.memory_space<vmem>> -> memref<1x128xi32, #tpu.memory_space<vmem>>
      %dma_wait3A_199 = tpu.memref_squeeze %dma_wait3A_198 : memref<1x128xi32, #tpu.memory_space<vmem>> -> memref<128xi32, #tpu.memory_space<vmem>>
      %dma_wait3A_200 = arith.constant 0 : i32
      %dma_wait3A_201 = arith.constant 0 : i32
      %dma_wait3A_202 = tpu.memref_slice %arg2[%dma_wait3A_200, %dma_wait3A_201] : memref<20480x128xf32, #tpu.memory_space<hbm>> -> memref<20480x128xf32, #tpu.memory_space<hbm>>
      tpu.wait_indirect_dma semaphore(%arg12 : memref<!tpu.dma_semaphore, #tpu.memory_space<semaphore_mem>>) src(%dma_wait3A_202 : memref<20480x128xf32, #tpu.memory_space<hbm>>) dst(%arg9 : memref<128x128xf32, #tpu.memory_space<vmem>>)
      %dma_start3A_203 = arith.constant 6 : i32
      %dma_start3A_204 = arith.constant 0 : i32
      %dma_start3A_205 = tpu.memref_slice %arg8[%dma_start3A_203, %dma_start3A_204] : memref<16x128xi32, #tpu.memory_space<vmem>> -> memref<1x128xi32, #tpu.memory_space<vmem>>
      %dma_start3A_206 = tpu.memref_squeeze %dma_start3A_205 : memref<1x128xi32, #tpu.memory_space<vmem>> -> memref<128xi32, #tpu.memory_space<vmem>>
      %dma_start3A_207 = arith.constant 0 : i32
      %dma_start3A_208 = arith.constant 0 : i32
      %dma_start3A_209 = tpu.memref_slice %arg11[%dma_start3A_207, %dma_start3A_208] : memref<10240x128xf32, #tpu.memory_space<vmem_shared>> -> memref<10240x128xf32, #tpu.memory_space<vmem_shared>>
      tpu.enqueue_indirect_dma source(%arg9 : memref<128x128xf32, #tpu.memory_space<vmem>>) target(%dma_start3A_209 : memref<10240x128xf32, #tpu.memory_space<vmem_shared>>) offsets(%dma_start3A_206 : memref<128xi32, #tpu.memory_space<vmem>>) semaphore(%arg14 : memref<!tpu.dma_semaphore, #tpu.memory_space<semaphore_mem>>) {add = true}
      %dma_wait3A_210 = arith.constant 6 : i32
      %dma_wait3A_211 = arith.constant 0 : i32
      %dma_wait3A_212 = tpu.memref_slice %arg8[%dma_wait3A_210, %dma_wait3A_211] : memref<16x128xi32, #tpu.memory_space<vmem>> -> memref<1x128xi32, #tpu.memory_space<vmem>>
      %dma_wait3A_213 = tpu.memref_squeeze %dma_wait3A_212 : memref<1x128xi32, #tpu.memory_space<vmem>> -> memref<128xi32, #tpu.memory_space<vmem>>
      %dma_wait3A_214 = arith.constant 0 : i32
      %dma_wait3A_215 = arith.constant 0 : i32
      %dma_wait3A_216 = tpu.memref_slice %arg11[%dma_wait3A_214, %dma_wait3A_215] : memref<10240x128xf32, #tpu.memory_space<vmem_shared>> -> memref<10240x128xf32, #tpu.memory_space<vmem_shared>>
      tpu.wait_indirect_dma semaphore(%arg14 : memref<!tpu.dma_semaphore, #tpu.memory_space<semaphore_mem>>) src(%arg9 : memref<128x128xf32, #tpu.memory_space<vmem>>) dst(%dma_wait3A_216 : memref<10240x128xf32, #tpu.memory_space<vmem_shared>>)
      %dma_start3A_217 = arith.constant 8 : i32
      %dma_start3A_218 = arith.constant 0 : i32
      %dma_start3A_219 = tpu.memref_slice %arg7[%dma_start3A_217, %dma_start3A_218] : memref<16x128xi32, #tpu.memory_space<vmem>> -> memref<1x128xi32, #tpu.memory_space<vmem>>
      %dma_start3A_220 = tpu.memref_squeeze %dma_start3A_219 : memref<1x128xi32, #tpu.memory_space<vmem>> -> memref<128xi32, #tpu.memory_space<vmem>>
      %dma_start3A_221 = arith.constant 0 : i32
      %dma_start3A_222 = arith.constant 0 : i32
      %dma_start3A_223 = tpu.memref_slice %arg2[%dma_start3A_221, %dma_start3A_222] : memref<20480x128xf32, #tpu.memory_space<hbm>> -> memref<20480x128xf32, #tpu.memory_space<hbm>>
      tpu.enqueue_indirect_dma source(%dma_start3A_223 : memref<20480x128xf32, #tpu.memory_space<hbm>>) target(%arg9 : memref<128x128xf32, #tpu.memory_space<vmem>>) offsets(%dma_start3A_220 : memref<128xi32, #tpu.memory_space<vmem>>) semaphore(%arg12 : memref<!tpu.dma_semaphore, #tpu.memory_space<semaphore_mem>>)
      %dma_wait3A_224 = arith.constant 7 : i32
      %dma_wait3A_225 = arith.constant 0 : i32
      %dma_wait3A_226 = tpu.memref_slice %arg7[%dma_wait3A_224, %dma_wait3A_225] : memref<16x128xi32, #tpu.memory_space<vmem>> -> memref<1x128xi32, #tpu.memory_space<vmem>>
      %dma_wait3A_227 = tpu.memref_squeeze %dma_wait3A_226 : memref<1x128xi32, #tpu.memory_space<vmem>> -> memref<128xi32, #tpu.memory_space<vmem>>
      %dma_wait3A_228 = arith.constant 0 : i32
      %dma_wait3A_229 = arith.constant 0 : i32
      %dma_wait3A_230 = tpu.memref_slice %arg2[%dma_wait3A_228, %dma_wait3A_229] : memref<20480x128xf32, #tpu.memory_space<hbm>> -> memref<20480x128xf32, #tpu.memory_space<hbm>>
      tpu.wait_indirect_dma semaphore(%arg13 : memref<!tpu.dma_semaphore, #tpu.memory_space<semaphore_mem>>) src(%dma_wait3A_230 : memref<20480x128xf32, #tpu.memory_space<hbm>>) dst(%arg10 : memref<128x128xf32, #tpu.memory_space<vmem>>)
      %dma_start3A_231 = arith.constant 7 : i32
      %dma_start3A_232 = arith.constant 0 : i32
      %dma_start3A_233 = tpu.memref_slice %arg8[%dma_start3A_231, %dma_start3A_232] : memref<16x128xi32, #tpu.memory_space<vmem>> -> memref<1x128xi32, #tpu.memory_space<vmem>>
      %dma_start3A_234 = tpu.memref_squeeze %dma_start3A_233 : memref<1x128xi32, #tpu.memory_space<vmem>> -> memref<128xi32, #tpu.memory_space<vmem>>
      %dma_start3A_235 = arith.constant 0 : i32
      %dma_start3A_236 = arith.constant 0 : i32
      %dma_start3A_237 = tpu.memref_slice %arg11[%dma_start3A_235, %dma_start3A_236] : memref<10240x128xf32, #tpu.memory_space<vmem_shared>> -> memref<10240x128xf32, #tpu.memory_space<vmem_shared>>
      tpu.enqueue_indirect_dma source(%arg10 : memref<128x128xf32, #tpu.memory_space<vmem>>) target(%dma_start3A_237 : memref<10240x128xf32, #tpu.memory_space<vmem_shared>>) offsets(%dma_start3A_234 : memref<128xi32, #tpu.memory_space<vmem>>) semaphore(%arg15 : memref<!tpu.dma_semaphore, #tpu.memory_space<semaphore_mem>>) {add = true}
      %dma_wait3A_238 = arith.constant 7 : i32
      %dma_wait3A_239 = arith.constant 0 : i32
      %dma_wait3A_240 = tpu.memref_slice %arg8[%dma_wait3A_238, %dma_wait3A_239] : memref<16x128xi32, #tpu.memory_space<vmem>> -> memref<1x128xi32, #tpu.memory_space<vmem>>
      %dma_wait3A_241 = tpu.memref_squeeze %dma_wait3A_240 : memref<1x128xi32, #tpu.memory_space<vmem>> -> memref<128xi32, #tpu.memory_space<vmem>>
      %dma_wait3A_242 = arith.constant 0 : i32
      %dma_wait3A_243 = arith.constant 0 : i32
      %dma_wait3A_244 = tpu.memref_slice %arg11[%dma_wait3A_242, %dma_wait3A_243] : memref<10240x128xf32, #tpu.memory_space<vmem_shared>> -> memref<10240x128xf32, #tpu.memory_space<vmem_shared>>
      tpu.wait_indirect_dma semaphore(%arg15 : memref<!tpu.dma_semaphore, #tpu.memory_space<semaphore_mem>>) src(%arg10 : memref<128x128xf32, #tpu.memory_space<vmem>>) dst(%dma_wait3A_244 : memref<10240x128xf32, #tpu.memory_space<vmem_shared>>)
      %dma_start3A_245 = arith.constant 9 : i32
      %dma_start3A_246 = arith.constant 0 : i32
      %dma_start3A_247 = tpu.memref_slice %arg7[%dma_start3A_245, %dma_start3A_246] : memref<16x128xi32, #tpu.memory_space<vmem>> -> memref<1x128xi32, #tpu.memory_space<vmem>>
      %dma_start3A_248 = tpu.memref_squeeze %dma_start3A_247 : memref<1x128xi32, #tpu.memory_space<vmem>> -> memref<128xi32, #tpu.memory_space<vmem>>
      %dma_start3A_249 = arith.constant 0 : i32
      %dma_start3A_250 = arith.constant 0 : i32
      %dma_start3A_251 = tpu.memref_slice %arg2[%dma_start3A_249, %dma_start3A_250] : memref<20480x128xf32, #tpu.memory_space<hbm>> -> memref<20480x128xf32, #tpu.memory_space<hbm>>
      tpu.enqueue_indirect_dma source(%dma_start3A_251 : memref<20480x128xf32, #tpu.memory_space<hbm>>) target(%arg10 : memref<128x128xf32, #tpu.memory_space<vmem>>) offsets(%dma_start3A_248 : memref<128xi32, #tpu.memory_space<vmem>>) semaphore(%arg13 : memref<!tpu.dma_semaphore, #tpu.memory_space<semaphore_mem>>)
      %dma_wait3A_252 = arith.constant 8 : i32
      %dma_wait3A_253 = arith.constant 0 : i32
      %dma_wait3A_254 = tpu.memref_slice %arg7[%dma_wait3A_252, %dma_wait3A_253] : memref<16x128xi32, #tpu.memory_space<vmem>> -> memref<1x128xi32, #tpu.memory_space<vmem>>
      %dma_wait3A_255 = tpu.memref_squeeze %dma_wait3A_254 : memref<1x128xi32, #tpu.memory_space<vmem>> -> memref<128xi32, #tpu.memory_space<vmem>>
      %dma_wait3A_256 = arith.constant 0 : i32
      %dma_wait3A_257 = arith.constant 0 : i32
      %dma_wait3A_258 = tpu.memref_slice %arg2[%dma_wait3A_256, %dma_wait3A_257] : memref<20480x128xf32, #tpu.memory_space<hbm>> -> memref<20480x128xf32, #tpu.memory_space<hbm>>
      tpu.wait_indirect_dma semaphore(%arg12 : memref<!tpu.dma_semaphore, #tpu.memory_space<semaphore_mem>>) src(%dma_wait3A_258 : memref<20480x128xf32, #tpu.memory_space<hbm>>) dst(%arg9 : memref<128x128xf32, #tpu.memory_space<vmem>>)
      %dma_start3A_259 = arith.constant 8 : i32
      %dma_start3A_260 = arith.constant 0 : i32
      %dma_start3A_261 = tpu.memref_slice %arg8[%dma_start3A_259, %dma_start3A_260] : memref<16x128xi32, #tpu.memory_space<vmem>> -> memref<1x128xi32, #tpu.memory_space<vmem>>
      %dma_start3A_262 = tpu.memref_squeeze %dma_start3A_261 : memref<1x128xi32, #tpu.memory_space<vmem>> -> memref<128xi32, #tpu.memory_space<vmem>>
      %dma_start3A_263 = arith.constant 0 : i32
      %dma_start3A_264 = arith.constant 0 : i32
      %dma_start3A_265 = tpu.memref_slice %arg11[%dma_start3A_263, %dma_start3A_264] : memref<10240x128xf32, #tpu.memory_space<vmem_shared>> -> memref<10240x128xf32, #tpu.memory_space<vmem_shared>>
      tpu.enqueue_indirect_dma source(%arg9 : memref<128x128xf32, #tpu.memory_space<vmem>>) target(%dma_start3A_265 : memref<10240x128xf32, #tpu.memory_space<vmem_shared>>) offsets(%dma_start3A_262 : memref<128xi32, #tpu.memory_space<vmem>>) semaphore(%arg14 : memref<!tpu.dma_semaphore, #tpu.memory_space<semaphore_mem>>) {add = true}
      %dma_wait3A_266 = arith.constant 8 : i32
      %dma_wait3A_267 = arith.constant 0 : i32
      %dma_wait3A_268 = tpu.memref_slice %arg8[%dma_wait3A_266, %dma_wait3A_267] : memref<16x128xi32, #tpu.memory_space<vmem>> -> memref<1x128xi32, #tpu.memory_space<vmem>>
      %dma_wait3A_269 = tpu.memref_squeeze %dma_wait3A_268 : memref<1x128xi32, #tpu.memory_space<vmem>> -> memref<128xi32, #tpu.memory_space<vmem>>
      %dma_wait3A_270 = arith.constant 0 : i32
      %dma_wait3A_271 = arith.constant 0 : i32
      %dma_wait3A_272 = tpu.memref_slice %arg11[%dma_wait3A_270, %dma_wait3A_271] : memref<10240x128xf32, #tpu.memory_space<vmem_shared>> -> memref<10240x128xf32, #tpu.memory_space<vmem_shared>>
      tpu.wait_indirect_dma semaphore(%arg14 : memref<!tpu.dma_semaphore, #tpu.memory_space<semaphore_mem>>) src(%arg9 : memref<128x128xf32, #tpu.memory_space<vmem>>) dst(%dma_wait3A_272 : memref<10240x128xf32, #tpu.memory_space<vmem_shared>>)
      %dma_start3A_273 = arith.constant 10 : i32
      %dma_start3A_274 = arith.constant 0 : i32
      %dma_start3A_275 = tpu.memref_slice %arg7[%dma_start3A_273, %dma_start3A_274] : memref<16x128xi32, #tpu.memory_space<vmem>> -> memref<1x128xi32, #tpu.memory_space<vmem>>
      %dma_start3A_276 = tpu.memref_squeeze %dma_start3A_275 : memref<1x128xi32, #tpu.memory_space<vmem>> -> memref<128xi32, #tpu.memory_space<vmem>>
      %dma_start3A_277 = arith.constant 0 : i32
      %dma_start3A_278 = arith.constant 0 : i32
      %dma_start3A_279 = tpu.memref_slice %arg2[%dma_start3A_277, %dma_start3A_278] : memref<20480x128xf32, #tpu.memory_space<hbm>> -> memref<20480x128xf32, #tpu.memory_space<hbm>>
      tpu.enqueue_indirect_dma source(%dma_start3A_279 : memref<20480x128xf32, #tpu.memory_space<hbm>>) target(%arg9 : memref<128x128xf32, #tpu.memory_space<vmem>>) offsets(%dma_start3A_276 : memref<128xi32, #tpu.memory_space<vmem>>) semaphore(%arg12 : memref<!tpu.dma_semaphore, #tpu.memory_space<semaphore_mem>>)
      %dma_wait3A_280 = arith.constant 9 : i32
      %dma_wait3A_281 = arith.constant 0 : i32
      %dma_wait3A_282 = tpu.memref_slice %arg7[%dma_wait3A_280, %dma_wait3A_281] : memref<16x128xi32, #tpu.memory_space<vmem>> -> memref<1x128xi32, #tpu.memory_space<vmem>>
      %dma_wait3A_283 = tpu.memref_squeeze %dma_wait3A_282 : memref<1x128xi32, #tpu.memory_space<vmem>> -> memref<128xi32, #tpu.memory_space<vmem>>
      %dma_wait3A_284 = arith.constant 0 : i32
      %dma_wait3A_285 = arith.constant 0 : i32
      %dma_wait3A_286 = tpu.memref_slice %arg2[%dma_wait3A_284, %dma_wait3A_285] : memref<20480x128xf32, #tpu.memory_space<hbm>> -> memref<20480x128xf32, #tpu.memory_space<hbm>>
      tpu.wait_indirect_dma semaphore(%arg13 : memref<!tpu.dma_semaphore, #tpu.memory_space<semaphore_mem>>) src(%dma_wait3A_286 : memref<20480x128xf32, #tpu.memory_space<hbm>>) dst(%arg10 : memref<128x128xf32, #tpu.memory_space<vmem>>)
      %dma_start3A_287 = arith.constant 9 : i32
      %dma_start3A_288 = arith.constant 0 : i32
      %dma_start3A_289 = tpu.memref_slice %arg8[%dma_start3A_287, %dma_start3A_288] : memref<16x128xi32, #tpu.memory_space<vmem>> -> memref<1x128xi32, #tpu.memory_space<vmem>>
      %dma_start3A_290 = tpu.memref_squeeze %dma_start3A_289 : memref<1x128xi32, #tpu.memory_space<vmem>> -> memref<128xi32, #tpu.memory_space<vmem>>
      %dma_start3A_291 = arith.constant 0 : i32
      %dma_start3A_292 = arith.constant 0 : i32
      %dma_start3A_293 = tpu.memref_slice %arg11[%dma_start3A_291, %dma_start3A_292] : memref<10240x128xf32, #tpu.memory_space<vmem_shared>> -> memref<10240x128xf32, #tpu.memory_space<vmem_shared>>
      tpu.enqueue_indirect_dma source(%arg10 : memref<128x128xf32, #tpu.memory_space<vmem>>) target(%dma_start3A_293 : memref<10240x128xf32, #tpu.memory_space<vmem_shared>>) offsets(%dma_start3A_290 : memref<128xi32, #tpu.memory_space<vmem>>) semaphore(%arg15 : memref<!tpu.dma_semaphore, #tpu.memory_space<semaphore_mem>>) {add = true}
      %dma_wait3A_294 = arith.constant 9 : i32
      %dma_wait3A_295 = arith.constant 0 : i32
      %dma_wait3A_296 = tpu.memref_slice %arg8[%dma_wait3A_294, %dma_wait3A_295] : memref<16x128xi32, #tpu.memory_space<vmem>> -> memref<1x128xi32, #tpu.memory_space<vmem>>
      %dma_wait3A_297 = tpu.memref_squeeze %dma_wait3A_296 : memref<1x128xi32, #tpu.memory_space<vmem>> -> memref<128xi32, #tpu.memory_space<vmem>>
      %dma_wait3A_298 = arith.constant 0 : i32
      %dma_wait3A_299 = arith.constant 0 : i32
      %dma_wait3A_300 = tpu.memref_slice %arg11[%dma_wait3A_298, %dma_wait3A_299] : memref<10240x128xf32, #tpu.memory_space<vmem_shared>> -> memref<10240x128xf32, #tpu.memory_space<vmem_shared>>
      tpu.wait_indirect_dma semaphore(%arg15 : memref<!tpu.dma_semaphore, #tpu.memory_space<semaphore_mem>>) src(%arg10 : memref<128x128xf32, #tpu.memory_space<vmem>>) dst(%dma_wait3A_300 : memref<10240x128xf32, #tpu.memory_space<vmem_shared>>)
      %dma_start3A_301 = arith.constant 11 : i32
      %dma_start3A_302 = arith.constant 0 : i32
      %dma_start3A_303 = tpu.memref_slice %arg7[%dma_start3A_301, %dma_start3A_302] : memref<16x128xi32, #tpu.memory_space<vmem>> -> memref<1x128xi32, #tpu.memory_space<vmem>>
      %dma_start3A_304 = tpu.memref_squeeze %dma_start3A_303 : memref<1x128xi32, #tpu.memory_space<vmem>> -> memref<128xi32, #tpu.memory_space<vmem>>
      %dma_start3A_305 = arith.constant 0 : i32
      %dma_start3A_306 = arith.constant 0 : i32
      %dma_start3A_307 = tpu.memref_slice %arg2[%dma_start3A_305, %dma_start3A_306] : memref<20480x128xf32, #tpu.memory_space<hbm>> -> memref<20480x128xf32, #tpu.memory_space<hbm>>
      tpu.enqueue_indirect_dma source(%dma_start3A_307 : memref<20480x128xf32, #tpu.memory_space<hbm>>) target(%arg10 : memref<128x128xf32, #tpu.memory_space<vmem>>) offsets(%dma_start3A_304 : memref<128xi32, #tpu.memory_space<vmem>>) semaphore(%arg13 : memref<!tpu.dma_semaphore, #tpu.memory_space<semaphore_mem>>)
      %dma_wait3A_308 = arith.constant 10 : i32
      %dma_wait3A_309 = arith.constant 0 : i32
      %dma_wait3A_310 = tpu.memref_slice %arg7[%dma_wait3A_308, %dma_wait3A_309] : memref<16x128xi32, #tpu.memory_space<vmem>> -> memref<1x128xi32, #tpu.memory_space<vmem>>
      %dma_wait3A_311 = tpu.memref_squeeze %dma_wait3A_310 : memref<1x128xi32, #tpu.memory_space<vmem>> -> memref<128xi32, #tpu.memory_space<vmem>>
      %dma_wait3A_312 = arith.constant 0 : i32
      %dma_wait3A_313 = arith.constant 0 : i32
      %dma_wait3A_314 = tpu.memref_slice %arg2[%dma_wait3A_312, %dma_wait3A_313] : memref<20480x128xf32, #tpu.memory_space<hbm>> -> memref<20480x128xf32, #tpu.memory_space<hbm>>
      tpu.wait_indirect_dma semaphore(%arg12 : memref<!tpu.dma_semaphore, #tpu.memory_space<semaphore_mem>>) src(%dma_wait3A_314 : memref<20480x128xf32, #tpu.memory_space<hbm>>) dst(%arg9 : memref<128x128xf32, #tpu.memory_space<vmem>>)
      %dma_start3A_315 = arith.constant 10 : i32
      %dma_start3A_316 = arith.constant 0 : i32
      %dma_start3A_317 = tpu.memref_slice %arg8[%dma_start3A_315, %dma_start3A_316] : memref<16x128xi32, #tpu.memory_space<vmem>> -> memref<1x128xi32, #tpu.memory_space<vmem>>
      %dma_start3A_318 = tpu.memref_squeeze %dma_start3A_317 : memref<1x128xi32, #tpu.memory_space<vmem>> -> memref<128xi32, #tpu.memory_space<vmem>>
      %dma_start3A_319 = arith.constant 0 : i32
      %dma_start3A_320 = arith.constant 0 : i32
      %dma_start3A_321 = tpu.memref_slice %arg11[%dma_start3A_319, %dma_start3A_320] : memref<10240x128xf32, #tpu.memory_space<vmem_shared>> -> memref<10240x128xf32, #tpu.memory_space<vmem_shared>>
      tpu.enqueue_indirect_dma source(%arg9 : memref<128x128xf32, #tpu.memory_space<vmem>>) target(%dma_start3A_321 : memref<10240x128xf32, #tpu.memory_space<vmem_shared>>) offsets(%dma_start3A_318 : memref<128xi32, #tpu.memory_space<vmem>>) semaphore(%arg14 : memref<!tpu.dma_semaphore, #tpu.memory_space<semaphore_mem>>) {add = true}
      %dma_wait3A_322 = arith.constant 10 : i32
      %dma_wait3A_323 = arith.constant 0 : i32
      %dma_wait3A_324 = tpu.memref_slice %arg8[%dma_wait3A_322, %dma_wait3A_323] : memref<16x128xi32, #tpu.memory_space<vmem>> -> memref<1x128xi32, #tpu.memory_space<vmem>>
      %dma_wait3A_325 = tpu.memref_squeeze %dma_wait3A_324 : memref<1x128xi32, #tpu.memory_space<vmem>> -> memref<128xi32, #tpu.memory_space<vmem>>
      %dma_wait3A_326 = arith.constant 0 : i32
      %dma_wait3A_327 = arith.constant 0 : i32
      %dma_wait3A_328 = tpu.memref_slice %arg11[%dma_wait3A_326, %dma_wait3A_327] : memref<10240x128xf32, #tpu.memory_space<vmem_shared>> -> memref<10240x128xf32, #tpu.memory_space<vmem_shared>>
      tpu.wait_indirect_dma semaphore(%arg14 : memref<!tpu.dma_semaphore, #tpu.memory_space<semaphore_mem>>) src(%arg9 : memref<128x128xf32, #tpu.memory_space<vmem>>) dst(%dma_wait3A_328 : memref<10240x128xf32, #tpu.memory_space<vmem_shared>>)
      %dma_start3A_329 = arith.constant 12 : i32
      %dma_start3A_330 = arith.constant 0 : i32
      %dma_start3A_331 = tpu.memref_slice %arg7[%dma_start3A_329, %dma_start3A_330] : memref<16x128xi32, #tpu.memory_space<vmem>> -> memref<1x128xi32, #tpu.memory_space<vmem>>
      %dma_start3A_332 = tpu.memref_squeeze %dma_start3A_331 : memref<1x128xi32, #tpu.memory_space<vmem>> -> memref<128xi32, #tpu.memory_space<vmem>>
      %dma_start3A_333 = arith.constant 0 : i32
      %dma_start3A_334 = arith.constant 0 : i32
      %dma_start3A_335 = tpu.memref_slice %arg2[%dma_start3A_333, %dma_start3A_334] : memref<20480x128xf32, #tpu.memory_space<hbm>> -> memref<20480x128xf32, #tpu.memory_space<hbm>>
      tpu.enqueue_indirect_dma source(%dma_start3A_335 : memref<20480x128xf32, #tpu.memory_space<hbm>>) target(%arg9 : memref<128x128xf32, #tpu.memory_space<vmem>>) offsets(%dma_start3A_332 : memref<128xi32, #tpu.memory_space<vmem>>) semaphore(%arg12 : memref<!tpu.dma_semaphore, #tpu.memory_space<semaphore_mem>>)
      %dma_wait3A_336 = arith.constant 11 : i32
      %dma_wait3A_337 = arith.constant 0 : i32
      %dma_wait3A_338 = tpu.memref_slice %arg7[%dma_wait3A_336, %dma_wait3A_337] : memref<16x128xi32, #tpu.memory_space<vmem>> -> memref<1x128xi32, #tpu.memory_space<vmem>>
      %dma_wait3A_339 = tpu.memref_squeeze %dma_wait3A_338 : memref<1x128xi32, #tpu.memory_space<vmem>> -> memref<128xi32, #tpu.memory_space<vmem>>
      %dma_wait3A_340 = arith.constant 0 : i32
      %dma_wait3A_341 = arith.constant 0 : i32
      %dma_wait3A_342 = tpu.memref_slice %arg2[%dma_wait3A_340, %dma_wait3A_341] : memref<20480x128xf32, #tpu.memory_space<hbm>> -> memref<20480x128xf32, #tpu.memory_space<hbm>>
      tpu.wait_indirect_dma semaphore(%arg13 : memref<!tpu.dma_semaphore, #tpu.memory_space<semaphore_mem>>) src(%dma_wait3A_342 : memref<20480x128xf32, #tpu.memory_space<hbm>>) dst(%arg10 : memref<128x128xf32, #tpu.memory_space<vmem>>)
      %dma_start3A_343 = arith.constant 11 : i32
      %dma_start3A_344 = arith.constant 0 : i32
      %dma_start3A_345 = tpu.memref_slice %arg8[%dma_start3A_343, %dma_start3A_344] : memref<16x128xi32, #tpu.memory_space<vmem>> -> memref<1x128xi32, #tpu.memory_space<vmem>>
      %dma_start3A_346 = tpu.memref_squeeze %dma_start3A_345 : memref<1x128xi32, #tpu.memory_space<vmem>> -> memref<128xi32, #tpu.memory_space<vmem>>
      %dma_start3A_347 = arith.constant 0 : i32
      %dma_start3A_348 = arith.constant 0 : i32
      %dma_start3A_349 = tpu.memref_slice %arg11[%dma_start3A_347, %dma_start3A_348] : memref<10240x128xf32, #tpu.memory_space<vmem_shared>> -> memref<10240x128xf32, #tpu.memory_space<vmem_shared>>
      tpu.enqueue_indirect_dma source(%arg10 : memref<128x128xf32, #tpu.memory_space<vmem>>) target(%dma_start3A_349 : memref<10240x128xf32, #tpu.memory_space<vmem_shared>>) offsets(%dma_start3A_346 : memref<128xi32, #tpu.memory_space<vmem>>) semaphore(%arg15 : memref<!tpu.dma_semaphore, #tpu.memory_space<semaphore_mem>>) {add = true}
      %dma_wait3A_350 = arith.constant 11 : i32
      %dma_wait3A_351 = arith.constant 0 : i32
      %dma_wait3A_352 = tpu.memref_slice %arg8[%dma_wait3A_350, %dma_wait3A_351] : memref<16x128xi32, #tpu.memory_space<vmem>> -> memref<1x128xi32, #tpu.memory_space<vmem>>
      %dma_wait3A_353 = tpu.memref_squeeze %dma_wait3A_352 : memref<1x128xi32, #tpu.memory_space<vmem>> -> memref<128xi32, #tpu.memory_space<vmem>>
      %dma_wait3A_354 = arith.constant 0 : i32
      %dma_wait3A_355 = arith.constant 0 : i32
      %dma_wait3A_356 = tpu.memref_slice %arg11[%dma_wait3A_354, %dma_wait3A_355] : memref<10240x128xf32, #tpu.memory_space<vmem_shared>> -> memref<10240x128xf32, #tpu.memory_space<vmem_shared>>
      tpu.wait_indirect_dma semaphore(%arg15 : memref<!tpu.dma_semaphore, #tpu.memory_space<semaphore_mem>>) src(%arg10 : memref<128x128xf32, #tpu.memory_space<vmem>>) dst(%dma_wait3A_356 : memref<10240x128xf32, #tpu.memory_space<vmem_shared>>)
      %dma_start3A_357 = arith.constant 13 : i32
      %dma_start3A_358 = arith.constant 0 : i32
      %dma_start3A_359 = tpu.memref_slice %arg7[%dma_start3A_357, %dma_start3A_358] : memref<16x128xi32, #tpu.memory_space<vmem>> -> memref<1x128xi32, #tpu.memory_space<vmem>>
      %dma_start3A_360 = tpu.memref_squeeze %dma_start3A_359 : memref<1x128xi32, #tpu.memory_space<vmem>> -> memref<128xi32, #tpu.memory_space<vmem>>
      %dma_start3A_361 = arith.constant 0 : i32
      %dma_start3A_362 = arith.constant 0 : i32
      %dma_start3A_363 = tpu.memref_slice %arg2[%dma_start3A_361, %dma_start3A_362] : memref<20480x128xf32, #tpu.memory_space<hbm>> -> memref<20480x128xf32, #tpu.memory_space<hbm>>
      tpu.enqueue_indirect_dma source(%dma_start3A_363 : memref<20480x128xf32, #tpu.memory_space<hbm>>) target(%arg10 : memref<128x128xf32, #tpu.memory_space<vmem>>) offsets(%dma_start3A_360 : memref<128xi32, #tpu.memory_space<vmem>>) semaphore(%arg13 : memref<!tpu.dma_semaphore, #tpu.memory_space<semaphore_mem>>)
      %dma_wait3A_364 = arith.constant 12 : i32
      %dma_wait3A_365 = arith.constant 0 : i32
      %dma_wait3A_366 = tpu.memref_slice %arg7[%dma_wait3A_364, %dma_wait3A_365] : memref<16x128xi32, #tpu.memory_space<vmem>> -> memref<1x128xi32, #tpu.memory_space<vmem>>
      %dma_wait3A_367 = tpu.memref_squeeze %dma_wait3A_366 : memref<1x128xi32, #tpu.memory_space<vmem>> -> memref<128xi32, #tpu.memory_space<vmem>>
      %dma_wait3A_368 = arith.constant 0 : i32
      %dma_wait3A_369 = arith.constant 0 : i32
      %dma_wait3A_370 = tpu.memref_slice %arg2[%dma_wait3A_368, %dma_wait3A_369] : memref<20480x128xf32, #tpu.memory_space<hbm>> -> memref<20480x128xf32, #tpu.memory_space<hbm>>
      tpu.wait_indirect_dma semaphore(%arg12 : memref<!tpu.dma_semaphore, #tpu.memory_space<semaphore_mem>>) src(%dma_wait3A_370 : memref<20480x128xf32, #tpu.memory_space<hbm>>) dst(%arg9 : memref<128x128xf32, #tpu.memory_space<vmem>>)
      %dma_start3A_371 = arith.constant 12 : i32
      %dma_start3A_372 = arith.constant 0 : i32
      %dma_start3A_373 = tpu.memref_slice %arg8[%dma_start3A_371, %dma_start3A_372] : memref<16x128xi32, #tpu.memory_space<vmem>> -> memref<1x128xi32, #tpu.memory_space<vmem>>
      %dma_start3A_374 = tpu.memref_squeeze %dma_start3A_373 : memref<1x128xi32, #tpu.memory_space<vmem>> -> memref<128xi32, #tpu.memory_space<vmem>>
      %dma_start3A_375 = arith.constant 0 : i32
      %dma_start3A_376 = arith.constant 0 : i32
      %dma_start3A_377 = tpu.memref_slice %arg11[%dma_start3A_375, %dma_start3A_376] : memref<10240x128xf32, #tpu.memory_space<vmem_shared>> -> memref<10240x128xf32, #tpu.memory_space<vmem_shared>>
      tpu.enqueue_indirect_dma source(%arg9 : memref<128x128xf32, #tpu.memory_space<vmem>>) target(%dma_start3A_377 : memref<10240x128xf32, #tpu.memory_space<vmem_shared>>) offsets(%dma_start3A_374 : memref<128xi32, #tpu.memory_space<vmem>>) semaphore(%arg14 : memref<!tpu.dma_semaphore, #tpu.memory_space<semaphore_mem>>) {add = true}
      %dma_wait3A_378 = arith.constant 12 : i32
      %dma_wait3A_379 = arith.constant 0 : i32
      %dma_wait3A_380 = tpu.memref_slice %arg8[%dma_wait3A_378, %dma_wait3A_379] : memref<16x128xi32, #tpu.memory_space<vmem>> -> memref<1x128xi32, #tpu.memory_space<vmem>>
      %dma_wait3A_381 = tpu.memref_squeeze %dma_wait3A_380 : memref<1x128xi32, #tpu.memory_space<vmem>> -> memref<128xi32, #tpu.memory_space<vmem>>
      %dma_wait3A_382 = arith.constant 0 : i32
      %dma_wait3A_383 = arith.constant 0 : i32
      %dma_wait3A_384 = tpu.memref_slice %arg11[%dma_wait3A_382, %dma_wait3A_383] : memref<10240x128xf32, #tpu.memory_space<vmem_shared>> -> memref<10240x128xf32, #tpu.memory_space<vmem_shared>>
      tpu.wait_indirect_dma semaphore(%arg14 : memref<!tpu.dma_semaphore, #tpu.memory_space<semaphore_mem>>) src(%arg9 : memref<128x128xf32, #tpu.memory_space<vmem>>) dst(%dma_wait3A_384 : memref<10240x128xf32, #tpu.memory_space<vmem_shared>>)
      %dma_start3A_385 = arith.constant 14 : i32
      %dma_start3A_386 = arith.constant 0 : i32
      %dma_start3A_387 = tpu.memref_slice %arg7[%dma_start3A_385, %dma_start3A_386] : memref<16x128xi32, #tpu.memory_space<vmem>> -> memref<1x128xi32, #tpu.memory_space<vmem>>
      %dma_start3A_388 = tpu.memref_squeeze %dma_start3A_387 : memref<1x128xi32, #tpu.memory_space<vmem>> -> memref<128xi32, #tpu.memory_space<vmem>>
      %dma_start3A_389 = arith.constant 0 : i32
      %dma_start3A_390 = arith.constant 0 : i32
      %dma_start3A_391 = tpu.memref_slice %arg2[%dma_start3A_389, %dma_start3A_390] : memref<20480x128xf32, #tpu.memory_space<hbm>> -> memref<20480x128xf32, #tpu.memory_space<hbm>>
      tpu.enqueue_indirect_dma source(%dma_start3A_391 : memref<20480x128xf32, #tpu.memory_space<hbm>>) target(%arg9 : memref<128x128xf32, #tpu.memory_space<vmem>>) offsets(%dma_start3A_388 : memref<128xi32, #tpu.memory_space<vmem>>) semaphore(%arg12 : memref<!tpu.dma_semaphore, #tpu.memory_space<semaphore_mem>>)
      %dma_wait3A_392 = arith.constant 13 : i32
      %dma_wait3A_393 = arith.constant 0 : i32
      %dma_wait3A_394 = tpu.memref_slice %arg7[%dma_wait3A_392, %dma_wait3A_393] : memref<16x128xi32, #tpu.memory_space<vmem>> -> memref<1x128xi32, #tpu.memory_space<vmem>>
      %dma_wait3A_395 = tpu.memref_squeeze %dma_wait3A_394 : memref<1x128xi32, #tpu.memory_space<vmem>> -> memref<128xi32, #tpu.memory_space<vmem>>
      %dma_wait3A_396 = arith.constant 0 : i32
      %dma_wait3A_397 = arith.constant 0 : i32
      %dma_wait3A_398 = tpu.memref_slice %arg2[%dma_wait3A_396, %dma_wait3A_397] : memref<20480x128xf32, #tpu.memory_space<hbm>> -> memref<20480x128xf32, #tpu.memory_space<hbm>>
      tpu.wait_indirect_dma semaphore(%arg13 : memref<!tpu.dma_semaphore, #tpu.memory_space<semaphore_mem>>) src(%dma_wait3A_398 : memref<20480x128xf32, #tpu.memory_space<hbm>>) dst(%arg10 : memref<128x128xf32, #tpu.memory_space<vmem>>)
      %dma_start3A_399 = arith.constant 13 : i32
      %dma_start3A_400 = arith.constant 0 : i32
      %dma_start3A_401 = tpu.memref_slice %arg8[%dma_start3A_399, %dma_start3A_400] : memref<16x128xi32, #tpu.memory_space<vmem>> -> memref<1x128xi32, #tpu.memory_space<vmem>>
      %dma_start3A_402 = tpu.memref_squeeze %dma_start3A_401 : memref<1x128xi32, #tpu.memory_space<vmem>> -> memref<128xi32, #tpu.memory_space<vmem>>
      %dma_start3A_403 = arith.constant 0 : i32
      %dma_start3A_404 = arith.constant 0 : i32
      %dma_start3A_405 = tpu.memref_slice %arg11[%dma_start3A_403, %dma_start3A_404] : memref<10240x128xf32, #tpu.memory_space<vmem_shared>> -> memref<10240x128xf32, #tpu.memory_space<vmem_shared>>
      tpu.enqueue_indirect_dma source(%arg10 : memref<128x128xf32, #tpu.memory_space<vmem>>) target(%dma_start3A_405 : memref<10240x128xf32, #tpu.memory_space<vmem_shared>>) offsets(%dma_start3A_402 : memref<128xi32, #tpu.memory_space<vmem>>) semaphore(%arg15 : memref<!tpu.dma_semaphore, #tpu.memory_space<semaphore_mem>>) {add = true}
      %dma_wait3A_406 = arith.constant 13 : i32
      %dma_wait3A_407 = arith.constant 0 : i32
      %dma_wait3A_408 = tpu.memref_slice %arg8[%dma_wait3A_406, %dma_wait3A_407] : memref<16x128xi32, #tpu.memory_space<vmem>> -> memref<1x128xi32, #tpu.memory_space<vmem>>
      %dma_wait3A_409 = tpu.memref_squeeze %dma_wait3A_408 : memref<1x128xi32, #tpu.memory_space<vmem>> -> memref<128xi32, #tpu.memory_space<vmem>>
      %dma_wait3A_410 = arith.constant 0 : i32
      %dma_wait3A_411 = arith.constant 0 : i32
      %dma_wait3A_412 = tpu.memref_slice %arg11[%dma_wait3A_410, %dma_wait3A_411] : memref<10240x128xf32, #tpu.memory_space<vmem_shared>> -> memref<10240x128xf32, #tpu.memory_space<vmem_shared>>
      tpu.wait_indirect_dma semaphore(%arg15 : memref<!tpu.dma_semaphore, #tpu.memory_space<semaphore_mem>>) src(%arg10 : memref<128x128xf32, #tpu.memory_space<vmem>>) dst(%dma_wait3A_412 : memref<10240x128xf32, #tpu.memory_space<vmem_shared>>)
      %dma_start3A_413 = arith.constant 15 : i32
      %dma_start3A_414 = arith.constant 0 : i32
      %dma_start3A_415 = tpu.memref_slice %arg7[%dma_start3A_413, %dma_start3A_414] : memref<16x128xi32, #tpu.memory_space<vmem>> -> memref<1x128xi32, #tpu.memory_space<vmem>>
      %dma_start3A_416 = tpu.memref_squeeze %dma_start3A_415 : memref<1x128xi32, #tpu.memory_space<vmem>> -> memref<128xi32, #tpu.memory_space<vmem>>
      %dma_start3A_417 = arith.constant 0 : i32
      %dma_start3A_418 = arith.constant 0 : i32
      %dma_start3A_419 = tpu.memref_slice %arg2[%dma_start3A_417, %dma_start3A_418] : memref<20480x128xf32, #tpu.memory_space<hbm>> -> memref<20480x128xf32, #tpu.memory_space<hbm>>
      tpu.enqueue_indirect_dma source(%dma_start3A_419 : memref<20480x128xf32, #tpu.memory_space<hbm>>) target(%arg10 : memref<128x128xf32, #tpu.memory_space<vmem>>) offsets(%dma_start3A_416 : memref<128xi32, #tpu.memory_space<vmem>>) semaphore(%arg13 : memref<!tpu.dma_semaphore, #tpu.memory_space<semaphore_mem>>)
      %dma_wait3A_420 = arith.constant 14 : i32
      %dma_wait3A_421 = arith.constant 0 : i32
      %dma_wait3A_422 = tpu.memref_slice %arg7[%dma_wait3A_420, %dma_wait3A_421] : memref<16x128xi32, #tpu.memory_space<vmem>> -> memref<1x128xi32, #tpu.memory_space<vmem>>
      %dma_wait3A_423 = tpu.memref_squeeze %dma_wait3A_422 : memref<1x128xi32, #tpu.memory_space<vmem>> -> memref<128xi32, #tpu.memory_space<vmem>>
      %dma_wait3A_424 = arith.constant 0 : i32
      %dma_wait3A_425 = arith.constant 0 : i32
      %dma_wait3A_426 = tpu.memref_slice %arg2[%dma_wait3A_424, %dma_wait3A_425] : memref<20480x128xf32, #tpu.memory_space<hbm>> -> memref<20480x128xf32, #tpu.memory_space<hbm>>
      tpu.wait_indirect_dma semaphore(%arg12 : memref<!tpu.dma_semaphore, #tpu.memory_space<semaphore_mem>>) src(%dma_wait3A_426 : memref<20480x128xf32, #tpu.memory_space<hbm>>) dst(%arg9 : memref<128x128xf32, #tpu.memory_space<vmem>>)
      %dma_start3A_427 = arith.constant 14 : i32
      %dma_start3A_428 = arith.constant 0 : i32
      %dma_start3A_429 = tpu.memref_slice %arg8[%dma_start3A_427, %dma_start3A_428] : memref<16x128xi32, #tpu.memory_space<vmem>> -> memref<1x128xi32, #tpu.memory_space<vmem>>
      %dma_start3A_430 = tpu.memref_squeeze %dma_start3A_429 : memref<1x128xi32, #tpu.memory_space<vmem>> -> memref<128xi32, #tpu.memory_space<vmem>>
      %dma_start3A_431 = arith.constant 0 : i32
      %dma_start3A_432 = arith.constant 0 : i32
      %dma_start3A_433 = tpu.memref_slice %arg11[%dma_start3A_431, %dma_start3A_432] : memref<10240x128xf32, #tpu.memory_space<vmem_shared>> -> memref<10240x128xf32, #tpu.memory_space<vmem_shared>>
      tpu.enqueue_indirect_dma source(%arg9 : memref<128x128xf32, #tpu.memory_space<vmem>>) target(%dma_start3A_433 : memref<10240x128xf32, #tpu.memory_space<vmem_shared>>) offsets(%dma_start3A_430 : memref<128xi32, #tpu.memory_space<vmem>>) semaphore(%arg14 : memref<!tpu.dma_semaphore, #tpu.memory_space<semaphore_mem>>) {add = true}
      %dma_wait3A_434 = arith.constant 15 : i32
      %dma_wait3A_435 = arith.constant 0 : i32
      %dma_wait3A_436 = tpu.memref_slice %arg7[%dma_wait3A_434, %dma_wait3A_435] : memref<16x128xi32, #tpu.memory_space<vmem>> -> memref<1x128xi32, #tpu.memory_space<vmem>>
      %dma_wait3A_437 = tpu.memref_squeeze %dma_wait3A_436 : memref<1x128xi32, #tpu.memory_space<vmem>> -> memref<128xi32, #tpu.memory_space<vmem>>
      %dma_wait3A_438 = arith.constant 0 : i32
      %dma_wait3A_439 = arith.constant 0 : i32
      %dma_wait3A_440 = tpu.memref_slice %arg2[%dma_wait3A_438, %dma_wait3A_439] : memref<20480x128xf32, #tpu.memory_space<hbm>> -> memref<20480x128xf32, #tpu.memory_space<hbm>>
      tpu.wait_indirect_dma semaphore(%arg13 : memref<!tpu.dma_semaphore, #tpu.memory_space<semaphore_mem>>) src(%dma_wait3A_440 : memref<20480x128xf32, #tpu.memory_space<hbm>>) dst(%arg10 : memref<128x128xf32, #tpu.memory_space<vmem>>)
      %dma_start3A_441 = arith.constant 15 : i32
      %dma_start3A_442 = arith.constant 0 : i32
      %dma_start3A_443 = tpu.memref_slice %arg8[%dma_start3A_441, %dma_start3A_442] : memref<16x128xi32, #tpu.memory_space<vmem>> -> memref<1x128xi32, #tpu.memory_space<vmem>>
      %dma_start3A_444 = tpu.memref_squeeze %dma_start3A_443 : memref<1x128xi32, #tpu.memory_space<vmem>> -> memref<128xi32, #tpu.memory_space<vmem>>
      %dma_start3A_445 = arith.constant 0 : i32
      %dma_start3A_446 = arith.constant 0 : i32
      %dma_start3A_447 = tpu.memref_slice %arg11[%dma_start3A_445, %dma_start3A_446] : memref<10240x128xf32, #tpu.memory_space<vmem_shared>> -> memref<10240x128xf32, #tpu.memory_space<vmem_shared>>
      tpu.enqueue_indirect_dma source(%arg10 : memref<128x128xf32, #tpu.memory_space<vmem>>) target(%dma_start3A_447 : memref<10240x128xf32, #tpu.memory_space<vmem_shared>>) offsets(%dma_start3A_444 : memref<128xi32, #tpu.memory_space<vmem>>) semaphore(%arg15 : memref<!tpu.dma_semaphore, #tpu.memory_space<semaphore_mem>>) {add = true}
      %dma_wait3A_448 = arith.constant 14 : i32
      %dma_wait3A_449 = arith.constant 0 : i32
      %dma_wait3A_450 = tpu.memref_slice %arg8[%dma_wait3A_448, %dma_wait3A_449] : memref<16x128xi32, #tpu.memory_space<vmem>> -> memref<1x128xi32, #tpu.memory_space<vmem>>
      %dma_wait3A_451 = tpu.memref_squeeze %dma_wait3A_450 : memref<1x128xi32, #tpu.memory_space<vmem>> -> memref<128xi32, #tpu.memory_space<vmem>>
      %dma_wait3A_452 = arith.constant 0 : i32
      %dma_wait3A_453 = arith.constant 0 : i32
      %dma_wait3A_454 = tpu.memref_slice %arg11[%dma_wait3A_452, %dma_wait3A_453] : memref<10240x128xf32, #tpu.memory_space<vmem_shared>> -> memref<10240x128xf32, #tpu.memory_space<vmem_shared>>
      tpu.wait_indirect_dma semaphore(%arg14 : memref<!tpu.dma_semaphore, #tpu.memory_space<semaphore_mem>>) src(%arg9 : memref<128x128xf32, #tpu.memory_space<vmem>>) dst(%dma_wait3A_454 : memref<10240x128xf32, #tpu.memory_space<vmem_shared>>)
      %dma_wait3A_455 = arith.constant 15 : i32
      %dma_wait3A_456 = arith.constant 0 : i32
      %dma_wait3A_457 = tpu.memref_slice %arg8[%dma_wait3A_455, %dma_wait3A_456] : memref<16x128xi32, #tpu.memory_space<vmem>> -> memref<1x128xi32, #tpu.memory_space<vmem>>
      %dma_wait3A_458 = tpu.memref_squeeze %dma_wait3A_457 : memref<1x128xi32, #tpu.memory_space<vmem>> -> memref<128xi32, #tpu.memory_space<vmem>>
      %dma_wait3A_459 = arith.constant 0 : i32
      %dma_wait3A_460 = arith.constant 0 : i32
      %dma_wait3A_461 = tpu.memref_slice %arg11[%dma_wait3A_459, %dma_wait3A_460] : memref<10240x128xf32, #tpu.memory_space<vmem_shared>> -> memref<10240x128xf32, #tpu.memory_space<vmem_shared>>
      tpu.wait_indirect_dma semaphore(%arg15 : memref<!tpu.dma_semaphore, #tpu.memory_space<semaphore_mem>>) src(%arg10 : memref<128x128xf32, #tpu.memory_space<vmem>>) dst(%dma_wait3A_461 : memref<10240x128xf32, #tpu.memory_space<vmem_shared>>)
    }
    %scan3A_5 = arith.constant 10 : i32
    %barrier3A_6 = arith.constant 0 : index
    tpu.barrier barrier_id(%barrier3A_6)
    %mul3A_7 = arith.constant 640 : i32
    %mul3A_8 = arith.muli %arg1, %mul3A_7 : i32
    %mul3A_9 = arith.constant 640 : i32
    %mul3A_10 = arith.muli %arg1, %mul3A_9 : i32
    "tpu.region"() ({
      %run_scoped3A = tpu.sem_alloc : memref<!tpu.dma_semaphore, #tpu.memory_space<semaphore_mem>>
      %dma_start3A = arith.constant 0 : i32
      %dma_start3A_11 = tpu.memref_slice %arg6[%arg0, %mul3A_10, %dma_start3A] : memref<2x10240x128xf32, #tpu.memory_space<hbm>> -> memref<1x640x128xf32, #tpu.memory_space<hbm>>
      %dma_start3A_12 = tpu.memref_squeeze %dma_start3A_11 : memref<1x640x128xf32, #tpu.memory_space<hbm>> -> memref<640x128xf32, #tpu.memory_space<hbm>>
      %dma_start3A_13 = arith.constant 0 : i32
      %dma_start3A_14 = tpu.memref_slice %arg11[%mul3A_8, %dma_start3A_13] : memref<10240x128xf32, #tpu.memory_space<vmem_shared>> -> memref<640x128xf32, #tpu.memory_space<vmem_shared>>
      tpu.enqueue_dma source(%dma_start3A_14 : memref<640x128xf32, #tpu.memory_space<vmem_shared>>) target(%dma_start3A_12 : memref<640x128xf32, #tpu.memory_space<hbm>>) target_semaphore(%run_scoped3A : memref<!tpu.dma_semaphore, #tpu.memory_space<semaphore_mem>>)
      %dma_wait3A = arith.constant 0 : i32
      %dma_wait3A_15 = tpu.memref_slice %arg6[%arg0, %mul3A_10, %dma_wait3A] : memref<2x10240x128xf32, #tpu.memory_space<hbm>> -> memref<1x640x128xf32, #tpu.memory_space<hbm>>
      %dma_wait3A_16 = tpu.memref_squeeze %dma_wait3A_15 : memref<1x640x128xf32, #tpu.memory_space<hbm>> -> memref<640x128xf32, #tpu.memory_space<hbm>>
      %dma_wait3A_17 = arith.constant 0 : i32
      %dma_wait3A_18 = tpu.memref_slice %arg11[%mul3A_8, %dma_wait3A_17] : memref<10240x128xf32, #tpu.memory_space<vmem_shared>> -> memref<640x128xf32, #tpu.memory_space<vmem_shared>>
      tpu.wait_dma2 semaphore(%run_scoped3A : memref<!tpu.dma_semaphore, #tpu.memory_space<semaphore_mem>>) src(%dma_wait3A_18 : memref<640x128xf32, #tpu.memory_space<vmem_shared>>) dst(%dma_wait3A_16 : memref<640x128xf32, #tpu.memory_space<hbm>>)
      tpu.yield
    }) : () -> ()
    return
  }
}

#map = affine_map<(d0, d1) -> (0, 0)>
#map1 = affine_map<(d0, d1) -> (0, 0, 0, 0)>
#map2 = affine_map<(d0, d1) -> (0, 0, 0)>
module attributes {stable_mosaic.version = 14 : i64} {
  func.func @scat_kernel(%arg0: i32, %arg1: i32, %arg2: memref<20480x128xf32, #tpu.memory_space<hbm>>, %arg3: memref<2x16x160x128xi32, #tpu.memory_space<hbm>>, %arg4: memref<2x16x160x128xi32, #tpu.memory_space<hbm>>, %arg5: memref<640x128xf32, #tpu.memory_space<hbm>>, %arg6: memref<2x10240x128xf32, #tpu.memory_space<hbm>>, %arg7: memref<16x128xi32, #tpu.memory_space<vmem>>, %arg8: memref<16x128xi32, #tpu.memory_space<vmem>>, %arg9: memref<128x128xf32, #tpu.memory_space<vmem>>, %arg10: memref<128x128xf32, #tpu.memory_space<vmem>>, %arg11: memref<10240x128xf32, #tpu.memory_space<vmem_shared>>, %arg12: memref<!tpu.dma_semaphore, #tpu.memory_space<semaphore_mem>>, %arg13: memref<!tpu.dma_semaphore, #tpu.memory_space<semaphore_mem>>, %arg14: memref<!tpu.dma_semaphore, #tpu.memory_space<semaphore_mem>>, %arg15: memref<!tpu.dma_semaphore, #tpu.memory_space<semaphore_mem>>) attributes {dimension_semantics = [#tpu.dimension_semantics<core_parallel>, #tpu.dimension_semantics<subcore_parallel>], iteration_bounds = array<i64: 2, 16>, scalar_prefetch = 0 : i64, scratch_operands = 9 : i64, tpu.core_type = #tpu.core_type<sc_vector_subcore>, window_params = [{transform_indices = #map}, {transform_indices = #map1}, {transform_indices = #map1}, {transform_indices = #map}, {transform_indices = #map2}]} {
    %mul3A = arith.constant 640 : i32
    %mul3A_0 = arith.muli %arg1, %mul3A : i32
    "tpu.region"() ({
      %run_scoped3A = tpu.sem_alloc : memref<!tpu.dma_semaphore, #tpu.memory_space<semaphore_mem>>
      %dma_start3A = arith.constant 0 : i32
      %dma_start3A_11 = tpu.memref_slice %arg11[%mul3A_0, %dma_start3A] : memref<10240x128xf32, #tpu.memory_space<vmem_shared>> -> memref<640x128xf32, #tpu.memory_space<vmem_shared>>
      tpu.enqueue_dma source(%arg5 : memref<640x128xf32, #tpu.memory_space<hbm>>) target(%dma_start3A_11 : memref<640x128xf32, #tpu.memory_space<vmem_shared>>) target_semaphore(%run_scoped3A : memref<!tpu.dma_semaphore, #tpu.memory_space<semaphore_mem>>)
      %dma_wait3A = arith.constant 0 : i32
      %dma_wait3A_12 = tpu.memref_slice %arg11[%mul3A_0, %dma_wait3A] : memref<10240x128xf32, #tpu.memory_space<vmem_shared>> -> memref<640x128xf32, #tpu.memory_space<vmem_shared>>
      tpu.wait_dma2 semaphore(%run_scoped3A : memref<!tpu.dma_semaphore, #tpu.memory_space<semaphore_mem>>) src(%arg5 : memref<640x128xf32, #tpu.memory_space<hbm>>) dst(%dma_wait3A_12 : memref<640x128xf32, #tpu.memory_space<vmem_shared>>)
      tpu.yield
    }) : () -> ()
    %barrier3A = arith.constant 0 : index
    tpu.barrier barrier_id(%barrier3A)
    %scan3A = arith.constant 0 : i32
    %scan3A_1 = arith.constant 0 : i32
    %scan3A_2 = arith.constant 10 : i32
    %scan3A_3 = arith.addi %scan3A_1, %scan3A_2 : i32
    %scan3A_4 = arith.constant 1 : i32
    scf.for %scan3A_11 = %scan3A_1 to %scan3A_3 step %scan3A_4  : i32 {
      %mul3A_12 = arith.constant 16 : i32
      %mul3A_13 = arith.muli %scan3A_11, %mul3A_12 : i32
      "tpu.region"() ({
        %run_scoped3A = tpu.sem_alloc : memref<!tpu.dma_semaphore, #tpu.memory_space<semaphore_mem>>
        %dma_start3A_462 = arith.constant 0 : i32
        %dma_start3A_463 = tpu.memref_slice %arg3[%arg0, %arg1, %mul3A_13, %dma_start3A_462] : memref<2x16x160x128xi32, #tpu.memory_space<hbm>> -> memref<1x1x16x128xi32, #tpu.memory_space<hbm>>
        %dma_start3A_464 = tpu.memref_squeeze %dma_start3A_463 : memref<1x1x16x128xi32, #tpu.memory_space<hbm>> -> memref<16x128xi32, #tpu.memory_space<hbm>>
        %dma_start3A_465 = arith.constant 0 : i32
        %dma_start3A_466 = tpu.memref_slice %arg3[%arg0, %arg1, %mul3A_13, %dma_start3A_465] : memref<2x16x160x128xi32, #tpu.memory_space<hbm>> -> memref<1x1x16x128xi32, #tpu.memory_space<hbm>>
        %dma_start3A_467 = tpu.memref_squeeze %dma_start3A_466 : memref<1x1x16x128xi32, #tpu.memory_space<hbm>> -> memref<16x128xi32, #tpu.memory_space<hbm>>
        tpu.enqueue_dma source(%dma_start3A_467 : memref<16x128xi32, #tpu.memory_space<hbm>>) target(%arg7 : memref<16x128xi32, #tpu.memory_space<vmem>>) target_semaphore(%run_scoped3A : memref<!tpu.dma_semaphore, #tpu.memory_space<semaphore_mem>>)
        %dma_wait3A_468 = arith.constant 0 : i32
        %dma_wait3A_469 = tpu.memref_slice %arg3[%arg0, %arg1, %mul3A_13, %dma_wait3A_468] : memref<2x16x160x128xi32, #tpu.memory_space<hbm>> -> memref<1x1x16x128xi32, #tpu.memory_space<hbm>>
        %dma_wait3A_470 = tpu.memref_squeeze %dma_wait3A_469 : memref<1x1x16x128xi32, #tpu.memory_space<hbm>> -> memref<16x128xi32, #tpu.memory_space<hbm>>
        %dma_wait3A_471 = arith.constant 0 : i32
        %dma_wait3A_472 = tpu.memref_slice %arg3[%arg0, %arg1, %mul3A_13, %dma_wait3A_471] : memref<2x16x160x128xi32, #tpu.memory_space<hbm>> -> memref<1x1x16x128xi32, #tpu.memory_space<hbm>>
        %dma_wait3A_473 = tpu.memref_squeeze %dma_wait3A_472 : memref<1x1x16x128xi32, #tpu.memory_space<hbm>> -> memref<16x128xi32, #tpu.memory_space<hbm>>
        tpu.wait_dma2 semaphore(%run_scoped3A : memref<!tpu.dma_semaphore, #tpu.memory_space<semaphore_mem>>) src(%dma_wait3A_473 : memref<16x128xi32, #tpu.memory_space<hbm>>) dst(%arg7 : memref<16x128xi32, #tpu.memory_space<vmem>>)
        tpu.yield
      }) : () -> ()
      %mul3A_14 = arith.constant 16 : i32
      %mul3A_15 = arith.muli %scan3A_11, %mul3A_14 : i32
      "tpu.region"() ({
        %run_scoped3A = tpu.sem_alloc : memref<!tpu.dma_semaphore, #tpu.memory_space<semaphore_mem>>
        %dma_start3A_462 = arith.constant 0 : i32
        %dma_start3A_463 = tpu.memref_slice %arg4[%arg0, %arg1, %mul3A_15, %dma_start3A_462] : memref<2x16x160x128xi32, #tpu.memory_space<hbm>> -> memref<1x1x16x128xi32, #tpu.memory_space<hbm>>
        %dma_start3A_464 = tpu.memref_squeeze %dma_start3A_463 : memref<1x1x16x128xi32, #tpu.memory_space<hbm>> -> memref<16x128xi32, #tpu.memory_space<hbm>>
        %dma_start3A_465 = arith.constant 0 : i32
        %dma_start3A_466 = tpu.memref_slice %arg4[%arg0, %arg1, %mul3A_15, %dma_start3A_465] : memref<2x16x160x128xi32, #tpu.memory_space<hbm>> -> memref<1x1x16x128xi32, #tpu.memory_space<hbm>>
        %dma_start3A_467 = tpu.memref_squeeze %dma_start3A_466 : memref<1x1x16x128xi32, #tpu.memory_space<hbm>> -> memref<16x128xi32, #tpu.memory_space<hbm>>
        tpu.enqueue_dma source(%dma_start3A_467 : memref<16x128xi32, #tpu.memory_space<hbm>>) target(%arg8 : memref<16x128xi32, #tpu.memory_space<vmem>>) target_semaphore(%run_scoped3A : memref<!tpu.dma_semaphore, #tpu.memory_space<semaphore_mem>>)
        %dma_wait3A_468 = arith.constant 0 : i32
        %dma_wait3A_469 = tpu.memref_slice %arg4[%arg0, %arg1, %mul3A_15, %dma_wait3A_468] : memref<2x16x160x128xi32, #tpu.memory_space<hbm>> -> memref<1x1x16x128xi32, #tpu.memory_space<hbm>>
        %dma_wait3A_470 = tpu.memref_squeeze %dma_wait3A_469 : memref<1x1x16x128xi32, #tpu.memory_space<hbm>> -> memref<16x128xi32, #tpu.memory_space<hbm>>
        %dma_wait3A_471 = arith.constant 0 : i32
        %dma_wait3A_472 = tpu.memref_slice %arg4[%arg0, %arg1, %mul3A_15, %dma_wait3A_471] : memref<2x16x160x128xi32, #tpu.memory_space<hbm>> -> memref<1x1x16x128xi32, #tpu.memory_space<hbm>>
        %dma_wait3A_473 = tpu.memref_squeeze %dma_wait3A_472 : memref<1x1x16x128xi32, #tpu.memory_space<hbm>> -> memref<16x128xi32, #tpu.memory_space<hbm>>
        tpu.wait_dma2 semaphore(%run_scoped3A : memref<!tpu.dma_semaphore, #tpu.memory_space<semaphore_mem>>) src(%dma_wait3A_473 : memref<16x128xi32, #tpu.memory_space<hbm>>) dst(%arg8 : memref<16x128xi32, #tpu.memory_space<vmem>>)
        tpu.yield
      }) : () -> ()
      %dma_start3A = arith.constant 0 : i32
      %dma_start3A_16 = arith.constant 0 : i32
      %dma_start3A_17 = tpu.memref_slice %arg7[%dma_start3A, %dma_start3A_16] : memref<16x128xi32, #tpu.memory_space<vmem>> -> memref<1x128xi32, #tpu.memory_space<vmem>>
      %dma_start3A_18 = tpu.memref_squeeze %dma_start3A_17 : memref<1x128xi32, #tpu.memory_space<vmem>> -> memref<128xi32, #tpu.memory_space<vmem>>
      %dma_start3A_19 = arith.constant 0 : i32
      %dma_start3A_20 = arith.constant 0 : i32
      %dma_start3A_21 = tpu.memref_slice %arg2[%dma_start3A_19, %dma_start3A_20] : memref<20480x128xf32, #tpu.memory_space<hbm>> -> memref<20480x128xf32, #tpu.memory_space<hbm>>
      tpu.enqueue_indirect_dma source(%dma_start3A_21 : memref<20480x128xf32, #tpu.memory_space<hbm>>) target(%arg9 : memref<128x128xf32, #tpu.memory_space<vmem>>) offsets(%dma_start3A_18 : memref<128xi32, #tpu.memory_space<vmem>>) semaphore(%arg12 : memref<!tpu.dma_semaphore, #tpu.memory_space<semaphore_mem>>)
      %dma_start3A_22 = arith.constant 1 : i32
      %dma_start3A_23 = arith.constant 0 : i32
      %dma_start3A_24 = tpu.memref_slice %arg7[%dma_start3A_22, %dma_start3A_23] : memref<16x128xi32, #tpu.memory_space<vmem>> -> memref<1x128xi32, #tpu.memory_space<vmem>>
      %dma_start3A_25 = tpu.memref_squeeze %dma_start3A_24 : memref<1x128xi32, #tpu.memory_space<vmem>> -> memref<128xi32, #tpu.memory_space<vmem>>
      %dma_start3A_26 = arith.constant 0 : i32
      %dma_start3A_27 = arith.constant 0 : i32
      %dma_start3A_28 = tpu.memref_slice %arg2[%dma_start3A_26, %dma_start3A_27] : memref<20480x128xf32, #tpu.memory_space<hbm>> -> memref<20480x128xf32, #tpu.memory_space<hbm>>
      tpu.enqueue_indirect_dma source(%dma_start3A_28 : memref<20480x128xf32, #tpu.memory_space<hbm>>) target(%arg10 : memref<128x128xf32, #tpu.memory_space<vmem>>) offsets(%dma_start3A_25 : memref<128xi32, #tpu.memory_space<vmem>>) semaphore(%arg13 : memref<!tpu.dma_semaphore, #tpu.memory_space<semaphore_mem>>)
      %dma_wait3A = arith.constant 0 : i32
      %dma_wait3A_29 = arith.constant 0 : i32
      %dma_wait3A_30 = tpu.memref_slice %arg7[%dma_wait3A, %dma_wait3A_29] : memref<16x128xi32, #tpu.memory_space<vmem>> -> memref<1x128xi32, #tpu.memory_space<vmem>>
      %dma_wait3A_31 = tpu.memref_squeeze %dma_wait3A_30 : memref<1x128xi32, #tpu.memory_space<vmem>> -> memref<128xi32, #tpu.memory_space<vmem>>
      %dma_wait3A_32 = arith.constant 0 : i32
      %dma_wait3A_33 = arith.constant 0 : i32
      %dma_wait3A_34 = tpu.memref_slice %arg2[%dma_wait3A_32, %dma_wait3A_33] : memref<20480x128xf32, #tpu.memory_space<hbm>> -> memref<20480x128xf32, #tpu.memory_space<hbm>>
      tpu.wait_indirect_dma semaphore(%arg12 : memref<!tpu.dma_semaphore, #tpu.memory_space<semaphore_mem>>) src(%dma_wait3A_34 : memref<20480x128xf32, #tpu.memory_space<hbm>>) dst(%arg9 : memref<128x128xf32, #tpu.memory_space<vmem>>)
      %dma_start3A_35 = arith.constant 0 : i32
      %dma_start3A_36 = arith.constant 0 : i32
      %dma_start3A_37 = tpu.memref_slice %arg8[%dma_start3A_35, %dma_start3A_36] : memref<16x128xi32, #tpu.memory_space<vmem>> -> memref<1x128xi32, #tpu.memory_space<vmem>>
      %dma_start3A_38 = tpu.memref_squeeze %dma_start3A_37 : memref<1x128xi32, #tpu.memory_space<vmem>> -> memref<128xi32, #tpu.memory_space<vmem>>
      %dma_start3A_39 = arith.constant 0 : i32
      %dma_start3A_40 = arith.constant 0 : i32
      %dma_start3A_41 = tpu.memref_slice %arg11[%dma_start3A_39, %dma_start3A_40] : memref<10240x128xf32, #tpu.memory_space<vmem_shared>> -> memref<10240x128xf32, #tpu.memory_space<vmem_shared>>
      tpu.enqueue_indirect_dma source(%arg9 : memref<128x128xf32, #tpu.memory_space<vmem>>) target(%dma_start3A_41 : memref<10240x128xf32, #tpu.memory_space<vmem_shared>>) offsets(%dma_start3A_38 : memref<128xi32, #tpu.memory_space<vmem>>) semaphore(%arg14 : memref<!tpu.dma_semaphore, #tpu.memory_space<semaphore_mem>>) {add = true}
      %dma_wait3A_42 = arith.constant 0 : i32
      %dma_wait3A_43 = arith.constant 0 : i32
      %dma_wait3A_44 = tpu.memref_slice %arg8[%dma_wait3A_42, %dma_wait3A_43] : memref<16x128xi32, #tpu.memory_space<vmem>> -> memref<1x128xi32, #tpu.memory_space<vmem>>
      %dma_wait3A_45 = tpu.memref_squeeze %dma_wait3A_44 : memref<1x128xi32, #tpu.memory_space<vmem>> -> memref<128xi32, #tpu.memory_space<vmem>>
      %dma_wait3A_46 = arith.constant 0 : i32
      %dma_wait3A_47 = arith.constant 0 : i32
      %dma_wait3A_48 = tpu.memref_slice %arg11[%dma_wait3A_46, %dma_wait3A_47] : memref<10240x128xf32, #tpu.memory_space<vmem_shared>> -> memref<10240x128xf32, #tpu.memory_space<vmem_shared>>
      tpu.wait_indirect_dma semaphore(%arg14 : memref<!tpu.dma_semaphore, #tpu.memory_space<semaphore_mem>>) src(%arg9 : memref<128x128xf32, #tpu.memory_space<vmem>>) dst(%dma_wait3A_48 : memref<10240x128xf32, #tpu.memory_space<vmem_shared>>)
      %dma_start3A_49 = arith.constant 2 : i32
      %dma_start3A_50 = arith.constant 0 : i32
      %dma_start3A_51 = tpu.memref_slice %arg7[%dma_start3A_49, %dma_start3A_50] : memref<16x128xi32, #tpu.memory_space<vmem>> -> memref<1x128xi32, #tpu.memory_space<vmem>>
      %dma_start3A_52 = tpu.memref_squeeze %dma_start3A_51 : memref<1x128xi32, #tpu.memory_space<vmem>> -> memref<128xi32, #tpu.memory_space<vmem>>
      %dma_start3A_53 = arith.constant 0 : i32
      %dma_start3A_54 = arith.constant 0 : i32
      %dma_start3A_55 = tpu.memref_slice %arg2[%dma_start3A_53, %dma_start3A_54] : memref<20480x128xf32, #tpu.memory_space<hbm>> -> memref<20480x128xf32, #tpu.memory_space<hbm>>
      tpu.enqueue_indirect_dma source(%dma_start3A_55 : memref<20480x128xf32, #tpu.memory_space<hbm>>) target(%arg9 : memref<128x128xf32, #tpu.memory_space<vmem>>) offsets(%dma_start3A_52 : memref<128xi32, #tpu.memory_space<vmem>>) semaphore(%arg12 : memref<!tpu.dma_semaphore, #tpu.memory_space<semaphore_mem>>)
      %dma_wait3A_56 = arith.constant 1 : i32
      %dma_wait3A_57 = arith.constant 0 : i32
      %dma_wait3A_58 = tpu.memref_slice %arg7[%dma_wait3A_56, %dma_wait3A_57] : memref<16x128xi32, #tpu.memory_space<vmem>> -> memref<1x128xi32, #tpu.memory_space<vmem>>
      %dma_wait3A_59 = tpu.memref_squeeze %dma_wait3A_58 : memref<1x128xi32, #tpu.memory_space<vmem>> -> memref<128xi32, #tpu.memory_space<vmem>>
      %dma_wait3A_60 = arith.constant 0 : i32
      %dma_wait3A_61 = arith.constant 0 : i32
      %dma_wait3A_62 = tpu.memref_slice %arg2[%dma_wait3A_60, %dma_wait3A_61] : memref<20480x128xf32, #tpu.memory_space<hbm>> -> memref<20480x128xf32, #tpu.memory_space<hbm>>
      tpu.wait_indirect_dma semaphore(%arg13 : memref<!tpu.dma_semaphore, #tpu.memory_space<semaphore_mem>>) src(%dma_wait3A_62 : memref<20480x128xf32, #tpu.memory_space<hbm>>) dst(%arg10 : memref<128x128xf32, #tpu.memory_space<vmem>>)
      %dma_start3A_63 = arith.constant 1 : i32
      %dma_start3A_64 = arith.constant 0 : i32
      %dma_start3A_65 = tpu.memref_slice %arg8[%dma_start3A_63, %dma_start3A_64] : memref<16x128xi32, #tpu.memory_space<vmem>> -> memref<1x128xi32, #tpu.memory_space<vmem>>
      %dma_start3A_66 = tpu.memref_squeeze %dma_start3A_65 : memref<1x128xi32, #tpu.memory_space<vmem>> -> memref<128xi32, #tpu.memory_space<vmem>>
      %dma_start3A_67 = arith.constant 0 : i32
      %dma_start3A_68 = arith.constant 0 : i32
      %dma_start3A_69 = tpu.memref_slice %arg11[%dma_start3A_67, %dma_start3A_68] : memref<10240x128xf32, #tpu.memory_space<vmem_shared>> -> memref<10240x128xf32, #tpu.memory_space<vmem_shared>>
      tpu.enqueue_indirect_dma source(%arg10 : memref<128x128xf32, #tpu.memory_space<vmem>>) target(%dma_start3A_69 : memref<10240x128xf32, #tpu.memory_space<vmem_shared>>) offsets(%dma_start3A_66 : memref<128xi32, #tpu.memory_space<vmem>>) semaphore(%arg15 : memref<!tpu.dma_semaphore, #tpu.memory_space<semaphore_mem>>) {add = true}
      %dma_wait3A_70 = arith.constant 1 : i32
      %dma_wait3A_71 = arith.constant 0 : i32
      %dma_wait3A_72 = tpu.memref_slice %arg8[%dma_wait3A_70, %dma_wait3A_71] : memref<16x128xi32, #tpu.memory_space<vmem>> -> memref<1x128xi32, #tpu.memory_space<vmem>>
      %dma_wait3A_73 = tpu.memref_squeeze %dma_wait3A_72 : memref<1x128xi32, #tpu.memory_space<vmem>> -> memref<128xi32, #tpu.memory_space<vmem>>
      %dma_wait3A_74 = arith.constant 0 : i32
      %dma_wait3A_75 = arith.constant 0 : i32
      %dma_wait3A_76 = tpu.memref_slice %arg11[%dma_wait3A_74, %dma_wait3A_75] : memref<10240x128xf32, #tpu.memory_space<vmem_shared>> -> memref<10240x128xf32, #tpu.memory_space<vmem_shared>>
      tpu.wait_indirect_dma semaphore(%arg15 : memref<!tpu.dma_semaphore, #tpu.memory_space<semaphore_mem>>) src(%arg10 : memref<128x128xf32, #tpu.memory_space<vmem>>) dst(%dma_wait3A_76 : memref<10240x128xf32, #tpu.memory_space<vmem_shared>>)
      %dma_start3A_77 = arith.constant 3 : i32
      %dma_start3A_78 = arith.constant 0 : i32
      %dma_start3A_79 = tpu.memref_slice %arg7[%dma_start3A_77, %dma_start3A_78] : memref<16x128xi32, #tpu.memory_space<vmem>> -> memref<1x128xi32, #tpu.memory_space<vmem>>
      %dma_start3A_80 = tpu.memref_squeeze %dma_start3A_79 : memref<1x128xi32, #tpu.memory_space<vmem>> -> memref<128xi32, #tpu.memory_space<vmem>>
      %dma_start3A_81 = arith.constant 0 : i32
      %dma_start3A_82 = arith.constant 0 : i32
      %dma_start3A_83 = tpu.memref_slice %arg2[%dma_start3A_81, %dma_start3A_82] : memref<20480x128xf32, #tpu.memory_space<hbm>> -> memref<20480x128xf32, #tpu.memory_space<hbm>>
      tpu.enqueue_indirect_dma source(%dma_start3A_83 : memref<20480x128xf32, #tpu.memory_space<hbm>>) target(%arg10 : memref<128x128xf32, #tpu.memory_space<vmem>>) offsets(%dma_start3A_80 : memref<128xi32, #tpu.memory_space<vmem>>) semaphore(%arg13 : memref<!tpu.dma_semaphore, #tpu.memory_space<semaphore_mem>>)
      %dma_wait3A_84 = arith.constant 2 : i32
      %dma_wait3A_85 = arith.constant 0 : i32
      %dma_wait3A_86 = tpu.memref_slice %arg7[%dma_wait3A_84, %dma_wait3A_85] : memref<16x128xi32, #tpu.memory_space<vmem>> -> memref<1x128xi32, #tpu.memory_space<vmem>>
      %dma_wait3A_87 = tpu.memref_squeeze %dma_wait3A_86 : memref<1x128xi32, #tpu.memory_space<vmem>> -> memref<128xi32, #tpu.memory_space<vmem>>
      %dma_wait3A_88 = arith.constant 0 : i32
      %dma_wait3A_89 = arith.constant 0 : i32
      %dma_wait3A_90 = tpu.memref_slice %arg2[%dma_wait3A_88, %dma_wait3A_89] : memref<20480x128xf32, #tpu.memory_space<hbm>> -> memref<20480x128xf32, #tpu.memory_space<hbm>>
      tpu.wait_indirect_dma semaphore(%arg12 : memref<!tpu.dma_semaphore, #tpu.memory_space<semaphore_mem>>) src(%dma_wait3A_90 : memref<20480x128xf32, #tpu.memory_space<hbm>>) dst(%arg9 : memref<128x128xf32, #tpu.memory_space<vmem>>)
      %dma_start3A_91 = arith.constant 2 : i32
      %dma_start3A_92 = arith.constant 0 : i32
      %dma_start3A_93 = tpu.memref_slice %arg8[%dma_start3A_91, %dma_start3A_92] : memref<16x128xi32, #tpu.memory_space<vmem>> -> memref<1x128xi32, #tpu.memory_space<vmem>>
      %dma_start3A_94 = tpu.memref_squeeze %dma_start3A_93 : memref<1x128xi32, #tpu.memory_space<vmem>> -> memref<128xi32, #tpu.memory_space<vmem>>
      %dma_start3A_95 = arith.constant 0 : i32
      %dma_start3A_96 = arith.constant 0 : i32
      %dma_start3A_97 = tpu.memref_slice %arg11[%dma_start3A_95, %dma_start3A_96] : memref<10240x128xf32, #tpu.memory_space<vmem_shared>> -> memref<10240x128xf32, #tpu.memory_space<vmem_shared>>
      tpu.enqueue_indirect_dma source(%arg9 : memref<128x128xf32, #tpu.memory_space<vmem>>) target(%dma_start3A_97 : memref<10240x128xf32, #tpu.memory_space<vmem_shared>>) offsets(%dma_start3A_94 : memref<128xi32, #tpu.memory_space<vmem>>) semaphore(%arg14 : memref<!tpu.dma_semaphore, #tpu.memory_space<semaphore_mem>>) {add = true}
      %dma_wait3A_98 = arith.constant 2 : i32
      %dma_wait3A_99 = arith.constant 0 : i32
      %dma_wait3A_100 = tpu.memref_slice %arg8[%dma_wait3A_98, %dma_wait3A_99] : memref<16x128xi32, #tpu.memory_space<vmem>> -> memref<1x128xi32, #tpu.memory_space<vmem>>
      %dma_wait3A_101 = tpu.memref_squeeze %dma_wait3A_100 : memref<1x128xi32, #tpu.memory_space<vmem>> -> memref<128xi32, #tpu.memory_space<vmem>>
      %dma_wait3A_102 = arith.constant 0 : i32
      %dma_wait3A_103 = arith.constant 0 : i32
      %dma_wait3A_104 = tpu.memref_slice %arg11[%dma_wait3A_102, %dma_wait3A_103] : memref<10240x128xf32, #tpu.memory_space<vmem_shared>> -> memref<10240x128xf32, #tpu.memory_space<vmem_shared>>
      tpu.wait_indirect_dma semaphore(%arg14 : memref<!tpu.dma_semaphore, #tpu.memory_space<semaphore_mem>>) src(%arg9 : memref<128x128xf32, #tpu.memory_space<vmem>>) dst(%dma_wait3A_104 : memref<10240x128xf32, #tpu.memory_space<vmem_shared>>)
      %dma_start3A_105 = arith.constant 4 : i32
      %dma_start3A_106 = arith.constant 0 : i32
      %dma_start3A_107 = tpu.memref_slice %arg7[%dma_start3A_105, %dma_start3A_106] : memref<16x128xi32, #tpu.memory_space<vmem>> -> memref<1x128xi32, #tpu.memory_space<vmem>>
      %dma_start3A_108 = tpu.memref_squeeze %dma_start3A_107 : memref<1x128xi32, #tpu.memory_space<vmem>> -> memref<128xi32, #tpu.memory_space<vmem>>
      %dma_start3A_109 = arith.constant 0 : i32
      %dma_start3A_110 = arith.constant 0 : i32
      %dma_start3A_111 = tpu.memref_slice %arg2[%dma_start3A_109, %dma_start3A_110] : memref<20480x128xf32, #tpu.memory_space<hbm>> -> memref<20480x128xf32, #tpu.memory_space<hbm>>
      tpu.enqueue_indirect_dma source(%dma_start3A_111 : memref<20480x128xf32, #tpu.memory_space<hbm>>) target(%arg9 : memref<128x128xf32, #tpu.memory_space<vmem>>) offsets(%dma_start3A_108 : memref<128xi32, #tpu.memory_space<vmem>>) semaphore(%arg12 : memref<!tpu.dma_semaphore, #tpu.memory_space<semaphore_mem>>)
      %dma_wait3A_112 = arith.constant 3 : i32
      %dma_wait3A_113 = arith.constant 0 : i32
      %dma_wait3A_114 = tpu.memref_slice %arg7[%dma_wait3A_112, %dma_wait3A_113] : memref<16x128xi32, #tpu.memory_space<vmem>> -> memref<1x128xi32, #tpu.memory_space<vmem>>
      %dma_wait3A_115 = tpu.memref_squeeze %dma_wait3A_114 : memref<1x128xi32, #tpu.memory_space<vmem>> -> memref<128xi32, #tpu.memory_space<vmem>>
      %dma_wait3A_116 = arith.constant 0 : i32
      %dma_wait3A_117 = arith.constant 0 : i32
      %dma_wait3A_118 = tpu.memref_slice %arg2[%dma_wait3A_116, %dma_wait3A_117] : memref<20480x128xf32, #tpu.memory_space<hbm>> -> memref<20480x128xf32, #tpu.memory_space<hbm>>
      tpu.wait_indirect_dma semaphore(%arg13 : memref<!tpu.dma_semaphore, #tpu.memory_space<semaphore_mem>>) src(%dma_wait3A_118 : memref<20480x128xf32, #tpu.memory_space<hbm>>) dst(%arg10 : memref<128x128xf32, #tpu.memory_space<vmem>>)
      %dma_start3A_119 = arith.constant 3 : i32
      %dma_start3A_120 = arith.constant 0 : i32
      %dma_start3A_121 = tpu.memref_slice %arg8[%dma_start3A_119, %dma_start3A_120] : memref<16x128xi32, #tpu.memory_space<vmem>> -> memref<1x128xi32, #tpu.memory_space<vmem>>
      %dma_start3A_122 = tpu.memref_squeeze %dma_start3A_121 : memref<1x128xi32, #tpu.memory_space<vmem>> -> memref<128xi32, #tpu.memory_space<vmem>>
      %dma_start3A_123 = arith.constant 0 : i32
      %dma_start3A_124 = arith.constant 0 : i32
      %dma_start3A_125 = tpu.memref_slice %arg11[%dma_start3A_123, %dma_start3A_124] : memref<10240x128xf32, #tpu.memory_space<vmem_shared>> -> memref<10240x128xf32, #tpu.memory_space<vmem_shared>>
      tpu.enqueue_indirect_dma source(%arg10 : memref<128x128xf32, #tpu.memory_space<vmem>>) target(%dma_start3A_125 : memref<10240x128xf32, #tpu.memory_space<vmem_shared>>) offsets(%dma_start3A_122 : memref<128xi32, #tpu.memory_space<vmem>>) semaphore(%arg15 : memref<!tpu.dma_semaphore, #tpu.memory_space<semaphore_mem>>) {add = true}
      %dma_wait3A_126 = arith.constant 3 : i32
      %dma_wait3A_127 = arith.constant 0 : i32
      %dma_wait3A_128 = tpu.memref_slice %arg8[%dma_wait3A_126, %dma_wait3A_127] : memref<16x128xi32, #tpu.memory_space<vmem>> -> memref<1x128xi32, #tpu.memory_space<vmem>>
      %dma_wait3A_129 = tpu.memref_squeeze %dma_wait3A_128 : memref<1x128xi32, #tpu.memory_space<vmem>> -> memref<128xi32, #tpu.memory_space<vmem>>
      %dma_wait3A_130 = arith.constant 0 : i32
      %dma_wait3A_131 = arith.constant 0 : i32
      %dma_wait3A_132 = tpu.memref_slice %arg11[%dma_wait3A_130, %dma_wait3A_131] : memref<10240x128xf32, #tpu.memory_space<vmem_shared>> -> memref<10240x128xf32, #tpu.memory_space<vmem_shared>>
      tpu.wait_indirect_dma semaphore(%arg15 : memref<!tpu.dma_semaphore, #tpu.memory_space<semaphore_mem>>) src(%arg10 : memref<128x128xf32, #tpu.memory_space<vmem>>) dst(%dma_wait3A_132 : memref<10240x128xf32, #tpu.memory_space<vmem_shared>>)
      %dma_start3A_133 = arith.constant 5 : i32
      %dma_start3A_134 = arith.constant 0 : i32
      %dma_start3A_135 = tpu.memref_slice %arg7[%dma_start3A_133, %dma_start3A_134] : memref<16x128xi32, #tpu.memory_space<vmem>> -> memref<1x128xi32, #tpu.memory_space<vmem>>
      %dma_start3A_136 = tpu.memref_squeeze %dma_start3A_135 : memref<1x128xi32, #tpu.memory_space<vmem>> -> memref<128xi32, #tpu.memory_space<vmem>>
      %dma_start3A_137 = arith.constant 0 : i32
      %dma_start3A_138 = arith.constant 0 : i32
      %dma_start3A_139 = tpu.memref_slice %arg2[%dma_start3A_137, %dma_start3A_138] : memref<20480x128xf32, #tpu.memory_space<hbm>> -> memref<20480x128xf32, #tpu.memory_space<hbm>>
      tpu.enqueue_indirect_dma source(%dma_start3A_139 : memref<20480x128xf32, #tpu.memory_space<hbm>>) target(%arg10 : memref<128x128xf32, #tpu.memory_space<vmem>>) offsets(%dma_start3A_136 : memref<128xi32, #tpu.memory_space<vmem>>) semaphore(%arg13 : memref<!tpu.dma_semaphore, #tpu.memory_space<semaphore_mem>>)
      %dma_wait3A_140 = arith.constant 4 : i32
      %dma_wait3A_141 = arith.constant 0 : i32
      %dma_wait3A_142 = tpu.memref_slice %arg7[%dma_wait3A_140, %dma_wait3A_141] : memref<16x128xi32, #tpu.memory_space<vmem>> -> memref<1x128xi32, #tpu.memory_space<vmem>>
      %dma_wait3A_143 = tpu.memref_squeeze %dma_wait3A_142 : memref<1x128xi32, #tpu.memory_space<vmem>> -> memref<128xi32, #tpu.memory_space<vmem>>
      %dma_wait3A_144 = arith.constant 0 : i32
      %dma_wait3A_145 = arith.constant 0 : i32
      %dma_wait3A_146 = tpu.memref_slice %arg2[%dma_wait3A_144, %dma_wait3A_145] : memref<20480x128xf32, #tpu.memory_space<hbm>> -> memref<20480x128xf32, #tpu.memory_space<hbm>>
      tpu.wait_indirect_dma semaphore(%arg12 : memref<!tpu.dma_semaphore, #tpu.memory_space<semaphore_mem>>) src(%dma_wait3A_146 : memref<20480x128xf32, #tpu.memory_space<hbm>>) dst(%arg9 : memref<128x128xf32, #tpu.memory_space<vmem>>)
      %dma_start3A_147 = arith.constant 4 : i32
      %dma_start3A_148 = arith.constant 0 : i32
      %dma_start3A_149 = tpu.memref_slice %arg8[%dma_start3A_147, %dma_start3A_148] : memref<16x128xi32, #tpu.memory_space<vmem>> -> memref<1x128xi32, #tpu.memory_space<vmem>>
      %dma_start3A_150 = tpu.memref_squeeze %dma_start3A_149 : memref<1x128xi32, #tpu.memory_space<vmem>> -> memref<128xi32, #tpu.memory_space<vmem>>
      %dma_start3A_151 = arith.constant 0 : i32
      %dma_start3A_152 = arith.constant 0 : i32
      %dma_start3A_153 = tpu.memref_slice %arg11[%dma_start3A_151, %dma_start3A_152] : memref<10240x128xf32, #tpu.memory_space<vmem_shared>> -> memref<10240x128xf32, #tpu.memory_space<vmem_shared>>
      tpu.enqueue_indirect_dma source(%arg9 : memref<128x128xf32, #tpu.memory_space<vmem>>) target(%dma_start3A_153 : memref<10240x128xf32, #tpu.memory_space<vmem_shared>>) offsets(%dma_start3A_150 : memref<128xi32, #tpu.memory_space<vmem>>) semaphore(%arg14 : memref<!tpu.dma_semaphore, #tpu.memory_space<semaphore_mem>>) {add = true}
      %dma_wait3A_154 = arith.constant 4 : i32
      %dma_wait3A_155 = arith.constant 0 : i32
      %dma_wait3A_156 = tpu.memref_slice %arg8[%dma_wait3A_154, %dma_wait3A_155] : memref<16x128xi32, #tpu.memory_space<vmem>> -> memref<1x128xi32, #tpu.memory_space<vmem>>
      %dma_wait3A_157 = tpu.memref_squeeze %dma_wait3A_156 : memref<1x128xi32, #tpu.memory_space<vmem>> -> memref<128xi32, #tpu.memory_space<vmem>>
      %dma_wait3A_158 = arith.constant 0 : i32
      %dma_wait3A_159 = arith.constant 0 : i32
      %dma_wait3A_160 = tpu.memref_slice %arg11[%dma_wait3A_158, %dma_wait3A_159] : memref<10240x128xf32, #tpu.memory_space<vmem_shared>> -> memref<10240x128xf32, #tpu.memory_space<vmem_shared>>
      tpu.wait_indirect_dma semaphore(%arg14 : memref<!tpu.dma_semaphore, #tpu.memory_space<semaphore_mem>>) src(%arg9 : memref<128x128xf32, #tpu.memory_space<vmem>>) dst(%dma_wait3A_160 : memref<10240x128xf32, #tpu.memory_space<vmem_shared>>)
      %dma_start3A_161 = arith.constant 6 : i32
      %dma_start3A_162 = arith.constant 0 : i32
      %dma_start3A_163 = tpu.memref_slice %arg7[%dma_start3A_161, %dma_start3A_162] : memref<16x128xi32, #tpu.memory_space<vmem>> -> memref<1x128xi32, #tpu.memory_space<vmem>>
      %dma_start3A_164 = tpu.memref_squeeze %dma_start3A_163 : memref<1x128xi32, #tpu.memory_space<vmem>> -> memref<128xi32, #tpu.memory_space<vmem>>
      %dma_start3A_165 = arith.constant 0 : i32
      %dma_start3A_166 = arith.constant 0 : i32
      %dma_start3A_167 = tpu.memref_slice %arg2[%dma_start3A_165, %dma_start3A_166] : memref<20480x128xf32, #tpu.memory_space<hbm>> -> memref<20480x128xf32, #tpu.memory_space<hbm>>
      tpu.enqueue_indirect_dma source(%dma_start3A_167 : memref<20480x128xf32, #tpu.memory_space<hbm>>) target(%arg9 : memref<128x128xf32, #tpu.memory_space<vmem>>) offsets(%dma_start3A_164 : memref<128xi32, #tpu.memory_space<vmem>>) semaphore(%arg12 : memref<!tpu.dma_semaphore, #tpu.memory_space<semaphore_mem>>)
      %dma_wait3A_168 = arith.constant 5 : i32
      %dma_wait3A_169 = arith.constant 0 : i32
      %dma_wait3A_170 = tpu.memref_slice %arg7[%dma_wait3A_168, %dma_wait3A_169] : memref<16x128xi32, #tpu.memory_space<vmem>> -> memref<1x128xi32, #tpu.memory_space<vmem>>
      %dma_wait3A_171 = tpu.memref_squeeze %dma_wait3A_170 : memref<1x128xi32, #tpu.memory_space<vmem>> -> memref<128xi32, #tpu.memory_space<vmem>>
      %dma_wait3A_172 = arith.constant 0 : i32
      %dma_wait3A_173 = arith.constant 0 : i32
      %dma_wait3A_174 = tpu.memref_slice %arg2[%dma_wait3A_172, %dma_wait3A_173] : memref<20480x128xf32, #tpu.memory_space<hbm>> -> memref<20480x128xf32, #tpu.memory_space<hbm>>
      tpu.wait_indirect_dma semaphore(%arg13 : memref<!tpu.dma_semaphore, #tpu.memory_space<semaphore_mem>>) src(%dma_wait3A_174 : memref<20480x128xf32, #tpu.memory_space<hbm>>) dst(%arg10 : memref<128x128xf32, #tpu.memory_space<vmem>>)
      %dma_start3A_175 = arith.constant 5 : i32
      %dma_start3A_176 = arith.constant 0 : i32
      %dma_start3A_177 = tpu.memref_slice %arg8[%dma_start3A_175, %dma_start3A_176] : memref<16x128xi32, #tpu.memory_space<vmem>> -> memref<1x128xi32, #tpu.memory_space<vmem>>
      %dma_start3A_178 = tpu.memref_squeeze %dma_start3A_177 : memref<1x128xi32, #tpu.memory_space<vmem>> -> memref<128xi32, #tpu.memory_space<vmem>>
      %dma_start3A_179 = arith.constant 0 : i32
      %dma_start3A_180 = arith.constant 0 : i32
      %dma_start3A_181 = tpu.memref_slice %arg11[%dma_start3A_179, %dma_start3A_180] : memref<10240x128xf32, #tpu.memory_space<vmem_shared>> -> memref<10240x128xf32, #tpu.memory_space<vmem_shared>>
      tpu.enqueue_indirect_dma source(%arg10 : memref<128x128xf32, #tpu.memory_space<vmem>>) target(%dma_start3A_181 : memref<10240x128xf32, #tpu.memory_space<vmem_shared>>) offsets(%dma_start3A_178 : memref<128xi32, #tpu.memory_space<vmem>>) semaphore(%arg15 : memref<!tpu.dma_semaphore, #tpu.memory_space<semaphore_mem>>) {add = true}
      %dma_wait3A_182 = arith.constant 5 : i32
      %dma_wait3A_183 = arith.constant 0 : i32
      %dma_wait3A_184 = tpu.memref_slice %arg8[%dma_wait3A_182, %dma_wait3A_183] : memref<16x128xi32, #tpu.memory_space<vmem>> -> memref<1x128xi32, #tpu.memory_space<vmem>>
      %dma_wait3A_185 = tpu.memref_squeeze %dma_wait3A_184 : memref<1x128xi32, #tpu.memory_space<vmem>> -> memref<128xi32, #tpu.memory_space<vmem>>
      %dma_wait3A_186 = arith.constant 0 : i32
      %dma_wait3A_187 = arith.constant 0 : i32
      %dma_wait3A_188 = tpu.memref_slice %arg11[%dma_wait3A_186, %dma_wait3A_187] : memref<10240x128xf32, #tpu.memory_space<vmem_shared>> -> memref<10240x128xf32, #tpu.memory_space<vmem_shared>>
      tpu.wait_indirect_dma semaphore(%arg15 : memref<!tpu.dma_semaphore, #tpu.memory_space<semaphore_mem>>) src(%arg10 : memref<128x128xf32, #tpu.memory_space<vmem>>) dst(%dma_wait3A_188 : memref<10240x128xf32, #tpu.memory_space<vmem_shared>>)
      %dma_start3A_189 = arith.constant 7 : i32
      %dma_start3A_190 = arith.constant 0 : i32
      %dma_start3A_191 = tpu.memref_slice %arg7[%dma_start3A_189, %dma_start3A_190] : memref<16x128xi32, #tpu.memory_space<vmem>> -> memref<1x128xi32, #tpu.memory_space<vmem>>
      %dma_start3A_192 = tpu.memref_squeeze %dma_start3A_191 : memref<1x128xi32, #tpu.memory_space<vmem>> -> memref<128xi32, #tpu.memory_space<vmem>>
      %dma_start3A_193 = arith.constant 0 : i32
      %dma_start3A_194 = arith.constant 0 : i32
      %dma_start3A_195 = tpu.memref_slice %arg2[%dma_start3A_193, %dma_start3A_194] : memref<20480x128xf32, #tpu.memory_space<hbm>> -> memref<20480x128xf32, #tpu.memory_space<hbm>>
      tpu.enqueue_indirect_dma source(%dma_start3A_195 : memref<20480x128xf32, #tpu.memory_space<hbm>>) target(%arg10 : memref<128x128xf32, #tpu.memory_space<vmem>>) offsets(%dma_start3A_192 : memref<128xi32, #tpu.memory_space<vmem>>) semaphore(%arg13 : memref<!tpu.dma_semaphore, #tpu.memory_space<semaphore_mem>>)
      %dma_wait3A_196 = arith.constant 6 : i32
      %dma_wait3A_197 = arith.constant 0 : i32
      %dma_wait3A_198 = tpu.memref_slice %arg7[%dma_wait3A_196, %dma_wait3A_197] : memref<16x128xi32, #tpu.memory_space<vmem>> -> memref<1x128xi32, #tpu.memory_space<vmem>>
      %dma_wait3A_199 = tpu.memref_squeeze %dma_wait3A_198 : memref<1x128xi32, #tpu.memory_space<vmem>> -> memref<128xi32, #tpu.memory_space<vmem>>
      %dma_wait3A_200 = arith.constant 0 : i32
      %dma_wait3A_201 = arith.constant 0 : i32
      %dma_wait3A_202 = tpu.memref_slice %arg2[%dma_wait3A_200, %dma_wait3A_201] : memref<20480x128xf32, #tpu.memory_space<hbm>> -> memref<20480x128xf32, #tpu.memory_space<hbm>>
      tpu.wait_indirect_dma semaphore(%arg12 : memref<!tpu.dma_semaphore, #tpu.memory_space<semaphore_mem>>) src(%dma_wait3A_202 : memref<20480x128xf32, #tpu.memory_space<hbm>>) dst(%arg9 : memref<128x128xf32, #tpu.memory_space<vmem>>)
      %dma_start3A_203 = arith.constant 6 : i32
      %dma_start3A_204 = arith.constant 0 : i32
      %dma_start3A_205 = tpu.memref_slice %arg8[%dma_start3A_203, %dma_start3A_204] : memref<16x128xi32, #tpu.memory_space<vmem>> -> memref<1x128xi32, #tpu.memory_space<vmem>>
      %dma_start3A_206 = tpu.memref_squeeze %dma_start3A_205 : memref<1x128xi32, #tpu.memory_space<vmem>> -> memref<128xi32, #tpu.memory_space<vmem>>
      %dma_start3A_207 = arith.constant 0 : i32
      %dma_start3A_208 = arith.constant 0 : i32
      %dma_start3A_209 = tpu.memref_slice %arg11[%dma_start3A_207, %dma_start3A_208] : memref<10240x128xf32, #tpu.memory_space<vmem_shared>> -> memref<10240x128xf32, #tpu.memory_space<vmem_shared>>
      tpu.enqueue_indirect_dma source(%arg9 : memref<128x128xf32, #tpu.memory_space<vmem>>) target(%dma_start3A_209 : memref<10240x128xf32, #tpu.memory_space<vmem_shared>>) offsets(%dma_start3A_206 : memref<128xi32, #tpu.memory_space<vmem>>) semaphore(%arg14 : memref<!tpu.dma_semaphore, #tpu.memory_space<semaphore_mem>>) {add = true}
      %dma_wait3A_210 = arith.constant 6 : i32
      %dma_wait3A_211 = arith.constant 0 : i32
      %dma_wait3A_212 = tpu.memref_slice %arg8[%dma_wait3A_210, %dma_wait3A_211] : memref<16x128xi32, #tpu.memory_space<vmem>> -> memref<1x128xi32, #tpu.memory_space<vmem>>
      %dma_wait3A_213 = tpu.memref_squeeze %dma_wait3A_212 : memref<1x128xi32, #tpu.memory_space<vmem>> -> memref<128xi32, #tpu.memory_space<vmem>>
      %dma_wait3A_214 = arith.constant 0 : i32
      %dma_wait3A_215 = arith.constant 0 : i32
      %dma_wait3A_216 = tpu.memref_slice %arg11[%dma_wait3A_214, %dma_wait3A_215] : memref<10240x128xf32, #tpu.memory_space<vmem_shared>> -> memref<10240x128xf32, #tpu.memory_space<vmem_shared>>
      tpu.wait_indirect_dma semaphore(%arg14 : memref<!tpu.dma_semaphore, #tpu.memory_space<semaphore_mem>>) src(%arg9 : memref<128x128xf32, #tpu.memory_space<vmem>>) dst(%dma_wait3A_216 : memref<10240x128xf32, #tpu.memory_space<vmem_shared>>)
      %dma_start3A_217 = arith.constant 8 : i32
      %dma_start3A_218 = arith.constant 0 : i32
      %dma_start3A_219 = tpu.memref_slice %arg7[%dma_start3A_217, %dma_start3A_218] : memref<16x128xi32, #tpu.memory_space<vmem>> -> memref<1x128xi32, #tpu.memory_space<vmem>>
      %dma_start3A_220 = tpu.memref_squeeze %dma_start3A_219 : memref<1x128xi32, #tpu.memory_space<vmem>> -> memref<128xi32, #tpu.memory_space<vmem>>
      %dma_start3A_221 = arith.constant 0 : i32
      %dma_start3A_222 = arith.constant 0 : i32
      %dma_start3A_223 = tpu.memref_slice %arg2[%dma_start3A_221, %dma_start3A_222] : memref<20480x128xf32, #tpu.memory_space<hbm>> -> memref<20480x128xf32, #tpu.memory_space<hbm>>
      tpu.enqueue_indirect_dma source(%dma_start3A_223 : memref<20480x128xf32, #tpu.memory_space<hbm>>) target(%arg9 : memref<128x128xf32, #tpu.memory_space<vmem>>) offsets(%dma_start3A_220 : memref<128xi32, #tpu.memory_space<vmem>>) semaphore(%arg12 : memref<!tpu.dma_semaphore, #tpu.memory_space<semaphore_mem>>)
      %dma_wait3A_224 = arith.constant 7 : i32
      %dma_wait3A_225 = arith.constant 0 : i32
      %dma_wait3A_226 = tpu.memref_slice %arg7[%dma_wait3A_224, %dma_wait3A_225] : memref<16x128xi32, #tpu.memory_space<vmem>> -> memref<1x128xi32, #tpu.memory_space<vmem>>
      %dma_wait3A_227 = tpu.memref_squeeze %dma_wait3A_226 : memref<1x128xi32, #tpu.memory_space<vmem>> -> memref<128xi32, #tpu.memory_space<vmem>>
      %dma_wait3A_228 = arith.constant 0 : i32
      %dma_wait3A_229 = arith.constant 0 : i32
      %dma_wait3A_230 = tpu.memref_slice %arg2[%dma_wait3A_228, %dma_wait3A_229] : memref<20480x128xf32, #tpu.memory_space<hbm>> -> memref<20480x128xf32, #tpu.memory_space<hbm>>
      tpu.wait_indirect_dma semaphore(%arg13 : memref<!tpu.dma_semaphore, #tpu.memory_space<semaphore_mem>>) src(%dma_wait3A_230 : memref<20480x128xf32, #tpu.memory_space<hbm>>) dst(%arg10 : memref<128x128xf32, #tpu.memory_space<vmem>>)
      %dma_start3A_231 = arith.constant 7 : i32
      %dma_start3A_232 = arith.constant 0 : i32
      %dma_start3A_233 = tpu.memref_slice %arg8[%dma_start3A_231, %dma_start3A_232] : memref<16x128xi32, #tpu.memory_space<vmem>> -> memref<1x128xi32, #tpu.memory_space<vmem>>
      %dma_start3A_234 = tpu.memref_squeeze %dma_start3A_233 : memref<1x128xi32, #tpu.memory_space<vmem>> -> memref<128xi32, #tpu.memory_space<vmem>>
      %dma_start3A_235 = arith.constant 0 : i32
      %dma_start3A_236 = arith.constant 0 : i32
      %dma_start3A_237 = tpu.memref_slice %arg11[%dma_start3A_235, %dma_start3A_236] : memref<10240x128xf32, #tpu.memory_space<vmem_shared>> -> memref<10240x128xf32, #tpu.memory_space<vmem_shared>>
      tpu.enqueue_indirect_dma source(%arg10 : memref<128x128xf32, #tpu.memory_space<vmem>>) target(%dma_start3A_237 : memref<10240x128xf32, #tpu.memory_space<vmem_shared>>) offsets(%dma_start3A_234 : memref<128xi32, #tpu.memory_space<vmem>>) semaphore(%arg15 : memref<!tpu.dma_semaphore, #tpu.memory_space<semaphore_mem>>) {add = true}
      %dma_wait3A_238 = arith.constant 7 : i32
      %dma_wait3A_239 = arith.constant 0 : i32
      %dma_wait3A_240 = tpu.memref_slice %arg8[%dma_wait3A_238, %dma_wait3A_239] : memref<16x128xi32, #tpu.memory_space<vmem>> -> memref<1x128xi32, #tpu.memory_space<vmem>>
      %dma_wait3A_241 = tpu.memref_squeeze %dma_wait3A_240 : memref<1x128xi32, #tpu.memory_space<vmem>> -> memref<128xi32, #tpu.memory_space<vmem>>
      %dma_wait3A_242 = arith.constant 0 : i32
      %dma_wait3A_243 = arith.constant 0 : i32
      %dma_wait3A_244 = tpu.memref_slice %arg11[%dma_wait3A_242, %dma_wait3A_243] : memref<10240x128xf32, #tpu.memory_space<vmem_shared>> -> memref<10240x128xf32, #tpu.memory_space<vmem_shared>>
      tpu.wait_indirect_dma semaphore(%arg15 : memref<!tpu.dma_semaphore, #tpu.memory_space<semaphore_mem>>) src(%arg10 : memref<128x128xf32, #tpu.memory_space<vmem>>) dst(%dma_wait3A_244 : memref<10240x128xf32, #tpu.memory_space<vmem_shared>>)
      %dma_start3A_245 = arith.constant 9 : i32
      %dma_start3A_246 = arith.constant 0 : i32
      %dma_start3A_247 = tpu.memref_slice %arg7[%dma_start3A_245, %dma_start3A_246] : memref<16x128xi32, #tpu.memory_space<vmem>> -> memref<1x128xi32, #tpu.memory_space<vmem>>
      %dma_start3A_248 = tpu.memref_squeeze %dma_start3A_247 : memref<1x128xi32, #tpu.memory_space<vmem>> -> memref<128xi32, #tpu.memory_space<vmem>>
      %dma_start3A_249 = arith.constant 0 : i32
      %dma_start3A_250 = arith.constant 0 : i32
      %dma_start3A_251 = tpu.memref_slice %arg2[%dma_start3A_249, %dma_start3A_250] : memref<20480x128xf32, #tpu.memory_space<hbm>> -> memref<20480x128xf32, #tpu.memory_space<hbm>>
      tpu.enqueue_indirect_dma source(%dma_start3A_251 : memref<20480x128xf32, #tpu.memory_space<hbm>>) target(%arg10 : memref<128x128xf32, #tpu.memory_space<vmem>>) offsets(%dma_start3A_248 : memref<128xi32, #tpu.memory_space<vmem>>) semaphore(%arg13 : memref<!tpu.dma_semaphore, #tpu.memory_space<semaphore_mem>>)
      %dma_wait3A_252 = arith.constant 8 : i32
      %dma_wait3A_253 = arith.constant 0 : i32
      %dma_wait3A_254 = tpu.memref_slice %arg7[%dma_wait3A_252, %dma_wait3A_253] : memref<16x128xi32, #tpu.memory_space<vmem>> -> memref<1x128xi32, #tpu.memory_space<vmem>>
      %dma_wait3A_255 = tpu.memref_squeeze %dma_wait3A_254 : memref<1x128xi32, #tpu.memory_space<vmem>> -> memref<128xi32, #tpu.memory_space<vmem>>
      %dma_wait3A_256 = arith.constant 0 : i32
      %dma_wait3A_257 = arith.constant 0 : i32
      %dma_wait3A_258 = tpu.memref_slice %arg2[%dma_wait3A_256, %dma_wait3A_257] : memref<20480x128xf32, #tpu.memory_space<hbm>> -> memref<20480x128xf32, #tpu.memory_space<hbm>>
      tpu.wait_indirect_dma semaphore(%arg12 : memref<!tpu.dma_semaphore, #tpu.memory_space<semaphore_mem>>) src(%dma_wait3A_258 : memref<20480x128xf32, #tpu.memory_space<hbm>>) dst(%arg9 : memref<128x128xf32, #tpu.memory_space<vmem>>)
      %dma_start3A_259 = arith.constant 8 : i32
      %dma_start3A_260 = arith.constant 0 : i32
      %dma_start3A_261 = tpu.memref_slice %arg8[%dma_start3A_259, %dma_start3A_260] : memref<16x128xi32, #tpu.memory_space<vmem>> -> memref<1x128xi32, #tpu.memory_space<vmem>>
      %dma_start3A_262 = tpu.memref_squeeze %dma_start3A_261 : memref<1x128xi32, #tpu.memory_space<vmem>> -> memref<128xi32, #tpu.memory_space<vmem>>
      %dma_start3A_263 = arith.constant 0 : i32
      %dma_start3A_264 = arith.constant 0 : i32
      %dma_start3A_265 = tpu.memref_slice %arg11[%dma_start3A_263, %dma_start3A_264] : memref<10240x128xf32, #tpu.memory_space<vmem_shared>> -> memref<10240x128xf32, #tpu.memory_space<vmem_shared>>
      tpu.enqueue_indirect_dma source(%arg9 : memref<128x128xf32, #tpu.memory_space<vmem>>) target(%dma_start3A_265 : memref<10240x128xf32, #tpu.memory_space<vmem_shared>>) offsets(%dma_start3A_262 : memref<128xi32, #tpu.memory_space<vmem>>) semaphore(%arg14 : memref<!tpu.dma_semaphore, #tpu.memory_space<semaphore_mem>>) {add = true}
      %dma_wait3A_266 = arith.constant 8 : i32
      %dma_wait3A_267 = arith.constant 0 : i32
      %dma_wait3A_268 = tpu.memref_slice %arg8[%dma_wait3A_266, %dma_wait3A_267] : memref<16x128xi32, #tpu.memory_space<vmem>> -> memref<1x128xi32, #tpu.memory_space<vmem>>
      %dma_wait3A_269 = tpu.memref_squeeze %dma_wait3A_268 : memref<1x128xi32, #tpu.memory_space<vmem>> -> memref<128xi32, #tpu.memory_space<vmem>>
      %dma_wait3A_270 = arith.constant 0 : i32
      %dma_wait3A_271 = arith.constant 0 : i32
      %dma_wait3A_272 = tpu.memref_slice %arg11[%dma_wait3A_270, %dma_wait3A_271] : memref<10240x128xf32, #tpu.memory_space<vmem_shared>> -> memref<10240x128xf32, #tpu.memory_space<vmem_shared>>
      tpu.wait_indirect_dma semaphore(%arg14 : memref<!tpu.dma_semaphore, #tpu.memory_space<semaphore_mem>>) src(%arg9 : memref<128x128xf32, #tpu.memory_space<vmem>>) dst(%dma_wait3A_272 : memref<10240x128xf32, #tpu.memory_space<vmem_shared>>)
      %dma_start3A_273 = arith.constant 10 : i32
      %dma_start3A_274 = arith.constant 0 : i32
      %dma_start3A_275 = tpu.memref_slice %arg7[%dma_start3A_273, %dma_start3A_274] : memref<16x128xi32, #tpu.memory_space<vmem>> -> memref<1x128xi32, #tpu.memory_space<vmem>>
      %dma_start3A_276 = tpu.memref_squeeze %dma_start3A_275 : memref<1x128xi32, #tpu.memory_space<vmem>> -> memref<128xi32, #tpu.memory_space<vmem>>
      %dma_start3A_277 = arith.constant 0 : i32
      %dma_start3A_278 = arith.constant 0 : i32
      %dma_start3A_279 = tpu.memref_slice %arg2[%dma_start3A_277, %dma_start3A_278] : memref<20480x128xf32, #tpu.memory_space<hbm>> -> memref<20480x128xf32, #tpu.memory_space<hbm>>
      tpu.enqueue_indirect_dma source(%dma_start3A_279 : memref<20480x128xf32, #tpu.memory_space<hbm>>) target(%arg9 : memref<128x128xf32, #tpu.memory_space<vmem>>) offsets(%dma_start3A_276 : memref<128xi32, #tpu.memory_space<vmem>>) semaphore(%arg12 : memref<!tpu.dma_semaphore, #tpu.memory_space<semaphore_mem>>)
      %dma_wait3A_280 = arith.constant 9 : i32
      %dma_wait3A_281 = arith.constant 0 : i32
      %dma_wait3A_282 = tpu.memref_slice %arg7[%dma_wait3A_280, %dma_wait3A_281] : memref<16x128xi32, #tpu.memory_space<vmem>> -> memref<1x128xi32, #tpu.memory_space<vmem>>
      %dma_wait3A_283 = tpu.memref_squeeze %dma_wait3A_282 : memref<1x128xi32, #tpu.memory_space<vmem>> -> memref<128xi32, #tpu.memory_space<vmem>>
      %dma_wait3A_284 = arith.constant 0 : i32
      %dma_wait3A_285 = arith.constant 0 : i32
      %dma_wait3A_286 = tpu.memref_slice %arg2[%dma_wait3A_284, %dma_wait3A_285] : memref<20480x128xf32, #tpu.memory_space<hbm>> -> memref<20480x128xf32, #tpu.memory_space<hbm>>
      tpu.wait_indirect_dma semaphore(%arg13 : memref<!tpu.dma_semaphore, #tpu.memory_space<semaphore_mem>>) src(%dma_wait3A_286 : memref<20480x128xf32, #tpu.memory_space<hbm>>) dst(%arg10 : memref<128x128xf32, #tpu.memory_space<vmem>>)
      %dma_start3A_287 = arith.constant 9 : i32
      %dma_start3A_288 = arith.constant 0 : i32
      %dma_start3A_289 = tpu.memref_slice %arg8[%dma_start3A_287, %dma_start3A_288] : memref<16x128xi32, #tpu.memory_space<vmem>> -> memref<1x128xi32, #tpu.memory_space<vmem>>
      %dma_start3A_290 = tpu.memref_squeeze %dma_start3A_289 : memref<1x128xi32, #tpu.memory_space<vmem>> -> memref<128xi32, #tpu.memory_space<vmem>>
      %dma_start3A_291 = arith.constant 0 : i32
      %dma_start3A_292 = arith.constant 0 : i32
      %dma_start3A_293 = tpu.memref_slice %arg11[%dma_start3A_291, %dma_start3A_292] : memref<10240x128xf32, #tpu.memory_space<vmem_shared>> -> memref<10240x128xf32, #tpu.memory_space<vmem_shared>>
      tpu.enqueue_indirect_dma source(%arg10 : memref<128x128xf32, #tpu.memory_space<vmem>>) target(%dma_start3A_293 : memref<10240x128xf32, #tpu.memory_space<vmem_shared>>) offsets(%dma_start3A_290 : memref<128xi32, #tpu.memory_space<vmem>>) semaphore(%arg15 : memref<!tpu.dma_semaphore, #tpu.memory_space<semaphore_mem>>) {add = true}
      %dma_wait3A_294 = arith.constant 9 : i32
      %dma_wait3A_295 = arith.constant 0 : i32
      %dma_wait3A_296 = tpu.memref_slice %arg8[%dma_wait3A_294, %dma_wait3A_295] : memref<16x128xi32, #tpu.memory_space<vmem>> -> memref<1x128xi32, #tpu.memory_space<vmem>>
      %dma_wait3A_297 = tpu.memref_squeeze %dma_wait3A_296 : memref<1x128xi32, #tpu.memory_space<vmem>> -> memref<128xi32, #tpu.memory_space<vmem>>
      %dma_wait3A_298 = arith.constant 0 : i32
      %dma_wait3A_299 = arith.constant 0 : i32
      %dma_wait3A_300 = tpu.memref_slice %arg11[%dma_wait3A_298, %dma_wait3A_299] : memref<10240x128xf32, #tpu.memory_space<vmem_shared>> -> memref<10240x128xf32, #tpu.memory_space<vmem_shared>>
      tpu.wait_indirect_dma semaphore(%arg15 : memref<!tpu.dma_semaphore, #tpu.memory_space<semaphore_mem>>) src(%arg10 : memref<128x128xf32, #tpu.memory_space<vmem>>) dst(%dma_wait3A_300 : memref<10240x128xf32, #tpu.memory_space<vmem_shared>>)
      %dma_start3A_301 = arith.constant 11 : i32
      %dma_start3A_302 = arith.constant 0 : i32
      %dma_start3A_303 = tpu.memref_slice %arg7[%dma_start3A_301, %dma_start3A_302] : memref<16x128xi32, #tpu.memory_space<vmem>> -> memref<1x128xi32, #tpu.memory_space<vmem>>
      %dma_start3A_304 = tpu.memref_squeeze %dma_start3A_303 : memref<1x128xi32, #tpu.memory_space<vmem>> -> memref<128xi32, #tpu.memory_space<vmem>>
      %dma_start3A_305 = arith.constant 0 : i32
      %dma_start3A_306 = arith.constant 0 : i32
      %dma_start3A_307 = tpu.memref_slice %arg2[%dma_start3A_305, %dma_start3A_306] : memref<20480x128xf32, #tpu.memory_space<hbm>> -> memref<20480x128xf32, #tpu.memory_space<hbm>>
      tpu.enqueue_indirect_dma source(%dma_start3A_307 : memref<20480x128xf32, #tpu.memory_space<hbm>>) target(%arg10 : memref<128x128xf32, #tpu.memory_space<vmem>>) offsets(%dma_start3A_304 : memref<128xi32, #tpu.memory_space<vmem>>) semaphore(%arg13 : memref<!tpu.dma_semaphore, #tpu.memory_space<semaphore_mem>>)
      %dma_wait3A_308 = arith.constant 10 : i32
      %dma_wait3A_309 = arith.constant 0 : i32
      %dma_wait3A_310 = tpu.memref_slice %arg7[%dma_wait3A_308, %dma_wait3A_309] : memref<16x128xi32, #tpu.memory_space<vmem>> -> memref<1x128xi32, #tpu.memory_space<vmem>>
      %dma_wait3A_311 = tpu.memref_squeeze %dma_wait3A_310 : memref<1x128xi32, #tpu.memory_space<vmem>> -> memref<128xi32, #tpu.memory_space<vmem>>
      %dma_wait3A_312 = arith.constant 0 : i32
      %dma_wait3A_313 = arith.constant 0 : i32
      %dma_wait3A_314 = tpu.memref_slice %arg2[%dma_wait3A_312, %dma_wait3A_313] : memref<20480x128xf32, #tpu.memory_space<hbm>> -> memref<20480x128xf32, #tpu.memory_space<hbm>>
      tpu.wait_indirect_dma semaphore(%arg12 : memref<!tpu.dma_semaphore, #tpu.memory_space<semaphore_mem>>) src(%dma_wait3A_314 : memref<20480x128xf32, #tpu.memory_space<hbm>>) dst(%arg9 : memref<128x128xf32, #tpu.memory_space<vmem>>)
      %dma_start3A_315 = arith.constant 10 : i32
      %dma_start3A_316 = arith.constant 0 : i32
      %dma_start3A_317 = tpu.memref_slice %arg8[%dma_start3A_315, %dma_start3A_316] : memref<16x128xi32, #tpu.memory_space<vmem>> -> memref<1x128xi32, #tpu.memory_space<vmem>>
      %dma_start3A_318 = tpu.memref_squeeze %dma_start3A_317 : memref<1x128xi32, #tpu.memory_space<vmem>> -> memref<128xi32, #tpu.memory_space<vmem>>
      %dma_start3A_319 = arith.constant 0 : i32
      %dma_start3A_320 = arith.constant 0 : i32
      %dma_start3A_321 = tpu.memref_slice %arg11[%dma_start3A_319, %dma_start3A_320] : memref<10240x128xf32, #tpu.memory_space<vmem_shared>> -> memref<10240x128xf32, #tpu.memory_space<vmem_shared>>
      tpu.enqueue_indirect_dma source(%arg9 : memref<128x128xf32, #tpu.memory_space<vmem>>) target(%dma_start3A_321 : memref<10240x128xf32, #tpu.memory_space<vmem_shared>>) offsets(%dma_start3A_318 : memref<128xi32, #tpu.memory_space<vmem>>) semaphore(%arg14 : memref<!tpu.dma_semaphore, #tpu.memory_space<semaphore_mem>>) {add = true}
      %dma_wait3A_322 = arith.constant 10 : i32
      %dma_wait3A_323 = arith.constant 0 : i32
      %dma_wait3A_324 = tpu.memref_slice %arg8[%dma_wait3A_322, %dma_wait3A_323] : memref<16x128xi32, #tpu.memory_space<vmem>> -> memref<1x128xi32, #tpu.memory_space<vmem>>
      %dma_wait3A_325 = tpu.memref_squeeze %dma_wait3A_324 : memref<1x128xi32, #tpu.memory_space<vmem>> -> memref<128xi32, #tpu.memory_space<vmem>>
      %dma_wait3A_326 = arith.constant 0 : i32
      %dma_wait3A_327 = arith.constant 0 : i32
      %dma_wait3A_328 = tpu.memref_slice %arg11[%dma_wait3A_326, %dma_wait3A_327] : memref<10240x128xf32, #tpu.memory_space<vmem_shared>> -> memref<10240x128xf32, #tpu.memory_space<vmem_shared>>
      tpu.wait_indirect_dma semaphore(%arg14 : memref<!tpu.dma_semaphore, #tpu.memory_space<semaphore_mem>>) src(%arg9 : memref<128x128xf32, #tpu.memory_space<vmem>>) dst(%dma_wait3A_328 : memref<10240x128xf32, #tpu.memory_space<vmem_shared>>)
      %dma_start3A_329 = arith.constant 12 : i32
      %dma_start3A_330 = arith.constant 0 : i32
      %dma_start3A_331 = tpu.memref_slice %arg7[%dma_start3A_329, %dma_start3A_330] : memref<16x128xi32, #tpu.memory_space<vmem>> -> memref<1x128xi32, #tpu.memory_space<vmem>>
      %dma_start3A_332 = tpu.memref_squeeze %dma_start3A_331 : memref<1x128xi32, #tpu.memory_space<vmem>> -> memref<128xi32, #tpu.memory_space<vmem>>
      %dma_start3A_333 = arith.constant 0 : i32
      %dma_start3A_334 = arith.constant 0 : i32
      %dma_start3A_335 = tpu.memref_slice %arg2[%dma_start3A_333, %dma_start3A_334] : memref<20480x128xf32, #tpu.memory_space<hbm>> -> memref<20480x128xf32, #tpu.memory_space<hbm>>
      tpu.enqueue_indirect_dma source(%dma_start3A_335 : memref<20480x128xf32, #tpu.memory_space<hbm>>) target(%arg9 : memref<128x128xf32, #tpu.memory_space<vmem>>) offsets(%dma_start3A_332 : memref<128xi32, #tpu.memory_space<vmem>>) semaphore(%arg12 : memref<!tpu.dma_semaphore, #tpu.memory_space<semaphore_mem>>)
      %dma_wait3A_336 = arith.constant 11 : i32
      %dma_wait3A_337 = arith.constant 0 : i32
      %dma_wait3A_338 = tpu.memref_slice %arg7[%dma_wait3A_336, %dma_wait3A_337] : memref<16x128xi32, #tpu.memory_space<vmem>> -> memref<1x128xi32, #tpu.memory_space<vmem>>
      %dma_wait3A_339 = tpu.memref_squeeze %dma_wait3A_338 : memref<1x128xi32, #tpu.memory_space<vmem>> -> memref<128xi32, #tpu.memory_space<vmem>>
      %dma_wait3A_340 = arith.constant 0 : i32
      %dma_wait3A_341 = arith.constant 0 : i32
      %dma_wait3A_342 = tpu.memref_slice %arg2[%dma_wait3A_340, %dma_wait3A_341] : memref<20480x128xf32, #tpu.memory_space<hbm>> -> memref<20480x128xf32, #tpu.memory_space<hbm>>
      tpu.wait_indirect_dma semaphore(%arg13 : memref<!tpu.dma_semaphore, #tpu.memory_space<semaphore_mem>>) src(%dma_wait3A_342 : memref<20480x128xf32, #tpu.memory_space<hbm>>) dst(%arg10 : memref<128x128xf32, #tpu.memory_space<vmem>>)
      %dma_start3A_343 = arith.constant 11 : i32
      %dma_start3A_344 = arith.constant 0 : i32
      %dma_start3A_345 = tpu.memref_slice %arg8[%dma_start3A_343, %dma_start3A_344] : memref<16x128xi32, #tpu.memory_space<vmem>> -> memref<1x128xi32, #tpu.memory_space<vmem>>
      %dma_start3A_346 = tpu.memref_squeeze %dma_start3A_345 : memref<1x128xi32, #tpu.memory_space<vmem>> -> memref<128xi32, #tpu.memory_space<vmem>>
      %dma_start3A_347 = arith.constant 0 : i32
      %dma_start3A_348 = arith.constant 0 : i32
      %dma_start3A_349 = tpu.memref_slice %arg11[%dma_start3A_347, %dma_start3A_348] : memref<10240x128xf32, #tpu.memory_space<vmem_shared>> -> memref<10240x128xf32, #tpu.memory_space<vmem_shared>>
      tpu.enqueue_indirect_dma source(%arg10 : memref<128x128xf32, #tpu.memory_space<vmem>>) target(%dma_start3A_349 : memref<10240x128xf32, #tpu.memory_space<vmem_shared>>) offsets(%dma_start3A_346 : memref<128xi32, #tpu.memory_space<vmem>>) semaphore(%arg15 : memref<!tpu.dma_semaphore, #tpu.memory_space<semaphore_mem>>) {add = true}
      %dma_wait3A_350 = arith.constant 11 : i32
      %dma_wait3A_351 = arith.constant 0 : i32
      %dma_wait3A_352 = tpu.memref_slice %arg8[%dma_wait3A_350, %dma_wait3A_351] : memref<16x128xi32, #tpu.memory_space<vmem>> -> memref<1x128xi32, #tpu.memory_space<vmem>>
      %dma_wait3A_353 = tpu.memref_squeeze %dma_wait3A_352 : memref<1x128xi32, #tpu.memory_space<vmem>> -> memref<128xi32, #tpu.memory_space<vmem>>
      %dma_wait3A_354 = arith.constant 0 : i32
      %dma_wait3A_355 = arith.constant 0 : i32
      %dma_wait3A_356 = tpu.memref_slice %arg11[%dma_wait3A_354, %dma_wait3A_355] : memref<10240x128xf32, #tpu.memory_space<vmem_shared>> -> memref<10240x128xf32, #tpu.memory_space<vmem_shared>>
      tpu.wait_indirect_dma semaphore(%arg15 : memref<!tpu.dma_semaphore, #tpu.memory_space<semaphore_mem>>) src(%arg10 : memref<128x128xf32, #tpu.memory_space<vmem>>) dst(%dma_wait3A_356 : memref<10240x128xf32, #tpu.memory_space<vmem_shared>>)
      %dma_start3A_357 = arith.constant 13 : i32
      %dma_start3A_358 = arith.constant 0 : i32
      %dma_start3A_359 = tpu.memref_slice %arg7[%dma_start3A_357, %dma_start3A_358] : memref<16x128xi32, #tpu.memory_space<vmem>> -> memref<1x128xi32, #tpu.memory_space<vmem>>
      %dma_start3A_360 = tpu.memref_squeeze %dma_start3A_359 : memref<1x128xi32, #tpu.memory_space<vmem>> -> memref<128xi32, #tpu.memory_space<vmem>>
      %dma_start3A_361 = arith.constant 0 : i32
      %dma_start3A_362 = arith.constant 0 : i32
      %dma_start3A_363 = tpu.memref_slice %arg2[%dma_start3A_361, %dma_start3A_362] : memref<20480x128xf32, #tpu.memory_space<hbm>> -> memref<20480x128xf32, #tpu.memory_space<hbm>>
      tpu.enqueue_indirect_dma source(%dma_start3A_363 : memref<20480x128xf32, #tpu.memory_space<hbm>>) target(%arg10 : memref<128x128xf32, #tpu.memory_space<vmem>>) offsets(%dma_start3A_360 : memref<128xi32, #tpu.memory_space<vmem>>) semaphore(%arg13 : memref<!tpu.dma_semaphore, #tpu.memory_space<semaphore_mem>>)
      %dma_wait3A_364 = arith.constant 12 : i32
      %dma_wait3A_365 = arith.constant 0 : i32
      %dma_wait3A_366 = tpu.memref_slice %arg7[%dma_wait3A_364, %dma_wait3A_365] : memref<16x128xi32, #tpu.memory_space<vmem>> -> memref<1x128xi32, #tpu.memory_space<vmem>>
      %dma_wait3A_367 = tpu.memref_squeeze %dma_wait3A_366 : memref<1x128xi32, #tpu.memory_space<vmem>> -> memref<128xi32, #tpu.memory_space<vmem>>
      %dma_wait3A_368 = arith.constant 0 : i32
      %dma_wait3A_369 = arith.constant 0 : i32
      %dma_wait3A_370 = tpu.memref_slice %arg2[%dma_wait3A_368, %dma_wait3A_369] : memref<20480x128xf32, #tpu.memory_space<hbm>> -> memref<20480x128xf32, #tpu.memory_space<hbm>>
      tpu.wait_indirect_dma semaphore(%arg12 : memref<!tpu.dma_semaphore, #tpu.memory_space<semaphore_mem>>) src(%dma_wait3A_370 : memref<20480x128xf32, #tpu.memory_space<hbm>>) dst(%arg9 : memref<128x128xf32, #tpu.memory_space<vmem>>)
      %dma_start3A_371 = arith.constant 12 : i32
      %dma_start3A_372 = arith.constant 0 : i32
      %dma_start3A_373 = tpu.memref_slice %arg8[%dma_start3A_371, %dma_start3A_372] : memref<16x128xi32, #tpu.memory_space<vmem>> -> memref<1x128xi32, #tpu.memory_space<vmem>>
      %dma_start3A_374 = tpu.memref_squeeze %dma_start3A_373 : memref<1x128xi32, #tpu.memory_space<vmem>> -> memref<128xi32, #tpu.memory_space<vmem>>
      %dma_start3A_375 = arith.constant 0 : i32
      %dma_start3A_376 = arith.constant 0 : i32
      %dma_start3A_377 = tpu.memref_slice %arg11[%dma_start3A_375, %dma_start3A_376] : memref<10240x128xf32, #tpu.memory_space<vmem_shared>> -> memref<10240x128xf32, #tpu.memory_space<vmem_shared>>
      tpu.enqueue_indirect_dma source(%arg9 : memref<128x128xf32, #tpu.memory_space<vmem>>) target(%dma_start3A_377 : memref<10240x128xf32, #tpu.memory_space<vmem_shared>>) offsets(%dma_start3A_374 : memref<128xi32, #tpu.memory_space<vmem>>) semaphore(%arg14 : memref<!tpu.dma_semaphore, #tpu.memory_space<semaphore_mem>>) {add = true}
      %dma_wait3A_378 = arith.constant 12 : i32
      %dma_wait3A_379 = arith.constant 0 : i32
      %dma_wait3A_380 = tpu.memref_slice %arg8[%dma_wait3A_378, %dma_wait3A_379] : memref<16x128xi32, #tpu.memory_space<vmem>> -> memref<1x128xi32, #tpu.memory_space<vmem>>
      %dma_wait3A_381 = tpu.memref_squeeze %dma_wait3A_380 : memref<1x128xi32, #tpu.memory_space<vmem>> -> memref<128xi32, #tpu.memory_space<vmem>>
      %dma_wait3A_382 = arith.constant 0 : i32
      %dma_wait3A_383 = arith.constant 0 : i32
      %dma_wait3A_384 = tpu.memref_slice %arg11[%dma_wait3A_382, %dma_wait3A_383] : memref<10240x128xf32, #tpu.memory_space<vmem_shared>> -> memref<10240x128xf32, #tpu.memory_space<vmem_shared>>
      tpu.wait_indirect_dma semaphore(%arg14 : memref<!tpu.dma_semaphore, #tpu.memory_space<semaphore_mem>>) src(%arg9 : memref<128x128xf32, #tpu.memory_space<vmem>>) dst(%dma_wait3A_384 : memref<10240x128xf32, #tpu.memory_space<vmem_shared>>)
      %dma_start3A_385 = arith.constant 14 : i32
      %dma_start3A_386 = arith.constant 0 : i32
      %dma_start3A_387 = tpu.memref_slice %arg7[%dma_start3A_385, %dma_start3A_386] : memref<16x128xi32, #tpu.memory_space<vmem>> -> memref<1x128xi32, #tpu.memory_space<vmem>>
      %dma_start3A_388 = tpu.memref_squeeze %dma_start3A_387 : memref<1x128xi32, #tpu.memory_space<vmem>> -> memref<128xi32, #tpu.memory_space<vmem>>
      %dma_start3A_389 = arith.constant 0 : i32
      %dma_start3A_390 = arith.constant 0 : i32
      %dma_start3A_391 = tpu.memref_slice %arg2[%dma_start3A_389, %dma_start3A_390] : memref<20480x128xf32, #tpu.memory_space<hbm>> -> memref<20480x128xf32, #tpu.memory_space<hbm>>
      tpu.enqueue_indirect_dma source(%dma_start3A_391 : memref<20480x128xf32, #tpu.memory_space<hbm>>) target(%arg9 : memref<128x128xf32, #tpu.memory_space<vmem>>) offsets(%dma_start3A_388 : memref<128xi32, #tpu.memory_space<vmem>>) semaphore(%arg12 : memref<!tpu.dma_semaphore, #tpu.memory_space<semaphore_mem>>)
      %dma_wait3A_392 = arith.constant 13 : i32
      %dma_wait3A_393 = arith.constant 0 : i32
      %dma_wait3A_394 = tpu.memref_slice %arg7[%dma_wait3A_392, %dma_wait3A_393] : memref<16x128xi32, #tpu.memory_space<vmem>> -> memref<1x128xi32, #tpu.memory_space<vmem>>
      %dma_wait3A_395 = tpu.memref_squeeze %dma_wait3A_394 : memref<1x128xi32, #tpu.memory_space<vmem>> -> memref<128xi32, #tpu.memory_space<vmem>>
      %dma_wait3A_396 = arith.constant 0 : i32
      %dma_wait3A_397 = arith.constant 0 : i32
      %dma_wait3A_398 = tpu.memref_slice %arg2[%dma_wait3A_396, %dma_wait3A_397] : memref<20480x128xf32, #tpu.memory_space<hbm>> -> memref<20480x128xf32, #tpu.memory_space<hbm>>
      tpu.wait_indirect_dma semaphore(%arg13 : memref<!tpu.dma_semaphore, #tpu.memory_space<semaphore_mem>>) src(%dma_wait3A_398 : memref<20480x128xf32, #tpu.memory_space<hbm>>) dst(%arg10 : memref<128x128xf32, #tpu.memory_space<vmem>>)
      %dma_start3A_399 = arith.constant 13 : i32
      %dma_start3A_400 = arith.constant 0 : i32
      %dma_start3A_401 = tpu.memref_slice %arg8[%dma_start3A_399, %dma_start3A_400] : memref<16x128xi32, #tpu.memory_space<vmem>> -> memref<1x128xi32, #tpu.memory_space<vmem>>
      %dma_start3A_402 = tpu.memref_squeeze %dma_start3A_401 : memref<1x128xi32, #tpu.memory_space<vmem>> -> memref<128xi32, #tpu.memory_space<vmem>>
      %dma_start3A_403 = arith.constant 0 : i32
      %dma_start3A_404 = arith.constant 0 : i32
      %dma_start3A_405 = tpu.memref_slice %arg11[%dma_start3A_403, %dma_start3A_404] : memref<10240x128xf32, #tpu.memory_space<vmem_shared>> -> memref<10240x128xf32, #tpu.memory_space<vmem_shared>>
      tpu.enqueue_indirect_dma source(%arg10 : memref<128x128xf32, #tpu.memory_space<vmem>>) target(%dma_start3A_405 : memref<10240x128xf32, #tpu.memory_space<vmem_shared>>) offsets(%dma_start3A_402 : memref<128xi32, #tpu.memory_space<vmem>>) semaphore(%arg15 : memref<!tpu.dma_semaphore, #tpu.memory_space<semaphore_mem>>) {add = true}
      %dma_wait3A_406 = arith.constant 13 : i32
      %dma_wait3A_407 = arith.constant 0 : i32
      %dma_wait3A_408 = tpu.memref_slice %arg8[%dma_wait3A_406, %dma_wait3A_407] : memref<16x128xi32, #tpu.memory_space<vmem>> -> memref<1x128xi32, #tpu.memory_space<vmem>>
      %dma_wait3A_409 = tpu.memref_squeeze %dma_wait3A_408 : memref<1x128xi32, #tpu.memory_space<vmem>> -> memref<128xi32, #tpu.memory_space<vmem>>
      %dma_wait3A_410 = arith.constant 0 : i32
      %dma_wait3A_411 = arith.constant 0 : i32
      %dma_wait3A_412 = tpu.memref_slice %arg11[%dma_wait3A_410, %dma_wait3A_411] : memref<10240x128xf32, #tpu.memory_space<vmem_shared>> -> memref<10240x128xf32, #tpu.memory_space<vmem_shared>>
      tpu.wait_indirect_dma semaphore(%arg15 : memref<!tpu.dma_semaphore, #tpu.memory_space<semaphore_mem>>) src(%arg10 : memref<128x128xf32, #tpu.memory_space<vmem>>) dst(%dma_wait3A_412 : memref<10240x128xf32, #tpu.memory_space<vmem_shared>>)
      %dma_start3A_413 = arith.constant 15 : i32
      %dma_start3A_414 = arith.constant 0 : i32
      %dma_start3A_415 = tpu.memref_slice %arg7[%dma_start3A_413, %dma_start3A_414] : memref<16x128xi32, #tpu.memory_space<vmem>> -> memref<1x128xi32, #tpu.memory_space<vmem>>
      %dma_start3A_416 = tpu.memref_squeeze %dma_start3A_415 : memref<1x128xi32, #tpu.memory_space<vmem>> -> memref<128xi32, #tpu.memory_space<vmem>>
      %dma_start3A_417 = arith.constant 0 : i32
      %dma_start3A_418 = arith.constant 0 : i32
      %dma_start3A_419 = tpu.memref_slice %arg2[%dma_start3A_417, %dma_start3A_418] : memref<20480x128xf32, #tpu.memory_space<hbm>> -> memref<20480x128xf32, #tpu.memory_space<hbm>>
      tpu.enqueue_indirect_dma source(%dma_start3A_419 : memref<20480x128xf32, #tpu.memory_space<hbm>>) target(%arg10 : memref<128x128xf32, #tpu.memory_space<vmem>>) offsets(%dma_start3A_416 : memref<128xi32, #tpu.memory_space<vmem>>) semaphore(%arg13 : memref<!tpu.dma_semaphore, #tpu.memory_space<semaphore_mem>>)
      %dma_wait3A_420 = arith.constant 14 : i32
      %dma_wait3A_421 = arith.constant 0 : i32
      %dma_wait3A_422 = tpu.memref_slice %arg7[%dma_wait3A_420, %dma_wait3A_421] : memref<16x128xi32, #tpu.memory_space<vmem>> -> memref<1x128xi32, #tpu.memory_space<vmem>>
      %dma_wait3A_423 = tpu.memref_squeeze %dma_wait3A_422 : memref<1x128xi32, #tpu.memory_space<vmem>> -> memref<128xi32, #tpu.memory_space<vmem>>
      %dma_wait3A_424 = arith.constant 0 : i32
      %dma_wait3A_425 = arith.constant 0 : i32
      %dma_wait3A_426 = tpu.memref_slice %arg2[%dma_wait3A_424, %dma_wait3A_425] : memref<20480x128xf32, #tpu.memory_space<hbm>> -> memref<20480x128xf32, #tpu.memory_space<hbm>>
      tpu.wait_indirect_dma semaphore(%arg12 : memref<!tpu.dma_semaphore, #tpu.memory_space<semaphore_mem>>) src(%dma_wait3A_426 : memref<20480x128xf32, #tpu.memory_space<hbm>>) dst(%arg9 : memref<128x128xf32, #tpu.memory_space<vmem>>)
      %dma_start3A_427 = arith.constant 14 : i32
      %dma_start3A_428 = arith.constant 0 : i32
      %dma_start3A_429 = tpu.memref_slice %arg8[%dma_start3A_427, %dma_start3A_428] : memref<16x128xi32, #tpu.memory_space<vmem>> -> memref<1x128xi32, #tpu.memory_space<vmem>>
      %dma_start3A_430 = tpu.memref_squeeze %dma_start3A_429 : memref<1x128xi32, #tpu.memory_space<vmem>> -> memref<128xi32, #tpu.memory_space<vmem>>
      %dma_start3A_431 = arith.constant 0 : i32
      %dma_start3A_432 = arith.constant 0 : i32
      %dma_start3A_433 = tpu.memref_slice %arg11[%dma_start3A_431, %dma_start3A_432] : memref<10240x128xf32, #tpu.memory_space<vmem_shared>> -> memref<10240x128xf32, #tpu.memory_space<vmem_shared>>
      tpu.enqueue_indirect_dma source(%arg9 : memref<128x128xf32, #tpu.memory_space<vmem>>) target(%dma_start3A_433 : memref<10240x128xf32, #tpu.memory_space<vmem_shared>>) offsets(%dma_start3A_430 : memref<128xi32, #tpu.memory_space<vmem>>) semaphore(%arg14 : memref<!tpu.dma_semaphore, #tpu.memory_space<semaphore_mem>>) {add = true}
      %dma_wait3A_434 = arith.constant 15 : i32
      %dma_wait3A_435 = arith.constant 0 : i32
      %dma_wait3A_436 = tpu.memref_slice %arg7[%dma_wait3A_434, %dma_wait3A_435] : memref<16x128xi32, #tpu.memory_space<vmem>> -> memref<1x128xi32, #tpu.memory_space<vmem>>
      %dma_wait3A_437 = tpu.memref_squeeze %dma_wait3A_436 : memref<1x128xi32, #tpu.memory_space<vmem>> -> memref<128xi32, #tpu.memory_space<vmem>>
      %dma_wait3A_438 = arith.constant 0 : i32
      %dma_wait3A_439 = arith.constant 0 : i32
      %dma_wait3A_440 = tpu.memref_slice %arg2[%dma_wait3A_438, %dma_wait3A_439] : memref<20480x128xf32, #tpu.memory_space<hbm>> -> memref<20480x128xf32, #tpu.memory_space<hbm>>
      tpu.wait_indirect_dma semaphore(%arg13 : memref<!tpu.dma_semaphore, #tpu.memory_space<semaphore_mem>>) src(%dma_wait3A_440 : memref<20480x128xf32, #tpu.memory_space<hbm>>) dst(%arg10 : memref<128x128xf32, #tpu.memory_space<vmem>>)
      %dma_start3A_441 = arith.constant 15 : i32
      %dma_start3A_442 = arith.constant 0 : i32
      %dma_start3A_443 = tpu.memref_slice %arg8[%dma_start3A_441, %dma_start3A_442] : memref<16x128xi32, #tpu.memory_space<vmem>> -> memref<1x128xi32, #tpu.memory_space<vmem>>
      %dma_start3A_444 = tpu.memref_squeeze %dma_start3A_443 : memref<1x128xi32, #tpu.memory_space<vmem>> -> memref<128xi32, #tpu.memory_space<vmem>>
      %dma_start3A_445 = arith.constant 0 : i32
      %dma_start3A_446 = arith.constant 0 : i32
      %dma_start3A_447 = tpu.memref_slice %arg11[%dma_start3A_445, %dma_start3A_446] : memref<10240x128xf32, #tpu.memory_space<vmem_shared>> -> memref<10240x128xf32, #tpu.memory_space<vmem_shared>>
      tpu.enqueue_indirect_dma source(%arg10 : memref<128x128xf32, #tpu.memory_space<vmem>>) target(%dma_start3A_447 : memref<10240x128xf32, #tpu.memory_space<vmem_shared>>) offsets(%dma_start3A_444 : memref<128xi32, #tpu.memory_space<vmem>>) semaphore(%arg15 : memref<!tpu.dma_semaphore, #tpu.memory_space<semaphore_mem>>) {add = true}
      %dma_wait3A_448 = arith.constant 14 : i32
      %dma_wait3A_449 = arith.constant 0 : i32
      %dma_wait3A_450 = tpu.memref_slice %arg8[%dma_wait3A_448, %dma_wait3A_449] : memref<16x128xi32, #tpu.memory_space<vmem>> -> memref<1x128xi32, #tpu.memory_space<vmem>>
      %dma_wait3A_451 = tpu.memref_squeeze %dma_wait3A_450 : memref<1x128xi32, #tpu.memory_space<vmem>> -> memref<128xi32, #tpu.memory_space<vmem>>
      %dma_wait3A_452 = arith.constant 0 : i32
      %dma_wait3A_453 = arith.constant 0 : i32
      %dma_wait3A_454 = tpu.memref_slice %arg11[%dma_wait3A_452, %dma_wait3A_453] : memref<10240x128xf32, #tpu.memory_space<vmem_shared>> -> memref<10240x128xf32, #tpu.memory_space<vmem_shared>>
      tpu.wait_indirect_dma semaphore(%arg14 : memref<!tpu.dma_semaphore, #tpu.memory_space<semaphore_mem>>) src(%arg9 : memref<128x128xf32, #tpu.memory_space<vmem>>) dst(%dma_wait3A_454 : memref<10240x128xf32, #tpu.memory_space<vmem_shared>>)
      %dma_wait3A_455 = arith.constant 15 : i32
      %dma_wait3A_456 = arith.constant 0 : i32
      %dma_wait3A_457 = tpu.memref_slice %arg8[%dma_wait3A_455, %dma_wait3A_456] : memref<16x128xi32, #tpu.memory_space<vmem>> -> memref<1x128xi32, #tpu.memory_space<vmem>>
      %dma_wait3A_458 = tpu.memref_squeeze %dma_wait3A_457 : memref<1x128xi32, #tpu.memory_space<vmem>> -> memref<128xi32, #tpu.memory_space<vmem>>
      %dma_wait3A_459 = arith.constant 0 : i32
      %dma_wait3A_460 = arith.constant 0 : i32
      %dma_wait3A_461 = tpu.memref_slice %arg11[%dma_wait3A_459, %dma_wait3A_460] : memref<10240x128xf32, #tpu.memory_space<vmem_shared>> -> memref<10240x128xf32, #tpu.memory_space<vmem_shared>>
      tpu.wait_indirect_dma semaphore(%arg15 : memref<!tpu.dma_semaphore, #tpu.memory_space<semaphore_mem>>) src(%arg10 : memref<128x128xf32, #tpu.memory_space<vmem>>) dst(%dma_wait3A_461 : memref<10240x128xf32, #tpu.memory_space<vmem_shared>>)
    }
    %scan3A_5 = arith.constant 10 : i32
    %barrier3A_6 = arith.constant 0 : index
    tpu.barrier barrier_id(%barrier3A_6)
    %mul3A_7 = arith.constant 640 : i32
    %mul3A_8 = arith.muli %arg1, %mul3A_7 : i32
    %mul3A_9 = arith.constant 640 : i32
    %mul3A_10 = arith.muli %arg1, %mul3A_9 : i32
    "tpu.region"() ({
      %run_scoped3A = tpu.sem_alloc : memref<!tpu.dma_semaphore, #tpu.memory_space<semaphore_mem>>
      %dma_start3A = arith.constant 0 : i32
      %dma_start3A_11 = tpu.memref_slice %arg6[%arg0, %mul3A_10, %dma_start3A] : memref<2x10240x128xf32, #tpu.memory_space<hbm>> -> memref<1x640x128xf32, #tpu.memory_space<hbm>>
      %dma_start3A_12 = tpu.memref_squeeze %dma_start3A_11 : memref<1x640x128xf32, #tpu.memory_space<hbm>> -> memref<640x128xf32, #tpu.memory_space<hbm>>
      %dma_start3A_13 = arith.constant 0 : i32
      %dma_start3A_14 = tpu.memref_slice %arg11[%mul3A_8, %dma_start3A_13] : memref<10240x128xf32, #tpu.memory_space<vmem_shared>> -> memref<640x128xf32, #tpu.memory_space<vmem_shared>>
      tpu.enqueue_dma source(%dma_start3A_14 : memref<640x128xf32, #tpu.memory_space<vmem_shared>>) target(%dma_start3A_12 : memref<640x128xf32, #tpu.memory_space<hbm>>) target_semaphore(%run_scoped3A : memref<!tpu.dma_semaphore, #tpu.memory_space<semaphore_mem>>)
      %dma_wait3A = arith.constant 0 : i32
      %dma_wait3A_15 = tpu.memref_slice %arg6[%arg0, %mul3A_10, %dma_wait3A] : memref<2x10240x128xf32, #tpu.memory_space<hbm>> -> memref<1x640x128xf32, #tpu.memory_space<hbm>>
      %dma_wait3A_16 = tpu.memref_squeeze %dma_wait3A_15 : memref<1x640x128xf32, #tpu.memory_space<hbm>> -> memref<640x128xf32, #tpu.memory_space<hbm>>
      %dma_wait3A_17 = arith.constant 0 : i32
      %dma_wait3A_18 = tpu.memref_slice %arg11[%mul3A_8, %dma_wait3A_17] : memref<10240x128xf32, #tpu.memory_space<vmem_shared>> -> memref<640x128xf32, #tpu.memory_space<vmem_shared>>
      tpu.wait_dma2 semaphore(%run_scoped3A : memref<!tpu.dma_semaphore, #tpu.memory_space<semaphore_mem>>) src(%dma_wait3A_18 : memref<640x128xf32, #tpu.memory_space<vmem_shared>>) dst(%dma_wait3A_16 : memref<640x128xf32, #tpu.memory_space<hbm>>)
      tpu.yield
    }) : () -> ()
    return
  }
}

#map = affine_map<(d0, d1) -> (0, 0, 0, 0)>
#map1 = affine_map<(d0, d1) -> (0)>
#map2 = affine_map<(d0, d1) -> (0, 0)>
module attributes {stable_mosaic.version = 14 : i64} {
  func.func @deg_kernel(%arg0: i32, %arg1: i32, %arg2: memref<2x16x80x128xi32, #tpu.memory_space<hbm>>, %arg3: memref<128xf32, #tpu.memory_space<hbm>>, %arg4: memref<640xf32, #tpu.memory_space<hbm>>, %arg5: memref<2x10240xf32, #tpu.memory_space<hbm>>, %arg6: memref<80x128xi32, #tpu.memory_space<vmem>>, %arg7: memref<128xf32, #tpu.memory_space<vmem>>, %arg8: memref<10240xf32, #tpu.memory_space<vmem_shared>>) attributes {dimension_semantics = [#tpu.dimension_semantics<core_parallel>, #tpu.dimension_semantics<subcore_parallel>], iteration_bounds = array<i64: 2, 16>, scalar_prefetch = 0 : i64, scratch_operands = 3 : i64, tpu.core_type = #tpu.core_type<sc_vector_subcore>, window_params = [{transform_indices = #map}, {transform_indices = #map1}, {transform_indices = #map1}, {transform_indices = #map2}]} {
    "tpu.region"() ({
      %run_scoped3A = tpu.sem_alloc : memref<!tpu.dma_semaphore, #tpu.memory_space<semaphore_mem>>
      %dma_start3A = arith.constant 0 : i32
      %dma_start3A_11 = arith.constant 0 : i32
      %dma_start3A_12 = tpu.memref_slice %arg2[%arg0, %arg1, %dma_start3A, %dma_start3A_11] : memref<2x16x80x128xi32, #tpu.memory_space<hbm>> -> memref<1x1x80x128xi32, #tpu.memory_space<hbm>>
      %dma_start3A_13 = tpu.memref_squeeze %dma_start3A_12 : memref<1x1x80x128xi32, #tpu.memory_space<hbm>> -> memref<80x128xi32, #tpu.memory_space<hbm>>
      %dma_start3A_14 = arith.constant 0 : i32
      %dma_start3A_15 = arith.constant 0 : i32
      %dma_start3A_16 = tpu.memref_slice %arg2[%arg0, %arg1, %dma_start3A_14, %dma_start3A_15] : memref<2x16x80x128xi32, #tpu.memory_space<hbm>> -> memref<1x1x80x128xi32, #tpu.memory_space<hbm>>
      %dma_start3A_17 = tpu.memref_squeeze %dma_start3A_16 : memref<1x1x80x128xi32, #tpu.memory_space<hbm>> -> memref<80x128xi32, #tpu.memory_space<hbm>>
      tpu.enqueue_dma source(%dma_start3A_17 : memref<80x128xi32, #tpu.memory_space<hbm>>) target(%arg6 : memref<80x128xi32, #tpu.memory_space<vmem>>) target_semaphore(%run_scoped3A : memref<!tpu.dma_semaphore, #tpu.memory_space<semaphore_mem>>)
      %dma_wait3A = arith.constant 0 : i32
      %dma_wait3A_18 = arith.constant 0 : i32
      %dma_wait3A_19 = tpu.memref_slice %arg2[%arg0, %arg1, %dma_wait3A, %dma_wait3A_18] : memref<2x16x80x128xi32, #tpu.memory_space<hbm>> -> memref<1x1x80x128xi32, #tpu.memory_space<hbm>>
      %dma_wait3A_20 = tpu.memref_squeeze %dma_wait3A_19 : memref<1x1x80x128xi32, #tpu.memory_space<hbm>> -> memref<80x128xi32, #tpu.memory_space<hbm>>
      %dma_wait3A_21 = arith.constant 0 : i32
      %dma_wait3A_22 = arith.constant 0 : i32
      %dma_wait3A_23 = tpu.memref_slice %arg2[%arg0, %arg1, %dma_wait3A_21, %dma_wait3A_22] : memref<2x16x80x128xi32, #tpu.memory_space<hbm>> -> memref<1x1x80x128xi32, #tpu.memory_space<hbm>>
      %dma_wait3A_24 = tpu.memref_squeeze %dma_wait3A_23 : memref<1x1x80x128xi32, #tpu.memory_space<hbm>> -> memref<80x128xi32, #tpu.memory_space<hbm>>
      tpu.wait_dma2 semaphore(%run_scoped3A : memref<!tpu.dma_semaphore, #tpu.memory_space<semaphore_mem>>) src(%dma_wait3A_24 : memref<80x128xi32, #tpu.memory_space<hbm>>) dst(%arg6 : memref<80x128xi32, #tpu.memory_space<vmem>>)
      tpu.yield
    }) : () -> ()
    "tpu.region"() ({
      %run_scoped3A = tpu.sem_alloc : memref<!tpu.dma_semaphore, #tpu.memory_space<semaphore_mem>>
      tpu.enqueue_dma source(%arg3 : memref<128xf32, #tpu.memory_space<hbm>>) target(%arg7 : memref<128xf32, #tpu.memory_space<vmem>>) target_semaphore(%run_scoped3A : memref<!tpu.dma_semaphore, #tpu.memory_space<semaphore_mem>>)
      tpu.wait_dma2 semaphore(%run_scoped3A : memref<!tpu.dma_semaphore, #tpu.memory_space<semaphore_mem>>) src(%arg3 : memref<128xf32, #tpu.memory_space<hbm>>) dst(%arg7 : memref<128xf32, #tpu.memory_space<vmem>>)
      tpu.yield
    }) : () -> ()
    %mul3A = arith.constant 640 : i32
    %mul3A_0 = arith.muli %arg1, %mul3A : i32
    "tpu.region"() ({
      %run_scoped3A = tpu.sem_alloc : memref<!tpu.dma_semaphore, #tpu.memory_space<semaphore_mem>>
      %dma_start3A = tpu.memref_slice %arg8[%mul3A_0] : memref<10240xf32, #tpu.memory_space<vmem_shared>> -> memref<640xf32, #tpu.memory_space<vmem_shared>>
      tpu.enqueue_dma source(%arg4 : memref<640xf32, #tpu.memory_space<hbm>>) target(%dma_start3A : memref<640xf32, #tpu.memory_space<vmem_shared>>) target_semaphore(%run_scoped3A : memref<!tpu.dma_semaphore, #tpu.memory_space<semaphore_mem>>)
      %dma_wait3A = tpu.memref_slice %arg8[%mul3A_0] : memref<10240xf32, #tpu.memory_space<vmem_shared>> -> memref<640xf32, #tpu.memory_space<vmem_shared>>
      tpu.wait_dma2 semaphore(%run_scoped3A : memref<!tpu.dma_semaphore, #tpu.memory_space<semaphore_mem>>) src(%arg4 : memref<640xf32, #tpu.memory_space<hbm>>) dst(%dma_wait3A : memref<640xf32, #tpu.memory_space<vmem_shared>>)
      tpu.yield
    }) : () -> ()
    %barrier3A = arith.constant 0 : index
    tpu.barrier barrier_id(%barrier3A)
    %scan3A = arith.constant 0 : i32
    %scan3A_1 = arith.constant 0 : i32
    %scan3A_2 = arith.constant 80 : i32
    %scan3A_3 = arith.addi %scan3A_1, %scan3A_2 : i32
    %scan3A_4 = arith.constant 1 : i32
    scf.for %scan3A_11 = %scan3A_1 to %scan3A_3 step %scan3A_4  : i32 {
      "tpu.region"() ({
        %run_scoped3A = tpu.sem_alloc : memref<!tpu.dma_semaphore, #tpu.memory_space<semaphore_mem>>
        %dma_start3A = arith.constant 0 : i32
        %dma_start3A_12 = tpu.memref_slice %arg6[%scan3A_11, %dma_start3A] : memref<80x128xi32, #tpu.memory_space<vmem>> -> memref<1x128xi32, #tpu.memory_space<vmem>>
        %dma_start3A_13 = tpu.memref_squeeze %dma_start3A_12 : memref<1x128xi32, #tpu.memory_space<vmem>> -> memref<128xi32, #tpu.memory_space<vmem>>
        %dma_start3A_14 = arith.constant 0 : i32
        %dma_start3A_15 = tpu.memref_slice %arg8[%dma_start3A_14] : memref<10240xf32, #tpu.memory_space<vmem_shared>> -> memref<10240xf32, #tpu.memory_space<vmem_shared>>
        tpu.enqueue_indirect_dma source(%arg7 : memref<128xf32, #tpu.memory_space<vmem>>) target(%dma_start3A_15 : memref<10240xf32, #tpu.memory_space<vmem_shared>>) offsets(%dma_start3A_13 : memref<128xi32, #tpu.memory_space<vmem>>) semaphore(%run_scoped3A : memref<!tpu.dma_semaphore, #tpu.memory_space<semaphore_mem>>) {add = true}
        %dma_wait3A = arith.constant 0 : i32
        %dma_wait3A_16 = tpu.memref_slice %arg6[%scan3A_11, %dma_wait3A] : memref<80x128xi32, #tpu.memory_space<vmem>> -> memref<1x128xi32, #tpu.memory_space<vmem>>
        %dma_wait3A_17 = tpu.memref_squeeze %dma_wait3A_16 : memref<1x128xi32, #tpu.memory_space<vmem>> -> memref<128xi32, #tpu.memory_space<vmem>>
        %dma_wait3A_18 = arith.constant 0 : i32
        %dma_wait3A_19 = tpu.memref_slice %arg8[%dma_wait3A_18] : memref<10240xf32, #tpu.memory_space<vmem_shared>> -> memref<10240xf32, #tpu.memory_space<vmem_shared>>
        tpu.wait_indirect_dma semaphore(%run_scoped3A : memref<!tpu.dma_semaphore, #tpu.memory_space<semaphore_mem>>) src(%arg7 : memref<128xf32, #tpu.memory_space<vmem>>) dst(%dma_wait3A_19 : memref<10240xf32, #tpu.memory_space<vmem_shared>>)
        tpu.yield
      }) : () -> ()
    }
    %scan3A_5 = arith.constant 80 : i32
    %barrier3A_6 = arith.constant 0 : index
    tpu.barrier barrier_id(%barrier3A_6)
    %mul3A_7 = arith.constant 640 : i32
    %mul3A_8 = arith.muli %arg1, %mul3A_7 : i32
    %mul3A_9 = arith.constant 640 : i32
    %mul3A_10 = arith.muli %arg1, %mul3A_9 : i32
    "tpu.region"() ({
      %run_scoped3A = tpu.sem_alloc : memref<!tpu.dma_semaphore, #tpu.memory_space<semaphore_mem>>
      %dma_start3A = tpu.memref_slice %arg5[%arg0, %mul3A_10] : memref<2x10240xf32, #tpu.memory_space<hbm>> -> memref<1x640xf32, #tpu.memory_space<hbm>>
      %dma_start3A_11 = tpu.memref_squeeze %dma_start3A : memref<1x640xf32, #tpu.memory_space<hbm>> -> memref<640xf32, #tpu.memory_space<hbm>>
      %dma_start3A_12 = tpu.memref_slice %arg8[%mul3A_8] : memref<10240xf32, #tpu.memory_space<vmem_shared>> -> memref<640xf32, #tpu.memory_space<vmem_shared>>
      tpu.enqueue_dma source(%dma_start3A_12 : memref<640xf32, #tpu.memory_space<vmem_shared>>) target(%dma_start3A_11 : memref<640xf32, #tpu.memory_space<hbm>>) target_semaphore(%run_scoped3A : memref<!tpu.dma_semaphore, #tpu.memory_space<semaphore_mem>>)
      %dma_wait3A = tpu.memref_slice %arg5[%arg0, %mul3A_10] : memref<2x10240xf32, #tpu.memory_space<hbm>> -> memref<1x640xf32, #tpu.memory_space<hbm>>
      %dma_wait3A_13 = tpu.memref_squeeze %dma_wait3A : memref<1x640xf32, #tpu.memory_space<hbm>> -> memref<640xf32, #tpu.memory_space<hbm>>
      %dma_wait3A_14 = tpu.memref_slice %arg8[%mul3A_8] : memref<10240xf32, #tpu.memory_space<vmem_shared>> -> memref<640xf32, #tpu.memory_space<vmem_shared>>
      tpu.wait_dma2 semaphore(%run_scoped3A : memref<!tpu.dma_semaphore, #tpu.memory_space<semaphore_mem>>) src(%dma_wait3A_14 : memref<640xf32, #tpu.memory_space<vmem_shared>>) dst(%dma_wait3A_13 : memref<640xf32, #tpu.memory_space<hbm>>)
      tpu.yield
    }) : () -> ()
    return
  }
}

#map = affine_map<(d0, d1) -> (0, 0)>
#map1 = affine_map<(d0, d1) -> (0, 0, 0, 0)>
#map2 = affine_map<(d0, d1) -> (0, 0, 0)>
module attributes {stable_mosaic.version = 14 : i64} {
  func.func @scat_kernel(%arg0: i32, %arg1: i32, %arg2: memref<10240x128xf32, #tpu.memory_space<hbm>>, %arg3: memref<2x16x80x128xi32, #tpu.memory_space<hbm>>, %arg4: memref<2x16x80x128xi32, #tpu.memory_space<hbm>>, %arg5: memref<640x128xf32, #tpu.memory_space<hbm>>, %arg6: memref<2x10240x128xf32, #tpu.memory_space<hbm>>, %arg7: memref<16x128xi32, #tpu.memory_space<vmem>>, %arg8: memref<16x128xi32, #tpu.memory_space<vmem>>, %arg9: memref<128x128xf32, #tpu.memory_space<vmem>>, %arg10: memref<128x128xf32, #tpu.memory_space<vmem>>, %arg11: memref<10240x128xf32, #tpu.memory_space<vmem_shared>>, %arg12: memref<!tpu.dma_semaphore, #tpu.memory_space<semaphore_mem>>, %arg13: memref<!tpu.dma_semaphore, #tpu.memory_space<semaphore_mem>>, %arg14: memref<!tpu.dma_semaphore, #tpu.memory_space<semaphore_mem>>, %arg15: memref<!tpu.dma_semaphore, #tpu.memory_space<semaphore_mem>>) attributes {dimension_semantics = [#tpu.dimension_semantics<core_parallel>, #tpu.dimension_semantics<subcore_parallel>], iteration_bounds = array<i64: 2, 16>, scalar_prefetch = 0 : i64, scratch_operands = 9 : i64, tpu.core_type = #tpu.core_type<sc_vector_subcore>, window_params = [{transform_indices = #map}, {transform_indices = #map1}, {transform_indices = #map1}, {transform_indices = #map}, {transform_indices = #map2}]} {
    %mul3A = arith.constant 640 : i32
    %mul3A_0 = arith.muli %arg1, %mul3A : i32
    "tpu.region"() ({
      %run_scoped3A = tpu.sem_alloc : memref<!tpu.dma_semaphore, #tpu.memory_space<semaphore_mem>>
      %dma_start3A = arith.constant 0 : i32
      %dma_start3A_11 = tpu.memref_slice %arg11[%mul3A_0, %dma_start3A] : memref<10240x128xf32, #tpu.memory_space<vmem_shared>> -> memref<640x128xf32, #tpu.memory_space<vmem_shared>>
      tpu.enqueue_dma source(%arg5 : memref<640x128xf32, #tpu.memory_space<hbm>>) target(%dma_start3A_11 : memref<640x128xf32, #tpu.memory_space<vmem_shared>>) target_semaphore(%run_scoped3A : memref<!tpu.dma_semaphore, #tpu.memory_space<semaphore_mem>>)
      %dma_wait3A = arith.constant 0 : i32
      %dma_wait3A_12 = tpu.memref_slice %arg11[%mul3A_0, %dma_wait3A] : memref<10240x128xf32, #tpu.memory_space<vmem_shared>> -> memref<640x128xf32, #tpu.memory_space<vmem_shared>>
      tpu.wait_dma2 semaphore(%run_scoped3A : memref<!tpu.dma_semaphore, #tpu.memory_space<semaphore_mem>>) src(%arg5 : memref<640x128xf32, #tpu.memory_space<hbm>>) dst(%dma_wait3A_12 : memref<640x128xf32, #tpu.memory_space<vmem_shared>>)
      tpu.yield
    }) : () -> ()
    %barrier3A = arith.constant 0 : index
    tpu.barrier barrier_id(%barrier3A)
    %scan3A = arith.constant 0 : i32
    %scan3A_1 = arith.constant 0 : i32
    %scan3A_2 = arith.constant 5 : i32
    %scan3A_3 = arith.addi %scan3A_1, %scan3A_2 : i32
    %scan3A_4 = arith.constant 1 : i32
    scf.for %scan3A_11 = %scan3A_1 to %scan3A_3 step %scan3A_4  : i32 {
      %mul3A_12 = arith.constant 16 : i32
      %mul3A_13 = arith.muli %scan3A_11, %mul3A_12 : i32
      "tpu.region"() ({
        %run_scoped3A = tpu.sem_alloc : memref<!tpu.dma_semaphore, #tpu.memory_space<semaphore_mem>>
        %dma_start3A_462 = arith.constant 0 : i32
        %dma_start3A_463 = tpu.memref_slice %arg3[%arg0, %arg1, %mul3A_13, %dma_start3A_462] : memref<2x16x80x128xi32, #tpu.memory_space<hbm>> -> memref<1x1x16x128xi32, #tpu.memory_space<hbm>>
        %dma_start3A_464 = tpu.memref_squeeze %dma_start3A_463 : memref<1x1x16x128xi32, #tpu.memory_space<hbm>> -> memref<16x128xi32, #tpu.memory_space<hbm>>
        %dma_start3A_465 = arith.constant 0 : i32
        %dma_start3A_466 = tpu.memref_slice %arg3[%arg0, %arg1, %mul3A_13, %dma_start3A_465] : memref<2x16x80x128xi32, #tpu.memory_space<hbm>> -> memref<1x1x16x128xi32, #tpu.memory_space<hbm>>
        %dma_start3A_467 = tpu.memref_squeeze %dma_start3A_466 : memref<1x1x16x128xi32, #tpu.memory_space<hbm>> -> memref<16x128xi32, #tpu.memory_space<hbm>>
        tpu.enqueue_dma source(%dma_start3A_467 : memref<16x128xi32, #tpu.memory_space<hbm>>) target(%arg7 : memref<16x128xi32, #tpu.memory_space<vmem>>) target_semaphore(%run_scoped3A : memref<!tpu.dma_semaphore, #tpu.memory_space<semaphore_mem>>)
        %dma_wait3A_468 = arith.constant 0 : i32
        %dma_wait3A_469 = tpu.memref_slice %arg3[%arg0, %arg1, %mul3A_13, %dma_wait3A_468] : memref<2x16x80x128xi32, #tpu.memory_space<hbm>> -> memref<1x1x16x128xi32, #tpu.memory_space<hbm>>
        %dma_wait3A_470 = tpu.memref_squeeze %dma_wait3A_469 : memref<1x1x16x128xi32, #tpu.memory_space<hbm>> -> memref<16x128xi32, #tpu.memory_space<hbm>>
        %dma_wait3A_471 = arith.constant 0 : i32
        %dma_wait3A_472 = tpu.memref_slice %arg3[%arg0, %arg1, %mul3A_13, %dma_wait3A_471] : memref<2x16x80x128xi32, #tpu.memory_space<hbm>> -> memref<1x1x16x128xi32, #tpu.memory_space<hbm>>
        %dma_wait3A_473 = tpu.memref_squeeze %dma_wait3A_472 : memref<1x1x16x128xi32, #tpu.memory_space<hbm>> -> memref<16x128xi32, #tpu.memory_space<hbm>>
        tpu.wait_dma2 semaphore(%run_scoped3A : memref<!tpu.dma_semaphore, #tpu.memory_space<semaphore_mem>>) src(%dma_wait3A_473 : memref<16x128xi32, #tpu.memory_space<hbm>>) dst(%arg7 : memref<16x128xi32, #tpu.memory_space<vmem>>)
        tpu.yield
      }) : () -> ()
      %mul3A_14 = arith.constant 16 : i32
      %mul3A_15 = arith.muli %scan3A_11, %mul3A_14 : i32
      "tpu.region"() ({
        %run_scoped3A = tpu.sem_alloc : memref<!tpu.dma_semaphore, #tpu.memory_space<semaphore_mem>>
        %dma_start3A_462 = arith.constant 0 : i32
        %dma_start3A_463 = tpu.memref_slice %arg4[%arg0, %arg1, %mul3A_15, %dma_start3A_462] : memref<2x16x80x128xi32, #tpu.memory_space<hbm>> -> memref<1x1x16x128xi32, #tpu.memory_space<hbm>>
        %dma_start3A_464 = tpu.memref_squeeze %dma_start3A_463 : memref<1x1x16x128xi32, #tpu.memory_space<hbm>> -> memref<16x128xi32, #tpu.memory_space<hbm>>
        %dma_start3A_465 = arith.constant 0 : i32
        %dma_start3A_466 = tpu.memref_slice %arg4[%arg0, %arg1, %mul3A_15, %dma_start3A_465] : memref<2x16x80x128xi32, #tpu.memory_space<hbm>> -> memref<1x1x16x128xi32, #tpu.memory_space<hbm>>
        %dma_start3A_467 = tpu.memref_squeeze %dma_start3A_466 : memref<1x1x16x128xi32, #tpu.memory_space<hbm>> -> memref<16x128xi32, #tpu.memory_space<hbm>>
        tpu.enqueue_dma source(%dma_start3A_467 : memref<16x128xi32, #tpu.memory_space<hbm>>) target(%arg8 : memref<16x128xi32, #tpu.memory_space<vmem>>) target_semaphore(%run_scoped3A : memref<!tpu.dma_semaphore, #tpu.memory_space<semaphore_mem>>)
        %dma_wait3A_468 = arith.constant 0 : i32
        %dma_wait3A_469 = tpu.memref_slice %arg4[%arg0, %arg1, %mul3A_15, %dma_wait3A_468] : memref<2x16x80x128xi32, #tpu.memory_space<hbm>> -> memref<1x1x16x128xi32, #tpu.memory_space<hbm>>
        %dma_wait3A_470 = tpu.memref_squeeze %dma_wait3A_469 : memref<1x1x16x128xi32, #tpu.memory_space<hbm>> -> memref<16x128xi32, #tpu.memory_space<hbm>>
        %dma_wait3A_471 = arith.constant 0 : i32
        %dma_wait3A_472 = tpu.memref_slice %arg4[%arg0, %arg1, %mul3A_15, %dma_wait3A_471] : memref<2x16x80x128xi32, #tpu.memory_space<hbm>> -> memref<1x1x16x128xi32, #tpu.memory_space<hbm>>
        %dma_wait3A_473 = tpu.memref_squeeze %dma_wait3A_472 : memref<1x1x16x128xi32, #tpu.memory_space<hbm>> -> memref<16x128xi32, #tpu.memory_space<hbm>>
        tpu.wait_dma2 semaphore(%run_scoped3A : memref<!tpu.dma_semaphore, #tpu.memory_space<semaphore_mem>>) src(%dma_wait3A_473 : memref<16x128xi32, #tpu.memory_space<hbm>>) dst(%arg8 : memref<16x128xi32, #tpu.memory_space<vmem>>)
        tpu.yield
      }) : () -> ()
      %dma_start3A = arith.constant 0 : i32
      %dma_start3A_16 = arith.constant 0 : i32
      %dma_start3A_17 = tpu.memref_slice %arg7[%dma_start3A, %dma_start3A_16] : memref<16x128xi32, #tpu.memory_space<vmem>> -> memref<1x128xi32, #tpu.memory_space<vmem>>
      %dma_start3A_18 = tpu.memref_squeeze %dma_start3A_17 : memref<1x128xi32, #tpu.memory_space<vmem>> -> memref<128xi32, #tpu.memory_space<vmem>>
      %dma_start3A_19 = arith.constant 0 : i32
      %dma_start3A_20 = arith.constant 0 : i32
      %dma_start3A_21 = tpu.memref_slice %arg2[%dma_start3A_19, %dma_start3A_20] : memref<10240x128xf32, #tpu.memory_space<hbm>> -> memref<10240x128xf32, #tpu.memory_space<hbm>>
      tpu.enqueue_indirect_dma source(%dma_start3A_21 : memref<10240x128xf32, #tpu.memory_space<hbm>>) target(%arg9 : memref<128x128xf32, #tpu.memory_space<vmem>>) offsets(%dma_start3A_18 : memref<128xi32, #tpu.memory_space<vmem>>) semaphore(%arg12 : memref<!tpu.dma_semaphore, #tpu.memory_space<semaphore_mem>>)
      %dma_start3A_22 = arith.constant 1 : i32
      %dma_start3A_23 = arith.constant 0 : i32
      %dma_start3A_24 = tpu.memref_slice %arg7[%dma_start3A_22, %dma_start3A_23] : memref<16x128xi32, #tpu.memory_space<vmem>> -> memref<1x128xi32, #tpu.memory_space<vmem>>
      %dma_start3A_25 = tpu.memref_squeeze %dma_start3A_24 : memref<1x128xi32, #tpu.memory_space<vmem>> -> memref<128xi32, #tpu.memory_space<vmem>>
      %dma_start3A_26 = arith.constant 0 : i32
      %dma_start3A_27 = arith.constant 0 : i32
      %dma_start3A_28 = tpu.memref_slice %arg2[%dma_start3A_26, %dma_start3A_27] : memref<10240x128xf32, #tpu.memory_space<hbm>> -> memref<10240x128xf32, #tpu.memory_space<hbm>>
      tpu.enqueue_indirect_dma source(%dma_start3A_28 : memref<10240x128xf32, #tpu.memory_space<hbm>>) target(%arg10 : memref<128x128xf32, #tpu.memory_space<vmem>>) offsets(%dma_start3A_25 : memref<128xi32, #tpu.memory_space<vmem>>) semaphore(%arg13 : memref<!tpu.dma_semaphore, #tpu.memory_space<semaphore_mem>>)
      %dma_wait3A = arith.constant 0 : i32
      %dma_wait3A_29 = arith.constant 0 : i32
      %dma_wait3A_30 = tpu.memref_slice %arg7[%dma_wait3A, %dma_wait3A_29] : memref<16x128xi32, #tpu.memory_space<vmem>> -> memref<1x128xi32, #tpu.memory_space<vmem>>
      %dma_wait3A_31 = tpu.memref_squeeze %dma_wait3A_30 : memref<1x128xi32, #tpu.memory_space<vmem>> -> memref<128xi32, #tpu.memory_space<vmem>>
      %dma_wait3A_32 = arith.constant 0 : i32
      %dma_wait3A_33 = arith.constant 0 : i32
      %dma_wait3A_34 = tpu.memref_slice %arg2[%dma_wait3A_32, %dma_wait3A_33] : memref<10240x128xf32, #tpu.memory_space<hbm>> -> memref<10240x128xf32, #tpu.memory_space<hbm>>
      tpu.wait_indirect_dma semaphore(%arg12 : memref<!tpu.dma_semaphore, #tpu.memory_space<semaphore_mem>>) src(%dma_wait3A_34 : memref<10240x128xf32, #tpu.memory_space<hbm>>) dst(%arg9 : memref<128x128xf32, #tpu.memory_space<vmem>>)
      %dma_start3A_35 = arith.constant 0 : i32
      %dma_start3A_36 = arith.constant 0 : i32
      %dma_start3A_37 = tpu.memref_slice %arg8[%dma_start3A_35, %dma_start3A_36] : memref<16x128xi32, #tpu.memory_space<vmem>> -> memref<1x128xi32, #tpu.memory_space<vmem>>
      %dma_start3A_38 = tpu.memref_squeeze %dma_start3A_37 : memref<1x128xi32, #tpu.memory_space<vmem>> -> memref<128xi32, #tpu.memory_space<vmem>>
      %dma_start3A_39 = arith.constant 0 : i32
      %dma_start3A_40 = arith.constant 0 : i32
      %dma_start3A_41 = tpu.memref_slice %arg11[%dma_start3A_39, %dma_start3A_40] : memref<10240x128xf32, #tpu.memory_space<vmem_shared>> -> memref<10240x128xf32, #tpu.memory_space<vmem_shared>>
      tpu.enqueue_indirect_dma source(%arg9 : memref<128x128xf32, #tpu.memory_space<vmem>>) target(%dma_start3A_41 : memref<10240x128xf32, #tpu.memory_space<vmem_shared>>) offsets(%dma_start3A_38 : memref<128xi32, #tpu.memory_space<vmem>>) semaphore(%arg14 : memref<!tpu.dma_semaphore, #tpu.memory_space<semaphore_mem>>) {add = true}
      %dma_wait3A_42 = arith.constant 0 : i32
      %dma_wait3A_43 = arith.constant 0 : i32
      %dma_wait3A_44 = tpu.memref_slice %arg8[%dma_wait3A_42, %dma_wait3A_43] : memref<16x128xi32, #tpu.memory_space<vmem>> -> memref<1x128xi32, #tpu.memory_space<vmem>>
      %dma_wait3A_45 = tpu.memref_squeeze %dma_wait3A_44 : memref<1x128xi32, #tpu.memory_space<vmem>> -> memref<128xi32, #tpu.memory_space<vmem>>
      %dma_wait3A_46 = arith.constant 0 : i32
      %dma_wait3A_47 = arith.constant 0 : i32
      %dma_wait3A_48 = tpu.memref_slice %arg11[%dma_wait3A_46, %dma_wait3A_47] : memref<10240x128xf32, #tpu.memory_space<vmem_shared>> -> memref<10240x128xf32, #tpu.memory_space<vmem_shared>>
      tpu.wait_indirect_dma semaphore(%arg14 : memref<!tpu.dma_semaphore, #tpu.memory_space<semaphore_mem>>) src(%arg9 : memref<128x128xf32, #tpu.memory_space<vmem>>) dst(%dma_wait3A_48 : memref<10240x128xf32, #tpu.memory_space<vmem_shared>>)
      %dma_start3A_49 = arith.constant 2 : i32
      %dma_start3A_50 = arith.constant 0 : i32
      %dma_start3A_51 = tpu.memref_slice %arg7[%dma_start3A_49, %dma_start3A_50] : memref<16x128xi32, #tpu.memory_space<vmem>> -> memref<1x128xi32, #tpu.memory_space<vmem>>
      %dma_start3A_52 = tpu.memref_squeeze %dma_start3A_51 : memref<1x128xi32, #tpu.memory_space<vmem>> -> memref<128xi32, #tpu.memory_space<vmem>>
      %dma_start3A_53 = arith.constant 0 : i32
      %dma_start3A_54 = arith.constant 0 : i32
      %dma_start3A_55 = tpu.memref_slice %arg2[%dma_start3A_53, %dma_start3A_54] : memref<10240x128xf32, #tpu.memory_space<hbm>> -> memref<10240x128xf32, #tpu.memory_space<hbm>>
      tpu.enqueue_indirect_dma source(%dma_start3A_55 : memref<10240x128xf32, #tpu.memory_space<hbm>>) target(%arg9 : memref<128x128xf32, #tpu.memory_space<vmem>>) offsets(%dma_start3A_52 : memref<128xi32, #tpu.memory_space<vmem>>) semaphore(%arg12 : memref<!tpu.dma_semaphore, #tpu.memory_space<semaphore_mem>>)
      %dma_wait3A_56 = arith.constant 1 : i32
      %dma_wait3A_57 = arith.constant 0 : i32
      %dma_wait3A_58 = tpu.memref_slice %arg7[%dma_wait3A_56, %dma_wait3A_57] : memref<16x128xi32, #tpu.memory_space<vmem>> -> memref<1x128xi32, #tpu.memory_space<vmem>>
      %dma_wait3A_59 = tpu.memref_squeeze %dma_wait3A_58 : memref<1x128xi32, #tpu.memory_space<vmem>> -> memref<128xi32, #tpu.memory_space<vmem>>
      %dma_wait3A_60 = arith.constant 0 : i32
      %dma_wait3A_61 = arith.constant 0 : i32
      %dma_wait3A_62 = tpu.memref_slice %arg2[%dma_wait3A_60, %dma_wait3A_61] : memref<10240x128xf32, #tpu.memory_space<hbm>> -> memref<10240x128xf32, #tpu.memory_space<hbm>>
      tpu.wait_indirect_dma semaphore(%arg13 : memref<!tpu.dma_semaphore, #tpu.memory_space<semaphore_mem>>) src(%dma_wait3A_62 : memref<10240x128xf32, #tpu.memory_space<hbm>>) dst(%arg10 : memref<128x128xf32, #tpu.memory_space<vmem>>)
      %dma_start3A_63 = arith.constant 1 : i32
      %dma_start3A_64 = arith.constant 0 : i32
      %dma_start3A_65 = tpu.memref_slice %arg8[%dma_start3A_63, %dma_start3A_64] : memref<16x128xi32, #tpu.memory_space<vmem>> -> memref<1x128xi32, #tpu.memory_space<vmem>>
      %dma_start3A_66 = tpu.memref_squeeze %dma_start3A_65 : memref<1x128xi32, #tpu.memory_space<vmem>> -> memref<128xi32, #tpu.memory_space<vmem>>
      %dma_start3A_67 = arith.constant 0 : i32
      %dma_start3A_68 = arith.constant 0 : i32
      %dma_start3A_69 = tpu.memref_slice %arg11[%dma_start3A_67, %dma_start3A_68] : memref<10240x128xf32, #tpu.memory_space<vmem_shared>> -> memref<10240x128xf32, #tpu.memory_space<vmem_shared>>
      tpu.enqueue_indirect_dma source(%arg10 : memref<128x128xf32, #tpu.memory_space<vmem>>) target(%dma_start3A_69 : memref<10240x128xf32, #tpu.memory_space<vmem_shared>>) offsets(%dma_start3A_66 : memref<128xi32, #tpu.memory_space<vmem>>) semaphore(%arg15 : memref<!tpu.dma_semaphore, #tpu.memory_space<semaphore_mem>>) {add = true}
      %dma_wait3A_70 = arith.constant 1 : i32
      %dma_wait3A_71 = arith.constant 0 : i32
      %dma_wait3A_72 = tpu.memref_slice %arg8[%dma_wait3A_70, %dma_wait3A_71] : memref<16x128xi32, #tpu.memory_space<vmem>> -> memref<1x128xi32, #tpu.memory_space<vmem>>
      %dma_wait3A_73 = tpu.memref_squeeze %dma_wait3A_72 : memref<1x128xi32, #tpu.memory_space<vmem>> -> memref<128xi32, #tpu.memory_space<vmem>>
      %dma_wait3A_74 = arith.constant 0 : i32
      %dma_wait3A_75 = arith.constant 0 : i32
      %dma_wait3A_76 = tpu.memref_slice %arg11[%dma_wait3A_74, %dma_wait3A_75] : memref<10240x128xf32, #tpu.memory_space<vmem_shared>> -> memref<10240x128xf32, #tpu.memory_space<vmem_shared>>
      tpu.wait_indirect_dma semaphore(%arg15 : memref<!tpu.dma_semaphore, #tpu.memory_space<semaphore_mem>>) src(%arg10 : memref<128x128xf32, #tpu.memory_space<vmem>>) dst(%dma_wait3A_76 : memref<10240x128xf32, #tpu.memory_space<vmem_shared>>)
      %dma_start3A_77 = arith.constant 3 : i32
      %dma_start3A_78 = arith.constant 0 : i32
      %dma_start3A_79 = tpu.memref_slice %arg7[%dma_start3A_77, %dma_start3A_78] : memref<16x128xi32, #tpu.memory_space<vmem>> -> memref<1x128xi32, #tpu.memory_space<vmem>>
      %dma_start3A_80 = tpu.memref_squeeze %dma_start3A_79 : memref<1x128xi32, #tpu.memory_space<vmem>> -> memref<128xi32, #tpu.memory_space<vmem>>
      %dma_start3A_81 = arith.constant 0 : i32
      %dma_start3A_82 = arith.constant 0 : i32
      %dma_start3A_83 = tpu.memref_slice %arg2[%dma_start3A_81, %dma_start3A_82] : memref<10240x128xf32, #tpu.memory_space<hbm>> -> memref<10240x128xf32, #tpu.memory_space<hbm>>
      tpu.enqueue_indirect_dma source(%dma_start3A_83 : memref<10240x128xf32, #tpu.memory_space<hbm>>) target(%arg10 : memref<128x128xf32, #tpu.memory_space<vmem>>) offsets(%dma_start3A_80 : memref<128xi32, #tpu.memory_space<vmem>>) semaphore(%arg13 : memref<!tpu.dma_semaphore, #tpu.memory_space<semaphore_mem>>)
      %dma_wait3A_84 = arith.constant 2 : i32
      %dma_wait3A_85 = arith.constant 0 : i32
      %dma_wait3A_86 = tpu.memref_slice %arg7[%dma_wait3A_84, %dma_wait3A_85] : memref<16x128xi32, #tpu.memory_space<vmem>> -> memref<1x128xi32, #tpu.memory_space<vmem>>
      %dma_wait3A_87 = tpu.memref_squeeze %dma_wait3A_86 : memref<1x128xi32, #tpu.memory_space<vmem>> -> memref<128xi32, #tpu.memory_space<vmem>>
      %dma_wait3A_88 = arith.constant 0 : i32
      %dma_wait3A_89 = arith.constant 0 : i32
      %dma_wait3A_90 = tpu.memref_slice %arg2[%dma_wait3A_88, %dma_wait3A_89] : memref<10240x128xf32, #tpu.memory_space<hbm>> -> memref<10240x128xf32, #tpu.memory_space<hbm>>
      tpu.wait_indirect_dma semaphore(%arg12 : memref<!tpu.dma_semaphore, #tpu.memory_space<semaphore_mem>>) src(%dma_wait3A_90 : memref<10240x128xf32, #tpu.memory_space<hbm>>) dst(%arg9 : memref<128x128xf32, #tpu.memory_space<vmem>>)
      %dma_start3A_91 = arith.constant 2 : i32
      %dma_start3A_92 = arith.constant 0 : i32
      %dma_start3A_93 = tpu.memref_slice %arg8[%dma_start3A_91, %dma_start3A_92] : memref<16x128xi32, #tpu.memory_space<vmem>> -> memref<1x128xi32, #tpu.memory_space<vmem>>
      %dma_start3A_94 = tpu.memref_squeeze %dma_start3A_93 : memref<1x128xi32, #tpu.memory_space<vmem>> -> memref<128xi32, #tpu.memory_space<vmem>>
      %dma_start3A_95 = arith.constant 0 : i32
      %dma_start3A_96 = arith.constant 0 : i32
      %dma_start3A_97 = tpu.memref_slice %arg11[%dma_start3A_95, %dma_start3A_96] : memref<10240x128xf32, #tpu.memory_space<vmem_shared>> -> memref<10240x128xf32, #tpu.memory_space<vmem_shared>>
      tpu.enqueue_indirect_dma source(%arg9 : memref<128x128xf32, #tpu.memory_space<vmem>>) target(%dma_start3A_97 : memref<10240x128xf32, #tpu.memory_space<vmem_shared>>) offsets(%dma_start3A_94 : memref<128xi32, #tpu.memory_space<vmem>>) semaphore(%arg14 : memref<!tpu.dma_semaphore, #tpu.memory_space<semaphore_mem>>) {add = true}
      %dma_wait3A_98 = arith.constant 2 : i32
      %dma_wait3A_99 = arith.constant 0 : i32
      %dma_wait3A_100 = tpu.memref_slice %arg8[%dma_wait3A_98, %dma_wait3A_99] : memref<16x128xi32, #tpu.memory_space<vmem>> -> memref<1x128xi32, #tpu.memory_space<vmem>>
      %dma_wait3A_101 = tpu.memref_squeeze %dma_wait3A_100 : memref<1x128xi32, #tpu.memory_space<vmem>> -> memref<128xi32, #tpu.memory_space<vmem>>
      %dma_wait3A_102 = arith.constant 0 : i32
      %dma_wait3A_103 = arith.constant 0 : i32
      %dma_wait3A_104 = tpu.memref_slice %arg11[%dma_wait3A_102, %dma_wait3A_103] : memref<10240x128xf32, #tpu.memory_space<vmem_shared>> -> memref<10240x128xf32, #tpu.memory_space<vmem_shared>>
      tpu.wait_indirect_dma semaphore(%arg14 : memref<!tpu.dma_semaphore, #tpu.memory_space<semaphore_mem>>) src(%arg9 : memref<128x128xf32, #tpu.memory_space<vmem>>) dst(%dma_wait3A_104 : memref<10240x128xf32, #tpu.memory_space<vmem_shared>>)
      %dma_start3A_105 = arith.constant 4 : i32
      %dma_start3A_106 = arith.constant 0 : i32
      %dma_start3A_107 = tpu.memref_slice %arg7[%dma_start3A_105, %dma_start3A_106] : memref<16x128xi32, #tpu.memory_space<vmem>> -> memref<1x128xi32, #tpu.memory_space<vmem>>
      %dma_start3A_108 = tpu.memref_squeeze %dma_start3A_107 : memref<1x128xi32, #tpu.memory_space<vmem>> -> memref<128xi32, #tpu.memory_space<vmem>>
      %dma_start3A_109 = arith.constant 0 : i32
      %dma_start3A_110 = arith.constant 0 : i32
      %dma_start3A_111 = tpu.memref_slice %arg2[%dma_start3A_109, %dma_start3A_110] : memref<10240x128xf32, #tpu.memory_space<hbm>> -> memref<10240x128xf32, #tpu.memory_space<hbm>>
      tpu.enqueue_indirect_dma source(%dma_start3A_111 : memref<10240x128xf32, #tpu.memory_space<hbm>>) target(%arg9 : memref<128x128xf32, #tpu.memory_space<vmem>>) offsets(%dma_start3A_108 : memref<128xi32, #tpu.memory_space<vmem>>) semaphore(%arg12 : memref<!tpu.dma_semaphore, #tpu.memory_space<semaphore_mem>>)
      %dma_wait3A_112 = arith.constant 3 : i32
      %dma_wait3A_113 = arith.constant 0 : i32
      %dma_wait3A_114 = tpu.memref_slice %arg7[%dma_wait3A_112, %dma_wait3A_113] : memref<16x128xi32, #tpu.memory_space<vmem>> -> memref<1x128xi32, #tpu.memory_space<vmem>>
      %dma_wait3A_115 = tpu.memref_squeeze %dma_wait3A_114 : memref<1x128xi32, #tpu.memory_space<vmem>> -> memref<128xi32, #tpu.memory_space<vmem>>
      %dma_wait3A_116 = arith.constant 0 : i32
      %dma_wait3A_117 = arith.constant 0 : i32
      %dma_wait3A_118 = tpu.memref_slice %arg2[%dma_wait3A_116, %dma_wait3A_117] : memref<10240x128xf32, #tpu.memory_space<hbm>> -> memref<10240x128xf32, #tpu.memory_space<hbm>>
      tpu.wait_indirect_dma semaphore(%arg13 : memref<!tpu.dma_semaphore, #tpu.memory_space<semaphore_mem>>) src(%dma_wait3A_118 : memref<10240x128xf32, #tpu.memory_space<hbm>>) dst(%arg10 : memref<128x128xf32, #tpu.memory_space<vmem>>)
      %dma_start3A_119 = arith.constant 3 : i32
      %dma_start3A_120 = arith.constant 0 : i32
      %dma_start3A_121 = tpu.memref_slice %arg8[%dma_start3A_119, %dma_start3A_120] : memref<16x128xi32, #tpu.memory_space<vmem>> -> memref<1x128xi32, #tpu.memory_space<vmem>>
      %dma_start3A_122 = tpu.memref_squeeze %dma_start3A_121 : memref<1x128xi32, #tpu.memory_space<vmem>> -> memref<128xi32, #tpu.memory_space<vmem>>
      %dma_start3A_123 = arith.constant 0 : i32
      %dma_start3A_124 = arith.constant 0 : i32
      %dma_start3A_125 = tpu.memref_slice %arg11[%dma_start3A_123, %dma_start3A_124] : memref<10240x128xf32, #tpu.memory_space<vmem_shared>> -> memref<10240x128xf32, #tpu.memory_space<vmem_shared>>
      tpu.enqueue_indirect_dma source(%arg10 : memref<128x128xf32, #tpu.memory_space<vmem>>) target(%dma_start3A_125 : memref<10240x128xf32, #tpu.memory_space<vmem_shared>>) offsets(%dma_start3A_122 : memref<128xi32, #tpu.memory_space<vmem>>) semaphore(%arg15 : memref<!tpu.dma_semaphore, #tpu.memory_space<semaphore_mem>>) {add = true}
      %dma_wait3A_126 = arith.constant 3 : i32
      %dma_wait3A_127 = arith.constant 0 : i32
      %dma_wait3A_128 = tpu.memref_slice %arg8[%dma_wait3A_126, %dma_wait3A_127] : memref<16x128xi32, #tpu.memory_space<vmem>> -> memref<1x128xi32, #tpu.memory_space<vmem>>
      %dma_wait3A_129 = tpu.memref_squeeze %dma_wait3A_128 : memref<1x128xi32, #tpu.memory_space<vmem>> -> memref<128xi32, #tpu.memory_space<vmem>>
      %dma_wait3A_130 = arith.constant 0 : i32
      %dma_wait3A_131 = arith.constant 0 : i32
      %dma_wait3A_132 = tpu.memref_slice %arg11[%dma_wait3A_130, %dma_wait3A_131] : memref<10240x128xf32, #tpu.memory_space<vmem_shared>> -> memref<10240x128xf32, #tpu.memory_space<vmem_shared>>
      tpu.wait_indirect_dma semaphore(%arg15 : memref<!tpu.dma_semaphore, #tpu.memory_space<semaphore_mem>>) src(%arg10 : memref<128x128xf32, #tpu.memory_space<vmem>>) dst(%dma_wait3A_132 : memref<10240x128xf32, #tpu.memory_space<vmem_shared>>)
      %dma_start3A_133 = arith.constant 5 : i32
      %dma_start3A_134 = arith.constant 0 : i32
      %dma_start3A_135 = tpu.memref_slice %arg7[%dma_start3A_133, %dma_start3A_134] : memref<16x128xi32, #tpu.memory_space<vmem>> -> memref<1x128xi32, #tpu.memory_space<vmem>>
      %dma_start3A_136 = tpu.memref_squeeze %dma_start3A_135 : memref<1x128xi32, #tpu.memory_space<vmem>> -> memref<128xi32, #tpu.memory_space<vmem>>
      %dma_start3A_137 = arith.constant 0 : i32
      %dma_start3A_138 = arith.constant 0 : i32
      %dma_start3A_139 = tpu.memref_slice %arg2[%dma_start3A_137, %dma_start3A_138] : memref<10240x128xf32, #tpu.memory_space<hbm>> -> memref<10240x128xf32, #tpu.memory_space<hbm>>
      tpu.enqueue_indirect_dma source(%dma_start3A_139 : memref<10240x128xf32, #tpu.memory_space<hbm>>) target(%arg10 : memref<128x128xf32, #tpu.memory_space<vmem>>) offsets(%dma_start3A_136 : memref<128xi32, #tpu.memory_space<vmem>>) semaphore(%arg13 : memref<!tpu.dma_semaphore, #tpu.memory_space<semaphore_mem>>)
      %dma_wait3A_140 = arith.constant 4 : i32
      %dma_wait3A_141 = arith.constant 0 : i32
      %dma_wait3A_142 = tpu.memref_slice %arg7[%dma_wait3A_140, %dma_wait3A_141] : memref<16x128xi32, #tpu.memory_space<vmem>> -> memref<1x128xi32, #tpu.memory_space<vmem>>
      %dma_wait3A_143 = tpu.memref_squeeze %dma_wait3A_142 : memref<1x128xi32, #tpu.memory_space<vmem>> -> memref<128xi32, #tpu.memory_space<vmem>>
      %dma_wait3A_144 = arith.constant 0 : i32
      %dma_wait3A_145 = arith.constant 0 : i32
      %dma_wait3A_146 = tpu.memref_slice %arg2[%dma_wait3A_144, %dma_wait3A_145] : memref<10240x128xf32, #tpu.memory_space<hbm>> -> memref<10240x128xf32, #tpu.memory_space<hbm>>
      tpu.wait_indirect_dma semaphore(%arg12 : memref<!tpu.dma_semaphore, #tpu.memory_space<semaphore_mem>>) src(%dma_wait3A_146 : memref<10240x128xf32, #tpu.memory_space<hbm>>) dst(%arg9 : memref<128x128xf32, #tpu.memory_space<vmem>>)
      %dma_start3A_147 = arith.constant 4 : i32
      %dma_start3A_148 = arith.constant 0 : i32
      %dma_start3A_149 = tpu.memref_slice %arg8[%dma_start3A_147, %dma_start3A_148] : memref<16x128xi32, #tpu.memory_space<vmem>> -> memref<1x128xi32, #tpu.memory_space<vmem>>
      %dma_start3A_150 = tpu.memref_squeeze %dma_start3A_149 : memref<1x128xi32, #tpu.memory_space<vmem>> -> memref<128xi32, #tpu.memory_space<vmem>>
      %dma_start3A_151 = arith.constant 0 : i32
      %dma_start3A_152 = arith.constant 0 : i32
      %dma_start3A_153 = tpu.memref_slice %arg11[%dma_start3A_151, %dma_start3A_152] : memref<10240x128xf32, #tpu.memory_space<vmem_shared>> -> memref<10240x128xf32, #tpu.memory_space<vmem_shared>>
      tpu.enqueue_indirect_dma source(%arg9 : memref<128x128xf32, #tpu.memory_space<vmem>>) target(%dma_start3A_153 : memref<10240x128xf32, #tpu.memory_space<vmem_shared>>) offsets(%dma_start3A_150 : memref<128xi32, #tpu.memory_space<vmem>>) semaphore(%arg14 : memref<!tpu.dma_semaphore, #tpu.memory_space<semaphore_mem>>) {add = true}
      %dma_wait3A_154 = arith.constant 4 : i32
      %dma_wait3A_155 = arith.constant 0 : i32
      %dma_wait3A_156 = tpu.memref_slice %arg8[%dma_wait3A_154, %dma_wait3A_155] : memref<16x128xi32, #tpu.memory_space<vmem>> -> memref<1x128xi32, #tpu.memory_space<vmem>>
      %dma_wait3A_157 = tpu.memref_squeeze %dma_wait3A_156 : memref<1x128xi32, #tpu.memory_space<vmem>> -> memref<128xi32, #tpu.memory_space<vmem>>
      %dma_wait3A_158 = arith.constant 0 : i32
      %dma_wait3A_159 = arith.constant 0 : i32
      %dma_wait3A_160 = tpu.memref_slice %arg11[%dma_wait3A_158, %dma_wait3A_159] : memref<10240x128xf32, #tpu.memory_space<vmem_shared>> -> memref<10240x128xf32, #tpu.memory_space<vmem_shared>>
      tpu.wait_indirect_dma semaphore(%arg14 : memref<!tpu.dma_semaphore, #tpu.memory_space<semaphore_mem>>) src(%arg9 : memref<128x128xf32, #tpu.memory_space<vmem>>) dst(%dma_wait3A_160 : memref<10240x128xf32, #tpu.memory_space<vmem_shared>>)
      %dma_start3A_161 = arith.constant 6 : i32
      %dma_start3A_162 = arith.constant 0 : i32
      %dma_start3A_163 = tpu.memref_slice %arg7[%dma_start3A_161, %dma_start3A_162] : memref<16x128xi32, #tpu.memory_space<vmem>> -> memref<1x128xi32, #tpu.memory_space<vmem>>
      %dma_start3A_164 = tpu.memref_squeeze %dma_start3A_163 : memref<1x128xi32, #tpu.memory_space<vmem>> -> memref<128xi32, #tpu.memory_space<vmem>>
      %dma_start3A_165 = arith.constant 0 : i32
      %dma_start3A_166 = arith.constant 0 : i32
      %dma_start3A_167 = tpu.memref_slice %arg2[%dma_start3A_165, %dma_start3A_166] : memref<10240x128xf32, #tpu.memory_space<hbm>> -> memref<10240x128xf32, #tpu.memory_space<hbm>>
      tpu.enqueue_indirect_dma source(%dma_start3A_167 : memref<10240x128xf32, #tpu.memory_space<hbm>>) target(%arg9 : memref<128x128xf32, #tpu.memory_space<vmem>>) offsets(%dma_start3A_164 : memref<128xi32, #tpu.memory_space<vmem>>) semaphore(%arg12 : memref<!tpu.dma_semaphore, #tpu.memory_space<semaphore_mem>>)
      %dma_wait3A_168 = arith.constant 5 : i32
      %dma_wait3A_169 = arith.constant 0 : i32
      %dma_wait3A_170 = tpu.memref_slice %arg7[%dma_wait3A_168, %dma_wait3A_169] : memref<16x128xi32, #tpu.memory_space<vmem>> -> memref<1x128xi32, #tpu.memory_space<vmem>>
      %dma_wait3A_171 = tpu.memref_squeeze %dma_wait3A_170 : memref<1x128xi32, #tpu.memory_space<vmem>> -> memref<128xi32, #tpu.memory_space<vmem>>
      %dma_wait3A_172 = arith.constant 0 : i32
      %dma_wait3A_173 = arith.constant 0 : i32
      %dma_wait3A_174 = tpu.memref_slice %arg2[%dma_wait3A_172, %dma_wait3A_173] : memref<10240x128xf32, #tpu.memory_space<hbm>> -> memref<10240x128xf32, #tpu.memory_space<hbm>>
      tpu.wait_indirect_dma semaphore(%arg13 : memref<!tpu.dma_semaphore, #tpu.memory_space<semaphore_mem>>) src(%dma_wait3A_174 : memref<10240x128xf32, #tpu.memory_space<hbm>>) dst(%arg10 : memref<128x128xf32, #tpu.memory_space<vmem>>)
      %dma_start3A_175 = arith.constant 5 : i32
      %dma_start3A_176 = arith.constant 0 : i32
      %dma_start3A_177 = tpu.memref_slice %arg8[%dma_start3A_175, %dma_start3A_176] : memref<16x128xi32, #tpu.memory_space<vmem>> -> memref<1x128xi32, #tpu.memory_space<vmem>>
      %dma_start3A_178 = tpu.memref_squeeze %dma_start3A_177 : memref<1x128xi32, #tpu.memory_space<vmem>> -> memref<128xi32, #tpu.memory_space<vmem>>
      %dma_start3A_179 = arith.constant 0 : i32
      %dma_start3A_180 = arith.constant 0 : i32
      %dma_start3A_181 = tpu.memref_slice %arg11[%dma_start3A_179, %dma_start3A_180] : memref<10240x128xf32, #tpu.memory_space<vmem_shared>> -> memref<10240x128xf32, #tpu.memory_space<vmem_shared>>
      tpu.enqueue_indirect_dma source(%arg10 : memref<128x128xf32, #tpu.memory_space<vmem>>) target(%dma_start3A_181 : memref<10240x128xf32, #tpu.memory_space<vmem_shared>>) offsets(%dma_start3A_178 : memref<128xi32, #tpu.memory_space<vmem>>) semaphore(%arg15 : memref<!tpu.dma_semaphore, #tpu.memory_space<semaphore_mem>>) {add = true}
      %dma_wait3A_182 = arith.constant 5 : i32
      %dma_wait3A_183 = arith.constant 0 : i32
      %dma_wait3A_184 = tpu.memref_slice %arg8[%dma_wait3A_182, %dma_wait3A_183] : memref<16x128xi32, #tpu.memory_space<vmem>> -> memref<1x128xi32, #tpu.memory_space<vmem>>
      %dma_wait3A_185 = tpu.memref_squeeze %dma_wait3A_184 : memref<1x128xi32, #tpu.memory_space<vmem>> -> memref<128xi32, #tpu.memory_space<vmem>>
      %dma_wait3A_186 = arith.constant 0 : i32
      %dma_wait3A_187 = arith.constant 0 : i32
      %dma_wait3A_188 = tpu.memref_slice %arg11[%dma_wait3A_186, %dma_wait3A_187] : memref<10240x128xf32, #tpu.memory_space<vmem_shared>> -> memref<10240x128xf32, #tpu.memory_space<vmem_shared>>
      tpu.wait_indirect_dma semaphore(%arg15 : memref<!tpu.dma_semaphore, #tpu.memory_space<semaphore_mem>>) src(%arg10 : memref<128x128xf32, #tpu.memory_space<vmem>>) dst(%dma_wait3A_188 : memref<10240x128xf32, #tpu.memory_space<vmem_shared>>)
      %dma_start3A_189 = arith.constant 7 : i32
      %dma_start3A_190 = arith.constant 0 : i32
      %dma_start3A_191 = tpu.memref_slice %arg7[%dma_start3A_189, %dma_start3A_190] : memref<16x128xi32, #tpu.memory_space<vmem>> -> memref<1x128xi32, #tpu.memory_space<vmem>>
      %dma_start3A_192 = tpu.memref_squeeze %dma_start3A_191 : memref<1x128xi32, #tpu.memory_space<vmem>> -> memref<128xi32, #tpu.memory_space<vmem>>
      %dma_start3A_193 = arith.constant 0 : i32
      %dma_start3A_194 = arith.constant 0 : i32
      %dma_start3A_195 = tpu.memref_slice %arg2[%dma_start3A_193, %dma_start3A_194] : memref<10240x128xf32, #tpu.memory_space<hbm>> -> memref<10240x128xf32, #tpu.memory_space<hbm>>
      tpu.enqueue_indirect_dma source(%dma_start3A_195 : memref<10240x128xf32, #tpu.memory_space<hbm>>) target(%arg10 : memref<128x128xf32, #tpu.memory_space<vmem>>) offsets(%dma_start3A_192 : memref<128xi32, #tpu.memory_space<vmem>>) semaphore(%arg13 : memref<!tpu.dma_semaphore, #tpu.memory_space<semaphore_mem>>)
      %dma_wait3A_196 = arith.constant 6 : i32
      %dma_wait3A_197 = arith.constant 0 : i32
      %dma_wait3A_198 = tpu.memref_slice %arg7[%dma_wait3A_196, %dma_wait3A_197] : memref<16x128xi32, #tpu.memory_space<vmem>> -> memref<1x128xi32, #tpu.memory_space<vmem>>
      %dma_wait3A_199 = tpu.memref_squeeze %dma_wait3A_198 : memref<1x128xi32, #tpu.memory_space<vmem>> -> memref<128xi32, #tpu.memory_space<vmem>>
      %dma_wait3A_200 = arith.constant 0 : i32
      %dma_wait3A_201 = arith.constant 0 : i32
      %dma_wait3A_202 = tpu.memref_slice %arg2[%dma_wait3A_200, %dma_wait3A_201] : memref<10240x128xf32, #tpu.memory_space<hbm>> -> memref<10240x128xf32, #tpu.memory_space<hbm>>
      tpu.wait_indirect_dma semaphore(%arg12 : memref<!tpu.dma_semaphore, #tpu.memory_space<semaphore_mem>>) src(%dma_wait3A_202 : memref<10240x128xf32, #tpu.memory_space<hbm>>) dst(%arg9 : memref<128x128xf32, #tpu.memory_space<vmem>>)
      %dma_start3A_203 = arith.constant 6 : i32
      %dma_start3A_204 = arith.constant 0 : i32
      %dma_start3A_205 = tpu.memref_slice %arg8[%dma_start3A_203, %dma_start3A_204] : memref<16x128xi32, #tpu.memory_space<vmem>> -> memref<1x128xi32, #tpu.memory_space<vmem>>
      %dma_start3A_206 = tpu.memref_squeeze %dma_start3A_205 : memref<1x128xi32, #tpu.memory_space<vmem>> -> memref<128xi32, #tpu.memory_space<vmem>>
      %dma_start3A_207 = arith.constant 0 : i32
      %dma_start3A_208 = arith.constant 0 : i32
      %dma_start3A_209 = tpu.memref_slice %arg11[%dma_start3A_207, %dma_start3A_208] : memref<10240x128xf32, #tpu.memory_space<vmem_shared>> -> memref<10240x128xf32, #tpu.memory_space<vmem_shared>>
      tpu.enqueue_indirect_dma source(%arg9 : memref<128x128xf32, #tpu.memory_space<vmem>>) target(%dma_start3A_209 : memref<10240x128xf32, #tpu.memory_space<vmem_shared>>) offsets(%dma_start3A_206 : memref<128xi32, #tpu.memory_space<vmem>>) semaphore(%arg14 : memref<!tpu.dma_semaphore, #tpu.memory_space<semaphore_mem>>) {add = true}
      %dma_wait3A_210 = arith.constant 6 : i32
      %dma_wait3A_211 = arith.constant 0 : i32
      %dma_wait3A_212 = tpu.memref_slice %arg8[%dma_wait3A_210, %dma_wait3A_211] : memref<16x128xi32, #tpu.memory_space<vmem>> -> memref<1x128xi32, #tpu.memory_space<vmem>>
      %dma_wait3A_213 = tpu.memref_squeeze %dma_wait3A_212 : memref<1x128xi32, #tpu.memory_space<vmem>> -> memref<128xi32, #tpu.memory_space<vmem>>
      %dma_wait3A_214 = arith.constant 0 : i32
      %dma_wait3A_215 = arith.constant 0 : i32
      %dma_wait3A_216 = tpu.memref_slice %arg11[%dma_wait3A_214, %dma_wait3A_215] : memref<10240x128xf32, #tpu.memory_space<vmem_shared>> -> memref<10240x128xf32, #tpu.memory_space<vmem_shared>>
      tpu.wait_indirect_dma semaphore(%arg14 : memref<!tpu.dma_semaphore, #tpu.memory_space<semaphore_mem>>) src(%arg9 : memref<128x128xf32, #tpu.memory_space<vmem>>) dst(%dma_wait3A_216 : memref<10240x128xf32, #tpu.memory_space<vmem_shared>>)
      %dma_start3A_217 = arith.constant 8 : i32
      %dma_start3A_218 = arith.constant 0 : i32
      %dma_start3A_219 = tpu.memref_slice %arg7[%dma_start3A_217, %dma_start3A_218] : memref<16x128xi32, #tpu.memory_space<vmem>> -> memref<1x128xi32, #tpu.memory_space<vmem>>
      %dma_start3A_220 = tpu.memref_squeeze %dma_start3A_219 : memref<1x128xi32, #tpu.memory_space<vmem>> -> memref<128xi32, #tpu.memory_space<vmem>>
      %dma_start3A_221 = arith.constant 0 : i32
      %dma_start3A_222 = arith.constant 0 : i32
      %dma_start3A_223 = tpu.memref_slice %arg2[%dma_start3A_221, %dma_start3A_222] : memref<10240x128xf32, #tpu.memory_space<hbm>> -> memref<10240x128xf32, #tpu.memory_space<hbm>>
      tpu.enqueue_indirect_dma source(%dma_start3A_223 : memref<10240x128xf32, #tpu.memory_space<hbm>>) target(%arg9 : memref<128x128xf32, #tpu.memory_space<vmem>>) offsets(%dma_start3A_220 : memref<128xi32, #tpu.memory_space<vmem>>) semaphore(%arg12 : memref<!tpu.dma_semaphore, #tpu.memory_space<semaphore_mem>>)
      %dma_wait3A_224 = arith.constant 7 : i32
      %dma_wait3A_225 = arith.constant 0 : i32
      %dma_wait3A_226 = tpu.memref_slice %arg7[%dma_wait3A_224, %dma_wait3A_225] : memref<16x128xi32, #tpu.memory_space<vmem>> -> memref<1x128xi32, #tpu.memory_space<vmem>>
      %dma_wait3A_227 = tpu.memref_squeeze %dma_wait3A_226 : memref<1x128xi32, #tpu.memory_space<vmem>> -> memref<128xi32, #tpu.memory_space<vmem>>
      %dma_wait3A_228 = arith.constant 0 : i32
      %dma_wait3A_229 = arith.constant 0 : i32
      %dma_wait3A_230 = tpu.memref_slice %arg2[%dma_wait3A_228, %dma_wait3A_229] : memref<10240x128xf32, #tpu.memory_space<hbm>> -> memref<10240x128xf32, #tpu.memory_space<hbm>>
      tpu.wait_indirect_dma semaphore(%arg13 : memref<!tpu.dma_semaphore, #tpu.memory_space<semaphore_mem>>) src(%dma_wait3A_230 : memref<10240x128xf32, #tpu.memory_space<hbm>>) dst(%arg10 : memref<128x128xf32, #tpu.memory_space<vmem>>)
      %dma_start3A_231 = arith.constant 7 : i32
      %dma_start3A_232 = arith.constant 0 : i32
      %dma_start3A_233 = tpu.memref_slice %arg8[%dma_start3A_231, %dma_start3A_232] : memref<16x128xi32, #tpu.memory_space<vmem>> -> memref<1x128xi32, #tpu.memory_space<vmem>>
      %dma_start3A_234 = tpu.memref_squeeze %dma_start3A_233 : memref<1x128xi32, #tpu.memory_space<vmem>> -> memref<128xi32, #tpu.memory_space<vmem>>
      %dma_start3A_235 = arith.constant 0 : i32
      %dma_start3A_236 = arith.constant 0 : i32
      %dma_start3A_237 = tpu.memref_slice %arg11[%dma_start3A_235, %dma_start3A_236] : memref<10240x128xf32, #tpu.memory_space<vmem_shared>> -> memref<10240x128xf32, #tpu.memory_space<vmem_shared>>
      tpu.enqueue_indirect_dma source(%arg10 : memref<128x128xf32, #tpu.memory_space<vmem>>) target(%dma_start3A_237 : memref<10240x128xf32, #tpu.memory_space<vmem_shared>>) offsets(%dma_start3A_234 : memref<128xi32, #tpu.memory_space<vmem>>) semaphore(%arg15 : memref<!tpu.dma_semaphore, #tpu.memory_space<semaphore_mem>>) {add = true}
      %dma_wait3A_238 = arith.constant 7 : i32
      %dma_wait3A_239 = arith.constant 0 : i32
      %dma_wait3A_240 = tpu.memref_slice %arg8[%dma_wait3A_238, %dma_wait3A_239] : memref<16x128xi32, #tpu.memory_space<vmem>> -> memref<1x128xi32, #tpu.memory_space<vmem>>
      %dma_wait3A_241 = tpu.memref_squeeze %dma_wait3A_240 : memref<1x128xi32, #tpu.memory_space<vmem>> -> memref<128xi32, #tpu.memory_space<vmem>>
      %dma_wait3A_242 = arith.constant 0 : i32
      %dma_wait3A_243 = arith.constant 0 : i32
      %dma_wait3A_244 = tpu.memref_slice %arg11[%dma_wait3A_242, %dma_wait3A_243] : memref<10240x128xf32, #tpu.memory_space<vmem_shared>> -> memref<10240x128xf32, #tpu.memory_space<vmem_shared>>
      tpu.wait_indirect_dma semaphore(%arg15 : memref<!tpu.dma_semaphore, #tpu.memory_space<semaphore_mem>>) src(%arg10 : memref<128x128xf32, #tpu.memory_space<vmem>>) dst(%dma_wait3A_244 : memref<10240x128xf32, #tpu.memory_space<vmem_shared>>)
      %dma_start3A_245 = arith.constant 9 : i32
      %dma_start3A_246 = arith.constant 0 : i32
      %dma_start3A_247 = tpu.memref_slice %arg7[%dma_start3A_245, %dma_start3A_246] : memref<16x128xi32, #tpu.memory_space<vmem>> -> memref<1x128xi32, #tpu.memory_space<vmem>>
      %dma_start3A_248 = tpu.memref_squeeze %dma_start3A_247 : memref<1x128xi32, #tpu.memory_space<vmem>> -> memref<128xi32, #tpu.memory_space<vmem>>
      %dma_start3A_249 = arith.constant 0 : i32
      %dma_start3A_250 = arith.constant 0 : i32
      %dma_start3A_251 = tpu.memref_slice %arg2[%dma_start3A_249, %dma_start3A_250] : memref<10240x128xf32, #tpu.memory_space<hbm>> -> memref<10240x128xf32, #tpu.memory_space<hbm>>
      tpu.enqueue_indirect_dma source(%dma_start3A_251 : memref<10240x128xf32, #tpu.memory_space<hbm>>) target(%arg10 : memref<128x128xf32, #tpu.memory_space<vmem>>) offsets(%dma_start3A_248 : memref<128xi32, #tpu.memory_space<vmem>>) semaphore(%arg13 : memref<!tpu.dma_semaphore, #tpu.memory_space<semaphore_mem>>)
      %dma_wait3A_252 = arith.constant 8 : i32
      %dma_wait3A_253 = arith.constant 0 : i32
      %dma_wait3A_254 = tpu.memref_slice %arg7[%dma_wait3A_252, %dma_wait3A_253] : memref<16x128xi32, #tpu.memory_space<vmem>> -> memref<1x128xi32, #tpu.memory_space<vmem>>
      %dma_wait3A_255 = tpu.memref_squeeze %dma_wait3A_254 : memref<1x128xi32, #tpu.memory_space<vmem>> -> memref<128xi32, #tpu.memory_space<vmem>>
      %dma_wait3A_256 = arith.constant 0 : i32
      %dma_wait3A_257 = arith.constant 0 : i32
      %dma_wait3A_258 = tpu.memref_slice %arg2[%dma_wait3A_256, %dma_wait3A_257] : memref<10240x128xf32, #tpu.memory_space<hbm>> -> memref<10240x128xf32, #tpu.memory_space<hbm>>
      tpu.wait_indirect_dma semaphore(%arg12 : memref<!tpu.dma_semaphore, #tpu.memory_space<semaphore_mem>>) src(%dma_wait3A_258 : memref<10240x128xf32, #tpu.memory_space<hbm>>) dst(%arg9 : memref<128x128xf32, #tpu.memory_space<vmem>>)
      %dma_start3A_259 = arith.constant 8 : i32
      %dma_start3A_260 = arith.constant 0 : i32
      %dma_start3A_261 = tpu.memref_slice %arg8[%dma_start3A_259, %dma_start3A_260] : memref<16x128xi32, #tpu.memory_space<vmem>> -> memref<1x128xi32, #tpu.memory_space<vmem>>
      %dma_start3A_262 = tpu.memref_squeeze %dma_start3A_261 : memref<1x128xi32, #tpu.memory_space<vmem>> -> memref<128xi32, #tpu.memory_space<vmem>>
      %dma_start3A_263 = arith.constant 0 : i32
      %dma_start3A_264 = arith.constant 0 : i32
      %dma_start3A_265 = tpu.memref_slice %arg11[%dma_start3A_263, %dma_start3A_264] : memref<10240x128xf32, #tpu.memory_space<vmem_shared>> -> memref<10240x128xf32, #tpu.memory_space<vmem_shared>>
      tpu.enqueue_indirect_dma source(%arg9 : memref<128x128xf32, #tpu.memory_space<vmem>>) target(%dma_start3A_265 : memref<10240x128xf32, #tpu.memory_space<vmem_shared>>) offsets(%dma_start3A_262 : memref<128xi32, #tpu.memory_space<vmem>>) semaphore(%arg14 : memref<!tpu.dma_semaphore, #tpu.memory_space<semaphore_mem>>) {add = true}
      %dma_wait3A_266 = arith.constant 8 : i32
      %dma_wait3A_267 = arith.constant 0 : i32
      %dma_wait3A_268 = tpu.memref_slice %arg8[%dma_wait3A_266, %dma_wait3A_267] : memref<16x128xi32, #tpu.memory_space<vmem>> -> memref<1x128xi32, #tpu.memory_space<vmem>>
      %dma_wait3A_269 = tpu.memref_squeeze %dma_wait3A_268 : memref<1x128xi32, #tpu.memory_space<vmem>> -> memref<128xi32, #tpu.memory_space<vmem>>
      %dma_wait3A_270 = arith.constant 0 : i32
      %dma_wait3A_271 = arith.constant 0 : i32
      %dma_wait3A_272 = tpu.memref_slice %arg11[%dma_wait3A_270, %dma_wait3A_271] : memref<10240x128xf32, #tpu.memory_space<vmem_shared>> -> memref<10240x128xf32, #tpu.memory_space<vmem_shared>>
      tpu.wait_indirect_dma semaphore(%arg14 : memref<!tpu.dma_semaphore, #tpu.memory_space<semaphore_mem>>) src(%arg9 : memref<128x128xf32, #tpu.memory_space<vmem>>) dst(%dma_wait3A_272 : memref<10240x128xf32, #tpu.memory_space<vmem_shared>>)
      %dma_start3A_273 = arith.constant 10 : i32
      %dma_start3A_274 = arith.constant 0 : i32
      %dma_start3A_275 = tpu.memref_slice %arg7[%dma_start3A_273, %dma_start3A_274] : memref<16x128xi32, #tpu.memory_space<vmem>> -> memref<1x128xi32, #tpu.memory_space<vmem>>
      %dma_start3A_276 = tpu.memref_squeeze %dma_start3A_275 : memref<1x128xi32, #tpu.memory_space<vmem>> -> memref<128xi32, #tpu.memory_space<vmem>>
      %dma_start3A_277 = arith.constant 0 : i32
      %dma_start3A_278 = arith.constant 0 : i32
      %dma_start3A_279 = tpu.memref_slice %arg2[%dma_start3A_277, %dma_start3A_278] : memref<10240x128xf32, #tpu.memory_space<hbm>> -> memref<10240x128xf32, #tpu.memory_space<hbm>>
      tpu.enqueue_indirect_dma source(%dma_start3A_279 : memref<10240x128xf32, #tpu.memory_space<hbm>>) target(%arg9 : memref<128x128xf32, #tpu.memory_space<vmem>>) offsets(%dma_start3A_276 : memref<128xi32, #tpu.memory_space<vmem>>) semaphore(%arg12 : memref<!tpu.dma_semaphore, #tpu.memory_space<semaphore_mem>>)
      %dma_wait3A_280 = arith.constant 9 : i32
      %dma_wait3A_281 = arith.constant 0 : i32
      %dma_wait3A_282 = tpu.memref_slice %arg7[%dma_wait3A_280, %dma_wait3A_281] : memref<16x128xi32, #tpu.memory_space<vmem>> -> memref<1x128xi32, #tpu.memory_space<vmem>>
      %dma_wait3A_283 = tpu.memref_squeeze %dma_wait3A_282 : memref<1x128xi32, #tpu.memory_space<vmem>> -> memref<128xi32, #tpu.memory_space<vmem>>
      %dma_wait3A_284 = arith.constant 0 : i32
      %dma_wait3A_285 = arith.constant 0 : i32
      %dma_wait3A_286 = tpu.memref_slice %arg2[%dma_wait3A_284, %dma_wait3A_285] : memref<10240x128xf32, #tpu.memory_space<hbm>> -> memref<10240x128xf32, #tpu.memory_space<hbm>>
      tpu.wait_indirect_dma semaphore(%arg13 : memref<!tpu.dma_semaphore, #tpu.memory_space<semaphore_mem>>) src(%dma_wait3A_286 : memref<10240x128xf32, #tpu.memory_space<hbm>>) dst(%arg10 : memref<128x128xf32, #tpu.memory_space<vmem>>)
      %dma_start3A_287 = arith.constant 9 : i32
      %dma_start3A_288 = arith.constant 0 : i32
      %dma_start3A_289 = tpu.memref_slice %arg8[%dma_start3A_287, %dma_start3A_288] : memref<16x128xi32, #tpu.memory_space<vmem>> -> memref<1x128xi32, #tpu.memory_space<vmem>>
      %dma_start3A_290 = tpu.memref_squeeze %dma_start3A_289 : memref<1x128xi32, #tpu.memory_space<vmem>> -> memref<128xi32, #tpu.memory_space<vmem>>
      %dma_start3A_291 = arith.constant 0 : i32
      %dma_start3A_292 = arith.constant 0 : i32
      %dma_start3A_293 = tpu.memref_slice %arg11[%dma_start3A_291, %dma_start3A_292] : memref<10240x128xf32, #tpu.memory_space<vmem_shared>> -> memref<10240x128xf32, #tpu.memory_space<vmem_shared>>
      tpu.enqueue_indirect_dma source(%arg10 : memref<128x128xf32, #tpu.memory_space<vmem>>) target(%dma_start3A_293 : memref<10240x128xf32, #tpu.memory_space<vmem_shared>>) offsets(%dma_start3A_290 : memref<128xi32, #tpu.memory_space<vmem>>) semaphore(%arg15 : memref<!tpu.dma_semaphore, #tpu.memory_space<semaphore_mem>>) {add = true}
      %dma_wait3A_294 = arith.constant 9 : i32
      %dma_wait3A_295 = arith.constant 0 : i32
      %dma_wait3A_296 = tpu.memref_slice %arg8[%dma_wait3A_294, %dma_wait3A_295] : memref<16x128xi32, #tpu.memory_space<vmem>> -> memref<1x128xi32, #tpu.memory_space<vmem>>
      %dma_wait3A_297 = tpu.memref_squeeze %dma_wait3A_296 : memref<1x128xi32, #tpu.memory_space<vmem>> -> memref<128xi32, #tpu.memory_space<vmem>>
      %dma_wait3A_298 = arith.constant 0 : i32
      %dma_wait3A_299 = arith.constant 0 : i32
      %dma_wait3A_300 = tpu.memref_slice %arg11[%dma_wait3A_298, %dma_wait3A_299] : memref<10240x128xf32, #tpu.memory_space<vmem_shared>> -> memref<10240x128xf32, #tpu.memory_space<vmem_shared>>
      tpu.wait_indirect_dma semaphore(%arg15 : memref<!tpu.dma_semaphore, #tpu.memory_space<semaphore_mem>>) src(%arg10 : memref<128x128xf32, #tpu.memory_space<vmem>>) dst(%dma_wait3A_300 : memref<10240x128xf32, #tpu.memory_space<vmem_shared>>)
      %dma_start3A_301 = arith.constant 11 : i32
      %dma_start3A_302 = arith.constant 0 : i32
      %dma_start3A_303 = tpu.memref_slice %arg7[%dma_start3A_301, %dma_start3A_302] : memref<16x128xi32, #tpu.memory_space<vmem>> -> memref<1x128xi32, #tpu.memory_space<vmem>>
      %dma_start3A_304 = tpu.memref_squeeze %dma_start3A_303 : memref<1x128xi32, #tpu.memory_space<vmem>> -> memref<128xi32, #tpu.memory_space<vmem>>
      %dma_start3A_305 = arith.constant 0 : i32
      %dma_start3A_306 = arith.constant 0 : i32
      %dma_start3A_307 = tpu.memref_slice %arg2[%dma_start3A_305, %dma_start3A_306] : memref<10240x128xf32, #tpu.memory_space<hbm>> -> memref<10240x128xf32, #tpu.memory_space<hbm>>
      tpu.enqueue_indirect_dma source(%dma_start3A_307 : memref<10240x128xf32, #tpu.memory_space<hbm>>) target(%arg10 : memref<128x128xf32, #tpu.memory_space<vmem>>) offsets(%dma_start3A_304 : memref<128xi32, #tpu.memory_space<vmem>>) semaphore(%arg13 : memref<!tpu.dma_semaphore, #tpu.memory_space<semaphore_mem>>)
      %dma_wait3A_308 = arith.constant 10 : i32
      %dma_wait3A_309 = arith.constant 0 : i32
      %dma_wait3A_310 = tpu.memref_slice %arg7[%dma_wait3A_308, %dma_wait3A_309] : memref<16x128xi32, #tpu.memory_space<vmem>> -> memref<1x128xi32, #tpu.memory_space<vmem>>
      %dma_wait3A_311 = tpu.memref_squeeze %dma_wait3A_310 : memref<1x128xi32, #tpu.memory_space<vmem>> -> memref<128xi32, #tpu.memory_space<vmem>>
      %dma_wait3A_312 = arith.constant 0 : i32
      %dma_wait3A_313 = arith.constant 0 : i32
      %dma_wait3A_314 = tpu.memref_slice %arg2[%dma_wait3A_312, %dma_wait3A_313] : memref<10240x128xf32, #tpu.memory_space<hbm>> -> memref<10240x128xf32, #tpu.memory_space<hbm>>
      tpu.wait_indirect_dma semaphore(%arg12 : memref<!tpu.dma_semaphore, #tpu.memory_space<semaphore_mem>>) src(%dma_wait3A_314 : memref<10240x128xf32, #tpu.memory_space<hbm>>) dst(%arg9 : memref<128x128xf32, #tpu.memory_space<vmem>>)
      %dma_start3A_315 = arith.constant 10 : i32
      %dma_start3A_316 = arith.constant 0 : i32
      %dma_start3A_317 = tpu.memref_slice %arg8[%dma_start3A_315, %dma_start3A_316] : memref<16x128xi32, #tpu.memory_space<vmem>> -> memref<1x128xi32, #tpu.memory_space<vmem>>
      %dma_start3A_318 = tpu.memref_squeeze %dma_start3A_317 : memref<1x128xi32, #tpu.memory_space<vmem>> -> memref<128xi32, #tpu.memory_space<vmem>>
      %dma_start3A_319 = arith.constant 0 : i32
      %dma_start3A_320 = arith.constant 0 : i32
      %dma_start3A_321 = tpu.memref_slice %arg11[%dma_start3A_319, %dma_start3A_320] : memref<10240x128xf32, #tpu.memory_space<vmem_shared>> -> memref<10240x128xf32, #tpu.memory_space<vmem_shared>>
      tpu.enqueue_indirect_dma source(%arg9 : memref<128x128xf32, #tpu.memory_space<vmem>>) target(%dma_start3A_321 : memref<10240x128xf32, #tpu.memory_space<vmem_shared>>) offsets(%dma_start3A_318 : memref<128xi32, #tpu.memory_space<vmem>>) semaphore(%arg14 : memref<!tpu.dma_semaphore, #tpu.memory_space<semaphore_mem>>) {add = true}
      %dma_wait3A_322 = arith.constant 10 : i32
      %dma_wait3A_323 = arith.constant 0 : i32
      %dma_wait3A_324 = tpu.memref_slice %arg8[%dma_wait3A_322, %dma_wait3A_323] : memref<16x128xi32, #tpu.memory_space<vmem>> -> memref<1x128xi32, #tpu.memory_space<vmem>>
      %dma_wait3A_325 = tpu.memref_squeeze %dma_wait3A_324 : memref<1x128xi32, #tpu.memory_space<vmem>> -> memref<128xi32, #tpu.memory_space<vmem>>
      %dma_wait3A_326 = arith.constant 0 : i32
      %dma_wait3A_327 = arith.constant 0 : i32
      %dma_wait3A_328 = tpu.memref_slice %arg11[%dma_wait3A_326, %dma_wait3A_327] : memref<10240x128xf32, #tpu.memory_space<vmem_shared>> -> memref<10240x128xf32, #tpu.memory_space<vmem_shared>>
      tpu.wait_indirect_dma semaphore(%arg14 : memref<!tpu.dma_semaphore, #tpu.memory_space<semaphore_mem>>) src(%arg9 : memref<128x128xf32, #tpu.memory_space<vmem>>) dst(%dma_wait3A_328 : memref<10240x128xf32, #tpu.memory_space<vmem_shared>>)
      %dma_start3A_329 = arith.constant 12 : i32
      %dma_start3A_330 = arith.constant 0 : i32
      %dma_start3A_331 = tpu.memref_slice %arg7[%dma_start3A_329, %dma_start3A_330] : memref<16x128xi32, #tpu.memory_space<vmem>> -> memref<1x128xi32, #tpu.memory_space<vmem>>
      %dma_start3A_332 = tpu.memref_squeeze %dma_start3A_331 : memref<1x128xi32, #tpu.memory_space<vmem>> -> memref<128xi32, #tpu.memory_space<vmem>>
      %dma_start3A_333 = arith.constant 0 : i32
      %dma_start3A_334 = arith.constant 0 : i32
      %dma_start3A_335 = tpu.memref_slice %arg2[%dma_start3A_333, %dma_start3A_334] : memref<10240x128xf32, #tpu.memory_space<hbm>> -> memref<10240x128xf32, #tpu.memory_space<hbm>>
      tpu.enqueue_indirect_dma source(%dma_start3A_335 : memref<10240x128xf32, #tpu.memory_space<hbm>>) target(%arg9 : memref<128x128xf32, #tpu.memory_space<vmem>>) offsets(%dma_start3A_332 : memref<128xi32, #tpu.memory_space<vmem>>) semaphore(%arg12 : memref<!tpu.dma_semaphore, #tpu.memory_space<semaphore_mem>>)
      %dma_wait3A_336 = arith.constant 11 : i32
      %dma_wait3A_337 = arith.constant 0 : i32
      %dma_wait3A_338 = tpu.memref_slice %arg7[%dma_wait3A_336, %dma_wait3A_337] : memref<16x128xi32, #tpu.memory_space<vmem>> -> memref<1x128xi32, #tpu.memory_space<vmem>>
      %dma_wait3A_339 = tpu.memref_squeeze %dma_wait3A_338 : memref<1x128xi32, #tpu.memory_space<vmem>> -> memref<128xi32, #tpu.memory_space<vmem>>
      %dma_wait3A_340 = arith.constant 0 : i32
      %dma_wait3A_341 = arith.constant 0 : i32
      %dma_wait3A_342 = tpu.memref_slice %arg2[%dma_wait3A_340, %dma_wait3A_341] : memref<10240x128xf32, #tpu.memory_space<hbm>> -> memref<10240x128xf32, #tpu.memory_space<hbm>>
      tpu.wait_indirect_dma semaphore(%arg13 : memref<!tpu.dma_semaphore, #tpu.memory_space<semaphore_mem>>) src(%dma_wait3A_342 : memref<10240x128xf32, #tpu.memory_space<hbm>>) dst(%arg10 : memref<128x128xf32, #tpu.memory_space<vmem>>)
      %dma_start3A_343 = arith.constant 11 : i32
      %dma_start3A_344 = arith.constant 0 : i32
      %dma_start3A_345 = tpu.memref_slice %arg8[%dma_start3A_343, %dma_start3A_344] : memref<16x128xi32, #tpu.memory_space<vmem>> -> memref<1x128xi32, #tpu.memory_space<vmem>>
      %dma_start3A_346 = tpu.memref_squeeze %dma_start3A_345 : memref<1x128xi32, #tpu.memory_space<vmem>> -> memref<128xi32, #tpu.memory_space<vmem>>
      %dma_start3A_347 = arith.constant 0 : i32
      %dma_start3A_348 = arith.constant 0 : i32
      %dma_start3A_349 = tpu.memref_slice %arg11[%dma_start3A_347, %dma_start3A_348] : memref<10240x128xf32, #tpu.memory_space<vmem_shared>> -> memref<10240x128xf32, #tpu.memory_space<vmem_shared>>
      tpu.enqueue_indirect_dma source(%arg10 : memref<128x128xf32, #tpu.memory_space<vmem>>) target(%dma_start3A_349 : memref<10240x128xf32, #tpu.memory_space<vmem_shared>>) offsets(%dma_start3A_346 : memref<128xi32, #tpu.memory_space<vmem>>) semaphore(%arg15 : memref<!tpu.dma_semaphore, #tpu.memory_space<semaphore_mem>>) {add = true}
      %dma_wait3A_350 = arith.constant 11 : i32
      %dma_wait3A_351 = arith.constant 0 : i32
      %dma_wait3A_352 = tpu.memref_slice %arg8[%dma_wait3A_350, %dma_wait3A_351] : memref<16x128xi32, #tpu.memory_space<vmem>> -> memref<1x128xi32, #tpu.memory_space<vmem>>
      %dma_wait3A_353 = tpu.memref_squeeze %dma_wait3A_352 : memref<1x128xi32, #tpu.memory_space<vmem>> -> memref<128xi32, #tpu.memory_space<vmem>>
      %dma_wait3A_354 = arith.constant 0 : i32
      %dma_wait3A_355 = arith.constant 0 : i32
      %dma_wait3A_356 = tpu.memref_slice %arg11[%dma_wait3A_354, %dma_wait3A_355] : memref<10240x128xf32, #tpu.memory_space<vmem_shared>> -> memref<10240x128xf32, #tpu.memory_space<vmem_shared>>
      tpu.wait_indirect_dma semaphore(%arg15 : memref<!tpu.dma_semaphore, #tpu.memory_space<semaphore_mem>>) src(%arg10 : memref<128x128xf32, #tpu.memory_space<vmem>>) dst(%dma_wait3A_356 : memref<10240x128xf32, #tpu.memory_space<vmem_shared>>)
      %dma_start3A_357 = arith.constant 13 : i32
      %dma_start3A_358 = arith.constant 0 : i32
      %dma_start3A_359 = tpu.memref_slice %arg7[%dma_start3A_357, %dma_start3A_358] : memref<16x128xi32, #tpu.memory_space<vmem>> -> memref<1x128xi32, #tpu.memory_space<vmem>>
      %dma_start3A_360 = tpu.memref_squeeze %dma_start3A_359 : memref<1x128xi32, #tpu.memory_space<vmem>> -> memref<128xi32, #tpu.memory_space<vmem>>
      %dma_start3A_361 = arith.constant 0 : i32
      %dma_start3A_362 = arith.constant 0 : i32
      %dma_start3A_363 = tpu.memref_slice %arg2[%dma_start3A_361, %dma_start3A_362] : memref<10240x128xf32, #tpu.memory_space<hbm>> -> memref<10240x128xf32, #tpu.memory_space<hbm>>
      tpu.enqueue_indirect_dma source(%dma_start3A_363 : memref<10240x128xf32, #tpu.memory_space<hbm>>) target(%arg10 : memref<128x128xf32, #tpu.memory_space<vmem>>) offsets(%dma_start3A_360 : memref<128xi32, #tpu.memory_space<vmem>>) semaphore(%arg13 : memref<!tpu.dma_semaphore, #tpu.memory_space<semaphore_mem>>)
      %dma_wait3A_364 = arith.constant 12 : i32
      %dma_wait3A_365 = arith.constant 0 : i32
      %dma_wait3A_366 = tpu.memref_slice %arg7[%dma_wait3A_364, %dma_wait3A_365] : memref<16x128xi32, #tpu.memory_space<vmem>> -> memref<1x128xi32, #tpu.memory_space<vmem>>
      %dma_wait3A_367 = tpu.memref_squeeze %dma_wait3A_366 : memref<1x128xi32, #tpu.memory_space<vmem>> -> memref<128xi32, #tpu.memory_space<vmem>>
      %dma_wait3A_368 = arith.constant 0 : i32
      %dma_wait3A_369 = arith.constant 0 : i32
      %dma_wait3A_370 = tpu.memref_slice %arg2[%dma_wait3A_368, %dma_wait3A_369] : memref<10240x128xf32, #tpu.memory_space<hbm>> -> memref<10240x128xf32, #tpu.memory_space<hbm>>
      tpu.wait_indirect_dma semaphore(%arg12 : memref<!tpu.dma_semaphore, #tpu.memory_space<semaphore_mem>>) src(%dma_wait3A_370 : memref<10240x128xf32, #tpu.memory_space<hbm>>) dst(%arg9 : memref<128x128xf32, #tpu.memory_space<vmem>>)
      %dma_start3A_371 = arith.constant 12 : i32
      %dma_start3A_372 = arith.constant 0 : i32
      %dma_start3A_373 = tpu.memref_slice %arg8[%dma_start3A_371, %dma_start3A_372] : memref<16x128xi32, #tpu.memory_space<vmem>> -> memref<1x128xi32, #tpu.memory_space<vmem>>
      %dma_start3A_374 = tpu.memref_squeeze %dma_start3A_373 : memref<1x128xi32, #tpu.memory_space<vmem>> -> memref<128xi32, #tpu.memory_space<vmem>>
      %dma_start3A_375 = arith.constant 0 : i32
      %dma_start3A_376 = arith.constant 0 : i32
      %dma_start3A_377 = tpu.memref_slice %arg11[%dma_start3A_375, %dma_start3A_376] : memref<10240x128xf32, #tpu.memory_space<vmem_shared>> -> memref<10240x128xf32, #tpu.memory_space<vmem_shared>>
      tpu.enqueue_indirect_dma source(%arg9 : memref<128x128xf32, #tpu.memory_space<vmem>>) target(%dma_start3A_377 : memref<10240x128xf32, #tpu.memory_space<vmem_shared>>) offsets(%dma_start3A_374 : memref<128xi32, #tpu.memory_space<vmem>>) semaphore(%arg14 : memref<!tpu.dma_semaphore, #tpu.memory_space<semaphore_mem>>) {add = true}
      %dma_wait3A_378 = arith.constant 12 : i32
      %dma_wait3A_379 = arith.constant 0 : i32
      %dma_wait3A_380 = tpu.memref_slice %arg8[%dma_wait3A_378, %dma_wait3A_379] : memref<16x128xi32, #tpu.memory_space<vmem>> -> memref<1x128xi32, #tpu.memory_space<vmem>>
      %dma_wait3A_381 = tpu.memref_squeeze %dma_wait3A_380 : memref<1x128xi32, #tpu.memory_space<vmem>> -> memref<128xi32, #tpu.memory_space<vmem>>
      %dma_wait3A_382 = arith.constant 0 : i32
      %dma_wait3A_383 = arith.constant 0 : i32
      %dma_wait3A_384 = tpu.memref_slice %arg11[%dma_wait3A_382, %dma_wait3A_383] : memref<10240x128xf32, #tpu.memory_space<vmem_shared>> -> memref<10240x128xf32, #tpu.memory_space<vmem_shared>>
      tpu.wait_indirect_dma semaphore(%arg14 : memref<!tpu.dma_semaphore, #tpu.memory_space<semaphore_mem>>) src(%arg9 : memref<128x128xf32, #tpu.memory_space<vmem>>) dst(%dma_wait3A_384 : memref<10240x128xf32, #tpu.memory_space<vmem_shared>>)
      %dma_start3A_385 = arith.constant 14 : i32
      %dma_start3A_386 = arith.constant 0 : i32
      %dma_start3A_387 = tpu.memref_slice %arg7[%dma_start3A_385, %dma_start3A_386] : memref<16x128xi32, #tpu.memory_space<vmem>> -> memref<1x128xi32, #tpu.memory_space<vmem>>
      %dma_start3A_388 = tpu.memref_squeeze %dma_start3A_387 : memref<1x128xi32, #tpu.memory_space<vmem>> -> memref<128xi32, #tpu.memory_space<vmem>>
      %dma_start3A_389 = arith.constant 0 : i32
      %dma_start3A_390 = arith.constant 0 : i32
      %dma_start3A_391 = tpu.memref_slice %arg2[%dma_start3A_389, %dma_start3A_390] : memref<10240x128xf32, #tpu.memory_space<hbm>> -> memref<10240x128xf32, #tpu.memory_space<hbm>>
      tpu.enqueue_indirect_dma source(%dma_start3A_391 : memref<10240x128xf32, #tpu.memory_space<hbm>>) target(%arg9 : memref<128x128xf32, #tpu.memory_space<vmem>>) offsets(%dma_start3A_388 : memref<128xi32, #tpu.memory_space<vmem>>) semaphore(%arg12 : memref<!tpu.dma_semaphore, #tpu.memory_space<semaphore_mem>>)
      %dma_wait3A_392 = arith.constant 13 : i32
      %dma_wait3A_393 = arith.constant 0 : i32
      %dma_wait3A_394 = tpu.memref_slice %arg7[%dma_wait3A_392, %dma_wait3A_393] : memref<16x128xi32, #tpu.memory_space<vmem>> -> memref<1x128xi32, #tpu.memory_space<vmem>>
      %dma_wait3A_395 = tpu.memref_squeeze %dma_wait3A_394 : memref<1x128xi32, #tpu.memory_space<vmem>> -> memref<128xi32, #tpu.memory_space<vmem>>
      %dma_wait3A_396 = arith.constant 0 : i32
      %dma_wait3A_397 = arith.constant 0 : i32
      %dma_wait3A_398 = tpu.memref_slice %arg2[%dma_wait3A_396, %dma_wait3A_397] : memref<10240x128xf32, #tpu.memory_space<hbm>> -> memref<10240x128xf32, #tpu.memory_space<hbm>>
      tpu.wait_indirect_dma semaphore(%arg13 : memref<!tpu.dma_semaphore, #tpu.memory_space<semaphore_mem>>) src(%dma_wait3A_398 : memref<10240x128xf32, #tpu.memory_space<hbm>>) dst(%arg10 : memref<128x128xf32, #tpu.memory_space<vmem>>)
      %dma_start3A_399 = arith.constant 13 : i32
      %dma_start3A_400 = arith.constant 0 : i32
      %dma_start3A_401 = tpu.memref_slice %arg8[%dma_start3A_399, %dma_start3A_400] : memref<16x128xi32, #tpu.memory_space<vmem>> -> memref<1x128xi32, #tpu.memory_space<vmem>>
      %dma_start3A_402 = tpu.memref_squeeze %dma_start3A_401 : memref<1x128xi32, #tpu.memory_space<vmem>> -> memref<128xi32, #tpu.memory_space<vmem>>
      %dma_start3A_403 = arith.constant 0 : i32
      %dma_start3A_404 = arith.constant 0 : i32
      %dma_start3A_405 = tpu.memref_slice %arg11[%dma_start3A_403, %dma_start3A_404] : memref<10240x128xf32, #tpu.memory_space<vmem_shared>> -> memref<10240x128xf32, #tpu.memory_space<vmem_shared>>
      tpu.enqueue_indirect_dma source(%arg10 : memref<128x128xf32, #tpu.memory_space<vmem>>) target(%dma_start3A_405 : memref<10240x128xf32, #tpu.memory_space<vmem_shared>>) offsets(%dma_start3A_402 : memref<128xi32, #tpu.memory_space<vmem>>) semaphore(%arg15 : memref<!tpu.dma_semaphore, #tpu.memory_space<semaphore_mem>>) {add = true}
      %dma_wait3A_406 = arith.constant 13 : i32
      %dma_wait3A_407 = arith.constant 0 : i32
      %dma_wait3A_408 = tpu.memref_slice %arg8[%dma_wait3A_406, %dma_wait3A_407] : memref<16x128xi32, #tpu.memory_space<vmem>> -> memref<1x128xi32, #tpu.memory_space<vmem>>
      %dma_wait3A_409 = tpu.memref_squeeze %dma_wait3A_408 : memref<1x128xi32, #tpu.memory_space<vmem>> -> memref<128xi32, #tpu.memory_space<vmem>>
      %dma_wait3A_410 = arith.constant 0 : i32
      %dma_wait3A_411 = arith.constant 0 : i32
      %dma_wait3A_412 = tpu.memref_slice %arg11[%dma_wait3A_410, %dma_wait3A_411] : memref<10240x128xf32, #tpu.memory_space<vmem_shared>> -> memref<10240x128xf32, #tpu.memory_space<vmem_shared>>
      tpu.wait_indirect_dma semaphore(%arg15 : memref<!tpu.dma_semaphore, #tpu.memory_space<semaphore_mem>>) src(%arg10 : memref<128x128xf32, #tpu.memory_space<vmem>>) dst(%dma_wait3A_412 : memref<10240x128xf32, #tpu.memory_space<vmem_shared>>)
      %dma_start3A_413 = arith.constant 15 : i32
      %dma_start3A_414 = arith.constant 0 : i32
      %dma_start3A_415 = tpu.memref_slice %arg7[%dma_start3A_413, %dma_start3A_414] : memref<16x128xi32, #tpu.memory_space<vmem>> -> memref<1x128xi32, #tpu.memory_space<vmem>>
      %dma_start3A_416 = tpu.memref_squeeze %dma_start3A_415 : memref<1x128xi32, #tpu.memory_space<vmem>> -> memref<128xi32, #tpu.memory_space<vmem>>
      %dma_start3A_417 = arith.constant 0 : i32
      %dma_start3A_418 = arith.constant 0 : i32
      %dma_start3A_419 = tpu.memref_slice %arg2[%dma_start3A_417, %dma_start3A_418] : memref<10240x128xf32, #tpu.memory_space<hbm>> -> memref<10240x128xf32, #tpu.memory_space<hbm>>
      tpu.enqueue_indirect_dma source(%dma_start3A_419 : memref<10240x128xf32, #tpu.memory_space<hbm>>) target(%arg10 : memref<128x128xf32, #tpu.memory_space<vmem>>) offsets(%dma_start3A_416 : memref<128xi32, #tpu.memory_space<vmem>>) semaphore(%arg13 : memref<!tpu.dma_semaphore, #tpu.memory_space<semaphore_mem>>)
      %dma_wait3A_420 = arith.constant 14 : i32
      %dma_wait3A_421 = arith.constant 0 : i32
      %dma_wait3A_422 = tpu.memref_slice %arg7[%dma_wait3A_420, %dma_wait3A_421] : memref<16x128xi32, #tpu.memory_space<vmem>> -> memref<1x128xi32, #tpu.memory_space<vmem>>
      %dma_wait3A_423 = tpu.memref_squeeze %dma_wait3A_422 : memref<1x128xi32, #tpu.memory_space<vmem>> -> memref<128xi32, #tpu.memory_space<vmem>>
      %dma_wait3A_424 = arith.constant 0 : i32
      %dma_wait3A_425 = arith.constant 0 : i32
      %dma_wait3A_426 = tpu.memref_slice %arg2[%dma_wait3A_424, %dma_wait3A_425] : memref<10240x128xf32, #tpu.memory_space<hbm>> -> memref<10240x128xf32, #tpu.memory_space<hbm>>
      tpu.wait_indirect_dma semaphore(%arg12 : memref<!tpu.dma_semaphore, #tpu.memory_space<semaphore_mem>>) src(%dma_wait3A_426 : memref<10240x128xf32, #tpu.memory_space<hbm>>) dst(%arg9 : memref<128x128xf32, #tpu.memory_space<vmem>>)
      %dma_start3A_427 = arith.constant 14 : i32
      %dma_start3A_428 = arith.constant 0 : i32
      %dma_start3A_429 = tpu.memref_slice %arg8[%dma_start3A_427, %dma_start3A_428] : memref<16x128xi32, #tpu.memory_space<vmem>> -> memref<1x128xi32, #tpu.memory_space<vmem>>
      %dma_start3A_430 = tpu.memref_squeeze %dma_start3A_429 : memref<1x128xi32, #tpu.memory_space<vmem>> -> memref<128xi32, #tpu.memory_space<vmem>>
      %dma_start3A_431 = arith.constant 0 : i32
      %dma_start3A_432 = arith.constant 0 : i32
      %dma_start3A_433 = tpu.memref_slice %arg11[%dma_start3A_431, %dma_start3A_432] : memref<10240x128xf32, #tpu.memory_space<vmem_shared>> -> memref<10240x128xf32, #tpu.memory_space<vmem_shared>>
      tpu.enqueue_indirect_dma source(%arg9 : memref<128x128xf32, #tpu.memory_space<vmem>>) target(%dma_start3A_433 : memref<10240x128xf32, #tpu.memory_space<vmem_shared>>) offsets(%dma_start3A_430 : memref<128xi32, #tpu.memory_space<vmem>>) semaphore(%arg14 : memref<!tpu.dma_semaphore, #tpu.memory_space<semaphore_mem>>) {add = true}
      %dma_wait3A_434 = arith.constant 15 : i32
      %dma_wait3A_435 = arith.constant 0 : i32
      %dma_wait3A_436 = tpu.memref_slice %arg7[%dma_wait3A_434, %dma_wait3A_435] : memref<16x128xi32, #tpu.memory_space<vmem>> -> memref<1x128xi32, #tpu.memory_space<vmem>>
      %dma_wait3A_437 = tpu.memref_squeeze %dma_wait3A_436 : memref<1x128xi32, #tpu.memory_space<vmem>> -> memref<128xi32, #tpu.memory_space<vmem>>
      %dma_wait3A_438 = arith.constant 0 : i32
      %dma_wait3A_439 = arith.constant 0 : i32
      %dma_wait3A_440 = tpu.memref_slice %arg2[%dma_wait3A_438, %dma_wait3A_439] : memref<10240x128xf32, #tpu.memory_space<hbm>> -> memref<10240x128xf32, #tpu.memory_space<hbm>>
      tpu.wait_indirect_dma semaphore(%arg13 : memref<!tpu.dma_semaphore, #tpu.memory_space<semaphore_mem>>) src(%dma_wait3A_440 : memref<10240x128xf32, #tpu.memory_space<hbm>>) dst(%arg10 : memref<128x128xf32, #tpu.memory_space<vmem>>)
      %dma_start3A_441 = arith.constant 15 : i32
      %dma_start3A_442 = arith.constant 0 : i32
      %dma_start3A_443 = tpu.memref_slice %arg8[%dma_start3A_441, %dma_start3A_442] : memref<16x128xi32, #tpu.memory_space<vmem>> -> memref<1x128xi32, #tpu.memory_space<vmem>>
      %dma_start3A_444 = tpu.memref_squeeze %dma_start3A_443 : memref<1x128xi32, #tpu.memory_space<vmem>> -> memref<128xi32, #tpu.memory_space<vmem>>
      %dma_start3A_445 = arith.constant 0 : i32
      %dma_start3A_446 = arith.constant 0 : i32
      %dma_start3A_447 = tpu.memref_slice %arg11[%dma_start3A_445, %dma_start3A_446] : memref<10240x128xf32, #tpu.memory_space<vmem_shared>> -> memref<10240x128xf32, #tpu.memory_space<vmem_shared>>
      tpu.enqueue_indirect_dma source(%arg10 : memref<128x128xf32, #tpu.memory_space<vmem>>) target(%dma_start3A_447 : memref<10240x128xf32, #tpu.memory_space<vmem_shared>>) offsets(%dma_start3A_444 : memref<128xi32, #tpu.memory_space<vmem>>) semaphore(%arg15 : memref<!tpu.dma_semaphore, #tpu.memory_space<semaphore_mem>>) {add = true}
      %dma_wait3A_448 = arith.constant 14 : i32
      %dma_wait3A_449 = arith.constant 0 : i32
      %dma_wait3A_450 = tpu.memref_slice %arg8[%dma_wait3A_448, %dma_wait3A_449] : memref<16x128xi32, #tpu.memory_space<vmem>> -> memref<1x128xi32, #tpu.memory_space<vmem>>
      %dma_wait3A_451 = tpu.memref_squeeze %dma_wait3A_450 : memref<1x128xi32, #tpu.memory_space<vmem>> -> memref<128xi32, #tpu.memory_space<vmem>>
      %dma_wait3A_452 = arith.constant 0 : i32
      %dma_wait3A_453 = arith.constant 0 : i32
      %dma_wait3A_454 = tpu.memref_slice %arg11[%dma_wait3A_452, %dma_wait3A_453] : memref<10240x128xf32, #tpu.memory_space<vmem_shared>> -> memref<10240x128xf32, #tpu.memory_space<vmem_shared>>
      tpu.wait_indirect_dma semaphore(%arg14 : memref<!tpu.dma_semaphore, #tpu.memory_space<semaphore_mem>>) src(%arg9 : memref<128x128xf32, #tpu.memory_space<vmem>>) dst(%dma_wait3A_454 : memref<10240x128xf32, #tpu.memory_space<vmem_shared>>)
      %dma_wait3A_455 = arith.constant 15 : i32
      %dma_wait3A_456 = arith.constant 0 : i32
      %dma_wait3A_457 = tpu.memref_slice %arg8[%dma_wait3A_455, %dma_wait3A_456] : memref<16x128xi32, #tpu.memory_space<vmem>> -> memref<1x128xi32, #tpu.memory_space<vmem>>
      %dma_wait3A_458 = tpu.memref_squeeze %dma_wait3A_457 : memref<1x128xi32, #tpu.memory_space<vmem>> -> memref<128xi32, #tpu.memory_space<vmem>>
      %dma_wait3A_459 = arith.constant 0 : i32
      %dma_wait3A_460 = arith.constant 0 : i32
      %dma_wait3A_461 = tpu.memref_slice %arg11[%dma_wait3A_459, %dma_wait3A_460] : memref<10240x128xf32, #tpu.memory_space<vmem_shared>> -> memref<10240x128xf32, #tpu.memory_space<vmem_shared>>
      tpu.wait_indirect_dma semaphore(%arg15 : memref<!tpu.dma_semaphore, #tpu.memory_space<semaphore_mem>>) src(%arg10 : memref<128x128xf32, #tpu.memory_space<vmem>>) dst(%dma_wait3A_461 : memref<10240x128xf32, #tpu.memory_space<vmem_shared>>)
    }
    %scan3A_5 = arith.constant 5 : i32
    %barrier3A_6 = arith.constant 0 : index
    tpu.barrier barrier_id(%barrier3A_6)
    %mul3A_7 = arith.constant 640 : i32
    %mul3A_8 = arith.muli %arg1, %mul3A_7 : i32
    %mul3A_9 = arith.constant 640 : i32
    %mul3A_10 = arith.muli %arg1, %mul3A_9 : i32
    "tpu.region"() ({
      %run_scoped3A = tpu.sem_alloc : memref<!tpu.dma_semaphore, #tpu.memory_space<semaphore_mem>>
      %dma_start3A = arith.constant 0 : i32
      %dma_start3A_11 = tpu.memref_slice %arg6[%arg0, %mul3A_10, %dma_start3A] : memref<2x10240x128xf32, #tpu.memory_space<hbm>> -> memref<1x640x128xf32, #tpu.memory_space<hbm>>
      %dma_start3A_12 = tpu.memref_squeeze %dma_start3A_11 : memref<1x640x128xf32, #tpu.memory_space<hbm>> -> memref<640x128xf32, #tpu.memory_space<hbm>>
      %dma_start3A_13 = arith.constant 0 : i32
      %dma_start3A_14 = tpu.memref_slice %arg11[%mul3A_8, %dma_start3A_13] : memref<10240x128xf32, #tpu.memory_space<vmem_shared>> -> memref<640x128xf32, #tpu.memory_space<vmem_shared>>
      tpu.enqueue_dma source(%dma_start3A_14 : memref<640x128xf32, #tpu.memory_space<vmem_shared>>) target(%dma_start3A_12 : memref<640x128xf32, #tpu.memory_space<hbm>>) target_semaphore(%run_scoped3A : memref<!tpu.dma_semaphore, #tpu.memory_space<semaphore_mem>>)
      %dma_wait3A = arith.constant 0 : i32
      %dma_wait3A_15 = tpu.memref_slice %arg6[%arg0, %mul3A_10, %dma_wait3A] : memref<2x10240x128xf32, #tpu.memory_space<hbm>> -> memref<1x640x128xf32, #tpu.memory_space<hbm>>
      %dma_wait3A_16 = tpu.memref_squeeze %dma_wait3A_15 : memref<1x640x128xf32, #tpu.memory_space<hbm>> -> memref<640x128xf32, #tpu.memory_space<hbm>>
      %dma_wait3A_17 = arith.constant 0 : i32
      %dma_wait3A_18 = tpu.memref_slice %arg11[%mul3A_8, %dma_wait3A_17] : memref<10240x128xf32, #tpu.memory_space<vmem_shared>> -> memref<640x128xf32, #tpu.memory_space<vmem_shared>>
      tpu.wait_dma2 semaphore(%run_scoped3A : memref<!tpu.dma_semaphore, #tpu.memory_space<semaphore_mem>>) src(%dma_wait3A_18 : memref<640x128xf32, #tpu.memory_space<vmem_shared>>) dst(%dma_wait3A_16 : memref<640x128xf32, #tpu.memory_space<hbm>>)
      tpu.yield
    }) : () -> ()
    return
  }
}

module attributes {stable_mosaic.version = 14 : i64} {
  func.func @_scale_kernel(%arg0: i32, %arg1: memref<256x128xf32, #tpu.memory_space<vmem>>, %arg2: memref<2x256x1xf32, #tpu.memory_space<vmem>>, %arg3: memref<256x128xf32, #tpu.memory_space<vmem>>) attributes {dimension_semantics = [#tpu.dimension_semantics<arbitrary>], iteration_bounds = array<i64: 40>, scalar_prefetch = 0 : i64, scratch_operands = 0 : i64, tpu.core_type = #tpu.core_type<tc>, window_params = [{transform_indices = @transform_0, window_bounds = array<i64: 256, 128>}, {transform_indices = @transform_1, window_bounds = array<i64: 2, 256, 1>}, {transform_indices = @transform_2, window_bounds = array<i64: 256, 128>}]} {
    %get3A = arith.constant 0 : index
    %get3A_0 = arith.constant 0 : index
    %get3A_1 = vector.load %arg1[%get3A, %get3A_0] : memref<256x128xf32, #tpu.memory_space<vmem>>, vector<256x128xf32>
    %get3A_2 = arith.constant 0 : index
    %get3A_3 = arith.constant 0 : index
    %get3A_4 = arith.constant 0 : index
    %get3A_5 = vector.load %arg2[%get3A_2, %get3A_3, %get3A_4] : memref<2x256x1xf32, #tpu.memory_space<vmem>>, vector<1x256x1xf32>
    %get3A_6 = vector.shape_cast %get3A_5 : vector<1x256x1xf32> to vector<256x1xf32>
    %get3A_7 = arith.constant 1 : index
    %get3A_8 = arith.constant 0 : index
    %get3A_9 = arith.constant 0 : index
    %get3A_10 = vector.load %arg2[%get3A_7, %get3A_8, %get3A_9] : memref<2x256x1xf32, #tpu.memory_space<vmem>>, vector<1x256x1xf32>
    %get3A_11 = vector.shape_cast %get3A_10 : vector<1x256x1xf32> to vector<256x1xf32>
    %add3A = arith.addf %get3A_6, %get3A_11 : vector<256x1xf32>
    %add3A_12 = arith.constant 1.000000e+00 : f32
    %add3A_13 = vector.broadcast %add3A_12 : f32 to vector<256x1xf32>
    %add3A_14 = arith.addf %add3A, %add3A_13 : vector<256x1xf32>
    %max3A = arith.constant 1.000000e+00 : f32
    %max3A_15 = vector.broadcast %max3A : f32 to vector<256x1xf32>
    %max3A_16 = arith.maximumf %add3A_14, %max3A_15 : vector<256x1xf32>
    %rsqrt3A = math.rsqrt %max3A_16 : vector<256x1xf32>
    %mul3A = vector.broadcast %rsqrt3A : vector<256x1xf32> to vector<256x128xf32>
    %mul3A_17 = arith.mulf %get3A_1, %mul3A : vector<256x128xf32>
    %swap3A = arith.constant 0 : index
    %swap3A_18 = arith.constant 0 : index
    %swap3A_19 = vector.load %arg3[%swap3A, %swap3A_18] : memref<256x128xf32, #tpu.memory_space<vmem>>, vector<256x128xf32>
    tpu.vector_store %arg3[%swap3A, %swap3A_18], %mul3A_17 {strides = array<i32>} : memref<256x128xf32, #tpu.memory_space<vmem>>, vector<256x128xf32>,
    return
  }
  func.func @transform_0(%arg0: i32) -> (i32, i32) {
    %c0_i32 = arith.constant 0 : i32
    %c0_i32_0 = arith.constant 0 : i32
    return %arg0, %c0_i32 : i32, i32
  }
  func.func @transform_1(%arg0: i32) -> (i32, i32, i32) {
    %c0_i32 = arith.constant 0 : i32
    %c0_i32_0 = arith.constant 0 : i32
    %c0_i32_1 = arith.constant 0 : i32
    return %c0_i32, %arg0, %c0_i32_0 : i32, i32, i32
  }
  func.func @transform_2(%arg0: i32) -> (i32, i32) {
    %c0_i32 = arith.constant 0 : i32
    %c0_i32_0 = arith.constant 0 : i32
    return %arg0, %c0_i32 : i32, i32
  }
}

module attributes {stable_mosaic.version = 14 : i64} {
  func.func @_layer1_kernel(%arg0: i32, %arg1: memref<2x256x128xf32, #tpu.memory_space<vmem>>, %arg2: memref<256x128xf32, #tpu.memory_space<vmem>>, %arg3: memref<2x256x1xf32, #tpu.memory_space<vmem>>, %arg4: memref<128x256xf32, #tpu.memory_space<vmem>>, %arg5: memref<8x256xf32, #tpu.memory_space<vmem>>, %arg6: memref<2x256x128xf32, #tpu.memory_space<vmem>>) attributes {dimension_semantics = [#tpu.dimension_semantics<arbitrary>], iteration_bounds = array<i64: 40>, scalar_prefetch = 0 : i64, scratch_operands = 0 : i64, tpu.core_type = #tpu.core_type<tc>, window_params = [{transform_indices = @transform_0, window_bounds = array<i64: 2, 256, 128>}, {transform_indices = @transform_1, window_bounds = array<i64: 256, 128>}, {transform_indices = @transform_2, window_bounds = array<i64: 2, 256, 1>}, {pipeline_mode = #tpu.pipeline_mode<synchronous>, transform_indices = @transform_3, window_bounds = array<i64: 128, 256>}, {pipeline_mode = #tpu.pipeline_mode<synchronous>, transform_indices = @transform_4, window_bounds = array<i64: 8, 256>}, {transform_indices = @transform_5, window_bounds = array<i64: 2, 256, 128>}]} {
    %get3A = arith.constant 0 : index
    %get3A_0 = arith.constant 0 : index
    %get3A_1 = arith.constant 0 : index
    %get3A_2 = vector.load %arg3[%get3A, %get3A_0, %get3A_1] : memref<2x256x1xf32, #tpu.memory_space<vmem>>, vector<1x256x1xf32>
    %get3A_3 = vector.shape_cast %get3A_2 : vector<1x256x1xf32> to vector<256x1xf32>
    %get3A_4 = arith.constant 1 : index
    %get3A_5 = arith.constant 0 : index
    %get3A_6 = arith.constant 0 : index
    %get3A_7 = vector.load %arg3[%get3A_4, %get3A_5, %get3A_6] : memref<2x256x1xf32, #tpu.memory_space<vmem>>, vector<1x256x1xf32>
    %get3A_8 = vector.shape_cast %get3A_7 : vector<1x256x1xf32> to vector<256x1xf32>
    %add3A = arith.addf %get3A_3, %get3A_8 : vector<256x1xf32>
    %add3A_9 = arith.constant 1.000000e+00 : f32
    %add3A_10 = vector.broadcast %add3A_9 : f32 to vector<256x1xf32>
    %add3A_11 = arith.addf %add3A, %add3A_10 : vector<256x1xf32>
    %max3A = arith.constant 1.000000e+00 : f32
    %max3A_12 = vector.broadcast %max3A : f32 to vector<256x1xf32>
    %max3A_13 = arith.maximumf %add3A_11, %max3A_12 : vector<256x1xf32>
    %rsqrt3A = math.rsqrt %max3A_13 : vector<256x1xf32>
    %get3A_14 = arith.constant 0 : index
    %get3A_15 = arith.constant 0 : index
    %get3A_16 = arith.constant 0 : index
    %get3A_17 = vector.load %arg1[%get3A_14, %get3A_15, %get3A_16] : memref<2x256x128xf32, #tpu.memory_space<vmem>>, vector<1x256x128xf32>
    %get3A_18 = vector.shape_cast %get3A_17 : vector<1x256x128xf32> to vector<256x128xf32>
    %get3A_19 = arith.constant 1 : index
    %get3A_20 = arith.constant 0 : index
    %get3A_21 = arith.constant 0 : index
    %get3A_22 = vector.load %arg1[%get3A_19, %get3A_20, %get3A_21] : memref<2x256x128xf32, #tpu.memory_space<vmem>>, vector<1x256x128xf32>
    %get3A_23 = vector.shape_cast %get3A_22 : vector<1x256x128xf32> to vector<256x128xf32>
    %add3A_24 = arith.addf %get3A_18, %get3A_23 : vector<256x128xf32>
    %get3A_25 = arith.constant 0 : index
    %get3A_26 = arith.constant 0 : index
    %get3A_27 = vector.load %arg2[%get3A_25, %get3A_26] : memref<256x128xf32, #tpu.memory_space<vmem>>, vector<256x128xf32>
    %add3A_28 = arith.addf %add3A_24, %get3A_27 : vector<256x128xf32>
    %mul3A = vector.broadcast %rsqrt3A : vector<256x1xf32> to vector<256x128xf32>
    %mul3A_29 = arith.mulf %mul3A, %add3A_28 : vector<256x128xf32>
    %get3A_30 = arith.constant 0 : index
    %get3A_31 = arith.constant 0 : index
    %get3A_32 = vector.load %arg4[%get3A_30, %get3A_31] : memref<128x256xf32, #tpu.memory_space<vmem>>, vector<128x256xf32>
    %dot_general3A = arith.constant dense<0.000000e+00> : vector<256x256xf32>
    %dot_general3A_33 = tpu.matmul %mul3A_29, %get3A_32, %dot_general3A {dimension_numbers = #tpu.dot_dimension_numbers<[1], [0], [0], [1], [0, 0, 1, 1], [], []>, transpose_lhs_hint = false} : vector<256x128xf32>, vector<128x256xf32>, vector<256x256xf32> -> vector<256x256xf32>
    %get3A_34 = arith.constant 0 : index
    %get3A_35 = arith.constant 0 : index
    %get3A_36 = vector.load %arg5[%get3A_34, %get3A_35] : memref<8x256xf32, #tpu.memory_space<vmem>>, vector<1x256xf32>
    %add3A_37 = vector.broadcast %get3A_36 : vector<1x256xf32> to vector<256x256xf32>
    %add3A_38 = arith.addf %dot_general3A_33, %add3A_37 : vector<256x256xf32>
    %max3A_39 = arith.constant 0.000000e+00 : f32
    %max3A_40 = vector.broadcast %max3A_39 : f32 to vector<256x256xf32>
    %max3A_41 = arith.maximumf %add3A_38, %max3A_40 : vector<256x256xf32>
    %mul3A_42 = vector.broadcast %rsqrt3A : vector<256x1xf32> to vector<256x256xf32>
    %mul3A_43 = arith.mulf %mul3A_42, %max3A_41 : vector<256x256xf32>
    %slice3A = vector.extract_strided_slice %mul3A_43 {offsets = [0, 0], sizes = [256, 128], strides = [1, 1]} : vector<256x256xf32> to vector<256x128xf32>
    %swap3A = arith.constant 0 : index
    %swap3A_44 = arith.constant 0 : index
    %swap3A_45 = arith.constant 0 : index
    %swap3A_46 = vector.load %arg6[%swap3A, %swap3A_44, %swap3A_45] : memref<2x256x128xf32, #tpu.memory_space<vmem>>, vector<1x256x128xf32>
    %swap3A_47 = vector.shape_cast %swap3A_46 : vector<1x256x128xf32> to vector<256x128xf32>
    %swap3A_48 = vector.shape_cast %slice3A : vector<256x128xf32> to vector<1x256x128xf32>
    tpu.vector_store %arg6[%swap3A, %swap3A_44, %swap3A_45], %swap3A_48 {strides = array<i32>} : memref<2x256x128xf32, #tpu.memory_space<vmem>>, vector<1x256x128xf32>,
    %slice3A_49 = vector.extract_strided_slice %mul3A_43 {offsets = [0, 128], sizes = [256, 128], strides = [1, 1]} : vector<256x256xf32> to vector<256x128xf32>
    %swap3A_50 = arith.constant 1 : index
    %swap3A_51 = arith.constant 0 : index
    %swap3A_52 = arith.constant 0 : index
    %swap3A_53 = vector.load %arg6[%swap3A_50, %swap3A_51, %swap3A_52] : memref<2x256x128xf32, #tpu.memory_space<vmem>>, vector<1x256x128xf32>
    %swap3A_54 = vector.shape_cast %swap3A_53 : vector<1x256x128xf32> to vector<256x128xf32>
    %swap3A_55 = vector.shape_cast %slice3A_49 : vector<256x128xf32> to vector<1x256x128xf32>
    tpu.vector_store %arg6[%swap3A_50, %swap3A_51, %swap3A_52], %swap3A_55 {strides = array<i32>} : memref<2x256x128xf32, #tpu.memory_space<vmem>>, vector<1x256x128xf32>,
    return
  }
  func.func @transform_0(%arg0: i32) -> (i32, i32, i32) {
    %c0_i32 = arith.constant 0 : i32
    %c0_i32_0 = arith.constant 0 : i32
    %c0_i32_1 = arith.constant 0 : i32
    return %c0_i32, %arg0, %c0_i32_0 : i32, i32, i32
  }
  func.func @transform_1(%arg0: i32) -> (i32, i32) {
    %c0_i32 = arith.constant 0 : i32
    %c0_i32_0 = arith.constant 0 : i32
    return %arg0, %c0_i32 : i32, i32
  }
  func.func @transform_2(%arg0: i32) -> (i32, i32, i32) {
    %c0_i32 = arith.constant 0 : i32
    %c0_i32_0 = arith.constant 0 : i32
    %c0_i32_1 = arith.constant 0 : i32
    return %c0_i32, %arg0, %c0_i32_0 : i32, i32, i32
  }
  func.func @transform_3(%arg0: i32) -> (i32, i32) {
    %c0_i32 = arith.constant 0 : i32
    %c0_i32_0 = arith.constant 0 : i32
    %c0_i32_1 = arith.constant 0 : i32
    return %c0_i32, %c0_i32_0 : i32, i32
  }
  func.func @transform_4(%arg0: i32) -> (i32, i32) {
    %c0_i32 = arith.constant 0 : i32
    %c0_i32_0 = arith.constant 0 : i32
    %c0_i32_1 = arith.constant 0 : i32
    return %c0_i32, %c0_i32_0 : i32, i32
  }
  func.func @transform_5(%arg0: i32) -> (i32, i32, i32) {
    %c0_i32 = arith.constant 0 : i32
    %c0_i32_0 = arith.constant 0 : i32
    %c0_i32_1 = arith.constant 0 : i32
    return %c0_i32, %arg0, %c0_i32_0 : i32, i32, i32
  }
}

module attributes {stable_mosaic.version = 14 : i64} {
  func.func @_layer2_kernel(%arg0: i32, %arg1: memref<2x256x128xf32, #tpu.memory_space<vmem>>, %arg2: memref<2x256x128xf32, #tpu.memory_space<vmem>>, %arg3: memref<2x256x1xf32, #tpu.memory_space<vmem>>, %arg4: memref<256x256xf32, #tpu.memory_space<vmem>>, %arg5: memref<8x256xf32, #tpu.memory_space<vmem>>, %arg6: memref<2x256x128xf32, #tpu.memory_space<vmem>>) attributes {dimension_semantics = [#tpu.dimension_semantics<arbitrary>], iteration_bounds = array<i64: 40>, scalar_prefetch = 0 : i64, scratch_operands = 0 : i64, tpu.core_type = #tpu.core_type<tc>, window_params = [{transform_indices = @transform_0, window_bounds = array<i64: 2, 256, 128>}, {transform_indices = @transform_1, window_bounds = array<i64: 2, 256, 128>}, {transform_indices = @transform_2, window_bounds = array<i64: 2, 256, 1>}, {pipeline_mode = #tpu.pipeline_mode<synchronous>, transform_indices = @transform_3, window_bounds = array<i64: 256, 256>}, {pipeline_mode = #tpu.pipeline_mode<synchronous>, transform_indices = @transform_4, window_bounds = array<i64: 8, 256>}, {transform_indices = @transform_5, window_bounds = array<i64: 2, 256, 128>}]} {
    %get3A = arith.constant 0 : index
    %get3A_0 = arith.constant 0 : index
    %get3A_1 = arith.constant 0 : index
    %get3A_2 = vector.load %arg3[%get3A, %get3A_0, %get3A_1] : memref<2x256x1xf32, #tpu.memory_space<vmem>>, vector<1x256x1xf32>
    %get3A_3 = vector.shape_cast %get3A_2 : vector<1x256x1xf32> to vector<256x1xf32>
    %get3A_4 = arith.constant 1 : index
    %get3A_5 = arith.constant 0 : index
    %get3A_6 = arith.constant 0 : index
    %get3A_7 = vector.load %arg3[%get3A_4, %get3A_5, %get3A_6] : memref<2x256x1xf32, #tpu.memory_space<vmem>>, vector<1x256x1xf32>
    %get3A_8 = vector.shape_cast %get3A_7 : vector<1x256x1xf32> to vector<256x1xf32>
    %add3A = arith.addf %get3A_3, %get3A_8 : vector<256x1xf32>
    %add3A_9 = arith.constant 1.000000e+00 : f32
    %add3A_10 = vector.broadcast %add3A_9 : f32 to vector<256x1xf32>
    %add3A_11 = arith.addf %add3A, %add3A_10 : vector<256x1xf32>
    %max3A = arith.constant 1.000000e+00 : f32
    %max3A_12 = vector.broadcast %max3A : f32 to vector<256x1xf32>
    %max3A_13 = arith.maximumf %add3A_11, %max3A_12 : vector<256x1xf32>
    %rsqrt3A = math.rsqrt %max3A_13 : vector<256x1xf32>
    %get3A_14 = arith.constant 0 : index
    %get3A_15 = arith.constant 0 : index
    %get3A_16 = arith.constant 0 : index
    %get3A_17 = vector.load %arg1[%get3A_14, %get3A_15, %get3A_16] : memref<2x256x128xf32, #tpu.memory_space<vmem>>, vector<1x256x128xf32>
    %get3A_18 = vector.shape_cast %get3A_17 : vector<1x256x128xf32> to vector<256x128xf32>
    %get3A_19 = arith.constant 0 : index
    %get3A_20 = arith.constant 0 : index
    %get3A_21 = arith.constant 0 : index
    %get3A_22 = vector.load %arg2[%get3A_19, %get3A_20, %get3A_21] : memref<2x256x128xf32, #tpu.memory_space<vmem>>, vector<1x256x128xf32>
    %get3A_23 = vector.shape_cast %get3A_22 : vector<1x256x128xf32> to vector<256x128xf32>
    %add3A_24 = arith.addf %get3A_18, %get3A_23 : vector<256x128xf32>
    %mul3A = vector.broadcast %rsqrt3A : vector<256x1xf32> to vector<256x128xf32>
    %mul3A_25 = arith.mulf %mul3A, %add3A_24 : vector<256x128xf32>
    %get3A_26 = arith.constant 1 : index
    %get3A_27 = arith.constant 0 : index
    %get3A_28 = arith.constant 0 : index
    %get3A_29 = vector.load %arg1[%get3A_26, %get3A_27, %get3A_28] : memref<2x256x128xf32, #tpu.memory_space<vmem>>, vector<1x256x128xf32>
    %get3A_30 = vector.shape_cast %get3A_29 : vector<1x256x128xf32> to vector<256x128xf32>
    %get3A_31 = arith.constant 1 : index
    %get3A_32 = arith.constant 0 : index
    %get3A_33 = arith.constant 0 : index
    %get3A_34 = vector.load %arg2[%get3A_31, %get3A_32, %get3A_33] : memref<2x256x128xf32, #tpu.memory_space<vmem>>, vector<1x256x128xf32>
    %get3A_35 = vector.shape_cast %get3A_34 : vector<1x256x128xf32> to vector<256x128xf32>
    %add3A_36 = arith.addf %get3A_30, %get3A_35 : vector<256x128xf32>
    %mul3A_37 = vector.broadcast %rsqrt3A : vector<256x1xf32> to vector<256x128xf32>
    %mul3A_38 = arith.mulf %mul3A_37, %add3A_36 : vector<256x128xf32>
    %concatenate3A = tpu.concatenate %mul3A_25, %mul3A_38 in 1 : vector<256x128xf32>, vector<256x128xf32> -> vector<256x256xf32>
    %get3A_39 = arith.constant 0 : index
    %get3A_40 = arith.constant 0 : index
    %get3A_41 = vector.load %arg4[%get3A_39, %get3A_40] : memref<256x256xf32, #tpu.memory_space<vmem>>, vector<256x256xf32>
    %dot_general3A = arith.constant dense<0.000000e+00> : vector<256x256xf32>
    %dot_general3A_42 = tpu.matmul %concatenate3A, %get3A_41, %dot_general3A {dimension_numbers = #tpu.dot_dimension_numbers<[1], [0], [0], [1], [0, 0, 1, 1], [], []>, transpose_lhs_hint = false} : vector<256x256xf32>, vector<256x256xf32>, vector<256x256xf32> -> vector<256x256xf32>
    %get3A_43 = arith.constant 0 : index
    %get3A_44 = arith.constant 0 : index
    %get3A_45 = vector.load %arg5[%get3A_43, %get3A_44] : memref<8x256xf32, #tpu.memory_space<vmem>>, vector<1x256xf32>
    %add3A_46 = vector.broadcast %get3A_45 : vector<1x256xf32> to vector<256x256xf32>
    %add3A_47 = arith.addf %dot_general3A_42, %add3A_46 : vector<256x256xf32>
    %max3A_48 = arith.constant 0.000000e+00 : f32
    %max3A_49 = vector.broadcast %max3A_48 : f32 to vector<256x256xf32>
    %max3A_50 = arith.maximumf %add3A_47, %max3A_49 : vector<256x256xf32>
    %mul3A_51 = vector.broadcast %rsqrt3A : vector<256x1xf32> to vector<256x256xf32>
    %mul3A_52 = arith.mulf %mul3A_51, %max3A_50 : vector<256x256xf32>
    %slice3A = vector.extract_strided_slice %mul3A_52 {offsets = [0, 0], sizes = [256, 128], strides = [1, 1]} : vector<256x256xf32> to vector<256x128xf32>
    %swap3A = arith.constant 0 : index
    %swap3A_53 = arith.constant 0 : index
    %swap3A_54 = arith.constant 0 : index
    %swap3A_55 = vector.load %arg6[%swap3A, %swap3A_53, %swap3A_54] : memref<2x256x128xf32, #tpu.memory_space<vmem>>, vector<1x256x128xf32>
    %swap3A_56 = vector.shape_cast %swap3A_55 : vector<1x256x128xf32> to vector<256x128xf32>
    %swap3A_57 = vector.shape_cast %slice3A : vector<256x128xf32> to vector<1x256x128xf32>
    tpu.vector_store %arg6[%swap3A, %swap3A_53, %swap3A_54], %swap3A_57 {strides = array<i32>} : memref<2x256x128xf32, #tpu.memory_space<vmem>>, vector<1x256x128xf32>,
    %slice3A_58 = vector.extract_strided_slice %mul3A_52 {offsets = [0, 128], sizes = [256, 128], strides = [1, 1]} : vector<256x256xf32> to vector<256x128xf32>
    %swap3A_59 = arith.constant 1 : index
    %swap3A_60 = arith.constant 0 : index
    %swap3A_61 = arith.constant 0 : index
    %swap3A_62 = vector.load %arg6[%swap3A_59, %swap3A_60, %swap3A_61] : memref<2x256x128xf32, #tpu.memory_space<vmem>>, vector<1x256x128xf32>
    %swap3A_63 = vector.shape_cast %swap3A_62 : vector<1x256x128xf32> to vector<256x128xf32>
    %swap3A_64 = vector.shape_cast %slice3A_58 : vector<256x128xf32> to vector<1x256x128xf32>
    tpu.vector_store %arg6[%swap3A_59, %swap3A_60, %swap3A_61], %swap3A_64 {strides = array<i32>} : memref<2x256x128xf32, #tpu.memory_space<vmem>>, vector<1x256x128xf32>,
    return
  }
  func.func @transform_0(%arg0: i32) -> (i32, i32, i32) {
    %c0_i32 = arith.constant 0 : i32
    %c0_i32_0 = arith.constant 0 : i32
    %c0_i32_1 = arith.constant 0 : i32
    return %c0_i32, %arg0, %c0_i32_0 : i32, i32, i32
  }
  func.func @transform_1(%arg0: i32) -> (i32, i32, i32) {
    %c0_i32 = arith.constant 0 : i32
    %c0_i32_0 = arith.constant 0 : i32
    %c0_i32_1 = arith.constant 0 : i32
    return %c0_i32, %arg0, %c0_i32_0 : i32, i32, i32
  }
  func.func @transform_2(%arg0: i32) -> (i32, i32, i32) {
    %c0_i32 = arith.constant 0 : i32
    %c0_i32_0 = arith.constant 0 : i32
    %c0_i32_1 = arith.constant 0 : i32
    return %c0_i32, %arg0, %c0_i32_0 : i32, i32, i32
  }
  func.func @transform_3(%arg0: i32) -> (i32, i32) {
    %c0_i32 = arith.constant 0 : i32
    %c0_i32_0 = arith.constant 0 : i32
    %c0_i32_1 = arith.constant 0 : i32
    return %c0_i32, %c0_i32_0 : i32, i32
  }
  func.func @transform_4(%arg0: i32) -> (i32, i32) {
    %c0_i32 = arith.constant 0 : i32
    %c0_i32_0 = arith.constant 0 : i32
    %c0_i32_1 = arith.constant 0 : i32
    return %c0_i32, %c0_i32_0 : i32, i32
  }
  func.func @transform_5(%arg0: i32) -> (i32, i32, i32) {
    %c0_i32 = arith.constant 0 : i32
    %c0_i32_0 = arith.constant 0 : i32
    %c0_i32_1 = arith.constant 0 : i32
    return %c0_i32, %arg0, %c0_i32_0 : i32, i32, i32
  }
}

module attributes {stable_mosaic.version = 14 : i64} {
  func.func @_final_kernel(%arg0: i32, %arg1: memref<2x256x128xf32, #tpu.memory_space<vmem>>, %arg2: memref<2x256x128xf32, #tpu.memory_space<vmem>>, %arg3: memref<2x256x1xf32, #tpu.memory_space<vmem>>, %arg4: memref<256x256xf32, #tpu.memory_space<vmem>>, %arg5: memref<8x256xf32, #tpu.memory_space<vmem>>, %arg6: memref<256x128xf32, #tpu.memory_space<vmem>>, %arg7: memref<8x128xf32, #tpu.memory_space<vmem>>, %arg8: memref<256x1xi32, #tpu.memory_space<vmem>>, %arg9: memref<64x128xf32, #tpu.memory_space<vmem>>, %arg10: memref<64x256xf32, #tpu.memory_space<vmem>>, %arg11: memref<64x128xf32, #tpu.memory_space<vmem>>) attributes {dimension_semantics = [#tpu.dimension_semantics<arbitrary>], iteration_bounds = array<i64: 40>, scalar_prefetch = 0 : i64, scratch_operands = 2 : i64, tpu.core_type = #tpu.core_type<tc>, window_params = [{transform_indices = @transform_0, window_bounds = array<i64: 2, 256, 128>}, {transform_indices = @transform_1, window_bounds = array<i64: 2, 256, 128>}, {transform_indices = @transform_2, window_bounds = array<i64: 2, 256, 1>}, {pipeline_mode = #tpu.pipeline_mode<synchronous>, transform_indices = @transform_3, window_bounds = array<i64: 256, 256>}, {pipeline_mode = #tpu.pipeline_mode<synchronous>, transform_indices = @transform_4, window_bounds = array<i64: 8, 256>}, {pipeline_mode = #tpu.pipeline_mode<synchronous>, transform_indices = @transform_5, window_bounds = array<i64: 256, 128>}, {pipeline_mode = #tpu.pipeline_mode<synchronous>, transform_indices = @transform_6, window_bounds = array<i64: 8, 128>}, {transform_indices = @transform_7, window_bounds = array<i64: 256, 1>}, {pipeline_mode = #tpu.pipeline_mode<synchronous>, transform_indices = @transform_8, window_bounds = array<i64: 64, 128>}]} {
    %eq3A = arith.constant 0 : i32
    %eq3A_0 = arith.cmpi eq, %arg0, %eq3A : i32
    %convert_element_type3A = arith.extui %eq3A_0 : i1 to i32
    %cond3A = arith.constant 0 : i32
    %cond3A_1 = arith.cmpi ne, %convert_element_type3A, %cond3A : i32
    scf.if %cond3A_1 {
      %broadcast_in_dim3A_81 = arith.constant 0.000000e+00 : f32
      %broadcast_in_dim3A_82 = vector.broadcast %broadcast_in_dim3A_81 : f32 to vector<64x256xf32>
      %swap3A_83 = arith.constant 0 : index
      %swap3A_84 = arith.constant 0 : index
      %swap3A_85 = vector.load %arg10[%swap3A_83, %swap3A_84] : memref<64x256xf32, #tpu.memory_space<vmem>>, vector<64x256xf32>
      tpu.vector_store %arg10[%swap3A_83, %swap3A_84], %broadcast_in_dim3A_82 {strides = array<i32>} : memref<64x256xf32, #tpu.memory_space<vmem>>, vector<64x256xf32>,
      %broadcast_in_dim3A_86 = arith.constant 0.000000e+00 : f32
      %broadcast_in_dim3A_87 = vector.broadcast %broadcast_in_dim3A_86 : f32 to vector<64x128xf32>
      %swap3A_88 = arith.constant 0 : index
      %swap3A_89 = arith.constant 0 : index
      %swap3A_90 = vector.load %arg11[%swap3A_88, %swap3A_89] : memref<64x128xf32, #tpu.memory_space<vmem>>, vector<64x128xf32>
      tpu.vector_store %arg11[%swap3A_88, %swap3A_89], %broadcast_in_dim3A_87 {strides = array<i32>} : memref<64x128xf32, #tpu.memory_space<vmem>>, vector<64x128xf32>,
    } else {
    }
    %get3A = arith.constant 0 : index
    %get3A_2 = arith.constant 0 : index
    %get3A_3 = arith.constant 0 : index
    %get3A_4 = vector.load %arg3[%get3A, %get3A_2, %get3A_3] : memref<2x256x1xf32, #tpu.memory_space<vmem>>, vector<1x256x1xf32>
    %get3A_5 = vector.shape_cast %get3A_4 : vector<1x256x1xf32> to vector<256x1xf32>
    %get3A_6 = arith.constant 1 : index
    %get3A_7 = arith.constant 0 : index
    %get3A_8 = arith.constant 0 : index
    %get3A_9 = vector.load %arg3[%get3A_6, %get3A_7, %get3A_8] : memref<2x256x1xf32, #tpu.memory_space<vmem>>, vector<1x256x1xf32>
    %get3A_10 = vector.shape_cast %get3A_9 : vector<1x256x1xf32> to vector<256x1xf32>
    %add3A = arith.addf %get3A_5, %get3A_10 : vector<256x1xf32>
    %add3A_11 = arith.constant 1.000000e+00 : f32
    %add3A_12 = vector.broadcast %add3A_11 : f32 to vector<256x1xf32>
    %add3A_13 = arith.addf %add3A, %add3A_12 : vector<256x1xf32>
    %max3A = arith.constant 1.000000e+00 : f32
    %max3A_14 = vector.broadcast %max3A : f32 to vector<256x1xf32>
    %max3A_15 = arith.maximumf %add3A_13, %max3A_14 : vector<256x1xf32>
    %rsqrt3A = math.rsqrt %max3A_15 : vector<256x1xf32>
    %get3A_16 = arith.constant 0 : index
    %get3A_17 = arith.constant 0 : index
    %get3A_18 = arith.constant 0 : index
    %get3A_19 = vector.load %arg1[%get3A_16, %get3A_17, %get3A_18] : memref<2x256x128xf32, #tpu.memory_space<vmem>>, vector<1x256x128xf32>
    %get3A_20 = vector.shape_cast %get3A_19 : vector<1x256x128xf32> to vector<256x128xf32>
    %get3A_21 = arith.constant 0 : index
    %get3A_22 = arith.constant 0 : index
    %get3A_23 = arith.constant 0 : index
    %get3A_24 = vector.load %arg2[%get3A_21, %get3A_22, %get3A_23] : memref<2x256x128xf32, #tpu.memory_space<vmem>>, vector<1x256x128xf32>
    %get3A_25 = vector.shape_cast %get3A_24 : vector<1x256x128xf32> to vector<256x128xf32>
    %add3A_26 = arith.addf %get3A_20, %get3A_25 : vector<256x128xf32>
    %mul3A = vector.broadcast %rsqrt3A : vector<256x1xf32> to vector<256x128xf32>
    %mul3A_27 = arith.mulf %mul3A, %add3A_26 : vector<256x128xf32>
    %get3A_28 = arith.constant 1 : index
    %get3A_29 = arith.constant 0 : index
    %get3A_30 = arith.constant 0 : index
    %get3A_31 = vector.load %arg1[%get3A_28, %get3A_29, %get3A_30] : memref<2x256x128xf32, #tpu.memory_space<vmem>>, vector<1x256x128xf32>
    %get3A_32 = vector.shape_cast %get3A_31 : vector<1x256x128xf32> to vector<256x128xf32>
    %get3A_33 = arith.constant 1 : index
    %get3A_34 = arith.constant 0 : index
    %get3A_35 = arith.constant 0 : index
    %get3A_36 = vector.load %arg2[%get3A_33, %get3A_34, %get3A_35] : memref<2x256x128xf32, #tpu.memory_space<vmem>>, vector<1x256x128xf32>
    %get3A_37 = vector.shape_cast %get3A_36 : vector<1x256x128xf32> to vector<256x128xf32>
    %add3A_38 = arith.addf %get3A_32, %get3A_37 : vector<256x128xf32>
    %mul3A_39 = vector.broadcast %rsqrt3A : vector<256x1xf32> to vector<256x128xf32>
    %mul3A_40 = arith.mulf %mul3A_39, %add3A_38 : vector<256x128xf32>
    %concatenate3A = tpu.concatenate %mul3A_27, %mul3A_40 in 1 : vector<256x128xf32>, vector<256x128xf32> -> vector<256x256xf32>
    %get3A_41 = arith.constant 0 : index
    %get3A_42 = arith.constant 0 : index
    %get3A_43 = vector.load %arg4[%get3A_41, %get3A_42] : memref<256x256xf32, #tpu.memory_space<vmem>>, vector<256x256xf32>
    %dot_general3A = arith.constant dense<0.000000e+00> : vector<256x256xf32>
    %dot_general3A_44 = tpu.matmul %concatenate3A, %get3A_43, %dot_general3A {dimension_numbers = #tpu.dot_dimension_numbers<[1], [0], [0], [1], [0, 0, 1, 1], [], []>, transpose_lhs_hint = false} : vector<256x256xf32>, vector<256x256xf32>, vector<256x256xf32> -> vector<256x256xf32>
    %get3A_45 = arith.constant 0 : index
    %get3A_46 = arith.constant 0 : index
    %get3A_47 = vector.load %arg5[%get3A_45, %get3A_46] : memref<8x256xf32, #tpu.memory_space<vmem>>, vector<1x256xf32>
    %add3A_48 = vector.broadcast %get3A_47 : vector<1x256xf32> to vector<256x256xf32>
    %add3A_49 = arith.addf %dot_general3A_44, %add3A_48 : vector<256x256xf32>
    %get3A_50 = arith.constant 0 : index
    %get3A_51 = arith.constant 0 : index
    %get3A_52 = vector.load %arg8[%get3A_50, %get3A_51] : memref<256x1xi32, #tpu.memory_space<vmem>>, vector<256x1xi32>
    %broadcast_in_dim3A = vector.shape_cast %get3A_52 : vector<256x1xi32> to vector<256x1xi32>
    %broadcast_in_dim3A_53 = vector.broadcast %broadcast_in_dim3A : vector<256x1xi32> to vector<256x64xi32>
    %iota3A = tpu.iota {dimensions = array<i32: 1>} : vector<256x64xi32>
    %eq3A_54 = arith.cmpi eq, %broadcast_in_dim3A_53, %iota3A : vector<256x64xi32>
    %convert_element_type3A_55 = arith.extui %eq3A_54 : vector<256x64xi1> to vector<256x64xi32>
    %convert_element_type3A_56 = arith.sitofp %convert_element_type3A_55 : vector<256x64xi32> to vector<256x64xf32>
    %get3A_57 = arith.constant 0 : index
    %get3A_58 = arith.constant 0 : index
    %get3A_59 = vector.load %arg10[%get3A_57, %get3A_58] : memref<64x256xf32, #tpu.memory_space<vmem>>, vector<64x256xf32>
    %dot_general3A_60 = arith.constant dense<0.000000e+00> : vector<64x256xf32>
    %dot_general3A_61 = tpu.matmul %convert_element_type3A_56, %add3A_49, %dot_general3A_60 {dimension_numbers = #tpu.dot_dimension_numbers<[0], [0], [1], [1], [0, 1, 1, 1], [], []>, transpose_lhs_hint = false} : vector<256x64xf32>, vector<256x256xf32>, vector<64x256xf32> -> vector<64x256xf32>
    %add3A_62 = arith.addf %get3A_59, %dot_general3A_61 : vector<64x256xf32>
    %swap3A = arith.constant 0 : index
    %swap3A_63 = arith.constant 0 : index
    %swap3A_64 = vector.load %arg10[%swap3A, %swap3A_63] : memref<64x256xf32, #tpu.memory_space<vmem>>, vector<64x256xf32>
    tpu.vector_store %arg10[%swap3A, %swap3A_63], %add3A_62 {strides = array<i32>} : memref<64x256xf32, #tpu.memory_space<vmem>>, vector<64x256xf32>,
    %broadcast_in_dim3A_65 = arith.constant 1.000000e+00 : f32
    %broadcast_in_dim3A_66 = vector.broadcast %broadcast_in_dim3A_65 : f32 to vector<256x128xf32>
    %get3A_67 = arith.constant 0 : index
    %get3A_68 = arith.constant 0 : index
    %get3A_69 = vector.load %arg11[%get3A_67, %get3A_68] : memref<64x128xf32, #tpu.memory_space<vmem>>, vector<64x128xf32>
    %dot_general3A_70 = arith.constant dense<0.000000e+00> : vector<64x128xf32>
    %dot_general3A_71 = tpu.matmul %convert_element_type3A_56, %broadcast_in_dim3A_66, %dot_general3A_70 {dimension_numbers = #tpu.dot_dimension_numbers<[0], [0], [1], [1], [0, 1, 1, 1], [], []>, transpose_lhs_hint = false} : vector<256x64xf32>, vector<256x128xf32>, vector<64x128xf32> -> vector<64x128xf32>
    %add3A_72 = arith.addf %get3A_69, %dot_general3A_71 : vector<64x128xf32>
    %swap3A_73 = arith.constant 0 : index
    %swap3A_74 = arith.constant 0 : index
    %swap3A_75 = vector.load %arg11[%swap3A_73, %swap3A_74] : memref<64x128xf32, #tpu.memory_space<vmem>>, vector<64x128xf32>
    tpu.vector_store %arg11[%swap3A_73, %swap3A_74], %add3A_72 {strides = array<i32>} : memref<64x128xf32, #tpu.memory_space<vmem>>, vector<64x128xf32>,
    %eq3A_76 = arith.constant 39 : i32
    %eq3A_77 = arith.cmpi eq, %arg0, %eq3A_76 : i32
    %convert_element_type3A_78 = arith.extui %eq3A_77 : i1 to i32
    %cond3A_79 = arith.constant 0 : i32
    %cond3A_80 = arith.cmpi ne, %convert_element_type3A_78, %cond3A_79 : i32
    scf.if %cond3A_80 {
      %get3A_81 = arith.constant 0 : index
      %get3A_82 = arith.constant 0 : index
      %get3A_83 = vector.load %arg10[%get3A_81, %get3A_82] : memref<64x256xf32, #tpu.memory_space<vmem>>, vector<64x256xf32>
      %get3A_84 = arith.constant 0 : index
      %get3A_85 = arith.constant 0 : index
      %get3A_86 = vector.load %arg11[%get3A_84, %get3A_85] : memref<64x128xf32, #tpu.memory_space<vmem>>, vector<64x128xf32>
      %slice3A = vector.extract_strided_slice %get3A_86 {offsets = [0, 0], sizes = [64, 1], strides = [1, 1]} : vector<64x128xf32> to vector<64x1xf32>
      %max3A_87 = arith.constant 1.000000e+00 : f32
      %max3A_88 = vector.broadcast %max3A_87 : f32 to vector<64x1xf32>
      %max3A_89 = arith.maximumf %slice3A, %max3A_88 : vector<64x1xf32>
      %div3A = vector.broadcast %max3A_89 : vector<64x1xf32> to vector<64x256xf32>
      %div3A_90 = arith.divf %get3A_83, %div3A : vector<64x256xf32>
      %get3A_91 = arith.constant 0 : index
      %get3A_92 = arith.constant 0 : index
      %get3A_93 = vector.load %arg6[%get3A_91, %get3A_92] : memref<256x128xf32, #tpu.memory_space<vmem>>, vector<256x128xf32>
      %dot_general3A_94 = arith.constant dense<0.000000e+00> : vector<64x128xf32>
      %dot_general3A_95 = tpu.matmul %div3A_90, %get3A_93, %dot_general3A_94 {dimension_numbers = #tpu.dot_dimension_numbers<[1], [0], [0], [1], [0, 0, 1, 1], [], []>, transpose_lhs_hint = false} : vector<64x256xf32>, vector<256x128xf32>, vector<64x128xf32> -> vector<64x128xf32>
      %get3A_96 = arith.constant 0 : index
      %get3A_97 = arith.constant 0 : index
      %get3A_98 = vector.load %arg7[%get3A_96, %get3A_97] : memref<8x128xf32, #tpu.memory_space<vmem>>, vector<1x128xf32>
      %add3A_99 = vector.broadcast %get3A_98 : vector<1x128xf32> to vector<64x128xf32>
      %add3A_100 = arith.addf %dot_general3A_95, %add3A_99 : vector<64x128xf32>
      %swap3A_101 = arith.constant 0 : index
      %swap3A_102 = arith.constant 0 : index
      %swap3A_103 = vector.load %arg9[%swap3A_101, %swap3A_102] : memref<64x128xf32, #tpu.memory_space<vmem>>, vector<64x128xf32>
      tpu.vector_store %arg9[%swap3A_101, %swap3A_102], %add3A_100 {strides = array<i32>} : memref<64x128xf32, #tpu.memory_space<vmem>>, vector<64x128xf32>,
    } else {
    }
    return
  }
  func.func @transform_0(%arg0: i32) -> (i32, i32, i32) {
    %c0_i32 = arith.constant 0 : i32
    %c0_i32_0 = arith.constant 0 : i32
    %c0_i32_1 = arith.constant 0 : i32
    return %c0_i32, %arg0, %c0_i32_0 : i32, i32, i32
  }
  func.func @transform_1(%arg0: i32) -> (i32, i32, i32) {
    %c0_i32 = arith.constant 0 : i32
    %c0_i32_0 = arith.constant 0 : i32
    %c0_i32_1 = arith.constant 0 : i32
    return %c0_i32, %arg0, %c0_i32_0 : i32, i32, i32
  }
  func.func @transform_2(%arg0: i32) -> (i32, i32, i32) {
    %c0_i32 = arith.constant 0 : i32
    %c0_i32_0 = arith.constant 0 : i32
    %c0_i32_1 = arith.constant 0 : i32
    return %c0_i32, %arg0, %c0_i32_0 : i32, i32, i32
  }
  func.func @transform_3(%arg0: i32) -> (i32, i32) {
    %c0_i32 = arith.constant 0 : i32
    %c0_i32_0 = arith.constant 0 : i32
    %c0_i32_1 = arith.constant 0 : i32
    return %c0_i32, %c0_i32_0 : i32, i32
  }
  func.func @transform_4(%arg0: i32) -> (i32, i32) {
    %c0_i32 = arith.constant 0 : i32
    %c0_i32_0 = arith.constant 0 : i32
    %c0_i32_1 = arith.constant 0 : i32
    return %c0_i32, %c0_i32_0 : i32, i32
  }
  func.func @transform_5(%arg0: i32) -> (i32, i32) {
    %c0_i32 = arith.constant 0 : i32
    %c0_i32_0 = arith.constant 0 : i32
    %c0_i32_1 = arith.constant 0 : i32
    return %c0_i32, %c0_i32_0 : i32, i32
  }
  func.func @transform_6(%arg0: i32) -> (i32, i32) {
    %c0_i32 = arith.constant 0 : i32
    %c0_i32_0 = arith.constant 0 : i32
    %c0_i32_1 = arith.constant 0 : i32
    return %c0_i32, %c0_i32_0 : i32, i32
  }
  func.func @transform_7(%arg0: i32) -> (i32, i32) {
    %c0_i32 = arith.constant 0 : i32
    %c0_i32_0 = arith.constant 0 : i32
    return %arg0, %c0_i32 : i32, i32
  }
  func.func @transform_8(%arg0: i32) -> (i32, i32) {
    %c0_i32 = arith.constant 0 : i32
    %c0_i32_0 = arith.constant 0 : i32
    %c0_i32_1 = arith.constant 0 : i32
    return %c0_i32, %c0_i32_0 : i32, i32
  }
}

</mosaic_0001>

<sc_bundles>
// kernel: kernel.10.cloned.1.call-start
scs
__scs_entry_jumppad:
0x0: {  	(pc) =	sbr.rel $0x88, $3  }
0x1: {  	(tag) =	ssettag $0x0;
	lr =	simm.s32 $0x1  }
0x2: {  	[smem:$0x3F96] =	sst lr;
	_ =	strace $0xD0000000  }
0x3: {  	_ = 	snop  }
0x4: {  	_ = 	snop  }
0x5: {  	_ = 	snop  }
0x6: {  	_ = 	snop  }
0x7: {  	_ = 	snop  }
__scs_overlays_trampoline_lowered:
0x8: {  	[smem:$0x3FA5] =	sst s0  }
0x9: {  	[smem:$0x3FA6] =	sst s1  }
0xa: {  	[smem:$0x3FA7] =	sst s2  }
0xb: {  	[smem:$0x3FA8] =	sst s3  }
0xc: {  	[smem:$0x3FA9] =	sst s4  }
0xd: {  	[smem:$0x3FAA] =	sst s5  }
0xe: {  	[smem:$0x3FAB] =	sst s6  }
0xf: {  	[smem:$0x3FAC] =	sst s7  }
0x10: {  	[smem:$0x3FAD] =	sst s8  }
0x11: {  	[smem:$0x3FAE] =	sst s9;
	s0 =	simm.s32 @!p0 $0x0  }
0x12: {  	s1 =	sld [smem:$0x3F94];
	s0 =	simm.s32 @p0 $0x1  }
0x13: {  	[smem:$0x3FAF] =	sst s0;
	s0 =	simm.s32 @!p1 $0x0  }
0x14: {  	s2 =	sld [smem:$0x3F93];
	s0 =	simm.s32 @p1 $0x1  }
0x15: {  	[smem:$0x3FB0] =	sst s0;
	s0 =	simm.s32 @!p2 $0x0  }
0x16: {  	s3 =	sld [smem:$0x3FDB];
	s0 =	simm.s32 @p2 $0x1  }
0x17: {  	s4 =	simm.s32 $0x1BF5;
	[smem:$0x3FB2] =	sst s0  }
0x18: {  	s0 =	sld [smem:$0x3F95];
	_ =	swait.ge [sflag:s4], $0x0  }
0x19: {  	s7 =	sld [smem:$0x3F96]  }
0x1a: {  	s8 =	sadd.s32 $0xFFFFE003, lr  }
0x1b: {  	s9 =	sadd.s32 $0xFFFFFEF7, lr;
	s5 =	simm.s32 $0xFFFFFFFF;
	p2 =	slt.u32 s8, $0xFFFFF086  }
0x1c: {  	p1 =	slt.u32 s9, $0xF7A;
	s5 =	simm.s32 @!p2 $0x0  }
0x1d: {  	s5 =	simm.s32 @p1 $0x1;
	p0 =	seq.s32 s7, s2  }
0x1e: {  	s7 =	smul.u32 @!p0 $0xF7A, s2;
	p2 =	seq.s32 @!p0 s5, $0x0  }
0x1f: {  	s9 =	smul.u32 $0xF7A, s1;
	s8 =	simm.s32 @!p0 $0x1BF5;
	p2 =	por !p2, p0  }
0x20: {  	[sflag:s8] =	ssyncset.s32 @!p0 $0xFFFFF086;
	s6 =	sadd.s32 @!p0 s3, s7;
	s7 =	simm.s32 @!p0 $0x108  }
0x21: {  	s3 =	sadd.s32 s3, s9;
	s6 =	sadd.s32 @!p0 $0x88, s6;
	s7 =	simm.s32 @p2 $0x1082  }
0x22: {  	[simem:s7], [sflag:s8] =	dma.local @!p0 [hbm:s6], $0xF7A  }
0x23: {  	s9 =	sor.u32 $0xD0000000, s2;
	s6 =	simm.s32 $0x108;
	_ =	swait.ge @!p0 [sflag:s8], $0x0  }
0x24: {  	s3 =	sadd.s32 $0x88, s3;
	s6 =	simm.s32 @!p1 $0x1082;
	[sflag:s4] =	ssyncset.s32 $0xFFFFF086  }
0x25: {  	[simem:s6], [sflag:s4] =	dma.local [hbm:s3], $0xF7A  }
0x26: {  	[smem:$0x3F96] =	sst s1;
	(tag) =	ssettag s2;
	_ =	strace s9  }
0x27: {  	s1 =	sld [smem:$0x3FA6]  }
0x28: {  	s2 =	sld [smem:$0x3FA7]  }
0x29: {  	s4 =	sld [smem:$0x3FA9]  }
0x2a: {  	p0 =	seq.s32 s5, $0x0;
	s5 =	sld [smem:$0x3FAA]  }
0x2b: {  	s6 =	sld [smem:$0x3FAB]  }
0x2c: {  	s7 =	sld [smem:$0x3FAC]  }
0x2d: {  	s3 =	simm.s32 $0x108;
	s8 =	sld [smem:$0x3FAD]  }
0x2e: {  	s3 =	simm.s32 @!p0 $0x1082;
	s9 =	sld [smem:$0x3FAE]  }
0x2f: {  	lr =	sadd.s32 s0, s3;
	s0 =	sld [smem:$0x3FA5]  }
0x30: {  	s3 =	sld [smem:$0x3FA8]  }
0x31: {  	[smem:$0x3FB1] =	sst s10  }
0x32: {  	s10 =	sld [smem:$0x3FAF];
	_ =	sdelay $0x3  }
0x33: {  	p0 =	seq.s32 s10, $0x1;
	s10 =	sld [smem:$0x3FB1];
	_ =	sdelay $0x3  }
0x34: {  	[smem:$0x3FB1] =	sst s10  }
0x35: {  	s10 =	sld [smem:$0x3FB0];
	_ =	sdelay $0x3  }
0x36: {  	p1 =	seq.s32 s10, $0x1;
	s10 =	sld [smem:$0x3FB1];
	_ =	sdelay $0x3  }
0x37: {  	[smem:$0x3FB1] =	sst s10  }
0x38: {  	s10 =	sld [smem:$0x3FB2]  }
0x39: {  	_ = 	snop;
	(pc) =	sbr.ind lr, $3  }
0x3a: {  	_ = 	snop  }
0x3b: {  	_ = 	snop  }
0x3c: {  	p2 =	seq.s32 s10, $0x1;
	s10 =	sld [smem:$0x3FB1]  }
0x3d: {  	_ =	shalt  }
0x3e: {  	_ =	shalt  }
0x3f: {  	_ =	shalt  }
0x40: {  	_ =	shalt  }
0x41: {  	_ =	shalt  }
0x42: {  	_ =	shalt  }
0x43: {  	_ =	shalt  }
0x44: {  	_ =	shalt  }
0x45: {  	_ =	shalt  }
0x46: {  	_ =	shalt  }
0x47: {  	_ =	shalt  }
0x48: {  	_ =	shalt  }
0x49: {  	_ =	shalt  }
0x4a: {  	_ =	shalt  }
0x4b: {  	_ =	shalt  }
0x4c: {  	_ =	shalt  }
0x4d: {  	_ =	shalt  }
0x4e: {  	_ =	shalt  }
0x4f: {  	_ =	shalt  }
0x50: {  	_ =	shalt  }
0x51: {  	_ =	shalt  }
0x52: {  	_ =	shalt  }
0x53: {  	_ =	shalt  }
0x54: {  	_ =	shalt  }
0x55: {  	_ =	shalt  }
0x56: {  	_ =	shalt  }
0x57: {  	_ =	shalt  }
0x58: {  	_ =	shalt  }
0x59: {  	_ =	shalt  }
0x5a: {  	_ =	shalt  }
0x5b: {  	_ =	shalt  }
0x5c: {  	_ =	shalt  }
0x5d: {  	_ =	shalt  }
0x5e: {  	_ =	shalt  }
0x5f: {  	_ =	shalt  }
0x60: {  	_ =	shalt  }
0x61: {  	_ =	shalt  }
0x62: {  	_ =	shalt  }
0x63: {  	_ =	shalt  }
0x64: {  	_ =	shalt  }
0x65: {  	_ =	shalt  }
0x66: {  	_ =	shalt  }
0x67: {  	_ =	shalt  }
0x68: {  	_ =	shalt  }
0x69: {  	_ =	shalt  }
0x6a: {  	_ =	shalt  }
0x6b: {  	_ =	shalt  }
0x6c: {  	_ =	shalt  }
0x6d: {  	_ =	shalt  }
0x6e: {  	_ =	shalt  }
0x6f: {  	_ =	shalt  }
0x70: {  	_ =	shalt  }
0x71: {  	_ =	shalt  }
0x72: {  	_ =	shalt  }
0x73: {  	_ =	shalt  }
0x74: {  	_ =	shalt  }
0x75: {  	_ =	shalt  }
0x76: {  	_ =	shalt  }
0x77: {  	_ =	shalt  }
0x78: {  	_ =	shalt  }
0x79: {  	_ =	shalt  }
0x7a: {  	_ =	shalt  }
0x7b: {  	_ =	shalt  }
0x7c: {  	_ =	shalt  }
0x7d: {  	_ =	shalt  }
0x7e: {  	_ =	shalt  }
0x7f: {  	_ =	shalt  }
0x80: {  	_ =	shalt  }
0x81: {  	_ =	shalt  }
0x82: {  	_ =	shalt  }
0x83: {  	_ =	shalt  }
0x84: {  	_ =	shalt  }
0x85: {  	_ =	shalt  }
0x86: {  	_ =	shalt  }
0x87: {  	_ =	shalt  }
.Lfunc_end0:
.L_simem_size_0:
called_computation_lowered:
.L_overlay_start_0:
0x88: {  	s2 =	sld [smem:$0x3FD9]  }
0x89: {  	s3 =	sld [smem:$0x3FFE];
	_ =	sdelay $0x1  }
0x8a: {  	s1 =	srdreg.scid  }
0x8b: {  	s0 =	sand.u32 $0x1, s1  }
0x8c: {  	s17 =	sshll.u32 s0, $0xA;
	s2 =	sadd.s32 s3, s2  }
0x8d: {  	s2 =	sadd.s32 s2, s17  }
0x8e: {  	[smem:$0x3FBD] =	sst s2  }
0x8f: {  	_ = 	snop  }
0x90: {  	s2 =	sld [smem:$0x3FD0];
	(tm) =	ssettm $0x1  }
0x91: {  	s18 =	sld [smem:$0x3FFB];
	_ =	sdelay $0x3  }
0x92: {  	_ =	strace s18  }
0x93: {  	s3 =	sld [smem:$0x3FFC];
	_ =	sdelay $0x3  }
0x94: {  	_ =	strace s3  }
0x95: {  	s3 =	sld [smem:$0x3FFD];
	_ =	sdelay $0x3  }
0x96: {  	_ =	strace s3  }
0x97: {  	_ =	strace $0x8FFFFFFF  }
0x98: {  	s19 =	sld [smem:$0x3FDB];
	_ =	sdelay $0x1  }
0x99: {  	s4 =	simm.s32 $_scs_section_size  }
0x9a: {  	s5 =	simm.s32 $_size__tile_overlayer_lowered;
	s6 =	simm.s32 $_tile_overlayer_lowered  }
0x9b: {  	s22 =	simm.s32 $0x1BFF;
	s21 =	sshll.u32 s6, $0x1;
	s3 =	sadd.s32 s4, s19  }
0x9c: {  	s7 =	simm.s32 $0x0;
	s20 =	sshll.u32 s5, $0x1;
	s5 =	sadd.s32 s21, s3  }
0x9d: {  	[timem:s7], [sflag:s22] =	dma.local [hbm:s5], s20  }
0x9e: {  	_ =	swait.ge [sflag:s22], s20  }
0x9f: {  	s4 =	ssub.s32 $0x0, s20;
	[sflag:s22] =	ssyncset.done $0x0  }
0xa0: {  	[sflag:s22] =	ssyncadd.s32 s4;
	_ =	sdelay $0x1  }
0xa1: {  	s23 =	simm.s32 $0x1B8B  }
0xa2: {  	_ =	swait.ge [sflag:s23], $0x1  }
0xa3: {  	[sflag:s23] =	ssyncset.done $0x0  }
0xa4: {  	s25 =	simm.s32 $0x1B8E;
	s24 =	sld [smem:$0x3FFE];
	[sflag:s23] =	ssyncadd.s32 $0xFFFFFFFF  }
0xa5: {  	s26 =	simm.s32 $execute0_lowered;
	[smem:$0x3FD2] =	sst s25  }
0xa6: {  	s5 =	sshll.u32 s26, $0x1;
	_ =	strace $0x80000046;
	[dreg:$0x1] =	wrdreg $0xFFFFFFFF  }
0xa7: {  	s28 =	simm.s32 $_size_execute0_lowered;
	s3 =	sadd.s32 s3, s5;
	[dreg:$0x0] =	wrdreg $0x0  }
0xa8: {  	s5 =	sshll.u32 s28, $0x1;
	[dreg:$0x2] =	wrdreg s3  }
0xa9: {  	[dreg:$0x3] =	wrdreg s5  }
0xaa: {  	[dreg:$0x4] =	wrdreg $0xC0  }
0xab: {  	_ =	task [dreg:s7], $0x5FFFF  }
0xac: {  	[dreg:$0x1] =	wrdreg $0xFFFFFFFF  }
0xad: {  	[dreg:$0x0] =	wrdreg $0x60  }
0xae: {  	[dreg:$0x2] =	wrdreg s24  }
0xaf: {  	[dreg:$0x3] =	wrdreg s2  }
0xb0: {  	[dreg:$0x4] =	wrdreg $0x28800  }
0xb1: {  	[dreg:$0x5] =	wrdreg $0x9  }
0xb2: {  	_ =	task.clear_ibuf [dreg:s7], $0x6FFFF;
	_ =	strace $0x90000046  }
0xb3: {  	s29 =	simm.s32 $0x9;
	_ =	strace $0x80000048  }
0xb4: {  	_ =	swait.ge [sflag:s29], $0x1  }
0xb5: {  	[sflag:s29] =	ssyncadd.s32 $0xFFFFFFFF  }
0xb6: {  	_ =	strace $0x90000048  }
0xb7: {  	_ =	sfence  }
0xb8: {  	s30 =	sld [smem:$0x0];
	_ =	sdelay $0x2  }
0xb9: {  	s31 =	sshll.u32 s1, $0xD;
	s1 =	sshrl.u32 s1, $0x2  }
0xba: {  	s3 =	sand.u32 $0x4000, s31;
	s1 =	sadd.s32 s1, s30  }
0xbb: {  	s0 =	sor.u32 s3, s0;
	s1 =	sshll.u32 s1, $0x11  }
0xbc: {  	s0 =	sor.u32 s1, s0  }
0xbd: {  	s0 =	sadd.s32 $0x8F2B, s0  }
0xbe: {  	[sflag:s0] =	ssyncadd.remote.s32 $0x1  }
0xbf: {  	_ =	sfence.sel $0xFFFF  }
0xc0: {  	[dreg:$0x0] =	wrdreg $0xFFFFFFFF;
	(pc) =	sbr.abs _section_cstart, $3  }
0xc1: {  	[dreg:$0x1] =	wrdreg $0xFFFFFFFF  }
0xc2: {  	_ =	task.clear_ibuf [dreg:s7], $0x2FFFF;
	_ =	strace $0x9FFFFFFF  }
0xc3: {  	(tm) =	ssettm $0x7FFFFFFF  }
tec
execute0_lowered:
.L_overlay_start_1:
0x0: {  	(tag) =	ssettag $0x1  }
0x1: {  	s6 =	rddreg [dreg:$0x0]  }
0x2: {  	s2 =	rddreg [dreg:$0x1]  }
0x3: {  	s3 =	rddreg [dreg:$0x2]  }
0x4: {  	s0 =	srdreg.scid;
	s1 =	rddreg [dreg:$0x3];
	s4 =	simm.s32 $0x0  }
0x5: {  	s13 =	simm.s32 $0x80;
	s14 =	simm.s32 $0x20;
	s5 =	sand.u32 $0x1, s0  }
0x6: {  	s15 =	simm.s32 $0x10;
	s0 =	stileid.u32;
	s7 =	smul.u32 $0x28000, s5  }
0x7: {  	s16 =	simm.s32 $0x0;
	[smem:$0x7FF] =	sst s4;
	s8 =	smul.u32 $0x2800, s0  }
0x8: {  	s28 =	smul.u32 $0x500, s0;
	s9 =	sshll.u32 s5, $0x7;
	_ =	strace $0x80000047  }
0x9: {  	s29 =	ssub.s32 $0x2, s5;
	s10 =	smul.u32 $0xA00, s0;
	s11 =	sshll.u32 s0, $0x6  }
0xa: {  	s5 =	sadd.s32 $0xD600, s6;
	s30 =	sshrl.u32 s29, $0x1;
	s11 =	sor.u32 $0x1C01, s11  }
0xb: {  	s7 =	sadd.s32 s8, s7;
	s8 =	sor.u32 s9, s28;
	s9 =	ssub.s32 s29, s30  }
0xc: {  	s31 =	sshrl.u32 s10, $0x2;
	s10 =	simm.s32 $0x2800;
	s7 =	sshrl.u32 s7, $0x3  }
0xd: {  	s8 =	sshrl.u32 s8, $0x3;
	s12 =	sadd.s32 s31, s3;
	s7 =	sadd.s32 s7, s6  }
0xe: {  	s8 =	sadd.s32 s8, s6;
	s12 =	sshrl.u32 s12, $0x3;
	s6 =	sadd.s32 $0x3600, s7  }
0xf: {  	s7 =	sadd.s32 $0xD800, s8;
	s8 =	smax.u32 s9, $0x1;
	s9 =	simm.s32 $0x1  }
.LBB2_1:
0x10: {  	[tilespmem:s4], [sflag:$0x1] =	stream.linear.gather [hbm4b:s6+s4], $0x2800, $0x38;
	[tilespmem:$0x2B00] =	vst v63  }
0x11: {  	_ =	swait.ge [sflag:s9], $0x2800  }
0x12: {  	[sflag:s9] =	ssyncset.done $0x0  }
0x13: {  	[sflag:s9] =	ssyncadd.s32 $0xFFFFD800  }
0x14: {  	[tilespmem:s10], [sflag:$0x1] =	stream.linear.gather [hbm4b:s5+s4], $0x80, $0x38;
	[tilespmem:$0x2B00] =	vst v63  }
0x15: {  	_ =	swait.ge [sflag:s9], $0x80  }
0x16: {  	[sflag:s9] =	ssyncset.done $0x0  }
0x17: {  	[sflag:s9] =	ssyncadd.s32 $0xFFFFFF80  }
0x18: {  	[spmem:s12], [sflag:s11] =	dma.local [hbm:s2], $0x50  }
0x19: {  	_ =	swait.ge [sflag:s9], $0x50  }
0x1a: {  	[sflag:s9] =	ssyncset.done $0x0  }
0x1b: {  	[sflag:s9] =	ssyncadd.s32 $0xFFFFFFB0  }
0x1c: {  	s17 =	simm.s32 $0x0;
	[bflag:$0x0] =	sbarrier.arrive $0xFFFF  }
0x1d: {  	[spmem:s3] =	stream.indirect.scatter.add.f32 [tilespmem:s10], [sflag:$0x1], $0x1, s17, s13, $0xb8;
	[tilespmem:$0x2B00] =	vst v63  }
0x1e: {  	_ =	swait.ge [sflag:s9], $0x80  }
0x1f: {  	s17 =	simm.s32 $0x200;
	[sflag:s9] =	ssyncset.done $0x0  }
.LBB2_2:
0x20: {  	s18 =	sshra.s32 s17, $0x2;
	[sflag:s9] =	ssyncadd.s32 $0xFFFFFF80;
	p0 =	sne.s32 s17, $0x9E00  }
0x21: {  	[spmem:s3] =	stream.indirect.scatter.add.f32 [tilespmem:s10], [sflag:$0x1], $0x1, s18, s13, $0xb8;
	[tilespmem:$0x2B00] =	vst v63  }
.Ltmp0:
0x22: {  	_ = 	snop;
	(pc) =	sbr.rel @p0 .LBB2_2-.Ltmp0, $4  }
0x23: {  	_ = 	snop  }
0x24: {  	s17 =	sadd.s32 $0x200, s17  }
0x25: {  	_ =	swait.ge [sflag:s9], $0x80  }
0x26: {  	[sflag:s9] =	ssyncset.done $0x0  }
0x27: {  	s16 =	sadd.s32 $0x1, s16  }
0x28: {  	[sflag:s9] =	ssyncadd.s32 $0xFFFFFF80;
	p0 =	sne.s32 s16, s8  }
.Ltmp1:
0x29: {  	[bflag:$0x0] =	sbarrier.arrive $0xFFFF;
	(pc) =	sbr.rel @p0 .LBB2_1-.Ltmp1, $4  }
0x2a: {  	[hbm:s7@s14], [sflag:s11] =	dma.strided [spmem:s12@s15], $0x50, s9, $0x10   }
0x2b: {  	_ =	swait.ge [sflag:s9], $0x50  }
0x2c: {  	[sflag:s9] =	ssyncset.done $0x0  }
0x2d: {  	[sflag:s9] =	ssyncadd.s32 $0xFFFFFFB0  }
0x2e: {  	_ =	sfence.sel $0x180000  }
0x2f: {  	[bflag:$0x0] =	sbarrier.arrive $0xFFFF  }
0x30: {  	p0 =	sne.s32 s0, $0x0;
	_ =	strace $0x90000047  }
0x31: {  	s0 =	sadd.s32 @!p0 $0x100000, s1;
	[bflag:$0x2] =	sbarrier.arrive $0xFFFF  }
0x32: {  	[sflag:s0] =	ssyncadd.tile.s32 @!p0 $0x1;
	_ =	shalt  }
.Lfunc_end2:
_tile_overlayer_lowered:
.L_overlay_start_2:
0x33: {  	(tag) =	ssettag $0x2  }
0x34: {  	s0 =	rddreg [dreg:$0x0];
	s2 =	stileid.u32  }
0x35: {  	s1 =	rddreg [dreg:$0x1];
	p0 =	sne.s32 s2, $0x0  }
0x36: {  	s3 =	rddreg [dreg:$0x2];
	[bflag:$0x3] =	sbarrier.arrive $0xFFFF;
	s2 =	simm.s32 @!p0 $0x1C01  }
0x37: {  	[timem:s3], [sflag:s2] =	dma.local @!p0 [hbm:s0], s1  }
0x38: {  	s0 =	simm.s32 @!p0 $0x1  }
0x39: {  	_ =	swait.ge @!p0 [sflag:s0], s1  }
0x3a: {  	s1 =	ssub.s32 @!p0 $0x0, s1;
	[sflag:s0] =	ssyncset.done @!p0 $0x0  }
0x3b: {  	[sflag:s0] =	ssyncadd.s32 @!p0 s1  }
0x3c: {  	[bflag:$0x3] =	sbarrier.arrive $0xFFFF  }
0x3d: {  	_ =	shalt  }

// kernel: kernel.13.cloned.1.call-start
scs
__scs_entry_jumppad:
0x0: {  	(pc) =	sbr.rel $0x88, $3  }
0x1: {  	(tag) =	ssettag $0x0;
	lr =	simm.s32 $0x1  }
0x2: {  	[smem:$0x3F96] =	sst lr;
	_ =	strace $0xD0000000  }
0x3: {  	_ = 	snop  }
0x4: {  	_ = 	snop  }
0x5: {  	_ = 	snop  }
0x6: {  	_ = 	snop  }
0x7: {  	_ = 	snop  }
__scs_overlays_trampoline_lowered:
0x8: {  	[smem:$0x3FA5] =	sst s0  }
0x9: {  	[smem:$0x3FA6] =	sst s1  }
0xa: {  	[smem:$0x3FA7] =	sst s2  }
0xb: {  	[smem:$0x3FA8] =	sst s3  }
0xc: {  	[smem:$0x3FA9] =	sst s4  }
0xd: {  	[smem:$0x3FAA] =	sst s5  }
0xe: {  	[smem:$0x3FAB] =	sst s6  }
0xf: {  	[smem:$0x3FAC] =	sst s7  }
0x10: {  	[smem:$0x3FAD] =	sst s8  }
0x11: {  	[smem:$0x3FAE] =	sst s9;
	s0 =	simm.s32 @!p0 $0x0  }
0x12: {  	s1 =	sld [smem:$0x3F94];
	s0 =	simm.s32 @p0 $0x1  }
0x13: {  	[smem:$0x3FAF] =	sst s0;
	s0 =	simm.s32 @!p1 $0x0  }
0x14: {  	s2 =	sld [smem:$0x3F93];
	s0 =	simm.s32 @p1 $0x1  }
0x15: {  	[smem:$0x3FB0] =	sst s0;
	s0 =	simm.s32 @!p2 $0x0  }
0x16: {  	s3 =	sld [smem:$0x3FDB];
	s0 =	simm.s32 @p2 $0x1  }
0x17: {  	s4 =	simm.s32 $0x1BF5;
	[smem:$0x3FB2] =	sst s0  }
0x18: {  	s0 =	sld [smem:$0x3F95];
	_ =	swait.ge [sflag:s4], $0x0  }
0x19: {  	s7 =	sld [smem:$0x3F96]  }
0x1a: {  	s8 =	sadd.s32 $0xFFFFE003, lr  }
0x1b: {  	s9 =	sadd.s32 $0xFFFFFEF7, lr;
	s5 =	simm.s32 $0xFFFFFFFF;
	p2 =	slt.u32 s8, $0xFFFFF086  }
0x1c: {  	p1 =	slt.u32 s9, $0xF7A;
	s5 =	simm.s32 @!p2 $0x0  }
0x1d: {  	s5 =	simm.s32 @p1 $0x1;
	p0 =	seq.s32 s7, s2  }
0x1e: {  	s7 =	smul.u32 @!p0 $0xF7A, s2;
	p2 =	seq.s32 @!p0 s5, $0x0  }
0x1f: {  	s9 =	smul.u32 $0xF7A, s1;
	s8 =	simm.s32 @!p0 $0x1BF5;
	p2 =	por !p2, p0  }
0x20: {  	[sflag:s8] =	ssyncset.s32 @!p0 $0xFFFFF086;
	s6 =	sadd.s32 @!p0 s3, s7;
	s7 =	simm.s32 @!p0 $0x108  }
0x21: {  	s3 =	sadd.s32 s3, s9;
	s6 =	sadd.s32 @!p0 $0x88, s6;
	s7 =	simm.s32 @p2 $0x1082  }
0x22: {  	[simem:s7], [sflag:s8] =	dma.local @!p0 [hbm:s6], $0xF7A  }
0x23: {  	s9 =	sor.u32 $0xD0000000, s2;
	s6 =	simm.s32 $0x108;
	_ =	swait.ge @!p0 [sflag:s8], $0x0  }
0x24: {  	s3 =	sadd.s32 $0x88, s3;
	s6 =	simm.s32 @!p1 $0x1082;
	[sflag:s4] =	ssyncset.s32 $0xFFFFF086  }
0x25: {  	[simem:s6], [sflag:s4] =	dma.local [hbm:s3], $0xF7A  }
0x26: {  	[smem:$0x3F96] =	sst s1;
	(tag) =	ssettag s2;
	_ =	strace s9  }
0x27: {  	s1 =	sld [smem:$0x3FA6]  }
0x28: {  	s2 =	sld [smem:$0x3FA7]  }
0x29: {  	s4 =	sld [smem:$0x3FA9]  }
0x2a: {  	p0 =	seq.s32 s5, $0x0;
	s5 =	sld [smem:$0x3FAA]  }
0x2b: {  	s6 =	sld [smem:$0x3FAB]  }
0x2c: {  	s7 =	sld [smem:$0x3FAC]  }
0x2d: {  	s3 =	simm.s32 $0x108;
	s8 =	sld [smem:$0x3FAD]  }
0x2e: {  	s3 =	simm.s32 @!p0 $0x1082;
	s9 =	sld [smem:$0x3FAE]  }
0x2f: {  	lr =	sadd.s32 s0, s3;
	s0 =	sld [smem:$0x3FA5]  }
0x30: {  	s3 =	sld [smem:$0x3FA8]  }
0x31: {  	[smem:$0x3FB1] =	sst s10  }
0x32: {  	s10 =	sld [smem:$0x3FAF];
	_ =	sdelay $0x3  }
0x33: {  	p0 =	seq.s32 s10, $0x1;
	s10 =	sld [smem:$0x3FB1];
	_ =	sdelay $0x3  }
0x34: {  	[smem:$0x3FB1] =	sst s10  }
0x35: {  	s10 =	sld [smem:$0x3FB0];
	_ =	sdelay $0x3  }
0x36: {  	p1 =	seq.s32 s10, $0x1;
	s10 =	sld [smem:$0x3FB1];
	_ =	sdelay $0x3  }
0x37: {  	[smem:$0x3FB1] =	sst s10  }
0x38: {  	s10 =	sld [smem:$0x3FB2]  }
0x39: {  	_ = 	snop;
	(pc) =	sbr.ind lr, $3  }
0x3a: {  	_ = 	snop  }
0x3b: {  	_ = 	snop  }
0x3c: {  	p2 =	seq.s32 s10, $0x1;
	s10 =	sld [smem:$0x3FB1]  }
0x3d: {  	_ =	shalt  }
0x3e: {  	_ =	shalt  }
0x3f: {  	_ =	shalt  }
0x40: {  	_ =	shalt  }
0x41: {  	_ =	shalt  }
0x42: {  	_ =	shalt  }
0x43: {  	_ =	shalt  }
0x44: {  	_ =	shalt  }
0x45: {  	_ =	shalt  }
0x46: {  	_ =	shalt  }
0x47: {  	_ =	shalt  }
0x48: {  	_ =	shalt  }
0x49: {  	_ =	shalt  }
0x4a: {  	_ =	shalt  }
0x4b: {  	_ =	shalt  }
0x4c: {  	_ =	shalt  }
0x4d: {  	_ =	shalt  }
0x4e: {  	_ =	shalt  }
0x4f: {  	_ =	shalt  }
0x50: {  	_ =	shalt  }
0x51: {  	_ =	shalt  }
0x52: {  	_ =	shalt  }
0x53: {  	_ =	shalt  }
0x54: {  	_ =	shalt  }
0x55: {  	_ =	shalt  }
0x56: {  	_ =	shalt  }
0x57: {  	_ =	shalt  }
0x58: {  	_ =	shalt  }
0x59: {  	_ =	shalt  }
0x5a: {  	_ =	shalt  }
0x5b: {  	_ =	shalt  }
0x5c: {  	_ =	shalt  }
0x5d: {  	_ =	shalt  }
0x5e: {  	_ =	shalt  }
0x5f: {  	_ =	shalt  }
0x60: {  	_ =	shalt  }
0x61: {  	_ =	shalt  }
0x62: {  	_ =	shalt  }
0x63: {  	_ =	shalt  }
0x64: {  	_ =	shalt  }
0x65: {  	_ =	shalt  }
0x66: {  	_ =	shalt  }
0x67: {  	_ =	shalt  }
0x68: {  	_ =	shalt  }
0x69: {  	_ =	shalt  }
0x6a: {  	_ =	shalt  }
0x6b: {  	_ =	shalt  }
0x6c: {  	_ =	shalt  }
0x6d: {  	_ =	shalt  }
0x6e: {  	_ =	shalt  }
0x6f: {  	_ =	shalt  }
0x70: {  	_ =	shalt  }
0x71: {  	_ =	shalt  }
0x72: {  	_ =	shalt  }
0x73: {  	_ =	shalt  }
0x74: {  	_ =	shalt  }
0x75: {  	_ =	shalt  }
0x76: {  	_ =	shalt  }
0x77: {  	_ =	shalt  }
0x78: {  	_ =	shalt  }
0x79: {  	_ =	shalt  }
0x7a: {  	_ =	shalt  }
0x7b: {  	_ =	shalt  }
0x7c: {  	_ =	shalt  }
0x7d: {  	_ =	shalt  }
0x7e: {  	_ =	shalt  }
0x7f: {  	_ =	shalt  }
0x80: {  	_ =	shalt  }
0x81: {  	_ =	shalt  }
0x82: {  	_ =	shalt  }
0x83: {  	_ =	shalt  }
0x84: {  	_ =	shalt  }
0x85: {  	_ =	shalt  }
0x86: {  	_ =	shalt  }
0x87: {  	_ =	shalt  }
.Lfunc_end0:
.L_simem_size_0:
called_computation.1_lowered:
.L_overlay_start_0:
0x88: {  	s2 =	sld [smem:$0x3FD9]  }
0x89: {  	s3 =	sld [smem:$0x3FFE];
	_ =	sdelay $0x1  }
0x8a: {  	s1 =	srdreg.scid  }
0x8b: {  	s0 =	sand.u32 $0x1, s1  }
0x8c: {  	s16 =	sshll.u32 s0, $0xA;
	s2 =	sadd.s32 s3, s2  }
0x8d: {  	s2 =	sadd.s32 s2, s16  }
0x8e: {  	[smem:$0x3FBD] =	sst s2  }
0x8f: {  	_ = 	snop  }
0x90: {  	(tm) =	ssettm $0x1  }
0x91: {  	s17 =	sld [smem:$0x3FFB];
	_ =	sdelay $0x3  }
0x92: {  	_ =	strace s17  }
0x93: {  	s2 =	sld [smem:$0x3FFC];
	_ =	sdelay $0x3  }
0x94: {  	_ =	strace s2  }
0x95: {  	s2 =	sld [smem:$0x3FFD];
	_ =	sdelay $0x3  }
0x96: {  	_ =	strace s2  }
0x97: {  	_ =	strace $0x8FFFFFFF  }
0x98: {  	s18 =	sld [smem:$0x3FDB];
	_ =	sdelay $0x1  }
0x99: {  	s19 =	simm.s32 $_scs_section_size  }
0x9a: {  	s4 =	simm.s32 $_size__tile_overlayer_lowered;
	s5 =	simm.s32 $_tile_overlayer_lowered  }
0x9b: {  	s22 =	simm.s32 $0x1BFF;
	s21 =	sshll.u32 s5, $0x1;
	s2 =	sadd.s32 s19, s18  }
0x9c: {  	s6 =	simm.s32 $0x0;
	s20 =	sshll.u32 s4, $0x1;
	s4 =	sadd.s32 s21, s2  }
0x9d: {  	[timem:s6], [sflag:s22] =	dma.local [hbm:s4], s20  }
0x9e: {  	_ =	swait.ge [sflag:s22], s20  }
0x9f: {  	s3 =	ssub.s32 $0x0, s20;
	[sflag:s22] =	ssyncset.done $0x0  }
0xa0: {  	[sflag:s22] =	ssyncadd.s32 s3;
	_ =	sdelay $0x1  }
0xa1: {  	s23 =	simm.s32 $0x1B8B  }
0xa2: {  	_ =	swait.ge [sflag:s23], $0x1  }
0xa3: {  	[sflag:s23] =	ssyncset.done $0x0  }
0xa4: {  	s25 =	simm.s32 $0x1B8E;
	s24 =	sld [smem:$0x3FFE];
	[sflag:s23] =	ssyncadd.s32 $0xFFFFFFFF  }
0xa5: {  	s26 =	simm.s32 $execute0_lowered;
	[smem:$0x3FD2] =	sst s25  }
0xa6: {  	s4 =	sshll.u32 s26, $0x1;
	_ =	strace $0x80000049;
	[dreg:$0x1] =	wrdreg $0xFFFFFFFF  }
0xa7: {  	s28 =	simm.s32 $_size_execute0_lowered;
	s2 =	sadd.s32 s2, s4;
	[dreg:$0x0] =	wrdreg $0x0  }
0xa8: {  	s4 =	sshll.u32 s28, $0x1;
	[dreg:$0x2] =	wrdreg s2  }
0xa9: {  	[dreg:$0x3] =	wrdreg s4  }
0xaa: {  	[dreg:$0x4] =	wrdreg $0xC0  }
0xab: {  	_ =	task [dreg:s6], $0x5FFFF  }
0xac: {  	[dreg:$0x1] =	wrdreg $0xFFFFFFFF  }
0xad: {  	[dreg:$0x0] =	wrdreg $0x60  }
0xae: {  	[dreg:$0x2] =	wrdreg s24  }
0xaf: {  	[dreg:$0x3] =	wrdreg $0x90000  }
0xb0: {  	[dreg:$0x4] =	wrdreg $0x9  }
0xb1: {  	_ =	task.clear_ibuf [dreg:s6], $0x5FFFF;
	_ =	strace $0x90000049  }
0xb2: {  	s29 =	simm.s32 $0x9;
	_ =	strace $0x8000004B  }
0xb3: {  	_ =	swait.ge [sflag:s29], $0x1  }
0xb4: {  	[sflag:s29] =	ssyncadd.s32 $0xFFFFFFFF  }
0xb5: {  	_ =	strace $0x9000004B  }
0xb6: {  	_ =	sfence  }
0xb7: {  	s30 =	sld [smem:$0x0];
	_ =	sdelay $0x2  }
0xb8: {  	s31 =	sshll.u32 s1, $0xD;
	s1 =	sshrl.u32 s1, $0x2  }
0xb9: {  	s3 =	sand.u32 $0x4000, s31;
	s1 =	sadd.s32 s1, s30  }
0xba: {  	s0 =	sor.u32 s3, s0;
	s1 =	sshll.u32 s1, $0x11  }
0xbb: {  	s0 =	sor.u32 s1, s0  }
0xbc: {  	s0 =	sadd.s32 $0x8F2B, s0  }
0xbd: {  	[sflag:s0] =	ssyncadd.remote.s32 $0x1  }
0xbe: {  	_ =	sfence.sel $0xFFFF  }
0xbf: {  	[dreg:$0x0] =	wrdreg $0xFFFFFFFF;
	(pc) =	sbr.abs _section_cstart, $3  }
0xc0: {  	[dreg:$0x1] =	wrdreg $0xFFFFFFFF  }
0xc1: {  	_ =	task.clear_ibuf [dreg:s6], $0x2FFFF;
	_ =	strace $0x9FFFFFFF  }
0xc2: {  	(tm) =	ssettm $0x7FFFFFFF  }
0xc3: {  	_ =	shalt  }
tec
execute0_lowered:
.L_overlay_start_1:
0x0: {  	(tag) =	ssettag $0x1  }
0x1: {  	s0 =	srdreg.scid  }
0x2: {  	s1 =	rddreg [dreg:$0x0];
	s9 =	stileid.u32  }
0x3: {  	s2 =	rddreg [dreg:$0x1];
	s3 =	simm.s32 $0x0;
	s12 =	simm.s32 $0x100  }
0x4: {  	s14 =	simm.s32 $0x880;
	s15 =	simm.s32 $0x180;
	s16 =	simm.s32 $0x900  }
0x5: {  	s17 =	simm.s32 $0x200;
	[smem:$0x7FF] =	sst s3;
	s8 =	sadd.s32 $0x90200, s1  }
0x6: {  	s18 =	simm.s32 $0x980;
	_ =	strace $0x8000004A;
	[dreg:$0x13] =	wrdreg s8  }
0x7: {  	s19 =	simm.s32 $0x280;
	s20 =	simm.s32 $0xA00;
	[dreg:$0x5] =	wrdreg s12  }
0x8: {  	s21 =	simm.s32 $0x300;
	s22 =	simm.s32 $0xA80;
	[dreg:$0x6] =	wrdreg s14  }
0x9: {  	s23 =	simm.s32 $0x380;
	s28 =	simm.s32 $0x680;
	[dreg:$0x7] =	wrdreg s15  }
0xa: {  	s29 =	simm.s32 $0xE00;
	s30 =	simm.s32 $0x700;
	[dreg:$0x8] =	wrdreg s16  }
0xb: {  	s31 =	simm.s32 $0xE80;
	s5 =	smul.u32 $0x2800, s9;
	[dreg:$0x9] =	wrdreg s17  }
0xc: {  	s0 =	sand.u32 $0x1, s0;
	s7 =	smul.u32 $0x14000, s9;
	[dreg:$0xa] =	wrdreg s18  }
0xd: {  	s26 =	smul.u32 $0x50000, s9;
	s13 =	sshll.u32 s9, $0x6;
	[dreg:$0xb] =	wrdreg s19  }
0xe: {  	s9 =	simm.s32 $0x0;
	s4 =	smul.u32 $0x28000, s0;
	[dreg:$0xc] =	wrdreg s20  }
0xf: {  	s24 =	smul.u32 $0x140000, s0;
	s0 =	ssub.s32 $0x2, s0;
	[dreg:$0xd] =	wrdreg s21  }
0x10: {  	s12 =	simm.s32 $0x80;
	s14 =	simm.s32 $0x5000;
	[dreg:$0xe] =	wrdreg s22  }
0x11: {  	s15 =	simm.s32 $0x1;
	[dreg:$0xf] =	wrdreg s23;
	s16 =	simm.s32 $0x3  }
0x12: {  	s17 =	simm.s32 $0x2;
	s18 =	simm.s32 $0x4;
	s19 =	simm.s32 $0x480  }
0x13: {  	s20 =	simm.s32 $0xC00;
	s21 =	simm.s32 $0x500;
	s22 =	simm.s32 $0xC80  }
0x14: {  	s23 =	simm.s32 $0x580;
	s25 =	sshrl.u32 s0, $0x1;
	s8 =	sshrl.u32 s26, $0x2  }
0x15: {  	s26 =	simm.s32 $0xB80;
	s4 =	sadd.s32 s5, s4;
	s5 =	sadd.s32 s7, s24  }
0x16: {  	s0 =	ssub.s32 s0, s25;
	s11 =	sadd.s32 s8, s2;
	s24 =	simm.s32 $0xB00  }
0x17: {  	s25 =	simm.s32 $0x400;
	[dreg:$0x12] =	wrdreg s26;
	s26 =	simm.s32 $0xD80  }
0x18: {  	s6 =	sshrl.u32 s4, $0x3;
	s4 =	sadd.s32 $0x68200, s1;
	s5 =	sshrl.u32 s5, $0x3  }
0x19: {  	s0 =	smax.u32 s0, $0x1;
	s8 =	sshrl.u32 s11, $0x3;
	[dreg:$0x10] =	wrdreg s24  }
0x1a: {  	s11 =	simm.s32 $0x800;
	[dreg:$0x11] =	wrdreg s25;
	s24 =	simm.s32 $0xD00  }
0x1b: {  	s25 =	simm.s32 $0x600;
	s6 =	sadd.s32 s6, s1;
	[dreg:$0x16] =	wrdreg s0  }
0x1c: {  	s1 =	sadd.s32 s5, s1;
	[dreg:$0x17] =	wrdreg s8;
	s7 =	sadd.s32 $0x3600, s6  }
0x1d: {  	s0 =	simm.s32 $0xF00;
	s10 =	sadd.s32 $0xE200, s6;
	[dreg:$0x3] =	wrdreg s7  }
0x1e: {  	s5 =	simm.s32 $0xF80;
	s1 =	sadd.s32 $0x92A00, s1;
	[dreg:$0x4] =	wrdreg s10  }
0x1f: {  	s7 =	sor.u32 $0x1C05, s13;
	[dreg:$0x15] =	wrdreg s1;
	s10 =	simm.s32 $0x5  }
0x20: {  	s13 =	simm.s32 $0x1000;
	s1 =	simm.s32 $0x780;
	[dreg:$0x14] =	wrdreg s7  }
.LBB2_1:
0x21: {  	[dreg:$0x18] =	wrdreg s9  }
0x22: {  	s6 =	rddreg [dreg:$0x13]  }
0x23: {  	[spmem:s8], [sflag:s7] =	dma.local [hbm:s6], $0x2800  }
0x24: {  	_ =	swait.ge [sflag:s10], $0x2800  }
0x25: {  	[sflag:s10] =	ssyncset.done $0x0  }
0x26: {  	[sflag:s10] =	ssyncadd.s32 $0xFFFFD800  }
0x27: {  	[bflag:$0x0] =	sbarrier.arrive $0xFFFF  }
0x28: {  	s9 =	rddreg [dreg:$0x4]  }
0x29: {  	s6 =	sadd.s32 $0x0, s9  }
0x2a: {  	[tilespmem:s3], [sflag:$0x5] =	stream.linear.gather [hbm4b:s6+s3], $0x800, $0x38;
	[tilespmem:$0x1D000] =	vst v63  }
0x2b: {  	_ =	swait.ge [sflag:s10], $0x800  }
0x2c: {  	s7 =	rddreg [dreg:$0x3];
	[sflag:s10] =	ssyncset.done $0x0  }
0x2d: {  	[sflag:s10] =	ssyncadd.s32 $0xFFFFF800;
	s6 =	sadd.s32 $0x0, s7  }
0x2e: {  	[tilespmem:s11], [sflag:$0x5] =	stream.linear.gather [hbm4b:s6+s3], $0x800, $0x38;
	[tilespmem:$0x1D000] =	vst v63  }
0x2f: {  	_ =	swait.ge [sflag:s10], $0x800  }
0x30: {  	[sflag:s10] =	ssyncset.done $0x0  }
0x31: {  	[sflag:s10] =	ssyncadd.s32 $0xFFFFF800  }
0x32: {  	[tilespmem:s13], [sflag:$0x1] =	stream.indirect.gather [hbm4b:s4+s12], $0x80, s3, s12, $0xb8;
	[tilespmem:$0x1D000] =	vst v63  }
0x33: {  	_ = 	snop  }
0x34: {  	[tilespmem:s14], [sflag:$0x2] =	stream.indirect.gather [hbm4b:s4+s12], $0x80, s12, s12, $0xb8;
	[tilespmem:$0x1D000] =	vst v63  }
0x35: {  	_ =	swait.ge [sflag:s15], $0x4000  }
0x36: {  	[sflag:s15] =	ssyncset.done $0x0  }
0x37: {  	[sflag:s15] =	ssyncadd.s32 $0xFFFFC000  }
0x38: {  	[spmem:s2] =	stream.indirect.scatter.add.f32 [tilespmem:s13], [sflag:$0x3], $0x80, s11, s12, $0xb8;
	[tilespmem:$0x1D000] =	vst v63  }
0x39: {  	_ =	swait.ge [sflag:s16], $0x4000  }
0x3a: {  	[sflag:s16] =	ssyncset.done $0x0  }
0x3b: {  	s8 =	rddreg [dreg:$0x5];
	[sflag:s16] =	ssyncadd.s32 $0xFFFFC000  }
0x3c: {  	[tilespmem:s13], [sflag:$0x1] =	stream.indirect.gather [hbm4b:s4+s12], $0x80, s8, s12, $0xb8;
	[tilespmem:$0x1D000] =	vst v63  }
0x3d: {  	_ =	swait.ge [sflag:s17], $0x4000  }
0x3e: {  	[sflag:s17] =	ssyncset.done $0x0  }
0x3f: {  	s9 =	rddreg [dreg:$0x6];
	[sflag:s17] =	ssyncadd.s32 $0xFFFFC000  }
0x40: {  	[spmem:s2] =	stream.indirect.scatter.add.f32 [tilespmem:s14], [sflag:$0x4], $0x80, s9, s12, $0xb8;
	[tilespmem:$0x1D000] =	vst v63  }
0x41: {  	_ =	swait.ge [sflag:s18], $0x4000  }
0x42: {  	[sflag:s18] =	ssyncset.done $0x0  }
0x43: {  	s7 =	rddreg [dreg:$0x7];
	[sflag:s18] =	ssyncadd.s32 $0xFFFFC000  }
0x44: {  	[tilespmem:s14], [sflag:$0x2] =	stream.indirect.gather [hbm4b:s4+s12], $0x80, s7, s12, $0xb8;
	[tilespmem:$0x1D000] =	vst v63  }
0x45: {  	_ =	swait.ge [sflag:s15], $0x4000  }
0x46: {  	[sflag:s15] =	ssyncset.done $0x0  }
0x47: {  	s8 =	rddreg [dreg:$0x8];
	[sflag:s15] =	ssyncadd.s32 $0xFFFFC000  }
0x48: {  	[spmem:s2] =	stream.indirect.scatter.add.f32 [tilespmem:s13], [sflag:$0x3], $0x80, s8, s12, $0xb8;
	[tilespmem:$0x1D000] =	vst v63  }
0x49: {  	_ =	swait.ge [sflag:s16], $0x4000  }
0x4a: {  	[sflag:s16] =	ssyncset.done $0x0  }
0x4b: {  	s9 =	rddreg [dreg:$0x9];
	[sflag:s16] =	ssyncadd.s32 $0xFFFFC000  }
0x4c: {  	[tilespmem:s13], [sflag:$0x1] =	stream.indirect.gather [hbm4b:s4+s12], $0x80, s9, s12, $0xb8;
	[tilespmem:$0x1D000] =	vst v63  }
0x4d: {  	_ =	swait.ge [sflag:s17], $0x4000  }
0x4e: {  	[sflag:s17] =	ssyncset.done $0x0  }
0x4f: {  	s7 =	rddreg [dreg:$0xa];
	[sflag:s17] =	ssyncadd.s32 $0xFFFFC000  }
0x50: {  	[spmem:s2] =	stream.indirect.scatter.add.f32 [tilespmem:s14], [sflag:$0x4], $0x80, s7, s12, $0xb8;
	[tilespmem:$0x1D000] =	vst v63  }
0x51: {  	_ =	swait.ge [sflag:s18], $0x4000  }
0x52: {  	[sflag:s18] =	ssyncset.done $0x0  }
0x53: {  	s8 =	rddreg [dreg:$0xb];
	[sflag:s18] =	ssyncadd.s32 $0xFFFFC000  }
0x54: {  	[tilespmem:s14], [sflag:$0x2] =	stream.indirect.gather [hbm4b:s4+s12], $0x80, s8, s12, $0xb8;
	[tilespmem:$0x1D000] =	vst v63  }
0x55: {  	_ =	swait.ge [sflag:s15], $0x4000  }
0x56: {  	[sflag:s15] =	ssyncset.done $0x0  }
0x57: {  	s9 =	rddreg [dreg:$0xc];
	[sflag:s15] =	ssyncadd.s32 $0xFFFFC000  }
0x58: {  	[spmem:s2] =	stream.indirect.scatter.add.f32 [tilespmem:s13], [sflag:$0x3], $0x80, s9, s12, $0xb8;
	[tilespmem:$0x1D000] =	vst v63  }
0x59: {  	_ =	swait.ge [sflag:s16], $0x4000  }
0x5a: {  	[sflag:s16] =	ssyncset.done $0x0  }
0x5b: {  	s7 =	rddreg [dreg:$0xd];
	[sflag:s16] =	ssyncadd.s32 $0xFFFFC000  }
0x5c: {  	[tilespmem:s13], [sflag:$0x1] =	stream.indirect.gather [hbm4b:s4+s12], $0x80, s7, s12, $0xb8;
	[tilespmem:$0x1D000] =	vst v63  }
0x5d: {  	_ =	swait.ge [sflag:s17], $0x4000  }
0x5e: {  	[sflag:s17] =	ssyncset.done $0x0  }
0x5f: {  	s8 =	rddreg [dreg:$0xe];
	[sflag:s17] =	ssyncadd.s32 $0xFFFFC000  }
0x60: {  	[spmem:s2] =	stream.indirect.scatter.add.f32 [tilespmem:s14], [sflag:$0x4], $0x80, s8, s12, $0xb8;
	[tilespmem:$0x1D000] =	vst v63  }
0x61: {  	_ =	swait.ge [sflag:s18], $0x4000  }
0x62: {  	[sflag:s18] =	ssyncset.done $0x0  }
0x63: {  	s9 =	rddreg [dreg:$0xf];
	[sflag:s18] =	ssyncadd.s32 $0xFFFFC000  }
0x64: {  	[tilespmem:s14], [sflag:$0x2] =	stream.indirect.gather [hbm4b:s4+s12], $0x80, s9, s12, $0xb8;
	[tilespmem:$0x1D000] =	vst v63  }
0x65: {  	_ =	swait.ge [sflag:s15], $0x4000  }
0x66: {  	[sflag:s15] =	ssyncset.done $0x0  }
0x67: {  	s7 =	rddreg [dreg:$0x10];
	[sflag:s15] =	ssyncadd.s32 $0xFFFFC000  }
0x68: {  	[spmem:s2] =	stream.indirect.scatter.add.f32 [tilespmem:s13], [sflag:$0x3], $0x80, s7, s12, $0xb8;
	[tilespmem:$0x1D000] =	vst v63  }
0x69: {  	_ =	swait.ge [sflag:s16], $0x4000  }
0x6a: {  	[sflag:s16] =	ssyncset.done $0x0  }
0x6b: {  	s8 =	rddreg [dreg:$0x11];
	[sflag:s16] =	ssyncadd.s32 $0xFFFFC000  }
0x6c: {  	[tilespmem:s13], [sflag:$0x1] =	stream.indirect.gather [hbm4b:s4+s12], $0x80, s8, s12, $0xb8;
	[tilespmem:$0x1D000] =	vst v63  }
0x6d: {  	_ =	swait.ge [sflag:s17], $0x4000  }
0x6e: {  	[sflag:s17] =	ssyncset.done $0x0  }
0x6f: {  	s9 =	rddreg [dreg:$0x12];
	[sflag:s17] =	ssyncadd.s32 $0xFFFFC000  }
0x70: {  	[spmem:s2] =	stream.indirect.scatter.add.f32 [tilespmem:s14], [sflag:$0x4], $0x80, s9, s12, $0xb8;
	[tilespmem:$0x1D000] =	vst v63  }
0x71: {  	_ =	swait.ge [sflag:s18], $0x4000  }
0x72: {  	[sflag:s18] =	ssyncset.done $0x0  }
0x73: {  	[sflag:s18] =	ssyncadd.s32 $0xFFFFC000  }
0x74: {  	[tilespmem:s14], [sflag:$0x2] =	stream.indirect.gather [hbm4b:s4+s12], $0x80, s19, s12, $0xb8;
	[tilespmem:$0x1D000] =	vst v63  }
0x75: {  	_ =	swait.ge [sflag:s15], $0x4000  }
0x76: {  	[sflag:s15] =	ssyncset.done $0x0  }
0x77: {  	[sflag:s15] =	ssyncadd.s32 $0xFFFFC000  }
0x78: {  	[spmem:s2] =	stream.indirect.scatter.add.f32 [tilespmem:s13], [sflag:$0x3], $0x80, s20, s12, $0xb8;
	[tilespmem:$0x1D000] =	vst v63  }
0x79: {  	_ =	swait.ge [sflag:s16], $0x4000  }
0x7a: {  	[sflag:s16] =	ssyncset.done $0x0  }
0x7b: {  	[sflag:s16] =	ssyncadd.s32 $0xFFFFC000  }
0x7c: {  	[tilespmem:s13], [sflag:$0x1] =	stream.indirect.gather [hbm4b:s4+s12], $0x80, s21, s12, $0xb8;
	[tilespmem:$0x1D000] =	vst v63  }
0x7d: {  	_ =	swait.ge [sflag:s17], $0x4000  }
0x7e: {  	[sflag:s17] =	ssyncset.done $0x0  }
0x7f: {  	[sflag:s17] =	ssyncadd.s32 $0xFFFFC000  }
0x80: {  	[spmem:s2] =	stream.indirect.scatter.add.f32 [tilespmem:s14], [sflag:$0x4], $0x80, s22, s12, $0xb8;
	[tilespmem:$0x1D000] =	vst v63  }
0x81: {  	_ =	swait.ge [sflag:s18], $0x4000  }
0x82: {  	[sflag:s18] =	ssyncset.done $0x0  }
0x83: {  	[sflag:s18] =	ssyncadd.s32 $0xFFFFC000  }
0x84: {  	[tilespmem:s14], [sflag:$0x2] =	stream.indirect.gather [hbm4b:s4+s12], $0x80, s23, s12, $0xb8;
	[tilespmem:$0x1D000] =	vst v63  }
0x85: {  	_ =	swait.ge [sflag:s15], $0x4000  }
0x86: {  	[sflag:s15] =	ssyncset.done $0x0  }
0x87: {  	[sflag:s15] =	ssyncadd.s32 $0xFFFFC000  }
0x88: {  	[spmem:s2] =	stream.indirect.scatter.add.f32 [tilespmem:s13], [sflag:$0x3], $0x80, s24, s12, $0xb8;
	[tilespmem:$0x1D000] =	vst v63  }
0x89: {  	_ =	swait.ge [sflag:s16], $0x4000  }
0x8a: {  	[sflag:s16] =	ssyncset.done $0x0  }
0x8b: {  	[sflag:s16] =	ssyncadd.s32 $0xFFFFC000  }
0x8c: {  	[tilespmem:s13], [sflag:$0x1] =	stream.indirect.gather [hbm4b:s4+s12], $0x80, s25, s12, $0xb8;
	[tilespmem:$0x1D000] =	vst v63  }
0x8d: {  	_ =	swait.ge [sflag:s17], $0x4000  }
0x8e: {  	[sflag:s17] =	ssyncset.done $0x0  }
0x8f: {  	[sflag:s17] =	ssyncadd.s32 $0xFFFFC000  }
0x90: {  	[spmem:s2] =	stream.indirect.scatter.add.f32 [tilespmem:s14], [sflag:$0x4], $0x80, s26, s12, $0xb8;
	[tilespmem:$0x1D000] =	vst v63  }
0x91: {  	_ =	swait.ge [sflag:s18], $0x4000  }
0x92: {  	[sflag:s18] =	ssyncset.done $0x0  }
0x93: {  	[sflag:s18] =	ssyncadd.s32 $0xFFFFC000  }
0x94: {  	[tilespmem:s14], [sflag:$0x2] =	stream.indirect.gather [hbm4b:s4+s12], $0x80, s28, s12, $0xb8;
	[tilespmem:$0x1D000] =	vst v63  }
0x95: {  	_ =	swait.ge [sflag:s15], $0x4000  }
0x96: {  	[sflag:s15] =	ssyncset.done $0x0  }
0x97: {  	[sflag:s15] =	ssyncadd.s32 $0xFFFFC000  }
0x98: {  	[spmem:s2] =	stream.indirect.scatter.add.f32 [tilespmem:s13], [sflag:$0x3], $0x80, s29, s12, $0xb8;
	[tilespmem:$0x1D000] =	vst v63  }
0x99: {  	_ =	swait.ge [sflag:s16], $0x4000  }
0x9a: {  	[sflag:s16] =	ssyncset.done $0x0  }
0x9b: {  	[sflag:s16] =	ssyncadd.s32 $0xFFFFC000  }
0x9c: {  	[tilespmem:s13], [sflag:$0x1] =	stream.indirect.gather [hbm4b:s4+s12], $0x80, s30, s12, $0xb8;
	[tilespmem:$0x1D000] =	vst v63  }
0x9d: {  	_ =	swait.ge [sflag:s17], $0x4000  }
0x9e: {  	[sflag:s17] =	ssyncset.done $0x0  }
0x9f: {  	[sflag:s17] =	ssyncadd.s32 $0xFFFFC000  }
0xa0: {  	[spmem:s2] =	stream.indirect.scatter.add.f32 [tilespmem:s14], [sflag:$0x4], $0x80, s31, s12, $0xb8;
	[tilespmem:$0x1D000] =	vst v63  }
0xa1: {  	_ =	swait.ge [sflag:s18], $0x4000  }
0xa2: {  	[sflag:s18] =	ssyncset.done $0x0  }
0xa3: {  	[sflag:s18] =	ssyncadd.s32 $0xFFFFC000  }
0xa4: {  	[tilespmem:s14], [sflag:$0x2] =	stream.indirect.gather [hbm4b:s4+s12], $0x80, s1, s12, $0xb8;
	[tilespmem:$0x1D000] =	vst v63  }
0xa5: {  	_ =	swait.ge [sflag:s15], $0x4000  }
0xa6: {  	[sflag:s15] =	ssyncset.done $0x0  }
0xa7: {  	[sflag:s15] =	ssyncadd.s32 $0xFFFFC000  }
0xa8: {  	[spmem:s2] =	stream.indirect.scatter.add.f32 [tilespmem:s13], [sflag:$0x3], $0x80, s0, s12, $0xb8;
	[tilespmem:$0x1D000] =	vst v63  }
0xa9: {  	_ =	swait.ge [sflag:s17], $0x4000  }
0xaa: {  	[sflag:s17] =	ssyncset.done $0x0  }
0xab: {  	[sflag:s17] =	ssyncadd.s32 $0xFFFFC000  }
0xac: {  	[spmem:s2] =	stream.indirect.scatter.add.f32 [tilespmem:s14], [sflag:$0x4], $0x80, s5, s12, $0xb8;
	[tilespmem:$0x1D000] =	vst v63  }
0xad: {  	_ =	swait.ge [sflag:s16], $0x4000  }
0xae: {  	[sflag:s16] =	ssyncset.done $0x0  }
0xaf: {  	[sflag:s16] =	ssyncadd.s32 $0xFFFFC000  }
0xb0: {  	s6 =	simm.s32 $0x200;
	_ =	swait.ge [sflag:s18], $0x4000  }
0xb1: {  	s8 =	simm.s32 $0x100;
	s9 =	rddreg [dreg:$0x4];
	[sflag:s18] =	ssyncset.done $0x0  }
.LBB2_2:
0xb2: {  	[sflag:s18] =	ssyncadd.s32 $0xFFFFC000;
	s9 =	sadd.s32 s8, s9  }
0xb3: {  	[tilespmem:s3], [sflag:$0x5] =	stream.linear.gather [hbm4b:s9+s3], $0x800, $0x38;
	[tilespmem:$0x1D000] =	vst v63  }
0xb4: {  	_ =	swait.ge [sflag:s10], $0x800  }
0xb5: {  	s9 =	rddreg [dreg:$0x3];
	[sflag:s10] =	ssyncset.done $0x0  }
0xb6: {  	[sflag:s10] =	ssyncadd.s32 $0xFFFFF800;
	s9 =	sadd.s32 s8, s9  }
0xb7: {  	[tilespmem:s11], [sflag:$0x5] =	stream.linear.gather [hbm4b:s9+s3], $0x800, $0x38;
	[tilespmem:$0x1D000] =	vst v63  }
0xb8: {  	_ =	swait.ge [sflag:s10], $0x800  }
0xb9: {  	[sflag:s10] =	ssyncset.done $0x0  }
0xba: {  	[sflag:s10] =	ssyncadd.s32 $0xFFFFF800  }
0xbb: {  	[tilespmem:s13], [sflag:$0x1] =	stream.indirect.gather [hbm4b:s4+s12], $0x80, s3, s12, $0xb8;
	[tilespmem:$0x1D000] =	vst v63  }
0xbc: {  	_ = 	snop  }
0xbd: {  	[tilespmem:s14], [sflag:$0x2] =	stream.indirect.gather [hbm4b:s4+s12], $0x80, s12, s12, $0xb8;
	[tilespmem:$0x1D000] =	vst v63  }
0xbe: {  	_ =	swait.ge [sflag:s15], $0x4000  }
0xbf: {  	[sflag:s15] =	ssyncset.done $0x0  }
0xc0: {  	[sflag:s15] =	ssyncadd.s32 $0xFFFFC000  }
0xc1: {  	[spmem:s2] =	stream.indirect.scatter.add.f32 [tilespmem:s13], [sflag:$0x3], $0x80, s11, s12, $0xb8;
	[tilespmem:$0x1D000] =	vst v63  }
0xc2: {  	_ =	swait.ge [sflag:s16], $0x4000  }
0xc3: {  	[sflag:s16] =	ssyncset.done $0x0  }
0xc4: {  	s9 =	rddreg [dreg:$0x5];
	[sflag:s16] =	ssyncadd.s32 $0xFFFFC000  }
0xc5: {  	[tilespmem:s13], [sflag:$0x1] =	stream.indirect.gather [hbm4b:s4+s12], $0x80, s9, s12, $0xb8;
	[tilespmem:$0x1D000] =	vst v63  }
0xc6: {  	_ =	swait.ge [sflag:s17], $0x4000  }
0xc7: {  	[sflag:s17] =	ssyncset.done $0x0  }
0xc8: {  	s9 =	rddreg [dreg:$0x6];
	[sflag:s17] =	ssyncadd.s32 $0xFFFFC000  }
0xc9: {  	[spmem:s2] =	stream.indirect.scatter.add.f32 [tilespmem:s14], [sflag:$0x4], $0x80, s9, s12, $0xb8;
	[tilespmem:$0x1D000] =	vst v63  }
0xca: {  	_ =	swait.ge [sflag:s18], $0x4000  }
0xcb: {  	[sflag:s18] =	ssyncset.done $0x0  }
0xcc: {  	s9 =	rddreg [dreg:$0x7];
	[sflag:s18] =	ssyncadd.s32 $0xFFFFC000  }
0xcd: {  	[tilespmem:s14], [sflag:$0x2] =	stream.indirect.gather [hbm4b:s4+s12], $0x80, s9, s12, $0xb8;
	[tilespmem:$0x1D000] =	vst v63  }
0xce: {  	_ =	swait.ge [sflag:s15], $0x4000  }
0xcf: {  	[sflag:s15] =	ssyncset.done $0x0  }
0xd0: {  	s9 =	rddreg [dreg:$0x8];
	[sflag:s15] =	ssyncadd.s32 $0xFFFFC000  }
0xd1: {  	[spmem:s2] =	stream.indirect.scatter.add.f32 [tilespmem:s13], [sflag:$0x3], $0x80, s9, s12, $0xb8;
	[tilespmem:$0x1D000] =	vst v63  }
0xd2: {  	_ =	swait.ge [sflag:s16], $0x4000  }
0xd3: {  	[sflag:s16] =	ssyncset.done $0x0  }
0xd4: {  	s9 =	rddreg [dreg:$0x9];
	[sflag:s16] =	ssyncadd.s32 $0xFFFFC000  }
0xd5: {  	[tilespmem:s13], [sflag:$0x1] =	stream.indirect.gather [hbm4b:s4+s12], $0x80, s9, s12, $0xb8;
	[tilespmem:$0x1D000] =	vst v63  }
0xd6: {  	_ =	swait.ge [sflag:s17], $0x4000  }
0xd7: {  	[sflag:s17] =	ssyncset.done $0x0  }
0xd8: {  	s9 =	rddreg [dreg:$0xa];
	[sflag:s17] =	ssyncadd.s32 $0xFFFFC000  }
0xd9: {  	[spmem:s2] =	stream.indirect.scatter.add.f32 [tilespmem:s14], [sflag:$0x4], $0x80, s9, s12, $0xb8;
	[tilespmem:$0x1D000] =	vst v63  }
0xda: {  	_ =	swait.ge [sflag:s18], $0x4000  }
0xdb: {  	[sflag:s18] =	ssyncset.done $0x0  }
0xdc: {  	s9 =	rddreg [dreg:$0xb];
	[sflag:s18] =	ssyncadd.s32 $0xFFFFC000  }
0xdd: {  	[tilespmem:s14], [sflag:$0x2] =	stream.indirect.gather [hbm4b:s4+s12], $0x80, s9, s12, $0xb8;
	[tilespmem:$0x1D000] =	vst v63  }
0xde: {  	_ =	swait.ge [sflag:s15], $0x4000  }
0xdf: {  	[sflag:s15] =	ssyncset.done $0x0  }
0xe0: {  	s9 =	rddreg [dreg:$0xc];
	[sflag:s15] =	ssyncadd.s32 $0xFFFFC000  }
0xe1: {  	[spmem:s2] =	stream.indirect.scatter.add.f32 [tilespmem:s13], [sflag:$0x3], $0x80, s9, s12, $0xb8;
	[tilespmem:$0x1D000] =	vst v63  }
0xe2: {  	_ =	swait.ge [sflag:s16], $0x4000  }
0xe3: {  	[sflag:s16] =	ssyncset.done $0x0  }
0xe4: {  	s9 =	rddreg [dreg:$0xd];
	[sflag:s16] =	ssyncadd.s32 $0xFFFFC000  }
0xe5: {  	[tilespmem:s13], [sflag:$0x1] =	stream.indirect.gather [hbm4b:s4+s12], $0x80, s9, s12, $0xb8;
	[tilespmem:$0x1D000] =	vst v63  }
0xe6: {  	_ =	swait.ge [sflag:s17], $0x4000  }
0xe7: {  	[sflag:s17] =	ssyncset.done $0x0  }
0xe8: {  	s9 =	rddreg [dreg:$0xe];
	[sflag:s17] =	ssyncadd.s32 $0xFFFFC000  }
0xe9: {  	[spmem:s2] =	stream.indirect.scatter.add.f32 [tilespmem:s14], [sflag:$0x4], $0x80, s9, s12, $0xb8;
	[tilespmem:$0x1D000] =	vst v63  }
0xea: {  	_ =	swait.ge [sflag:s18], $0x4000  }
0xeb: {  	[sflag:s18] =	ssyncset.done $0x0  }
0xec: {  	s9 =	rddreg [dreg:$0xf];
	[sflag:s18] =	ssyncadd.s32 $0xFFFFC000  }
0xed: {  	[tilespmem:s14], [sflag:$0x2] =	stream.indirect.gather [hbm4b:s4+s12], $0x80, s9, s12, $0xb8;
	[tilespmem:$0x1D000] =	vst v63  }
0xee: {  	_ =	swait.ge [sflag:s15], $0x4000  }
0xef: {  	[sflag:s15] =	ssyncset.done $0x0  }
0xf0: {  	s9 =	rddreg [dreg:$0x10];
	[sflag:s15] =	ssyncadd.s32 $0xFFFFC000  }
0xf1: {  	[spmem:s2] =	stream.indirect.scatter.add.f32 [tilespmem:s13], [sflag:$0x3], $0x80, s9, s12, $0xb8;
	[tilespmem:$0x1D000] =	vst v63  }
0xf2: {  	_ =	swait.ge [sflag:s16], $0x4000  }
0xf3: {  	[sflag:s16] =	ssyncset.done $0x0  }
0xf4: {  	s9 =	rddreg [dreg:$0x11];
	[sflag:s16] =	ssyncadd.s32 $0xFFFFC000  }
0xf5: {  	[tilespmem:s13], [sflag:$0x1] =	stream.indirect.gather [hbm4b:s4+s12], $0x80, s9, s12, $0xb8;
	[tilespmem:$0x1D000] =	vst v63  }
0xf6: {  	_ =	swait.ge [sflag:s17], $0x4000  }
0xf7: {  	[sflag:s17] =	ssyncset.done $0x0  }
0xf8: {  	s9 =	rddreg [dreg:$0x12];
	[sflag:s17] =	ssyncadd.s32 $0xFFFFC000  }
0xf9: {  	[spmem:s2] =	stream.indirect.scatter.add.f32 [tilespmem:s14], [sflag:$0x4], $0x80, s9, s12, $0xb8;
	[tilespmem:$0x1D000] =	vst v63  }
0xfa: {  	_ =	swait.ge [sflag:s18], $0x4000  }
0xfb: {  	[sflag:s18] =	ssyncset.done $0x0  }
0xfc: {  	[sflag:s18] =	ssyncadd.s32 $0xFFFFC000  }
0xfd: {  	[tilespmem:s14], [sflag:$0x2] =	stream.indirect.gather [hbm4b:s4+s12], $0x80, s19, s12, $0xb8;
	[tilespmem:$0x1D000] =	vst v63  }
0xfe: {  	_ =	swait.ge [sflag:s15], $0x4000  }
0xff: {  	[sflag:s15] =	ssyncset.done $0x0  }
0x100: {  	[sflag:s15] =	ssyncadd.s32 $0xFFFFC000  }
0x101: {  	[spmem:s2] =	stream.indirect.scatter.add.f32 [tilespmem:s13], [sflag:$0x3], $0x80, s20, s12, $0xb8;
	[tilespmem:$0x1D000] =	vst v63  }
0x102: {  	_ =	swait.ge [sflag:s16], $0x4000  }
0x103: {  	[sflag:s16] =	ssyncset.done $0x0  }
0x104: {  	[sflag:s16] =	ssyncadd.s32 $0xFFFFC000  }
0x105: {  	[tilespmem:s13], [sflag:$0x1] =	stream.indirect.gather [hbm4b:s4+s12], $0x80, s21, s12, $0xb8;
	[tilespmem:$0x1D000] =	vst v63  }
0x106: {  	_ =	swait.ge [sflag:s17], $0x4000  }
0x107: {  	[sflag:s17] =	ssyncset.done $0x0  }
0x108: {  	[sflag:s17] =	ssyncadd.s32 $0xFFFFC000  }
0x109: {  	[spmem:s2] =	stream.indirect.scatter.add.f32 [tilespmem:s14], [sflag:$0x4], $0x80, s22, s12, $0xb8;
	[tilespmem:$0x1D000] =	vst v63  }
0x10a: {  	_ =	swait.ge [sflag:s18], $0x4000  }
0x10b: {  	[sflag:s18] =	ssyncset.done $0x0  }
0x10c: {  	[sflag:s18] =	ssyncadd.s32 $0xFFFFC000  }
0x10d: {  	[tilespmem:s14], [sflag:$0x2] =	stream.indirect.gather [hbm4b:s4+s12], $0x80, s23, s12, $0xb8;
	[tilespmem:$0x1D000] =	vst v63  }
0x10e: {  	_ =	swait.ge [sflag:s15], $0x4000  }
0x10f: {  	[sflag:s15] =	ssyncset.done $0x0  }
0x110: {  	[sflag:s15] =	ssyncadd.s32 $0xFFFFC000  }
0x111: {  	[spmem:s2] =	stream.indirect.scatter.add.f32 [tilespmem:s13], [sflag:$0x3], $0x80, s24, s12, $0xb8;
	[tilespmem:$0x1D000] =	vst v63  }
0x112: {  	_ =	swait.ge [sflag:s16], $0x4000  }
0x113: {  	[sflag:s16] =	ssyncset.done $0x0  }
0x114: {  	[sflag:s16] =	ssyncadd.s32 $0xFFFFC000  }
0x115: {  	[tilespmem:s13], [sflag:$0x1] =	stream.indirect.gather [hbm4b:s4+s12], $0x80, s25, s12, $0xb8;
	[tilespmem:$0x1D000] =	vst v63  }
0x116: {  	_ =	swait.ge [sflag:s17], $0x4000  }
0x117: {  	[sflag:s17] =	ssyncset.done $0x0  }
0x118: {  	[sflag:s17] =	ssyncadd.s32 $0xFFFFC000  }
0x119: {  	[spmem:s2] =	stream.indirect.scatter.add.f32 [tilespmem:s14], [sflag:$0x4], $0x80, s26, s12, $0xb8;
	[tilespmem:$0x1D000] =	vst v63  }
0x11a: {  	_ =	swait.ge [sflag:s18], $0x4000  }
0x11b: {  	[sflag:s18] =	ssyncset.done $0x0  }
0x11c: {  	[sflag:s18] =	ssyncadd.s32 $0xFFFFC000  }
0x11d: {  	[tilespmem:s14], [sflag:$0x2] =	stream.indirect.gather [hbm4b:s4+s12], $0x80, s28, s12, $0xb8;
	[tilespmem:$0x1D000] =	vst v63  }
0x11e: {  	_ =	swait.ge [sflag:s15], $0x4000  }
0x11f: {  	[sflag:s15] =	ssyncset.done $0x0  }
0x120: {  	[sflag:s15] =	ssyncadd.s32 $0xFFFFC000  }
0x121: {  	[spmem:s2] =	stream.indirect.scatter.add.f32 [tilespmem:s13], [sflag:$0x3], $0x80, s29, s12, $0xb8;
	[tilespmem:$0x1D000] =	vst v63  }
0x122: {  	_ =	swait.ge [sflag:s16], $0x4000  }
0x123: {  	[sflag:s16] =	ssyncset.done $0x0  }
0x124: {  	[sflag:s16] =	ssyncadd.s32 $0xFFFFC000  }
0x125: {  	[tilespmem:s13], [sflag:$0x1] =	stream.indirect.gather [hbm4b:s4+s12], $0x80, s30, s12, $0xb8;
	[tilespmem:$0x1D000] =	vst v63  }
0x126: {  	_ =	swait.ge [sflag:s17], $0x4000  }
0x127: {  	[sflag:s17] =	ssyncset.done $0x0  }
0x128: {  	[sflag:s17] =	ssyncadd.s32 $0xFFFFC000  }
0x129: {  	[spmem:s2] =	stream.indirect.scatter.add.f32 [tilespmem:s14], [sflag:$0x4], $0x80, s31, s12, $0xb8;
	[tilespmem:$0x1D000] =	vst v63  }
0x12a: {  	_ =	swait.ge [sflag:s18], $0x4000  }
0x12b: {  	[sflag:s18] =	ssyncset.done $0x0  }
0x12c: {  	[sflag:s18] =	ssyncadd.s32 $0xFFFFC000  }
0x12d: {  	[tilespmem:s14], [sflag:$0x2] =	stream.indirect.gather [hbm4b:s4+s12], $0x80, s1, s12, $0xb8;
	[tilespmem:$0x1D000] =	vst v63  }
0x12e: {  	_ =	swait.ge [sflag:s15], $0x4000  }
0x12f: {  	[sflag:s15] =	ssyncset.done $0x0  }
0x130: {  	[sflag:s15] =	ssyncadd.s32 $0xFFFFC000  }
0x131: {  	[spmem:s2] =	stream.indirect.scatter.add.f32 [tilespmem:s13], [sflag:$0x3], $0x80, s0, s12, $0xb8;
	[tilespmem:$0x1D000] =	vst v63  }
0x132: {  	_ =	swait.ge [sflag:s17], $0x4000  }
0x133: {  	[sflag:s17] =	ssyncset.done $0x0  }
0x134: {  	p0 =	sne.s32 s6, $0x400;
	[sflag:s17] =	ssyncadd.s32 $0xFFFFC000  }
0x135: {  	[spmem:s2] =	stream.indirect.scatter.add.f32 [tilespmem:s14], [sflag:$0x4], $0x80, s5, s12, $0xb8;
	[tilespmem:$0x1D000] =	vst v63  }
.Ltmp0:
0x136: {  	_ =	swait.ge [sflag:s16], $0x4000;
	(pc) =	sbr.rel @p0 .LBB2_2-.Ltmp0, $4  }
0x137: {  	[sflag:s16] =	ssyncset.done $0x0  }
0x138: {  	[sflag:s16] =	ssyncadd.s32 $0xFFFFC000  }
0x139: {  	s7 =	smov.u32 s6;
	s6 =	sadd.s32 $0x100, s6;
	_ =	swait.ge [sflag:s18], $0x4000  }
0x13a: {  	s8 =	smov.u32 s7;
	s9 =	rddreg [dreg:$0x4];
	[sflag:s18] =	ssyncset.done $0x0  }
0x13b: {  	[sflag:s18] =	ssyncadd.s32 $0xFFFFC000;
	s6 =	sadd.s32 s8, s9  }
0x13c: {  	[tilespmem:s3], [sflag:$0x5] =	stream.linear.gather [hbm4b:s6+s3], $0x800, $0x38;
	[tilespmem:$0x1D000] =	vst v63  }
0x13d: {  	_ =	swait.ge [sflag:s10], $0x800  }
0x13e: {  	s9 =	rddreg [dreg:$0x3];
	[sflag:s10] =	ssyncset.done $0x0  }
0x13f: {  	s6 =	sadd.s32 s8, s9;
	[sflag:s10] =	ssyncadd.s32 $0xFFFFF800  }
0x140: {  	[tilespmem:s11], [sflag:$0x5] =	stream.linear.gather [hbm4b:s6+s3], $0x800, $0x38;
	[tilespmem:$0x1D000] =	vst v63  }
0x141: {  	_ =	swait.ge [sflag:s10], $0x800  }
0x142: {  	[sflag:s10] =	ssyncset.done $0x0  }
0x143: {  	[sflag:s10] =	ssyncadd.s32 $0xFFFFF800  }
0x144: {  	[tilespmem:s13], [sflag:$0x1] =	stream.indirect.gather [hbm4b:s4+s12], $0x80, s3, s12, $0xb8;
	[tilespmem:$0x1D000] =	vst v63  }
0x145: {  	_ = 	snop  }
0x146: {  	[tilespmem:s14], [sflag:$0x2] =	stream.indirect.gather [hbm4b:s4+s12], $0x80, s12, s12, $0xb8;
	[tilespmem:$0x1D000] =	vst v63  }
0x147: {  	_ =	swait.ge [sflag:s15], $0x4000  }
0x148: {  	[sflag:s15] =	ssyncset.done $0x0  }
0x149: {  	[sflag:s15] =	ssyncadd.s32 $0xFFFFC000  }
0x14a: {  	[spmem:s2] =	stream.indirect.scatter.add.f32 [tilespmem:s13], [sflag:$0x3], $0x80, s11, s12, $0xb8;
	[tilespmem:$0x1D000] =	vst v63  }
0x14b: {  	_ =	swait.ge [sflag:s16], $0x4000  }
0x14c: {  	[sflag:s16] =	ssyncset.done $0x0  }
0x14d: {  	s7 =	rddreg [dreg:$0x5];
	[sflag:s16] =	ssyncadd.s32 $0xFFFFC000  }
0x14e: {  	[tilespmem:s13], [sflag:$0x1] =	stream.indirect.gather [hbm4b:s4+s12], $0x80, s7, s12, $0xb8;
	[tilespmem:$0x1D000] =	vst v63  }
0x14f: {  	_ =	swait.ge [sflag:s17], $0x4000  }
0x150: {  	[sflag:s17] =	ssyncset.done $0x0  }
0x151: {  	s8 =	rddreg [dreg:$0x6];
	[sflag:s17] =	ssyncadd.s32 $0xFFFFC000  }
0x152: {  	[spmem:s2] =	stream.indirect.scatter.add.f32 [tilespmem:s14], [sflag:$0x4], $0x80, s8, s12, $0xb8;
	[tilespmem:$0x1D000] =	vst v63  }
0x153: {  	_ =	swait.ge [sflag:s18], $0x4000  }
0x154: {  	[sflag:s18] =	ssyncset.done $0x0  }
0x155: {  	s9 =	rddreg [dreg:$0x7];
	[sflag:s18] =	ssyncadd.s32 $0xFFFFC000  }
0x156: {  	[tilespmem:s14], [sflag:$0x2] =	stream.indirect.gather [hbm4b:s4+s12], $0x80, s9, s12, $0xb8;
	[tilespmem:$0x1D000] =	vst v63  }
0x157: {  	_ =	swait.ge [sflag:s15], $0x4000  }
0x158: {  	[sflag:s15] =	ssyncset.done $0x0  }
0x159: {  	s7 =	rddreg [dreg:$0x8];
	[sflag:s15] =	ssyncadd.s32 $0xFFFFC000  }
0x15a: {  	[spmem:s2] =	stream.indirect.scatter.add.f32 [tilespmem:s13], [sflag:$0x3], $0x80, s7, s12, $0xb8;
	[tilespmem:$0x1D000] =	vst v63  }
0x15b: {  	_ =	swait.ge [sflag:s16], $0x4000  }
0x15c: {  	[sflag:s16] =	ssyncset.done $0x0  }
0x15d: {  	s8 =	rddreg [dreg:$0x9];
	[sflag:s16] =	ssyncadd.s32 $0xFFFFC000  }
0x15e: {  	[tilespmem:s13], [sflag:$0x1] =	stream.indirect.gather [hbm4b:s4+s12], $0x80, s8, s12, $0xb8;
	[tilespmem:$0x1D000] =	vst v63  }
0x15f: {  	_ =	swait.ge [sflag:s17], $0x4000  }
0x160: {  	[sflag:s17] =	ssyncset.done $0x0  }
0x161: {  	s9 =	rddreg [dreg:$0xa];
	[sflag:s17] =	ssyncadd.s32 $0xFFFFC000  }
0x162: {  	[spmem:s2] =	stream.indirect.scatter.add.f32 [tilespmem:s14], [sflag:$0x4], $0x80, s9, s12, $0xb8;
	[tilespmem:$0x1D000] =	vst v63  }
0x163: {  	_ =	swait.ge [sflag:s18], $0x4000  }
0x164: {  	[sflag:s18] =	ssyncset.done $0x0  }
0x165: {  	s7 =	rddreg [dreg:$0xb];
	[sflag:s18] =	ssyncadd.s32 $0xFFFFC000  }
0x166: {  	[tilespmem:s14], [sflag:$0x2] =	stream.indirect.gather [hbm4b:s4+s12], $0x80, s7, s12, $0xb8;
	[tilespmem:$0x1D000] =	vst v63  }
0x167: {  	_ =	swait.ge [sflag:s15], $0x4000  }
0x168: {  	[sflag:s15] =	ssyncset.done $0x0  }
0x169: {  	s8 =	rddreg [dreg:$0xc];
	[sflag:s15] =	ssyncadd.s32 $0xFFFFC000  }
0x16a: {  	[spmem:s2] =	stream.indirect.scatter.add.f32 [tilespmem:s13], [sflag:$0x3], $0x80, s8, s12, $0xb8;
	[tilespmem:$0x1D000] =	vst v63  }
0x16b: {  	_ =	swait.ge [sflag:s16], $0x4000  }
0x16c: {  	[sflag:s16] =	ssyncset.done $0x0  }
0x16d: {  	s9 =	rddreg [dreg:$0xd];
	[sflag:s16] =	ssyncadd.s32 $0xFFFFC000  }
0x16e: {  	[tilespmem:s13], [sflag:$0x1] =	stream.indirect.gather [hbm4b:s4+s12], $0x80, s9, s12, $0xb8;
	[tilespmem:$0x1D000] =	vst v63  }
0x16f: {  	_ =	swait.ge [sflag:s17], $0x4000  }
0x170: {  	[sflag:s17] =	ssyncset.done $0x0  }
0x171: {  	s7 =	rddreg [dreg:$0xe];
	[sflag:s17] =	ssyncadd.s32 $0xFFFFC000  }
0x172: {  	[spmem:s2] =	stream.indirect.scatter.add.f32 [tilespmem:s14], [sflag:$0x4], $0x80, s7, s12, $0xb8;
	[tilespmem:$0x1D000] =	vst v63  }
0x173: {  	_ =	swait.ge [sflag:s18], $0x4000  }
0x174: {  	[sflag:s18] =	ssyncset.done $0x0  }
0x175: {  	s8 =	rddreg [dreg:$0xf];
	[sflag:s18] =	ssyncadd.s32 $0xFFFFC000  }
0x176: {  	[tilespmem:s14], [sflag:$0x2] =	stream.indirect.gather [hbm4b:s4+s12], $0x80, s8, s12, $0xb8;
	[tilespmem:$0x1D000] =	vst v63  }
0x177: {  	_ =	swait.ge [sflag:s15], $0x4000  }
0x178: {  	[sflag:s15] =	ssyncset.done $0x0  }
0x179: {  	s9 =	rddreg [dreg:$0x10];
	[sflag:s15] =	ssyncadd.s32 $0xFFFFC000  }
0x17a: {  	[spmem:s2] =	stream.indirect.scatter.add.f32 [tilespmem:s13], [sflag:$0x3], $0x80, s9, s12, $0xb8;
	[tilespmem:$0x1D000] =	vst v63  }
0x17b: {  	_ =	swait.ge [sflag:s16], $0x4000  }
0x17c: {  	[sflag:s16] =	ssyncset.done $0x0  }
0x17d: {  	s7 =	rddreg [dreg:$0x11];
	[sflag:s16] =	ssyncadd.s32 $0xFFFFC000  }
0x17e: {  	[tilespmem:s13], [sflag:$0x1] =	stream.indirect.gather [hbm4b:s4+s12], $0x80, s7, s12, $0xb8;
	[tilespmem:$0x1D000] =	vst v63  }
0x17f: {  	_ =	swait.ge [sflag:s17], $0x4000  }
0x180: {  	[sflag:s17] =	ssyncset.done $0x0  }
0x181: {  	s8 =	rddreg [dreg:$0x12];
	[sflag:s17] =	ssyncadd.s32 $0xFFFFC000  }
0x182: {  	[spmem:s2] =	stream.indirect.scatter.add.f32 [tilespmem:s14], [sflag:$0x4], $0x80, s8, s12, $0xb8;
	[tilespmem:$0x1D000] =	vst v63  }
0x183: {  	_ =	swait.ge [sflag:s18], $0x4000  }
0x184: {  	[sflag:s18] =	ssyncset.done $0x0  }
0x185: {  	[sflag:s18] =	ssyncadd.s32 $0xFFFFC000  }
0x186: {  	[tilespmem:s14], [sflag:$0x2] =	stream.indirect.gather [hbm4b:s4+s12], $0x80, s19, s12, $0xb8;
	[tilespmem:$0x1D000] =	vst v63  }
0x187: {  	_ =	swait.ge [sflag:s15], $0x4000  }
0x188: {  	[sflag:s15] =	ssyncset.done $0x0  }
0x189: {  	[sflag:s15] =	ssyncadd.s32 $0xFFFFC000  }
0x18a: {  	[spmem:s2] =	stream.indirect.scatter.add.f32 [tilespmem:s13], [sflag:$0x3], $0x80, s20, s12, $0xb8;
	[tilespmem:$0x1D000] =	vst v63  }
0x18b: {  	_ =	swait.ge [sflag:s16], $0x4000  }
0x18c: {  	[sflag:s16] =	ssyncset.done $0x0  }
0x18d: {  	[sflag:s16] =	ssyncadd.s32 $0xFFFFC000  }
0x18e: {  	[tilespmem:s13], [sflag:$0x1] =	stream.indirect.gather [hbm4b:s4+s12], $0x80, s21, s12, $0xb8;
	[tilespmem:$0x1D000] =	vst v63  }
0x18f: {  	_ =	swait.ge [sflag:s17], $0x4000  }
0x190: {  	[sflag:s17] =	ssyncset.done $0x0  }
0x191: {  	[sflag:s17] =	ssyncadd.s32 $0xFFFFC000  }
0x192: {  	[spmem:s2] =	stream.indirect.scatter.add.f32 [tilespmem:s14], [sflag:$0x4], $0x80, s22, s12, $0xb8;
	[tilespmem:$0x1D000] =	vst v63  }
0x193: {  	_ =	swait.ge [sflag:s18], $0x4000  }
0x194: {  	[sflag:s18] =	ssyncset.done $0x0  }
0x195: {  	[sflag:s18] =	ssyncadd.s32 $0xFFFFC000  }
0x196: {  	[tilespmem:s14], [sflag:$0x2] =	stream.indirect.gather [hbm4b:s4+s12], $0x80, s23, s12, $0xb8;
	[tilespmem:$0x1D000] =	vst v63  }
0x197: {  	_ =	swait.ge [sflag:s15], $0x4000  }
0x198: {  	[sflag:s15] =	ssyncset.done $0x0  }
0x199: {  	[sflag:s15] =	ssyncadd.s32 $0xFFFFC000  }
0x19a: {  	[spmem:s2] =	stream.indirect.scatter.add.f32 [tilespmem:s13], [sflag:$0x3], $0x80, s24, s12, $0xb8;
	[tilespmem:$0x1D000] =	vst v63  }
0x19b: {  	_ =	swait.ge [sflag:s16], $0x4000  }
0x19c: {  	[sflag:s16] =	ssyncset.done $0x0  }
0x19d: {  	[sflag:s16] =	ssyncadd.s32 $0xFFFFC000  }
0x19e: {  	[tilespmem:s13], [sflag:$0x1] =	stream.indirect.gather [hbm4b:s4+s12], $0x80, s25, s12, $0xb8;
	[tilespmem:$0x1D000] =	vst v63  }
0x19f: {  	_ =	swait.ge [sflag:s17], $0x4000  }
0x1a0: {  	[sflag:s17] =	ssyncset.done $0x0  }
0x1a1: {  	[sflag:s17] =	ssyncadd.s32 $0xFFFFC000  }
0x1a2: {  	[spmem:s2] =	stream.indirect.scatter.add.f32 [tilespmem:s14], [sflag:$0x4], $0x80, s26, s12, $0xb8;
	[tilespmem:$0x1D000] =	vst v63  }
0x1a3: {  	_ =	swait.ge [sflag:s18], $0x4000  }
0x1a4: {  	[sflag:s18] =	ssyncset.done $0x0  }
0x1a5: {  	[sflag:s18] =	ssyncadd.s32 $0xFFFFC000  }
0x1a6: {  	[tilespmem:s14], [sflag:$0x2] =	stream.indirect.gather [hbm4b:s4+s12], $0x80, s28, s12, $0xb8;
	[tilespmem:$0x1D000] =	vst v63  }
0x1a7: {  	_ =	swait.ge [sflag:s15], $0x4000  }
0x1a8: {  	[sflag:s15] =	ssyncset.done $0x0  }
0x1a9: {  	[sflag:s15] =	ssyncadd.s32 $0xFFFFC000  }
0x1aa: {  	[spmem:s2] =	stream.indirect.scatter.add.f32 [tilespmem:s13], [sflag:$0x3], $0x80, s29, s12, $0xb8;
	[tilespmem:$0x1D000] =	vst v63  }
0x1ab: {  	_ =	swait.ge [sflag:s16], $0x4000  }
0x1ac: {  	[sflag:s16] =	ssyncset.done $0x0  }
0x1ad: {  	[sflag:s16] =	ssyncadd.s32 $0xFFFFC000  }
0x1ae: {  	[tilespmem:s13], [sflag:$0x1] =	stream.indirect.gather [hbm4b:s4+s12], $0x80, s30, s12, $0xb8;
	[tilespmem:$0x1D000] =	vst v63  }
0x1af: {  	_ =	swait.ge [sflag:s17], $0x4000  }
0x1b0: {  	[sflag:s17] =	ssyncset.done $0x0  }
0x1b1: {  	[sflag:s17] =	ssyncadd.s32 $0xFFFFC000  }
0x1b2: {  	[spmem:s2] =	stream.indirect.scatter.add.f32 [tilespmem:s14], [sflag:$0x4], $0x80, s31, s12, $0xb8;
	[tilespmem:$0x1D000] =	vst v63  }
0x1b3: {  	_ =	swait.ge [sflag:s18], $0x4000  }
0x1b4: {  	[sflag:s18] =	ssyncset.done $0x0  }
0x1b5: {  	[sflag:s18] =	ssyncadd.s32 $0xFFFFC000  }
0x1b6: {  	[tilespmem:s14], [sflag:$0x2] =	stream.indirect.gather [hbm4b:s4+s12], $0x80, s1, s12, $0xb8;
	[tilespmem:$0x1D000] =	vst v63  }
0x1b7: {  	_ =	swait.ge [sflag:s15], $0x4000  }
0x1b8: {  	[sflag:s15] =	ssyncset.done $0x0  }
0x1b9: {  	[sflag:s15] =	ssyncadd.s32 $0xFFFFC000  }
0x1ba: {  	[spmem:s2] =	stream.indirect.scatter.add.f32 [tilespmem:s13], [sflag:$0x3], $0x80, s0, s12, $0xb8;
	[tilespmem:$0x1D000] =	vst v63  }
0x1bb: {  	_ =	swait.ge [sflag:s17], $0x4000  }
0x1bc: {  	[sflag:s17] =	ssyncset.done $0x0  }
0x1bd: {  	[sflag:s17] =	ssyncadd.s32 $0xFFFFC000  }
0x1be: {  	[spmem:s2] =	stream.indirect.scatter.add.f32 [tilespmem:s14], [sflag:$0x4], $0x80, s5, s12, $0xb8;
	[tilespmem:$0x1D000] =	vst v63  }
0x1bf: {  	_ =	swait.ge [sflag:s16], $0x4000  }
0x1c0: {  	[sflag:s16] =	ssyncset.done $0x0  }
0x1c1: {  	[sflag:s16] =	ssyncadd.s32 $0xFFFFC000  }
0x1c2: {  	_ =	swait.ge [sflag:s18], $0x4000  }
0x1c3: {  	[sflag:s18] =	ssyncset.done $0x0  }
0x1c4: {  	[sflag:s18] =	ssyncadd.s32 $0xFFFFC000  }
0x1c5: {  	[bflag:$0x0] =	sbarrier.arrive $0xFFFF  }
0x1c6: {  	s7 =	rddreg [dreg:$0x14]  }
0x1c7: {  	s9 =	rddreg [dreg:$0x15]  }
0x1c8: {  	s8 =	rddreg [dreg:$0x17]  }
0x1c9: {  	[hbm:s9], [sflag:s7] =	dma.local [spmem:s8], $0x2800  }
0x1ca: {  	_ =	swait.ge [sflag:s10], $0x2800  }
0x1cb: {  	s6 =	rddreg [dreg:$0x18]  }
0x1cc: {  	s9 =	sadd.s32 $0x1, s6;
	s6 =	rddreg [dreg:$0x16]  }
0x1cd: {  	p0 =	sne.s32 s9, s6  }
.Ltmp1:
0x1ce: {  	_ = 	snop;
	(pc) =	sbr.rel @p0 .LBB2_1-.Ltmp1, $3  }
0x1cf: {  	_ =	sdelay $0x1  }
0x1d0: {  	[sflag:s10] =	ssyncset.done $0x0  }
0x1d1: {  	[sflag:s10] =	ssyncadd.s32 $0xFFFFD800  }
0x1d2: {  	_ =	sfence.sel $0x180000  }
0x1d3: {  	[bflag:$0x0] =	sbarrier.arrive $0xFFFF  }
0x1d4: {  	_ =	strace $0x9000004A  }
0x1d5: {  	s0 =	stileid.u32;
	[bflag:$0x2] =	sbarrier.arrive $0xFFFF  }
0x1d6: {  	p0 =	sne.s32 s0, $0x0;
	s0 =	rddreg [dreg:$0x2]  }
0x1d7: {  	s0 =	sadd.s32 @!p0 $0x100000, s0  }
0x1d8: {  	[sflag:s0] =	ssyncadd.tile.s32 @!p0 $0x1;
	_ =	shalt  }
.Lfunc_end2:
_tile_overlayer_lowered:
.L_overlay_start_2:
0x1d9: {  	(tag) =	ssettag $0x2  }
0x1da: {  	s0 =	rddreg [dreg:$0x0];
	s2 =	stileid.u32  }
0x1db: {  	s1 =	rddreg [dreg:$0x1];
	p0 =	sne.s32 s2, $0x0  }
0x1dc: {  	s3 =	rddreg [dreg:$0x2];
	[bflag:$0x3] =	sbarrier.arrive $0xFFFF;
	s2 =	simm.s32 @!p0 $0x1C05  }
0x1dd: {  	[timem:s3], [sflag:s2] =	dma.local @!p0 [hbm:s0], s1  }
0x1de: {  	s0 =	simm.s32 @!p0 $0x5  }
0x1df: {  	_ =	swait.ge @!p0 [sflag:s0], s1  }
0x1e0: {  	s1 =	ssub.s32 @!p0 $0x0, s1;
	[sflag:s0] =	ssyncset.done @!p0 $0x0  }
0x1e1: {  	[sflag:s0] =	ssyncadd.s32 @!p0 s1  }
0x1e2: {  	[bflag:$0x3] =	sbarrier.arrive $0xFFFF  }
0x1e3: {  	_ =	shalt  }

// kernel: kernel.16.cloned.1.call-start
scs
__scs_entry_jumppad:
0x0: {  	(pc) =	sbr.rel $0x88, $3  }
0x1: {  	(tag) =	ssettag $0x0;
	lr =	simm.s32 $0x1  }
0x2: {  	[smem:$0x3F96] =	sst lr;
	_ =	strace $0xD0000000  }
0x3: {  	_ = 	snop  }
0x4: {  	_ = 	snop  }
0x5: {  	_ = 	snop  }
0x6: {  	_ = 	snop  }
0x7: {  	_ = 	snop  }
__scs_overlays_trampoline_lowered:
0x8: {  	[smem:$0x3FA5] =	sst s0  }
0x9: {  	[smem:$0x3FA6] =	sst s1  }
0xa: {  	[smem:$0x3FA7] =	sst s2  }
0xb: {  	[smem:$0x3FA8] =	sst s3  }
0xc: {  	[smem:$0x3FA9] =	sst s4  }
0xd: {  	[smem:$0x3FAA] =	sst s5  }
0xe: {  	[smem:$0x3FAB] =	sst s6  }
0xf: {  	[smem:$0x3FAC] =	sst s7  }
0x10: {  	[smem:$0x3FAD] =	sst s8  }
0x11: {  	[smem:$0x3FAE] =	sst s9;
	s0 =	simm.s32 @!p0 $0x0  }
0x12: {  	s1 =	sld [smem:$0x3F94];
	s0 =	simm.s32 @p0 $0x1  }
0x13: {  	[smem:$0x3FAF] =	sst s0;
	s0 =	simm.s32 @!p1 $0x0  }
0x14: {  	s2 =	sld [smem:$0x3F93];
	s0 =	simm.s32 @p1 $0x1  }
0x15: {  	[smem:$0x3FB0] =	sst s0;
	s0 =	simm.s32 @!p2 $0x0  }
0x16: {  	s3 =	sld [smem:$0x3FDB];
	s0 =	simm.s32 @p2 $0x1  }
0x17: {  	s4 =	simm.s32 $0x1BF5;
	[smem:$0x3FB2] =	sst s0  }
0x18: {  	s0 =	sld [smem:$0x3F95];
	_ =	swait.ge [sflag:s4], $0x0  }
0x19: {  	s7 =	sld [smem:$0x3F96]  }
0x1a: {  	s8 =	sadd.s32 $0xFFFFE003, lr  }
0x1b: {  	s9 =	sadd.s32 $0xFFFFFEF7, lr;
	s5 =	simm.s32 $0xFFFFFFFF;
	p2 =	slt.u32 s8, $0xFFFFF086  }
0x1c: {  	p1 =	slt.u32 s9, $0xF7A;
	s5 =	simm.s32 @!p2 $0x0  }
0x1d: {  	s5 =	simm.s32 @p1 $0x1;
	p0 =	seq.s32 s7, s2  }
0x1e: {  	s7 =	smul.u32 @!p0 $0xF7A, s2;
	p2 =	seq.s32 @!p0 s5, $0x0  }
0x1f: {  	s9 =	smul.u32 $0xF7A, s1;
	s8 =	simm.s32 @!p0 $0x1BF5;
	p2 =	por !p2, p0  }
0x20: {  	[sflag:s8] =	ssyncset.s32 @!p0 $0xFFFFF086;
	s6 =	sadd.s32 @!p0 s3, s7;
	s7 =	simm.s32 @!p0 $0x108  }
0x21: {  	s3 =	sadd.s32 s3, s9;
	s6 =	sadd.s32 @!p0 $0x88, s6;
	s7 =	simm.s32 @p2 $0x1082  }
0x22: {  	[simem:s7], [sflag:s8] =	dma.local @!p0 [hbm:s6], $0xF7A  }
0x23: {  	s9 =	sor.u32 $0xD0000000, s2;
	s6 =	simm.s32 $0x108;
	_ =	swait.ge @!p0 [sflag:s8], $0x0  }
0x24: {  	s3 =	sadd.s32 $0x88, s3;
	s6 =	simm.s32 @!p1 $0x1082;
	[sflag:s4] =	ssyncset.s32 $0xFFFFF086  }
0x25: {  	[simem:s6], [sflag:s4] =	dma.local [hbm:s3], $0xF7A  }
0x26: {  	[smem:$0x3F96] =	sst s1;
	(tag) =	ssettag s2;
	_ =	strace s9  }
0x27: {  	s1 =	sld [smem:$0x3FA6]  }
0x28: {  	s2 =	sld [smem:$0x3FA7]  }
0x29: {  	s4 =	sld [smem:$0x3FA9]  }
0x2a: {  	p0 =	seq.s32 s5, $0x0;
	s5 =	sld [smem:$0x3FAA]  }
0x2b: {  	s6 =	sld [smem:$0x3FAB]  }
0x2c: {  	s7 =	sld [smem:$0x3FAC]  }
0x2d: {  	s3 =	simm.s32 $0x108;
	s8 =	sld [smem:$0x3FAD]  }
0x2e: {  	s3 =	simm.s32 @!p0 $0x1082;
	s9 =	sld [smem:$0x3FAE]  }
0x2f: {  	lr =	sadd.s32 s0, s3;
	s0 =	sld [smem:$0x3FA5]  }
0x30: {  	s3 =	sld [smem:$0x3FA8]  }
0x31: {  	[smem:$0x3FB1] =	sst s10  }
0x32: {  	s10 =	sld [smem:$0x3FAF];
	_ =	sdelay $0x3  }
0x33: {  	p0 =	seq.s32 s10, $0x1;
	s10 =	sld [smem:$0x3FB1];
	_ =	sdelay $0x3  }
0x34: {  	[smem:$0x3FB1] =	sst s10  }
0x35: {  	s10 =	sld [smem:$0x3FB0];
	_ =	sdelay $0x3  }
0x36: {  	p1 =	seq.s32 s10, $0x1;
	s10 =	sld [smem:$0x3FB1];
	_ =	sdelay $0x3  }
0x37: {  	[smem:$0x3FB1] =	sst s10  }
0x38: {  	s10 =	sld [smem:$0x3FB2]  }
0x39: {  	_ = 	snop;
	(pc) =	sbr.ind lr, $3  }
0x3a: {  	_ = 	snop  }
0x3b: {  	_ = 	snop  }
0x3c: {  	p2 =	seq.s32 s10, $0x1;
	s10 =	sld [smem:$0x3FB1]  }
0x3d: {  	_ =	shalt  }
0x3e: {  	_ =	shalt  }
0x3f: {  	_ =	shalt  }
0x40: {  	_ =	shalt  }
0x41: {  	_ =	shalt  }
0x42: {  	_ =	shalt  }
0x43: {  	_ =	shalt  }
0x44: {  	_ =	shalt  }
0x45: {  	_ =	shalt  }
0x46: {  	_ =	shalt  }
0x47: {  	_ =	shalt  }
0x48: {  	_ =	shalt  }
0x49: {  	_ =	shalt  }
0x4a: {  	_ =	shalt  }
0x4b: {  	_ =	shalt  }
0x4c: {  	_ =	shalt  }
0x4d: {  	_ =	shalt  }
0x4e: {  	_ =	shalt  }
0x4f: {  	_ =	shalt  }
0x50: {  	_ =	shalt  }
0x51: {  	_ =	shalt  }
0x52: {  	_ =	shalt  }
0x53: {  	_ =	shalt  }
0x54: {  	_ =	shalt  }
0x55: {  	_ =	shalt  }
0x56: {  	_ =	shalt  }
0x57: {  	_ =	shalt  }
0x58: {  	_ =	shalt  }
0x59: {  	_ =	shalt  }
0x5a: {  	_ =	shalt  }
0x5b: {  	_ =	shalt  }
0x5c: {  	_ =	shalt  }
0x5d: {  	_ =	shalt  }
0x5e: {  	_ =	shalt  }
0x5f: {  	_ =	shalt  }
0x60: {  	_ =	shalt  }
0x61: {  	_ =	shalt  }
0x62: {  	_ =	shalt  }
0x63: {  	_ =	shalt  }
0x64: {  	_ =	shalt  }
0x65: {  	_ =	shalt  }
0x66: {  	_ =	shalt  }
0x67: {  	_ =	shalt  }
0x68: {  	_ =	shalt  }
0x69: {  	_ =	shalt  }
0x6a: {  	_ =	shalt  }
0x6b: {  	_ =	shalt  }
0x6c: {  	_ =	shalt  }
0x6d: {  	_ =	shalt  }
0x6e: {  	_ =	shalt  }
0x6f: {  	_ =	shalt  }
0x70: {  	_ =	shalt  }
0x71: {  	_ =	shalt  }
0x72: {  	_ =	shalt  }
0x73: {  	_ =	shalt  }
0x74: {  	_ =	shalt  }
0x75: {  	_ =	shalt  }
0x76: {  	_ =	shalt  }
0x77: {  	_ =	shalt  }
0x78: {  	_ =	shalt  }
0x79: {  	_ =	shalt  }
0x7a: {  	_ =	shalt  }
0x7b: {  	_ =	shalt  }
0x7c: {  	_ =	shalt  }
0x7d: {  	_ =	shalt  }
0x7e: {  	_ =	shalt  }
0x7f: {  	_ =	shalt  }
0x80: {  	_ =	shalt  }
0x81: {  	_ =	shalt  }
0x82: {  	_ =	shalt  }
0x83: {  	_ =	shalt  }
0x84: {  	_ =	shalt  }
0x85: {  	_ =	shalt  }
0x86: {  	_ =	shalt  }
0x87: {  	_ =	shalt  }
.Lfunc_end0:
.L_simem_size_0:
called_computation.2_lowered:
.L_overlay_start_0:
0x88: {  	s2 =	sld [smem:$0x3FD9]  }
0x89: {  	s3 =	sld [smem:$0x3FFE];
	_ =	sdelay $0x1  }
0x8a: {  	s1 =	srdreg.scid  }
0x8b: {  	s0 =	sand.u32 $0x1, s1  }
0x8c: {  	s16 =	sshll.u32 s0, $0xA;
	s2 =	sadd.s32 s3, s2  }
0x8d: {  	s2 =	sadd.s32 s2, s16  }
0x8e: {  	[smem:$0x3FBD] =	sst s2  }
0x8f: {  	_ = 	snop  }
0x90: {  	(tm) =	ssettm $0x1  }
0x91: {  	s17 =	sld [smem:$0x3FFB];
	_ =	sdelay $0x3  }
0x92: {  	_ =	strace s17  }
0x93: {  	s2 =	sld [smem:$0x3FFC];
	_ =	sdelay $0x3  }
0x94: {  	_ =	strace s2  }
0x95: {  	s2 =	sld [smem:$0x3FFD];
	_ =	sdelay $0x3  }
0x96: {  	_ =	strace s2  }
0x97: {  	_ =	strace $0x8FFFFFFF  }
0x98: {  	s18 =	sld [smem:$0x3FDB];
	_ =	sdelay $0x1  }
0x99: {  	s19 =	simm.s32 $_scs_section_size  }
0x9a: {  	s4 =	simm.s32 $_size__tile_overlayer_lowered;
	s5 =	simm.s32 $_tile_overlayer_lowered  }
0x9b: {  	s22 =	simm.s32 $0x1BFF;
	s21 =	sshll.u32 s5, $0x1;
	s2 =	sadd.s32 s19, s18  }
0x9c: {  	s6 =	simm.s32 $0x0;
	s20 =	sshll.u32 s4, $0x1;
	s4 =	sadd.s32 s21, s2  }
0x9d: {  	[timem:s6], [sflag:s22] =	dma.local [hbm:s4], s20  }
0x9e: {  	_ =	swait.ge [sflag:s22], s20  }
0x9f: {  	s3 =	ssub.s32 $0x0, s20;
	[sflag:s22] =	ssyncset.done $0x0  }
0xa0: {  	[sflag:s22] =	ssyncadd.s32 s3;
	_ =	sdelay $0x1  }
0xa1: {  	s23 =	simm.s32 $0x1B8B  }
0xa2: {  	_ =	swait.ge [sflag:s23], $0x1  }
0xa3: {  	[sflag:s23] =	ssyncset.done $0x0  }
0xa4: {  	s25 =	simm.s32 $0x1B8E;
	s24 =	sld [smem:$0x3FFE];
	[sflag:s23] =	ssyncadd.s32 $0xFFFFFFFF  }
0xa5: {  	s26 =	simm.s32 $execute0_lowered;
	[smem:$0x3FD2] =	sst s25  }
0xa6: {  	s4 =	sshll.u32 s26, $0x1;
	_ =	strace $0x8000004C;
	[dreg:$0x1] =	wrdreg $0xFFFFFFFF  }
0xa7: {  	s28 =	simm.s32 $_size_execute0_lowered;
	s2 =	sadd.s32 s2, s4;
	[dreg:$0x0] =	wrdreg $0x0  }
0xa8: {  	s4 =	sshll.u32 s28, $0x1;
	[dreg:$0x2] =	wrdreg s2  }
0xa9: {  	[dreg:$0x3] =	wrdreg s4  }
0xaa: {  	[dreg:$0x4] =	wrdreg $0xC0  }
0xab: {  	_ =	task [dreg:s6], $0x5FFFF  }
0xac: {  	[dreg:$0x1] =	wrdreg $0xFFFFFFFF  }
0xad: {  	[dreg:$0x0] =	wrdreg $0x60  }
0xae: {  	[dreg:$0x2] =	wrdreg s24  }
0xaf: {  	[dreg:$0x3] =	wrdreg $0x90000  }
0xb0: {  	[dreg:$0x4] =	wrdreg $0x9  }
0xb1: {  	_ =	task.clear_ibuf [dreg:s6], $0x5FFFF;
	_ =	strace $0x9000004C  }
0xb2: {  	s29 =	simm.s32 $0x9;
	_ =	strace $0x8000004E  }
0xb3: {  	_ =	swait.ge [sflag:s29], $0x1  }
0xb4: {  	[sflag:s29] =	ssyncadd.s32 $0xFFFFFFFF  }
0xb5: {  	_ =	strace $0x9000004E  }
0xb6: {  	_ =	sfence  }
0xb7: {  	s30 =	sld [smem:$0x0];
	_ =	sdelay $0x2  }
0xb8: {  	s31 =	sshll.u32 s1, $0xD;
	s1 =	sshrl.u32 s1, $0x2  }
0xb9: {  	s3 =	sand.u32 $0x4000, s31;
	s1 =	sadd.s32 s1, s30  }
0xba: {  	s0 =	sor.u32 s3, s0;
	s1 =	sshll.u32 s1, $0x11  }
0xbb: {  	s0 =	sor.u32 s1, s0  }
0xbc: {  	s0 =	sadd.s32 $0x8F2B, s0  }
0xbd: {  	[sflag:s0] =	ssyncadd.remote.s32 $0x1  }
0xbe: {  	_ =	sfence.sel $0xFFFF  }
0xbf: {  	[dreg:$0x0] =	wrdreg $0xFFFFFFFF;
	(pc) =	sbr.abs _section_cstart, $3  }
0xc0: {  	[dreg:$0x1] =	wrdreg $0xFFFFFFFF  }
0xc1: {  	_ =	task.clear_ibuf [dreg:s6], $0x2FFFF;
	_ =	strace $0x9FFFFFFF  }
0xc2: {  	(tm) =	ssettm $0x7FFFFFFF  }
0xc3: {  	_ =	shalt  }
tec
execute0_lowered:
.L_overlay_start_1:
0x0: {  	(tag) =	ssettag $0x1  }
0x1: {  	s0 =	srdreg.scid  }
0x2: {  	s1 =	rddreg [dreg:$0x0];
	s9 =	stileid.u32  }
0x3: {  	s2 =	rddreg [dreg:$0x1];
	s3 =	simm.s32 $0x0;
	s12 =	simm.s32 $0x100  }
0x4: {  	s14 =	simm.s32 $0x880;
	s15 =	simm.s32 $0x180;
	s16 =	simm.s32 $0x900  }
0x5: {  	s17 =	simm.s32 $0x200;
	[smem:$0x7FF] =	sst s3;
	s8 =	sadd.s32 $0x90200, s1  }
0x6: {  	s18 =	simm.s32 $0x980;
	_ =	strace $0x8000004D;
	[dreg:$0x13] =	wrdreg s8  }
0x7: {  	s19 =	simm.s32 $0x280;
	s20 =	simm.s32 $0xA00;
	[dreg:$0x5] =	wrdreg s12  }
0x8: {  	s21 =	simm.s32 $0x300;
	s22 =	simm.s32 $0xA80;
	[dreg:$0x6] =	wrdreg s14  }
0x9: {  	s23 =	simm.s32 $0x380;
	s28 =	simm.s32 $0x680;
	[dreg:$0x7] =	wrdreg s15  }
0xa: {  	s29 =	simm.s32 $0xE00;
	s30 =	simm.s32 $0x700;
	[dreg:$0x8] =	wrdreg s16  }
0xb: {  	s31 =	simm.s32 $0xE80;
	s5 =	smul.u32 $0x5000, s9;
	[dreg:$0x9] =	wrdreg s17  }
0xc: {  	s0 =	sand.u32 $0x1, s0;
	s7 =	smul.u32 $0x14000, s9;
	[dreg:$0xa] =	wrdreg s18  }
0xd: {  	s26 =	smul.u32 $0x50000, s9;
	s13 =	sshll.u32 s9, $0x6;
	[dreg:$0xb] =	wrdreg s19  }
0xe: {  	s9 =	simm.s32 $0x0;
	s4 =	smul.u32 $0x50000, s0;
	[dreg:$0xc] =	wrdreg s20  }
0xf: {  	s24 =	smul.u32 $0x140000, s0;
	s0 =	ssub.s32 $0x2, s0;
	[dreg:$0xd] =	wrdreg s21  }
0x10: {  	s12 =	simm.s32 $0x80;
	s14 =	simm.s32 $0x5000;
	[dreg:$0xe] =	wrdreg s22  }
0x11: {  	s15 =	simm.s32 $0x1;
	[dreg:$0xf] =	wrdreg s23;
	s16 =	simm.s32 $0x3  }
0x12: {  	s17 =	simm.s32 $0x2;
	s18 =	simm.s32 $0x4;
	s19 =	simm.s32 $0x480  }
0x13: {  	s20 =	simm.s32 $0xC00;
	s21 =	simm.s32 $0x500;
	s22 =	simm.s32 $0xC80  }
0x14: {  	s23 =	simm.s32 $0x580;
	s25 =	sshrl.u32 s0, $0x1;
	s8 =	sshrl.u32 s26, $0x2  }
0x15: {  	s26 =	simm.s32 $0xB80;
	s4 =	sadd.s32 s5, s4;
	s5 =	sadd.s32 s7, s24  }
0x16: {  	s0 =	ssub.s32 s0, s25;
	s11 =	sadd.s32 s8, s2;
	s24 =	simm.s32 $0xB00  }
0x17: {  	s25 =	simm.s32 $0x400;
	[dreg:$0x12] =	wrdreg s26;
	s26 =	simm.s32 $0xD80  }
0x18: {  	s6 =	sshrl.u32 s4, $0x3;
	s4 =	sadd.s32 $0x92A00, s1;
	s5 =	sshrl.u32 s5, $0x3  }
0x19: {  	s0 =	smax.u32 s0, $0x1;
	s8 =	sshrl.u32 s11, $0x3;
	[dreg:$0x10] =	wrdreg s24  }
0x1a: {  	s11 =	simm.s32 $0x800;
	[dreg:$0x11] =	wrdreg s25;
	s24 =	simm.s32 $0xD00  }
0x1b: {  	s25 =	simm.s32 $0x600;
	s6 =	sadd.s32 s6, s1;
	[dreg:$0x16] =	wrdreg s0  }
0x1c: {  	s1 =	sadd.s32 s5, s1;
	[dreg:$0x17] =	wrdreg s8;
	s7 =	sadd.s32 $0xF6A00, s6  }
0x1d: {  	s0 =	simm.s32 $0xF00;
	s10 =	sadd.s32 $0xE2A00, s6;
	[dreg:$0x3] =	wrdreg s7  }
0x1e: {  	s5 =	simm.s32 $0xF80;
	s1 =	sadd.s32 $0x10AA00, s1;
	[dreg:$0x4] =	wrdreg s10  }
0x1f: {  	s7 =	sor.u32 $0x1C05, s13;
	[dreg:$0x15] =	wrdreg s1;
	s10 =	simm.s32 $0x5  }
0x20: {  	s13 =	simm.s32 $0x1000;
	s1 =	simm.s32 $0x780;
	[dreg:$0x14] =	wrdreg s7  }
.LBB2_1:
0x21: {  	[dreg:$0x18] =	wrdreg s9  }
0x22: {  	s6 =	rddreg [dreg:$0x13]  }
0x23: {  	[spmem:s8], [sflag:s7] =	dma.local [hbm:s6], $0x2800  }
0x24: {  	_ =	swait.ge [sflag:s10], $0x2800  }
0x25: {  	[sflag:s10] =	ssyncset.done $0x0  }
0x26: {  	[sflag:s10] =	ssyncadd.s32 $0xFFFFD800  }
0x27: {  	[bflag:$0x0] =	sbarrier.arrive $0xFFFF  }
0x28: {  	s9 =	rddreg [dreg:$0x4]  }
0x29: {  	s6 =	sadd.s32 $0x0, s9  }
0x2a: {  	[tilespmem:s3], [sflag:$0x5] =	stream.linear.gather [hbm4b:s6+s3], $0x800, $0x38;
	[tilespmem:$0x1D000] =	vst v63  }
0x2b: {  	_ =	swait.ge [sflag:s10], $0x800  }
0x2c: {  	s7 =	rddreg [dreg:$0x3];
	[sflag:s10] =	ssyncset.done $0x0  }
0x2d: {  	[sflag:s10] =	ssyncadd.s32 $0xFFFFF800;
	s6 =	sadd.s32 $0x0, s7  }
0x2e: {  	[tilespmem:s11], [sflag:$0x5] =	stream.linear.gather [hbm4b:s6+s3], $0x800, $0x38;
	[tilespmem:$0x1D000] =	vst v63  }
0x2f: {  	_ =	swait.ge [sflag:s10], $0x800  }
0x30: {  	[sflag:s10] =	ssyncset.done $0x0  }
0x31: {  	[sflag:s10] =	ssyncadd.s32 $0xFFFFF800  }
0x32: {  	[tilespmem:s13], [sflag:$0x1] =	stream.indirect.gather [hbm4b:s4+s12], $0x80, s3, s12, $0xb8;
	[tilespmem:$0x1D000] =	vst v63  }
0x33: {  	_ = 	snop  }
0x34: {  	[tilespmem:s14], [sflag:$0x2] =	stream.indirect.gather [hbm4b:s4+s12], $0x80, s12, s12, $0xb8;
	[tilespmem:$0x1D000] =	vst v63  }
0x35: {  	_ =	swait.ge [sflag:s15], $0x4000  }
0x36: {  	[sflag:s15] =	ssyncset.done $0x0  }
0x37: {  	[sflag:s15] =	ssyncadd.s32 $0xFFFFC000  }
0x38: {  	[spmem:s2] =	stream.indirect.scatter.add.f32 [tilespmem:s13], [sflag:$0x3], $0x80, s11, s12, $0xb8;
	[tilespmem:$0x1D000] =	vst v63  }
0x39: {  	_ =	swait.ge [sflag:s16], $0x4000  }
0x3a: {  	[sflag:s16] =	ssyncset.done $0x0  }
0x3b: {  	s8 =	rddreg [dreg:$0x5];
	[sflag:s16] =	ssyncadd.s32 $0xFFFFC000  }
0x3c: {  	[tilespmem:s13], [sflag:$0x1] =	stream.indirect.gather [hbm4b:s4+s12], $0x80, s8, s12, $0xb8;
	[tilespmem:$0x1D000] =	vst v63  }
0x3d: {  	_ =	swait.ge [sflag:s17], $0x4000  }
0x3e: {  	[sflag:s17] =	ssyncset.done $0x0  }
0x3f: {  	s9 =	rddreg [dreg:$0x6];
	[sflag:s17] =	ssyncadd.s32 $0xFFFFC000  }
0x40: {  	[spmem:s2] =	stream.indirect.scatter.add.f32 [tilespmem:s14], [sflag:$0x4], $0x80, s9, s12, $0xb8;
	[tilespmem:$0x1D000] =	vst v63  }
0x41: {  	_ =	swait.ge [sflag:s18], $0x4000  }
0x42: {  	[sflag:s18] =	ssyncset.done $0x0  }
0x43: {  	s7 =	rddreg [dreg:$0x7];
	[sflag:s18] =	ssyncadd.s32 $0xFFFFC000  }
0x44: {  	[tilespmem:s14], [sflag:$0x2] =	stream.indirect.gather [hbm4b:s4+s12], $0x80, s7, s12, $0xb8;
	[tilespmem:$0x1D000] =	vst v63  }
0x45: {  	_ =	swait.ge [sflag:s15], $0x4000  }
0x46: {  	[sflag:s15] =	ssyncset.done $0x0  }
0x47: {  	s8 =	rddreg [dreg:$0x8];
	[sflag:s15] =	ssyncadd.s32 $0xFFFFC000  }
0x48: {  	[spmem:s2] =	stream.indirect.scatter.add.f32 [tilespmem:s13], [sflag:$0x3], $0x80, s8, s12, $0xb8;
	[tilespmem:$0x1D000] =	vst v63  }
0x49: {  	_ =	swait.ge [sflag:s16], $0x4000  }
0x4a: {  	[sflag:s16] =	ssyncset.done $0x0  }
0x4b: {  	s9 =	rddreg [dreg:$0x9];
	[sflag:s16] =	ssyncadd.s32 $0xFFFFC000  }
0x4c: {  	[tilespmem:s13], [sflag:$0x1] =	stream.indirect.gather [hbm4b:s4+s12], $0x80, s9, s12, $0xb8;
	[tilespmem:$0x1D000] =	vst v63  }
0x4d: {  	_ =	swait.ge [sflag:s17], $0x4000  }
0x4e: {  	[sflag:s17] =	ssyncset.done $0x0  }
0x4f: {  	s7 =	rddreg [dreg:$0xa];
	[sflag:s17] =	ssyncadd.s32 $0xFFFFC000  }
0x50: {  	[spmem:s2] =	stream.indirect.scatter.add.f32 [tilespmem:s14], [sflag:$0x4], $0x80, s7, s12, $0xb8;
	[tilespmem:$0x1D000] =	vst v63  }
0x51: {  	_ =	swait.ge [sflag:s18], $0x4000  }
0x52: {  	[sflag:s18] =	ssyncset.done $0x0  }
0x53: {  	s8 =	rddreg [dreg:$0xb];
	[sflag:s18] =	ssyncadd.s32 $0xFFFFC000  }
0x54: {  	[tilespmem:s14], [sflag:$0x2] =	stream.indirect.gather [hbm4b:s4+s12], $0x80, s8, s12, $0xb8;
	[tilespmem:$0x1D000] =	vst v63  }
0x55: {  	_ =	swait.ge [sflag:s15], $0x4000  }
0x56: {  	[sflag:s15] =	ssyncset.done $0x0  }
0x57: {  	s9 =	rddreg [dreg:$0xc];
	[sflag:s15] =	ssyncadd.s32 $0xFFFFC000  }
0x58: {  	[spmem:s2] =	stream.indirect.scatter.add.f32 [tilespmem:s13], [sflag:$0x3], $0x80, s9, s12, $0xb8;
	[tilespmem:$0x1D000] =	vst v63  }
0x59: {  	_ =	swait.ge [sflag:s16], $0x4000  }
0x5a: {  	[sflag:s16] =	ssyncset.done $0x0  }
0x5b: {  	s7 =	rddreg [dreg:$0xd];
	[sflag:s16] =	ssyncadd.s32 $0xFFFFC000  }
0x5c: {  	[tilespmem:s13], [sflag:$0x1] =	stream.indirect.gather [hbm4b:s4+s12], $0x80, s7, s12, $0xb8;
	[tilespmem:$0x1D000] =	vst v63  }
0x5d: {  	_ =	swait.ge [sflag:s17], $0x4000  }
0x5e: {  	[sflag:s17] =	ssyncset.done $0x0  }
0x5f: {  	s8 =	rddreg [dreg:$0xe];
	[sflag:s17] =	ssyncadd.s32 $0xFFFFC000  }
0x60: {  	[spmem:s2] =	stream.indirect.scatter.add.f32 [tilespmem:s14], [sflag:$0x4], $0x80, s8, s12, $0xb8;
	[tilespmem:$0x1D000] =	vst v63  }
0x61: {  	_ =	swait.ge [sflag:s18], $0x4000  }
0x62: {  	[sflag:s18] =	ssyncset.done $0x0  }
0x63: {  	s9 =	rddreg [dreg:$0xf];
	[sflag:s18] =	ssyncadd.s32 $0xFFFFC000  }
0x64: {  	[tilespmem:s14], [sflag:$0x2] =	stream.indirect.gather [hbm4b:s4+s12], $0x80, s9, s12, $0xb8;
	[tilespmem:$0x1D000] =	vst v63  }
0x65: {  	_ =	swait.ge [sflag:s15], $0x4000  }
0x66: {  	[sflag:s15] =	ssyncset.done $0x0  }
0x67: {  	s7 =	rddreg [dreg:$0x10];
	[sflag:s15] =	ssyncadd.s32 $0xFFFFC000  }
0x68: {  	[spmem:s2] =	stream.indirect.scatter.add.f32 [tilespmem:s13], [sflag:$0x3], $0x80, s7, s12, $0xb8;
	[tilespmem:$0x1D000] =	vst v63  }
0x69: {  	_ =	swait.ge [sflag:s16], $0x4000  }
0x6a: {  	[sflag:s16] =	ssyncset.done $0x0  }
0x6b: {  	s8 =	rddreg [dreg:$0x11];
	[sflag:s16] =	ssyncadd.s32 $0xFFFFC000  }
0x6c: {  	[tilespmem:s13], [sflag:$0x1] =	stream.indirect.gather [hbm4b:s4+s12], $0x80, s8, s12, $0xb8;
	[tilespmem:$0x1D000] =	vst v63  }
0x6d: {  	_ =	swait.ge [sflag:s17], $0x4000  }
0x6e: {  	[sflag:s17] =	ssyncset.done $0x0  }
0x6f: {  	s9 =	rddreg [dreg:$0x12];
	[sflag:s17] =	ssyncadd.s32 $0xFFFFC000  }
0x70: {  	[spmem:s2] =	stream.indirect.scatter.add.f32 [tilespmem:s14], [sflag:$0x4], $0x80, s9, s12, $0xb8;
	[tilespmem:$0x1D000] =	vst v63  }
0x71: {  	_ =	swait.ge [sflag:s18], $0x4000  }
0x72: {  	[sflag:s18] =	ssyncset.done $0x0  }
0x73: {  	[sflag:s18] =	ssyncadd.s32 $0xFFFFC000  }
0x74: {  	[tilespmem:s14], [sflag:$0x2] =	stream.indirect.gather [hbm4b:s4+s12], $0x80, s19, s12, $0xb8;
	[tilespmem:$0x1D000] =	vst v63  }
0x75: {  	_ =	swait.ge [sflag:s15], $0x4000  }
0x76: {  	[sflag:s15] =	ssyncset.done $0x0  }
0x77: {  	[sflag:s15] =	ssyncadd.s32 $0xFFFFC000  }
0x78: {  	[spmem:s2] =	stream.indirect.scatter.add.f32 [tilespmem:s13], [sflag:$0x3], $0x80, s20, s12, $0xb8;
	[tilespmem:$0x1D000] =	vst v63  }
0x79: {  	_ =	swait.ge [sflag:s16], $0x4000  }
0x7a: {  	[sflag:s16] =	ssyncset.done $0x0  }
0x7b: {  	[sflag:s16] =	ssyncadd.s32 $0xFFFFC000  }
0x7c: {  	[tilespmem:s13], [sflag:$0x1] =	stream.indirect.gather [hbm4b:s4+s12], $0x80, s21, s12, $0xb8;
	[tilespmem:$0x1D000] =	vst v63  }
0x7d: {  	_ =	swait.ge [sflag:s17], $0x4000  }
0x7e: {  	[sflag:s17] =	ssyncset.done $0x0  }
0x7f: {  	[sflag:s17] =	ssyncadd.s32 $0xFFFFC000  }
0x80: {  	[spmem:s2] =	stream.indirect.scatter.add.f32 [tilespmem:s14], [sflag:$0x4], $0x80, s22, s12, $0xb8;
	[tilespmem:$0x1D000] =	vst v63  }
0x81: {  	_ =	swait.ge [sflag:s18], $0x4000  }
0x82: {  	[sflag:s18] =	ssyncset.done $0x0  }
0x83: {  	[sflag:s18] =	ssyncadd.s32 $0xFFFFC000  }
0x84: {  	[tilespmem:s14], [sflag:$0x2] =	stream.indirect.gather [hbm4b:s4+s12], $0x80, s23, s12, $0xb8;
	[tilespmem:$0x1D000] =	vst v63  }
0x85: {  	_ =	swait.ge [sflag:s15], $0x4000  }
0x86: {  	[sflag:s15] =	ssyncset.done $0x0  }
0x87: {  	[sflag:s15] =	ssyncadd.s32 $0xFFFFC000  }
0x88: {  	[spmem:s2] =	stream.indirect.scatter.add.f32 [tilespmem:s13], [sflag:$0x3], $0x80, s24, s12, $0xb8;
	[tilespmem:$0x1D000] =	vst v63  }
0x89: {  	_ =	swait.ge [sflag:s16], $0x4000  }
0x8a: {  	[sflag:s16] =	ssyncset.done $0x0  }
0x8b: {  	[sflag:s16] =	ssyncadd.s32 $0xFFFFC000  }
0x8c: {  	[tilespmem:s13], [sflag:$0x1] =	stream.indirect.gather [hbm4b:s4+s12], $0x80, s25, s12, $0xb8;
	[tilespmem:$0x1D000] =	vst v63  }
0x8d: {  	_ =	swait.ge [sflag:s17], $0x4000  }
0x8e: {  	[sflag:s17] =	ssyncset.done $0x0  }
0x8f: {  	[sflag:s17] =	ssyncadd.s32 $0xFFFFC000  }
0x90: {  	[spmem:s2] =	stream.indirect.scatter.add.f32 [tilespmem:s14], [sflag:$0x4], $0x80, s26, s12, $0xb8;
	[tilespmem:$0x1D000] =	vst v63  }
0x91: {  	_ =	swait.ge [sflag:s18], $0x4000  }
0x92: {  	[sflag:s18] =	ssyncset.done $0x0  }
0x93: {  	[sflag:s18] =	ssyncadd.s32 $0xFFFFC000  }
0x94: {  	[tilespmem:s14], [sflag:$0x2] =	stream.indirect.gather [hbm4b:s4+s12], $0x80, s28, s12, $0xb8;
	[tilespmem:$0x1D000] =	vst v63  }
0x95: {  	_ =	swait.ge [sflag:s15], $0x4000  }
0x96: {  	[sflag:s15] =	ssyncset.done $0x0  }
0x97: {  	[sflag:s15] =	ssyncadd.s32 $0xFFFFC000  }
0x98: {  	[spmem:s2] =	stream.indirect.scatter.add.f32 [tilespmem:s13], [sflag:$0x3], $0x80, s29, s12, $0xb8;
	[tilespmem:$0x1D000] =	vst v63  }
0x99: {  	_ =	swait.ge [sflag:s16], $0x4000  }
0x9a: {  	[sflag:s16] =	ssyncset.done $0x0  }
0x9b: {  	[sflag:s16] =	ssyncadd.s32 $0xFFFFC000  }
0x9c: {  	[tilespmem:s13], [sflag:$0x1] =	stream.indirect.gather [hbm4b:s4+s12], $0x80, s30, s12, $0xb8;
	[tilespmem:$0x1D000] =	vst v63  }
0x9d: {  	_ =	swait.ge [sflag:s17], $0x4000  }
0x9e: {  	[sflag:s17] =	ssyncset.done $0x0  }
0x9f: {  	[sflag:s17] =	ssyncadd.s32 $0xFFFFC000  }
0xa0: {  	[spmem:s2] =	stream.indirect.scatter.add.f32 [tilespmem:s14], [sflag:$0x4], $0x80, s31, s12, $0xb8;
	[tilespmem:$0x1D000] =	vst v63  }
0xa1: {  	_ =	swait.ge [sflag:s18], $0x4000  }
0xa2: {  	[sflag:s18] =	ssyncset.done $0x0  }
0xa3: {  	[sflag:s18] =	ssyncadd.s32 $0xFFFFC000  }
0xa4: {  	[tilespmem:s14], [sflag:$0x2] =	stream.indirect.gather [hbm4b:s4+s12], $0x80, s1, s12, $0xb8;
	[tilespmem:$0x1D000] =	vst v63  }
0xa5: {  	_ =	swait.ge [sflag:s15], $0x4000  }
0xa6: {  	[sflag:s15] =	ssyncset.done $0x0  }
0xa7: {  	[sflag:s15] =	ssyncadd.s32 $0xFFFFC000  }
0xa8: {  	[spmem:s2] =	stream.indirect.scatter.add.f32 [tilespmem:s13], [sflag:$0x3], $0x80, s0, s12, $0xb8;
	[tilespmem:$0x1D000] =	vst v63  }
0xa9: {  	_ =	swait.ge [sflag:s17], $0x4000  }
0xaa: {  	[sflag:s17] =	ssyncset.done $0x0  }
0xab: {  	[sflag:s17] =	ssyncadd.s32 $0xFFFFC000  }
0xac: {  	[spmem:s2] =	stream.indirect.scatter.add.f32 [tilespmem:s14], [sflag:$0x4], $0x80, s5, s12, $0xb8;
	[tilespmem:$0x1D000] =	vst v63  }
0xad: {  	_ =	swait.ge [sflag:s16], $0x4000  }
0xae: {  	[sflag:s16] =	ssyncset.done $0x0  }
0xaf: {  	[sflag:s16] =	ssyncadd.s32 $0xFFFFC000  }
0xb0: {  	s6 =	simm.s32 $0x200;
	_ =	swait.ge [sflag:s18], $0x4000  }
0xb1: {  	s8 =	simm.s32 $0x100;
	s9 =	rddreg [dreg:$0x4];
	[sflag:s18] =	ssyncset.done $0x0  }
.LBB2_2:
0xb2: {  	[sflag:s18] =	ssyncadd.s32 $0xFFFFC000;
	s9 =	sadd.s32 s8, s9  }
0xb3: {  	[tilespmem:s3], [sflag:$0x5] =	stream.linear.gather [hbm4b:s9+s3], $0x800, $0x38;
	[tilespmem:$0x1D000] =	vst v63  }
0xb4: {  	_ =	swait.ge [sflag:s10], $0x800  }
0xb5: {  	s9 =	rddreg [dreg:$0x3];
	[sflag:s10] =	ssyncset.done $0x0  }
0xb6: {  	[sflag:s10] =	ssyncadd.s32 $0xFFFFF800;
	s9 =	sadd.s32 s8, s9  }
0xb7: {  	[tilespmem:s11], [sflag:$0x5] =	stream.linear.gather [hbm4b:s9+s3], $0x800, $0x38;
	[tilespmem:$0x1D000] =	vst v63  }
0xb8: {  	_ =	swait.ge [sflag:s10], $0x800  }
0xb9: {  	[sflag:s10] =	ssyncset.done $0x0  }
0xba: {  	[sflag:s10] =	ssyncadd.s32 $0xFFFFF800  }
0xbb: {  	[tilespmem:s13], [sflag:$0x1] =	stream.indirect.gather [hbm4b:s4+s12], $0x80, s3, s12, $0xb8;
	[tilespmem:$0x1D000] =	vst v63  }
0xbc: {  	_ = 	snop  }
0xbd: {  	[tilespmem:s14], [sflag:$0x2] =	stream.indirect.gather [hbm4b:s4+s12], $0x80, s12, s12, $0xb8;
	[tilespmem:$0x1D000] =	vst v63  }
0xbe: {  	_ =	swait.ge [sflag:s15], $0x4000  }
0xbf: {  	[sflag:s15] =	ssyncset.done $0x0  }
0xc0: {  	[sflag:s15] =	ssyncadd.s32 $0xFFFFC000  }
0xc1: {  	[spmem:s2] =	stream.indirect.scatter.add.f32 [tilespmem:s13], [sflag:$0x3], $0x80, s11, s12, $0xb8;
	[tilespmem:$0x1D000] =	vst v63  }
0xc2: {  	_ =	swait.ge [sflag:s16], $0x4000  }
0xc3: {  	[sflag:s16] =	ssyncset.done $0x0  }
0xc4: {  	s9 =	rddreg [dreg:$0x5];
	[sflag:s16] =	ssyncadd.s32 $0xFFFFC000  }
0xc5: {  	[tilespmem:s13], [sflag:$0x1] =	stream.indirect.gather [hbm4b:s4+s12], $0x80, s9, s12, $0xb8;
	[tilespmem:$0x1D000] =	vst v63  }
0xc6: {  	_ =	swait.ge [sflag:s17], $0x4000  }
0xc7: {  	[sflag:s17] =	ssyncset.done $0x0  }
0xc8: {  	s9 =	rddreg [dreg:$0x6];
	[sflag:s17] =	ssyncadd.s32 $0xFFFFC000  }
0xc9: {  	[spmem:s2] =	stream.indirect.scatter.add.f32 [tilespmem:s14], [sflag:$0x4], $0x80, s9, s12, $0xb8;
	[tilespmem:$0x1D000] =	vst v63  }
0xca: {  	_ =	swait.ge [sflag:s18], $0x4000  }
0xcb: {  	[sflag:s18] =	ssyncset.done $0x0  }
0xcc: {  	s9 =	rddreg [dreg:$0x7];
	[sflag:s18] =	ssyncadd.s32 $0xFFFFC000  }
0xcd: {  	[tilespmem:s14], [sflag:$0x2] =	stream.indirect.gather [hbm4b:s4+s12], $0x80, s9, s12, $0xb8;
	[tilespmem:$0x1D000] =	vst v63  }
0xce: {  	_ =	swait.ge [sflag:s15], $0x4000  }
0xcf: {  	[sflag:s15] =	ssyncset.done $0x0  }
0xd0: {  	s9 =	rddreg [dreg:$0x8];
	[sflag:s15] =	ssyncadd.s32 $0xFFFFC000  }
0xd1: {  	[spmem:s2] =	stream.indirect.scatter.add.f32 [tilespmem:s13], [sflag:$0x3], $0x80, s9, s12, $0xb8;
	[tilespmem:$0x1D000] =	vst v63  }
0xd2: {  	_ =	swait.ge [sflag:s16], $0x4000  }
0xd3: {  	[sflag:s16] =	ssyncset.done $0x0  }
0xd4: {  	s9 =	rddreg [dreg:$0x9];
	[sflag:s16] =	ssyncadd.s32 $0xFFFFC000  }
0xd5: {  	[tilespmem:s13], [sflag:$0x1] =	stream.indirect.gather [hbm4b:s4+s12], $0x80, s9, s12, $0xb8;
	[tilespmem:$0x1D000] =	vst v63  }
0xd6: {  	_ =	swait.ge [sflag:s17], $0x4000  }
0xd7: {  	[sflag:s17] =	ssyncset.done $0x0  }
0xd8: {  	s9 =	rddreg [dreg:$0xa];
	[sflag:s17] =	ssyncadd.s32 $0xFFFFC000  }
0xd9: {  	[spmem:s2] =	stream.indirect.scatter.add.f32 [tilespmem:s14], [sflag:$0x4], $0x80, s9, s12, $0xb8;
	[tilespmem:$0x1D000] =	vst v63  }
0xda: {  	_ =	swait.ge [sflag:s18], $0x4000  }
0xdb: {  	[sflag:s18] =	ssyncset.done $0x0  }
0xdc: {  	s9 =	rddreg [dreg:$0xb];
	[sflag:s18] =	ssyncadd.s32 $0xFFFFC000  }
0xdd: {  	[tilespmem:s14], [sflag:$0x2] =	stream.indirect.gather [hbm4b:s4+s12], $0x80, s9, s12, $0xb8;
	[tilespmem:$0x1D000] =	vst v63  }
0xde: {  	_ =	swait.ge [sflag:s15], $0x4000  }
0xdf: {  	[sflag:s15] =	ssyncset.done $0x0  }
0xe0: {  	s9 =	rddreg [dreg:$0xc];
	[sflag:s15] =	ssyncadd.s32 $0xFFFFC000  }
0xe1: {  	[spmem:s2] =	stream.indirect.scatter.add.f32 [tilespmem:s13], [sflag:$0x3], $0x80, s9, s12, $0xb8;
	[tilespmem:$0x1D000] =	vst v63  }
0xe2: {  	_ =	swait.ge [sflag:s16], $0x4000  }
0xe3: {  	[sflag:s16] =	ssyncset.done $0x0  }
0xe4: {  	s9 =	rddreg [dreg:$0xd];
	[sflag:s16] =	ssyncadd.s32 $0xFFFFC000  }
0xe5: {  	[tilespmem:s13], [sflag:$0x1] =	stream.indirect.gather [hbm4b:s4+s12], $0x80, s9, s12, $0xb8;
	[tilespmem:$0x1D000] =	vst v63  }
0xe6: {  	_ =	swait.ge [sflag:s17], $0x4000  }
0xe7: {  	[sflag:s17] =	ssyncset.done $0x0  }
0xe8: {  	s9 =	rddreg [dreg:$0xe];
	[sflag:s17] =	ssyncadd.s32 $0xFFFFC000  }
0xe9: {  	[spmem:s2] =	stream.indirect.scatter.add.f32 [tilespmem:s14], [sflag:$0x4], $0x80, s9, s12, $0xb8;
	[tilespmem:$0x1D000] =	vst v63  }
0xea: {  	_ =	swait.ge [sflag:s18], $0x4000  }
0xeb: {  	[sflag:s18] =	ssyncset.done $0x0  }
0xec: {  	s9 =	rddreg [dreg:$0xf];
	[sflag:s18] =	ssyncadd.s32 $0xFFFFC000  }
0xed: {  	[tilespmem:s14], [sflag:$0x2] =	stream.indirect.gather [hbm4b:s4+s12], $0x80, s9, s12, $0xb8;
	[tilespmem:$0x1D000] =	vst v63  }
0xee: {  	_ =	swait.ge [sflag:s15], $0x4000  }
0xef: {  	[sflag:s15] =	ssyncset.done $0x0  }
0xf0: {  	s9 =	rddreg [dreg:$0x10];
	[sflag:s15] =	ssyncadd.s32 $0xFFFFC000  }
0xf1: {  	[spmem:s2] =	stream.indirect.scatter.add.f32 [tilespmem:s13], [sflag:$0x3], $0x80, s9, s12, $0xb8;
	[tilespmem:$0x1D000] =	vst v63  }
0xf2: {  	_ =	swait.ge [sflag:s16], $0x4000  }
0xf3: {  	[sflag:s16] =	ssyncset.done $0x0  }
0xf4: {  	s9 =	rddreg [dreg:$0x11];
	[sflag:s16] =	ssyncadd.s32 $0xFFFFC000  }
0xf5: {  	[tilespmem:s13], [sflag:$0x1] =	stream.indirect.gather [hbm4b:s4+s12], $0x80, s9, s12, $0xb8;
	[tilespmem:$0x1D000] =	vst v63  }
0xf6: {  	_ =	swait.ge [sflag:s17], $0x4000  }
0xf7: {  	[sflag:s17] =	ssyncset.done $0x0  }
0xf8: {  	s9 =	rddreg [dreg:$0x12];
	[sflag:s17] =	ssyncadd.s32 $0xFFFFC000  }
0xf9: {  	[spmem:s2] =	stream.indirect.scatter.add.f32 [tilespmem:s14], [sflag:$0x4], $0x80, s9, s12, $0xb8;
	[tilespmem:$0x1D000] =	vst v63  }
0xfa: {  	_ =	swait.ge [sflag:s18], $0x4000  }
0xfb: {  	[sflag:s18] =	ssyncset.done $0x0  }
0xfc: {  	[sflag:s18] =	ssyncadd.s32 $0xFFFFC000  }
0xfd: {  	[tilespmem:s14], [sflag:$0x2] =	stream.indirect.gather [hbm4b:s4+s12], $0x80, s19, s12, $0xb8;
	[tilespmem:$0x1D000] =	vst v63  }
0xfe: {  	_ =	swait.ge [sflag:s15], $0x4000  }
0xff: {  	[sflag:s15] =	ssyncset.done $0x0  }
0x100: {  	[sflag:s15] =	ssyncadd.s32 $0xFFFFC000  }
0x101: {  	[spmem:s2] =	stream.indirect.scatter.add.f32 [tilespmem:s13], [sflag:$0x3], $0x80, s20, s12, $0xb8;
	[tilespmem:$0x1D000] =	vst v63  }
0x102: {  	_ =	swait.ge [sflag:s16], $0x4000  }
0x103: {  	[sflag:s16] =	ssyncset.done $0x0  }
0x104: {  	[sflag:s16] =	ssyncadd.s32 $0xFFFFC000  }
0x105: {  	[tilespmem:s13], [sflag:$0x1] =	stream.indirect.gather [hbm4b:s4+s12], $0x80, s21, s12, $0xb8;
	[tilespmem:$0x1D000] =	vst v63  }
0x106: {  	_ =	swait.ge [sflag:s17], $0x4000  }
0x107: {  	[sflag:s17] =	ssyncset.done $0x0  }
0x108: {  	[sflag:s17] =	ssyncadd.s32 $0xFFFFC000  }
0x109: {  	[spmem:s2] =	stream.indirect.scatter.add.f32 [tilespmem:s14], [sflag:$0x4], $0x80, s22, s12, $0xb8;
	[tilespmem:$0x1D000] =	vst v63  }
0x10a: {  	_ =	swait.ge [sflag:s18], $0x4000  }
0x10b: {  	[sflag:s18] =	ssyncset.done $0x0  }
0x10c: {  	[sflag:s18] =	ssyncadd.s32 $0xFFFFC000  }
0x10d: {  	[tilespmem:s14], [sflag:$0x2] =	stream.indirect.gather [hbm4b:s4+s12], $0x80, s23, s12, $0xb8;
	[tilespmem:$0x1D000] =	vst v63  }
0x10e: {  	_ =	swait.ge [sflag:s15], $0x4000  }
0x10f: {  	[sflag:s15] =	ssyncset.done $0x0  }
0x110: {  	[sflag:s15] =	ssyncadd.s32 $0xFFFFC000  }
0x111: {  	[spmem:s2] =	stream.indirect.scatter.add.f32 [tilespmem:s13], [sflag:$0x3], $0x80, s24, s12, $0xb8;
	[tilespmem:$0x1D000] =	vst v63  }
0x112: {  	_ =	swait.ge [sflag:s16], $0x4000  }
0x113: {  	[sflag:s16] =	ssyncset.done $0x0  }
0x114: {  	[sflag:s16] =	ssyncadd.s32 $0xFFFFC000  }
0x115: {  	[tilespmem:s13], [sflag:$0x1] =	stream.indirect.gather [hbm4b:s4+s12], $0x80, s25, s12, $0xb8;
	[tilespmem:$0x1D000] =	vst v63  }
0x116: {  	_ =	swait.ge [sflag:s17], $0x4000  }
0x117: {  	[sflag:s17] =	ssyncset.done $0x0  }
0x118: {  	[sflag:s17] =	ssyncadd.s32 $0xFFFFC000  }
0x119: {  	[spmem:s2] =	stream.indirect.scatter.add.f32 [tilespmem:s14], [sflag:$0x4], $0x80, s26, s12, $0xb8;
	[tilespmem:$0x1D000] =	vst v63  }
0x11a: {  	_ =	swait.ge [sflag:s18], $0x4000  }
0x11b: {  	[sflag:s18] =	ssyncset.done $0x0  }
0x11c: {  	[sflag:s18] =	ssyncadd.s32 $0xFFFFC000  }
0x11d: {  	[tilespmem:s14], [sflag:$0x2] =	stream.indirect.gather [hbm4b:s4+s12], $0x80, s28, s12, $0xb8;
	[tilespmem:$0x1D000] =	vst v63  }
0x11e: {  	_ =	swait.ge [sflag:s15], $0x4000  }
0x11f: {  	[sflag:s15] =	ssyncset.done $0x0  }
0x120: {  	[sflag:s15] =	ssyncadd.s32 $0xFFFFC000  }
0x121: {  	[spmem:s2] =	stream.indirect.scatter.add.f32 [tilespmem:s13], [sflag:$0x3], $0x80, s29, s12, $0xb8;
	[tilespmem:$0x1D000] =	vst v63  }
0x122: {  	_ =	swait.ge [sflag:s16], $0x4000  }
0x123: {  	[sflag:s16] =	ssyncset.done $0x0  }
0x124: {  	[sflag:s16] =	ssyncadd.s32 $0xFFFFC000  }
0x125: {  	[tilespmem:s13], [sflag:$0x1] =	stream.indirect.gather [hbm4b:s4+s12], $0x80, s30, s12, $0xb8;
	[tilespmem:$0x1D000] =	vst v63  }
0x126: {  	_ =	swait.ge [sflag:s17], $0x4000  }
0x127: {  	[sflag:s17] =	ssyncset.done $0x0  }
0x128: {  	[sflag:s17] =	ssyncadd.s32 $0xFFFFC000  }
0x129: {  	[spmem:s2] =	stream.indirect.scatter.add.f32 [tilespmem:s14], [sflag:$0x4], $0x80, s31, s12, $0xb8;
	[tilespmem:$0x1D000] =	vst v63  }
0x12a: {  	_ =	swait.ge [sflag:s18], $0x4000  }
0x12b: {  	[sflag:s18] =	ssyncset.done $0x0  }
0x12c: {  	[sflag:s18] =	ssyncadd.s32 $0xFFFFC000  }
0x12d: {  	[tilespmem:s14], [sflag:$0x2] =	stream.indirect.gather [hbm4b:s4+s12], $0x80, s1, s12, $0xb8;
	[tilespmem:$0x1D000] =	vst v63  }
0x12e: {  	_ =	swait.ge [sflag:s15], $0x4000  }
0x12f: {  	[sflag:s15] =	ssyncset.done $0x0  }
0x130: {  	[sflag:s15] =	ssyncadd.s32 $0xFFFFC000  }
0x131: {  	[spmem:s2] =	stream.indirect.scatter.add.f32 [tilespmem:s13], [sflag:$0x3], $0x80, s0, s12, $0xb8;
	[tilespmem:$0x1D000] =	vst v63  }
0x132: {  	_ =	swait.ge [sflag:s17], $0x4000  }
0x133: {  	[sflag:s17] =	ssyncset.done $0x0  }
0x134: {  	p0 =	sne.s32 s6, $0x900;
	[sflag:s17] =	ssyncadd.s32 $0xFFFFC000  }
0x135: {  	[spmem:s2] =	stream.indirect.scatter.add.f32 [tilespmem:s14], [sflag:$0x4], $0x80, s5, s12, $0xb8;
	[tilespmem:$0x1D000] =	vst v63  }
.Ltmp0:
0x136: {  	_ =	swait.ge [sflag:s16], $0x4000;
	(pc) =	sbr.rel @p0 .LBB2_2-.Ltmp0, $4  }
0x137: {  	[sflag:s16] =	ssyncset.done $0x0  }
0x138: {  	[sflag:s16] =	ssyncadd.s32 $0xFFFFC000  }
0x139: {  	s7 =	smov.u32 s6;
	s6 =	sadd.s32 $0x100, s6;
	_ =	swait.ge [sflag:s18], $0x4000  }
0x13a: {  	s8 =	smov.u32 s7;
	s9 =	rddreg [dreg:$0x4];
	[sflag:s18] =	ssyncset.done $0x0  }
0x13b: {  	[sflag:s18] =	ssyncadd.s32 $0xFFFFC000;
	s6 =	sadd.s32 s8, s9  }
0x13c: {  	[tilespmem:s3], [sflag:$0x5] =	stream.linear.gather [hbm4b:s6+s3], $0x800, $0x38;
	[tilespmem:$0x1D000] =	vst v63  }
0x13d: {  	_ =	swait.ge [sflag:s10], $0x800  }
0x13e: {  	s9 =	rddreg [dreg:$0x3];
	[sflag:s10] =	ssyncset.done $0x0  }
0x13f: {  	s6 =	sadd.s32 s8, s9;
	[sflag:s10] =	ssyncadd.s32 $0xFFFFF800  }
0x140: {  	[tilespmem:s11], [sflag:$0x5] =	stream.linear.gather [hbm4b:s6+s3], $0x800, $0x38;
	[tilespmem:$0x1D000] =	vst v63  }
0x141: {  	_ =	swait.ge [sflag:s10], $0x800  }
0x142: {  	[sflag:s10] =	ssyncset.done $0x0  }
0x143: {  	[sflag:s10] =	ssyncadd.s32 $0xFFFFF800  }
0x144: {  	[tilespmem:s13], [sflag:$0x1] =	stream.indirect.gather [hbm4b:s4+s12], $0x80, s3, s12, $0xb8;
	[tilespmem:$0x1D000] =	vst v63  }
0x145: {  	_ = 	snop  }
0x146: {  	[tilespmem:s14], [sflag:$0x2] =	stream.indirect.gather [hbm4b:s4+s12], $0x80, s12, s12, $0xb8;
	[tilespmem:$0x1D000] =	vst v63  }
0x147: {  	_ =	swait.ge [sflag:s15], $0x4000  }
0x148: {  	[sflag:s15] =	ssyncset.done $0x0  }
0x149: {  	[sflag:s15] =	ssyncadd.s32 $0xFFFFC000  }
0x14a: {  	[spmem:s2] =	stream.indirect.scatter.add.f32 [tilespmem:s13], [sflag:$0x3], $0x80, s11, s12, $0xb8;
	[tilespmem:$0x1D000] =	vst v63  }
0x14b: {  	_ =	swait.ge [sflag:s16], $0x4000  }
0x14c: {  	[sflag:s16] =	ssyncset.done $0x0  }
0x14d: {  	s7 =	rddreg [dreg:$0x5];
	[sflag:s16] =	ssyncadd.s32 $0xFFFFC000  }
0x14e: {  	[tilespmem:s13], [sflag:$0x1] =	stream.indirect.gather [hbm4b:s4+s12], $0x80, s7, s12, $0xb8;
	[tilespmem:$0x1D000] =	vst v63  }
0x14f: {  	_ =	swait.ge [sflag:s17], $0x4000  }
0x150: {  	[sflag:s17] =	ssyncset.done $0x0  }
0x151: {  	s8 =	rddreg [dreg:$0x6];
	[sflag:s17] =	ssyncadd.s32 $0xFFFFC000  }
0x152: {  	[spmem:s2] =	stream.indirect.scatter.add.f32 [tilespmem:s14], [sflag:$0x4], $0x80, s8, s12, $0xb8;
	[tilespmem:$0x1D000] =	vst v63  }
0x153: {  	_ =	swait.ge [sflag:s18], $0x4000  }
0x154: {  	[sflag:s18] =	ssyncset.done $0x0  }
0x155: {  	s9 =	rddreg [dreg:$0x7];
	[sflag:s18] =	ssyncadd.s32 $0xFFFFC000  }
0x156: {  	[tilespmem:s14], [sflag:$0x2] =	stream.indirect.gather [hbm4b:s4+s12], $0x80, s9, s12, $0xb8;
	[tilespmem:$0x1D000] =	vst v63  }
0x157: {  	_ =	swait.ge [sflag:s15], $0x4000  }
0x158: {  	[sflag:s15] =	ssyncset.done $0x0  }
0x159: {  	s7 =	rddreg [dreg:$0x8];
	[sflag:s15] =	ssyncadd.s32 $0xFFFFC000  }
0x15a: {  	[spmem:s2] =	stream.indirect.scatter.add.f32 [tilespmem:s13], [sflag:$0x3], $0x80, s7, s12, $0xb8;
	[tilespmem:$0x1D000] =	vst v63  }
0x15b: {  	_ =	swait.ge [sflag:s16], $0x4000  }
0x15c: {  	[sflag:s16] =	ssyncset.done $0x0  }
0x15d: {  	s8 =	rddreg [dreg:$0x9];
	[sflag:s16] =	ssyncadd.s32 $0xFFFFC000  }
0x15e: {  	[tilespmem:s13], [sflag:$0x1] =	stream.indirect.gather [hbm4b:s4+s12], $0x80, s8, s12, $0xb8;
	[tilespmem:$0x1D000] =	vst v63  }
0x15f: {  	_ =	swait.ge [sflag:s17], $0x4000  }
0x160: {  	[sflag:s17] =	ssyncset.done $0x0  }
0x161: {  	s9 =	rddreg [dreg:$0xa];
	[sflag:s17] =	ssyncadd.s32 $0xFFFFC000  }
0x162: {  	[spmem:s2] =	stream.indirect.scatter.add.f32 [tilespmem:s14], [sflag:$0x4], $0x80, s9, s12, $0xb8;
	[tilespmem:$0x1D000] =	vst v63  }
0x163: {  	_ =	swait.ge [sflag:s18], $0x4000  }
0x164: {  	[sflag:s18] =	ssyncset.done $0x0  }
0x165: {  	s7 =	rddreg [dreg:$0xb];
	[sflag:s18] =	ssyncadd.s32 $0xFFFFC000  }
0x166: {  	[tilespmem:s14], [sflag:$0x2] =	stream.indirect.gather [hbm4b:s4+s12], $0x80, s7, s12, $0xb8;
	[tilespmem:$0x1D000] =	vst v63  }
0x167: {  	_ =	swait.ge [sflag:s15], $0x4000  }
0x168: {  	[sflag:s15] =	ssyncset.done $0x0  }
0x169: {  	s8 =	rddreg [dreg:$0xc];
	[sflag:s15] =	ssyncadd.s32 $0xFFFFC000  }
0x16a: {  	[spmem:s2] =	stream.indirect.scatter.add.f32 [tilespmem:s13], [sflag:$0x3], $0x80, s8, s12, $0xb8;
	[tilespmem:$0x1D000] =	vst v63  }
0x16b: {  	_ =	swait.ge [sflag:s16], $0x4000  }
0x16c: {  	[sflag:s16] =	ssyncset.done $0x0  }
0x16d: {  	s9 =	rddreg [dreg:$0xd];
	[sflag:s16] =	ssyncadd.s32 $0xFFFFC000  }
0x16e: {  	[tilespmem:s13], [sflag:$0x1] =	stream.indirect.gather [hbm4b:s4+s12], $0x80, s9, s12, $0xb8;
	[tilespmem:$0x1D000] =	vst v63  }
0x16f: {  	_ =	swait.ge [sflag:s17], $0x4000  }
0x170: {  	[sflag:s17] =	ssyncset.done $0x0  }
0x171: {  	s7 =	rddreg [dreg:$0xe];
	[sflag:s17] =	ssyncadd.s32 $0xFFFFC000  }
0x172: {  	[spmem:s2] =	stream.indirect.scatter.add.f32 [tilespmem:s14], [sflag:$0x4], $0x80, s7, s12, $0xb8;
	[tilespmem:$0x1D000] =	vst v63  }
0x173: {  	_ =	swait.ge [sflag:s18], $0x4000  }
0x174: {  	[sflag:s18] =	ssyncset.done $0x0  }
0x175: {  	s8 =	rddreg [dreg:$0xf];
	[sflag:s18] =	ssyncadd.s32 $0xFFFFC000  }
0x176: {  	[tilespmem:s14], [sflag:$0x2] =	stream.indirect.gather [hbm4b:s4+s12], $0x80, s8, s12, $0xb8;
	[tilespmem:$0x1D000] =	vst v63  }
0x177: {  	_ =	swait.ge [sflag:s15], $0x4000  }
0x178: {  	[sflag:s15] =	ssyncset.done $0x0  }
0x179: {  	s9 =	rddreg [dreg:$0x10];
	[sflag:s15] =	ssyncadd.s32 $0xFFFFC000  }
0x17a: {  	[spmem:s2] =	stream.indirect.scatter.add.f32 [tilespmem:s13], [sflag:$0x3], $0x80, s9, s12, $0xb8;
	[tilespmem:$0x1D000] =	vst v63  }
0x17b: {  	_ =	swait.ge [sflag:s16], $0x4000  }
0x17c: {  	[sflag:s16] =	ssyncset.done $0x0  }
0x17d: {  	s7 =	rddreg [dreg:$0x11];
	[sflag:s16] =	ssyncadd.s32 $0xFFFFC000  }
0x17e: {  	[tilespmem:s13], [sflag:$0x1] =	stream.indirect.gather [hbm4b:s4+s12], $0x80, s7, s12, $0xb8;
	[tilespmem:$0x1D000] =	vst v63  }
0x17f: {  	_ =	swait.ge [sflag:s17], $0x4000  }
0x180: {  	[sflag:s17] =	ssyncset.done $0x0  }
0x181: {  	s8 =	rddreg [dreg:$0x12];
	[sflag:s17] =	ssyncadd.s32 $0xFFFFC000  }
0x182: {  	[spmem:s2] =	stream.indirect.scatter.add.f32 [tilespmem:s14], [sflag:$0x4], $0x80, s8, s12, $0xb8;
	[tilespmem:$0x1D000] =	vst v63  }
0x183: {  	_ =	swait.ge [sflag:s18], $0x4000  }
0x184: {  	[sflag:s18] =	ssyncset.done $0x0  }
0x185: {  	[sflag:s18] =	ssyncadd.s32 $0xFFFFC000  }
0x186: {  	[tilespmem:s14], [sflag:$0x2] =	stream.indirect.gather [hbm4b:s4+s12], $0x80, s19, s12, $0xb8;
	[tilespmem:$0x1D000] =	vst v63  }
0x187: {  	_ =	swait.ge [sflag:s15], $0x4000  }
0x188: {  	[sflag:s15] =	ssyncset.done $0x0  }
0x189: {  	[sflag:s15] =	ssyncadd.s32 $0xFFFFC000  }
0x18a: {  	[spmem:s2] =	stream.indirect.scatter.add.f32 [tilespmem:s13], [sflag:$0x3], $0x80, s20, s12, $0xb8;
	[tilespmem:$0x1D000] =	vst v63  }
0x18b: {  	_ =	swait.ge [sflag:s16], $0x4000  }
0x18c: {  	[sflag:s16] =	ssyncset.done $0x0  }
0x18d: {  	[sflag:s16] =	ssyncadd.s32 $0xFFFFC000  }
0x18e: {  	[tilespmem:s13], [sflag:$0x1] =	stream.indirect.gather [hbm4b:s4+s12], $0x80, s21, s12, $0xb8;
	[tilespmem:$0x1D000] =	vst v63  }
0x18f: {  	_ =	swait.ge [sflag:s17], $0x4000  }
0x190: {  	[sflag:s17] =	ssyncset.done $0x0  }
0x191: {  	[sflag:s17] =	ssyncadd.s32 $0xFFFFC000  }
0x192: {  	[spmem:s2] =	stream.indirect.scatter.add.f32 [tilespmem:s14], [sflag:$0x4], $0x80, s22, s12, $0xb8;
	[tilespmem:$0x1D000] =	vst v63  }
0x193: {  	_ =	swait.ge [sflag:s18], $0x4000  }
0x194: {  	[sflag:s18] =	ssyncset.done $0x0  }
0x195: {  	[sflag:s18] =	ssyncadd.s32 $0xFFFFC000  }
0x196: {  	[tilespmem:s14], [sflag:$0x2] =	stream.indirect.gather [hbm4b:s4+s12], $0x80, s23, s12, $0xb8;
	[tilespmem:$0x1D000] =	vst v63  }
0x197: {  	_ =	swait.ge [sflag:s15], $0x4000  }
0x198: {  	[sflag:s15] =	ssyncset.done $0x0  }
0x199: {  	[sflag:s15] =	ssyncadd.s32 $0xFFFFC000  }
0x19a: {  	[spmem:s2] =	stream.indirect.scatter.add.f32 [tilespmem:s13], [sflag:$0x3], $0x80, s24, s12, $0xb8;
	[tilespmem:$0x1D000] =	vst v63  }
0x19b: {  	_ =	swait.ge [sflag:s16], $0x4000  }
0x19c: {  	[sflag:s16] =	ssyncset.done $0x0  }
0x19d: {  	[sflag:s16] =	ssyncadd.s32 $0xFFFFC000  }
0x19e: {  	[tilespmem:s13], [sflag:$0x1] =	stream.indirect.gather [hbm4b:s4+s12], $0x80, s25, s12, $0xb8;
	[tilespmem:$0x1D000] =	vst v63  }
0x19f: {  	_ =	swait.ge [sflag:s17], $0x4000  }
0x1a0: {  	[sflag:s17] =	ssyncset.done $0x0  }
0x1a1: {  	[sflag:s17] =	ssyncadd.s32 $0xFFFFC000  }
0x1a2: {  	[spmem:s2] =	stream.indirect.scatter.add.f32 [tilespmem:s14], [sflag:$0x4], $0x80, s26, s12, $0xb8;
	[tilespmem:$0x1D000] =	vst v63  }
0x1a3: {  	_ =	swait.ge [sflag:s18], $0x4000  }
0x1a4: {  	[sflag:s18] =	ssyncset.done $0x0  }
0x1a5: {  	[sflag:s18] =	ssyncadd.s32 $0xFFFFC000  }
0x1a6: {  	[tilespmem:s14], [sflag:$0x2] =	stream.indirect.gather [hbm4b:s4+s12], $0x80, s28, s12, $0xb8;
	[tilespmem:$0x1D000] =	vst v63  }
0x1a7: {  	_ =	swait.ge [sflag:s15], $0x4000  }
0x1a8: {  	[sflag:s15] =	ssyncset.done $0x0  }
0x1a9: {  	[sflag:s15] =	ssyncadd.s32 $0xFFFFC000  }
0x1aa: {  	[spmem:s2] =	stream.indirect.scatter.add.f32 [tilespmem:s13], [sflag:$0x3], $0x80, s29, s12, $0xb8;
	[tilespmem:$0x1D000] =	vst v63  }
0x1ab: {  	_ =	swait.ge [sflag:s16], $0x4000  }
0x1ac: {  	[sflag:s16] =	ssyncset.done $0x0  }
0x1ad: {  	[sflag:s16] =	ssyncadd.s32 $0xFFFFC000  }
0x1ae: {  	[tilespmem:s13], [sflag:$0x1] =	stream.indirect.gather [hbm4b:s4+s12], $0x80, s30, s12, $0xb8;
	[tilespmem:$0x1D000] =	vst v63  }
0x1af: {  	_ =	swait.ge [sflag:s17], $0x4000  }
0x1b0: {  	[sflag:s17] =	ssyncset.done $0x0  }
0x1b1: {  	[sflag:s17] =	ssyncadd.s32 $0xFFFFC000  }
0x1b2: {  	[spmem:s2] =	stream.indirect.scatter.add.f32 [tilespmem:s14], [sflag:$0x4], $0x80, s31, s12, $0xb8;
	[tilespmem:$0x1D000] =	vst v63  }
0x1b3: {  	_ =	swait.ge [sflag:s18], $0x4000  }
0x1b4: {  	[sflag:s18] =	ssyncset.done $0x0  }
0x1b5: {  	[sflag:s18] =	ssyncadd.s32 $0xFFFFC000  }
0x1b6: {  	[tilespmem:s14], [sflag:$0x2] =	stream.indirect.gather [hbm4b:s4+s12], $0x80, s1, s12, $0xb8;
	[tilespmem:$0x1D000] =	vst v63  }
0x1b7: {  	_ =	swait.ge [sflag:s15], $0x4000  }
0x1b8: {  	[sflag:s15] =	ssyncset.done $0x0  }
0x1b9: {  	[sflag:s15] =	ssyncadd.s32 $0xFFFFC000  }
0x1ba: {  	[spmem:s2] =	stream.indirect.scatter.add.f32 [tilespmem:s13], [sflag:$0x3], $0x80, s0, s12, $0xb8;
	[tilespmem:$0x1D000] =	vst v63  }
0x1bb: {  	_ =	swait.ge [sflag:s17], $0x4000  }
0x1bc: {  	[sflag:s17] =	ssyncset.done $0x0  }
0x1bd: {  	[sflag:s17] =	ssyncadd.s32 $0xFFFFC000  }
0x1be: {  	[spmem:s2] =	stream.indirect.scatter.add.f32 [tilespmem:s14], [sflag:$0x4], $0x80, s5, s12, $0xb8;
	[tilespmem:$0x1D000] =	vst v63  }
0x1bf: {  	_ =	swait.ge [sflag:s16], $0x4000  }
0x1c0: {  	[sflag:s16] =	ssyncset.done $0x0  }
0x1c1: {  	[sflag:s16] =	ssyncadd.s32 $0xFFFFC000  }
0x1c2: {  	_ =	swait.ge [sflag:s18], $0x4000  }
0x1c3: {  	[sflag:s18] =	ssyncset.done $0x0  }
0x1c4: {  	[sflag:s18] =	ssyncadd.s32 $0xFFFFC000  }
0x1c5: {  	[bflag:$0x0] =	sbarrier.arrive $0xFFFF  }
0x1c6: {  	s7 =	rddreg [dreg:$0x14]  }
0x1c7: {  	s9 =	rddreg [dreg:$0x15]  }
0x1c8: {  	s8 =	rddreg [dreg:$0x17]  }
0x1c9: {  	[hbm:s9], [sflag:s7] =	dma.local [spmem:s8], $0x2800  }
0x1ca: {  	_ =	swait.ge [sflag:s10], $0x2800  }
0x1cb: {  	s6 =	rddreg [dreg:$0x18]  }
0x1cc: {  	s9 =	sadd.s32 $0x1, s6;
	s6 =	rddreg [dreg:$0x16]  }
0x1cd: {  	p0 =	sne.s32 s9, s6  }
.Ltmp1:
0x1ce: {  	_ = 	snop;
	(pc) =	sbr.rel @p0 .LBB2_1-.Ltmp1, $3  }
0x1cf: {  	_ =	sdelay $0x1  }
0x1d0: {  	[sflag:s10] =	ssyncset.done $0x0  }
0x1d1: {  	[sflag:s10] =	ssyncadd.s32 $0xFFFFD800  }
0x1d2: {  	_ =	sfence.sel $0x180000  }
0x1d3: {  	[bflag:$0x0] =	sbarrier.arrive $0xFFFF  }
0x1d4: {  	_ =	strace $0x9000004D  }
0x1d5: {  	s0 =	stileid.u32;
	[bflag:$0x2] =	sbarrier.arrive $0xFFFF  }
0x1d6: {  	p0 =	sne.s32 s0, $0x0;
	s0 =	rddreg [dreg:$0x2]  }
0x1d7: {  	s0 =	sadd.s32 @!p0 $0x100000, s0  }
0x1d8: {  	[sflag:s0] =	ssyncadd.tile.s32 @!p0 $0x1;
	_ =	shalt  }
.Lfunc_end2:
_tile_overlayer_lowered:
.L_overlay_start_2:
0x1d9: {  	(tag) =	ssettag $0x2  }
0x1da: {  	s0 =	rddreg [dreg:$0x0];
	s2 =	stileid.u32  }
0x1db: {  	s1 =	rddreg [dreg:$0x1];
	p0 =	sne.s32 s2, $0x0  }
0x1dc: {  	s3 =	rddreg [dreg:$0x2];
	[bflag:$0x3] =	sbarrier.arrive $0xFFFF;
	s2 =	simm.s32 @!p0 $0x1C05  }
0x1dd: {  	[timem:s3], [sflag:s2] =	dma.local @!p0 [hbm:s0], s1  }
0x1de: {  	s0 =	simm.s32 @!p0 $0x5  }
0x1df: {  	_ =	swait.ge @!p0 [sflag:s0], s1  }
0x1e0: {  	s1 =	ssub.s32 @!p0 $0x0, s1;
	[sflag:s0] =	ssyncset.done @!p0 $0x0  }
0x1e1: {  	[sflag:s0] =	ssyncadd.s32 @!p0 s1  }
0x1e2: {  	[bflag:$0x3] =	sbarrier.arrive $0xFFFF  }
0x1e3: {  	_ =	shalt  }

// kernel: kernel.19.cloned.1.call-start
scs
__scs_entry_jumppad:
0x0: {  	(pc) =	sbr.rel $0x88, $3  }
0x1: {  	(tag) =	ssettag $0x0;
	lr =	simm.s32 $0x1  }
0x2: {  	[smem:$0x3F96] =	sst lr;
	_ =	strace $0xD0000000  }
0x3: {  	_ = 	snop  }
0x4: {  	_ = 	snop  }
0x5: {  	_ = 	snop  }
0x6: {  	_ = 	snop  }
0x7: {  	_ = 	snop  }
__scs_overlays_trampoline_lowered:
0x8: {  	[smem:$0x3FA5] =	sst s0  }
0x9: {  	[smem:$0x3FA6] =	sst s1  }
0xa: {  	[smem:$0x3FA7] =	sst s2  }
0xb: {  	[smem:$0x3FA8] =	sst s3  }
0xc: {  	[smem:$0x3FA9] =	sst s4  }
0xd: {  	[smem:$0x3FAA] =	sst s5  }
0xe: {  	[smem:$0x3FAB] =	sst s6  }
0xf: {  	[smem:$0x3FAC] =	sst s7  }
0x10: {  	[smem:$0x3FAD] =	sst s8  }
0x11: {  	[smem:$0x3FAE] =	sst s9;
	s0 =	simm.s32 @!p0 $0x0  }
0x12: {  	s1 =	sld [smem:$0x3F94];
	s0 =	simm.s32 @p0 $0x1  }
0x13: {  	[smem:$0x3FAF] =	sst s0;
	s0 =	simm.s32 @!p1 $0x0  }
0x14: {  	s2 =	sld [smem:$0x3F93];
	s0 =	simm.s32 @p1 $0x1  }
0x15: {  	[smem:$0x3FB0] =	sst s0;
	s0 =	simm.s32 @!p2 $0x0  }
0x16: {  	s3 =	sld [smem:$0x3FDB];
	s0 =	simm.s32 @p2 $0x1  }
0x17: {  	s4 =	simm.s32 $0x1BF5;
	[smem:$0x3FB2] =	sst s0  }
0x18: {  	s0 =	sld [smem:$0x3F95];
	_ =	swait.ge [sflag:s4], $0x0  }
0x19: {  	s7 =	sld [smem:$0x3F96]  }
0x1a: {  	s8 =	sadd.s32 $0xFFFFE003, lr  }
0x1b: {  	s9 =	sadd.s32 $0xFFFFFEF7, lr;
	s5 =	simm.s32 $0xFFFFFFFF;
	p2 =	slt.u32 s8, $0xFFFFF086  }
0x1c: {  	p1 =	slt.u32 s9, $0xF7A;
	s5 =	simm.s32 @!p2 $0x0  }
0x1d: {  	s5 =	simm.s32 @p1 $0x1;
	p0 =	seq.s32 s7, s2  }
0x1e: {  	s7 =	smul.u32 @!p0 $0xF7A, s2;
	p2 =	seq.s32 @!p0 s5, $0x0  }
0x1f: {  	s9 =	smul.u32 $0xF7A, s1;
	s8 =	simm.s32 @!p0 $0x1BF5;
	p2 =	por !p2, p0  }
0x20: {  	[sflag:s8] =	ssyncset.s32 @!p0 $0xFFFFF086;
	s6 =	sadd.s32 @!p0 s3, s7;
	s7 =	simm.s32 @!p0 $0x108  }
0x21: {  	s3 =	sadd.s32 s3, s9;
	s6 =	sadd.s32 @!p0 $0x88, s6;
	s7 =	simm.s32 @p2 $0x1082  }
0x22: {  	[simem:s7], [sflag:s8] =	dma.local @!p0 [hbm:s6], $0xF7A  }
0x23: {  	s9 =	sor.u32 $0xD0000000, s2;
	s6 =	simm.s32 $0x108;
	_ =	swait.ge @!p0 [sflag:s8], $0x0  }
0x24: {  	s3 =	sadd.s32 $0x88, s3;
	s6 =	simm.s32 @!p1 $0x1082;
	[sflag:s4] =	ssyncset.s32 $0xFFFFF086  }
0x25: {  	[simem:s6], [sflag:s4] =	dma.local [hbm:s3], $0xF7A  }
0x26: {  	[smem:$0x3F96] =	sst s1;
	(tag) =	ssettag s2;
	_ =	strace s9  }
0x27: {  	s1 =	sld [smem:$0x3FA6]  }
0x28: {  	s2 =	sld [smem:$0x3FA7]  }
0x29: {  	s4 =	sld [smem:$0x3FA9]  }
0x2a: {  	p0 =	seq.s32 s5, $0x0;
	s5 =	sld [smem:$0x3FAA]  }
0x2b: {  	s6 =	sld [smem:$0x3FAB]  }
0x2c: {  	s7 =	sld [smem:$0x3FAC]  }
0x2d: {  	s3 =	simm.s32 $0x108;
	s8 =	sld [smem:$0x3FAD]  }
0x2e: {  	s3 =	simm.s32 @!p0 $0x1082;
	s9 =	sld [smem:$0x3FAE]  }
0x2f: {  	lr =	sadd.s32 s0, s3;
	s0 =	sld [smem:$0x3FA5]  }
0x30: {  	s3 =	sld [smem:$0x3FA8]  }
0x31: {  	[smem:$0x3FB1] =	sst s10  }
0x32: {  	s10 =	sld [smem:$0x3FAF];
	_ =	sdelay $0x3  }
0x33: {  	p0 =	seq.s32 s10, $0x1;
	s10 =	sld [smem:$0x3FB1];
	_ =	sdelay $0x3  }
0x34: {  	[smem:$0x3FB1] =	sst s10  }
0x35: {  	s10 =	sld [smem:$0x3FB0];
	_ =	sdelay $0x3  }
0x36: {  	p1 =	seq.s32 s10, $0x1;
	s10 =	sld [smem:$0x3FB1];
	_ =	sdelay $0x3  }
0x37: {  	[smem:$0x3FB1] =	sst s10  }
0x38: {  	s10 =	sld [smem:$0x3FB2]  }
0x39: {  	_ = 	snop;
	(pc) =	sbr.ind lr, $3  }
0x3a: {  	_ = 	snop  }
0x3b: {  	_ = 	snop  }
0x3c: {  	p2 =	seq.s32 s10, $0x1;
	s10 =	sld [smem:$0x3FB1]  }
0x3d: {  	_ =	shalt  }
0x3e: {  	_ =	shalt  }
0x3f: {  	_ =	shalt  }
0x40: {  	_ =	shalt  }
0x41: {  	_ =	shalt  }
0x42: {  	_ =	shalt  }
0x43: {  	_ =	shalt  }
0x44: {  	_ =	shalt  }
0x45: {  	_ =	shalt  }
0x46: {  	_ =	shalt  }
0x47: {  	_ =	shalt  }
0x48: {  	_ =	shalt  }
0x49: {  	_ =	shalt  }
0x4a: {  	_ =	shalt  }
0x4b: {  	_ =	shalt  }
0x4c: {  	_ =	shalt  }
0x4d: {  	_ =	shalt  }
0x4e: {  	_ =	shalt  }
0x4f: {  	_ =	shalt  }
0x50: {  	_ =	shalt  }
0x51: {  	_ =	shalt  }
0x52: {  	_ =	shalt  }
0x53: {  	_ =	shalt  }
0x54: {  	_ =	shalt  }
0x55: {  	_ =	shalt  }
0x56: {  	_ =	shalt  }
0x57: {  	_ =	shalt  }
0x58: {  	_ =	shalt  }
0x59: {  	_ =	shalt  }
0x5a: {  	_ =	shalt  }
0x5b: {  	_ =	shalt  }
0x5c: {  	_ =	shalt  }
0x5d: {  	_ =	shalt  }
0x5e: {  	_ =	shalt  }
0x5f: {  	_ =	shalt  }
0x60: {  	_ =	shalt  }
0x61: {  	_ =	shalt  }
0x62: {  	_ =	shalt  }
0x63: {  	_ =	shalt  }
0x64: {  	_ =	shalt  }
0x65: {  	_ =	shalt  }
0x66: {  	_ =	shalt  }
0x67: {  	_ =	shalt  }
0x68: {  	_ =	shalt  }
0x69: {  	_ =	shalt  }
0x6a: {  	_ =	shalt  }
0x6b: {  	_ =	shalt  }
0x6c: {  	_ =	shalt  }
0x6d: {  	_ =	shalt  }
0x6e: {  	_ =	shalt  }
0x6f: {  	_ =	shalt  }
0x70: {  	_ =	shalt  }
0x71: {  	_ =	shalt  }
0x72: {  	_ =	shalt  }
0x73: {  	_ =	shalt  }
0x74: {  	_ =	shalt  }
0x75: {  	_ =	shalt  }
0x76: {  	_ =	shalt  }
0x77: {  	_ =	shalt  }
0x78: {  	_ =	shalt  }
0x79: {  	_ =	shalt  }
0x7a: {  	_ =	shalt  }
0x7b: {  	_ =	shalt  }
0x7c: {  	_ =	shalt  }
0x7d: {  	_ =	shalt  }
0x7e: {  	_ =	shalt  }
0x7f: {  	_ =	shalt  }
0x80: {  	_ =	shalt  }
0x81: {  	_ =	shalt  }
0x82: {  	_ =	shalt  }
0x83: {  	_ =	shalt  }
0x84: {  	_ =	shalt  }
0x85: {  	_ =	shalt  }
0x86: {  	_ =	shalt  }
0x87: {  	_ =	shalt  }
.Lfunc_end0:
.L_simem_size_0:
called_computation.3_lowered:
.L_overlay_start_0:
0x88: {  	s2 =	sld [smem:$0x3FD9]  }
0x89: {  	s3 =	sld [smem:$0x3FFE];
	_ =	sdelay $0x1  }
0x8a: {  	s1 =	srdreg.scid  }
0x8b: {  	s0 =	sand.u32 $0x1, s1  }
0x8c: {  	s16 =	sshll.u32 s0, $0xA;
	s2 =	sadd.s32 s3, s2  }
0x8d: {  	s2 =	sadd.s32 s2, s16  }
0x8e: {  	[smem:$0x3FBD] =	sst s2  }
0x8f: {  	_ = 	snop  }
0x90: {  	(tm) =	ssettm $0x1  }
0x91: {  	s17 =	sld [smem:$0x3FFB];
	_ =	sdelay $0x3  }
0x92: {  	_ =	strace s17  }
0x93: {  	s2 =	sld [smem:$0x3FFC];
	_ =	sdelay $0x3  }
0x94: {  	_ =	strace s2  }
0x95: {  	s2 =	sld [smem:$0x3FFD];
	_ =	sdelay $0x3  }
0x96: {  	_ =	strace s2  }
0x97: {  	_ =	strace $0x8FFFFFFF  }
0x98: {  	s18 =	sld [smem:$0x3FDB];
	_ =	sdelay $0x1  }
0x99: {  	s19 =	simm.s32 $_scs_section_size  }
0x9a: {  	s4 =	simm.s32 $_size__tile_overlayer_lowered;
	s5 =	simm.s32 $_tile_overlayer_lowered  }
0x9b: {  	s22 =	simm.s32 $0x1BFF;
	s21 =	sshll.u32 s5, $0x1;
	s2 =	sadd.s32 s19, s18  }
0x9c: {  	s6 =	simm.s32 $0x0;
	s20 =	sshll.u32 s4, $0x1;
	s4 =	sadd.s32 s21, s2  }
0x9d: {  	[timem:s6], [sflag:s22] =	dma.local [hbm:s4], s20  }
0x9e: {  	_ =	swait.ge [sflag:s22], s20  }
0x9f: {  	s3 =	ssub.s32 $0x0, s20;
	[sflag:s22] =	ssyncset.done $0x0  }
0xa0: {  	[sflag:s22] =	ssyncadd.s32 s3;
	_ =	sdelay $0x1  }
0xa1: {  	s23 =	simm.s32 $0x1B8B  }
0xa2: {  	_ =	swait.ge [sflag:s23], $0x1  }
0xa3: {  	[sflag:s23] =	ssyncset.done $0x0  }
0xa4: {  	s25 =	simm.s32 $0x1B8E;
	s24 =	sld [smem:$0x3FFE];
	[sflag:s23] =	ssyncadd.s32 $0xFFFFFFFF  }
0xa5: {  	s26 =	simm.s32 $execute0_lowered;
	[smem:$0x3FD2] =	sst s25  }
0xa6: {  	s4 =	sshll.u32 s26, $0x1;
	_ =	strace $0x8000004F;
	[dreg:$0x1] =	wrdreg $0xFFFFFFFF  }
0xa7: {  	s28 =	simm.s32 $_size_execute0_lowered;
	s2 =	sadd.s32 s2, s4;
	[dreg:$0x0] =	wrdreg $0x0  }
0xa8: {  	s4 =	sshll.u32 s28, $0x1;
	[dreg:$0x2] =	wrdreg s2  }
0xa9: {  	[dreg:$0x3] =	wrdreg s4  }
0xaa: {  	[dreg:$0x4] =	wrdreg $0xC0  }
0xab: {  	_ =	task [dreg:s6], $0x5FFFF  }
0xac: {  	[dreg:$0x1] =	wrdreg $0xFFFFFFFF  }
0xad: {  	[dreg:$0x0] =	wrdreg $0x60  }
0xae: {  	[dreg:$0x2] =	wrdreg s24  }
0xaf: {  	[dreg:$0x3] =	wrdreg $0x90000  }
0xb0: {  	[dreg:$0x4] =	wrdreg $0x9  }
0xb1: {  	_ =	task.clear_ibuf [dreg:s6], $0x5FFFF;
	_ =	strace $0x9000004F  }
0xb2: {  	s29 =	simm.s32 $0x9;
	_ =	strace $0x80000051  }
0xb3: {  	_ =	swait.ge [sflag:s29], $0x1  }
0xb4: {  	[sflag:s29] =	ssyncadd.s32 $0xFFFFFFFF  }
0xb5: {  	_ =	strace $0x90000051  }
0xb6: {  	_ =	sfence  }
0xb7: {  	s30 =	sld [smem:$0x0];
	_ =	sdelay $0x2  }
0xb8: {  	s31 =	sshll.u32 s1, $0xD;
	s1 =	sshrl.u32 s1, $0x2  }
0xb9: {  	s3 =	sand.u32 $0x4000, s31;
	s1 =	sadd.s32 s1, s30  }
0xba: {  	s0 =	sor.u32 s3, s0;
	s1 =	sshll.u32 s1, $0x11  }
0xbb: {  	s0 =	sor.u32 s1, s0  }
0xbc: {  	s0 =	sadd.s32 $0x8F2B, s0  }
0xbd: {  	[sflag:s0] =	ssyncadd.remote.s32 $0x1  }
0xbe: {  	_ =	sfence.sel $0xFFFF  }
0xbf: {  	[dreg:$0x0] =	wrdreg $0xFFFFFFFF;
	(pc) =	sbr.abs _section_cstart, $3  }
0xc0: {  	[dreg:$0x1] =	wrdreg $0xFFFFFFFF  }
0xc1: {  	_ =	task.clear_ibuf [dreg:s6], $0x2FFFF;
	_ =	strace $0x9FFFFFFF  }
0xc2: {  	(tm) =	ssettm $0x7FFFFFFF  }
0xc3: {  	_ =	shalt  }
tec
execute0_lowered:
.L_overlay_start_1:
0x0: {  	(tag) =	ssettag $0x1  }
0x1: {  	s0 =	srdreg.scid  }
0x2: {  	s1 =	rddreg [dreg:$0x0];
	s9 =	stileid.u32  }
0x3: {  	s2 =	rddreg [dreg:$0x1];
	s3 =	simm.s32 $0x0;
	s12 =	simm.s32 $0x100  }
0x4: {  	s14 =	simm.s32 $0x880;
	s15 =	simm.s32 $0x180;
	s16 =	simm.s32 $0x900  }
0x5: {  	s17 =	simm.s32 $0x200;
	[smem:$0x7FF] =	sst s3;
	s8 =	sadd.s32 $0x90200, s1  }
0x6: {  	s18 =	simm.s32 $0x980;
	_ =	strace $0x80000050;
	[dreg:$0x13] =	wrdreg s8  }
0x7: {  	s19 =	simm.s32 $0x280;
	s20 =	simm.s32 $0xA00;
	[dreg:$0x5] =	wrdreg s12  }
0x8: {  	s21 =	simm.s32 $0x300;
	s22 =	simm.s32 $0xA80;
	[dreg:$0x6] =	wrdreg s14  }
0x9: {  	s23 =	simm.s32 $0x380;
	s28 =	simm.s32 $0x680;
	[dreg:$0x7] =	wrdreg s15  }
0xa: {  	s29 =	simm.s32 $0xE00;
	s30 =	simm.s32 $0x700;
	[dreg:$0x8] =	wrdreg s16  }
0xb: {  	s31 =	simm.s32 $0xE80;
	s5 =	smul.u32 $0x5000, s9;
	[dreg:$0x9] =	wrdreg s17  }
0xc: {  	s0 =	sand.u32 $0x1, s0;
	s7 =	smul.u32 $0x14000, s9;
	[dreg:$0xa] =	wrdreg s18  }
0xd: {  	s26 =	smul.u32 $0x50000, s9;
	s13 =	sshll.u32 s9, $0x6;
	[dreg:$0xb] =	wrdreg s19  }
0xe: {  	s9 =	simm.s32 $0x0;
	s4 =	smul.u32 $0x50000, s0;
	[dreg:$0xc] =	wrdreg s20  }
0xf: {  	s24 =	smul.u32 $0x140000, s0;
	s0 =	ssub.s32 $0x2, s0;
	[dreg:$0xd] =	wrdreg s21  }
0x10: {  	s12 =	simm.s32 $0x80;
	s14 =	simm.s32 $0x5000;
	[dreg:$0xe] =	wrdreg s22  }
0x11: {  	s15 =	simm.s32 $0x1;
	[dreg:$0xf] =	wrdreg s23;
	s16 =	simm.s32 $0x3  }
0x12: {  	s17 =	simm.s32 $0x2;
	s18 =	simm.s32 $0x4;
	s19 =	simm.s32 $0x480  }
0x13: {  	s20 =	simm.s32 $0xC00;
	s21 =	simm.s32 $0x500;
	s22 =	simm.s32 $0xC80  }
0x14: {  	s23 =	simm.s32 $0x580;
	s25 =	sshrl.u32 s0, $0x1;
	s8 =	sshrl.u32 s26, $0x2  }
0x15: {  	s26 =	simm.s32 $0xB80;
	s4 =	sadd.s32 s5, s4;
	s5 =	sadd.s32 s7, s24  }
0x16: {  	s0 =	ssub.s32 s0, s25;
	s11 =	sadd.s32 s8, s2;
	s24 =	simm.s32 $0xB00  }
0x17: {  	s25 =	simm.s32 $0x400;
	[dreg:$0x12] =	wrdreg s26;
	s26 =	simm.s32 $0xD80  }
0x18: {  	s6 =	sshrl.u32 s4, $0x3;
	s4 =	sadd.s32 $0x92A00, s1;
	s5 =	sshrl.u32 s5, $0x3  }
0x19: {  	s0 =	smax.u32 s0, $0x1;
	s8 =	sshrl.u32 s11, $0x3;
	[dreg:$0x10] =	wrdreg s24  }
0x1a: {  	s11 =	simm.s32 $0x800;
	[dreg:$0x11] =	wrdreg s25;
	s24 =	simm.s32 $0xD00  }
0x1b: {  	s25 =	simm.s32 $0x600;
	s6 =	sadd.s32 s6, s1;
	[dreg:$0x16] =	wrdreg s0  }
0x1c: {  	s1 =	sadd.s32 s5, s1;
	[dreg:$0x17] =	wrdreg s8;
	s7 =	sadd.s32 $0xF6A00, s6  }
0x1d: {  	s0 =	simm.s32 $0xF00;
	s10 =	sadd.s32 $0xE2A00, s6;
	[dreg:$0x3] =	wrdreg s7  }
0x1e: {  	s5 =	simm.s32 $0xF80;
	s1 =	sadd.s32 $0x10AA00, s1;
	[dreg:$0x4] =	wrdreg s10  }
0x1f: {  	s7 =	sor.u32 $0x1C05, s13;
	[dreg:$0x15] =	wrdreg s1;
	s10 =	simm.s32 $0x5  }
0x20: {  	s13 =	simm.s32 $0x1000;
	s1 =	simm.s32 $0x780;
	[dreg:$0x14] =	wrdreg s7  }
.LBB2_1:
0x21: {  	[dreg:$0x18] =	wrdreg s9  }
0x22: {  	s6 =	rddreg [dreg:$0x13]  }
0x23: {  	[spmem:s8], [sflag:s7] =	dma.local [hbm:s6], $0x2800  }
0x24: {  	_ =	swait.ge [sflag:s10], $0x2800  }
0x25: {  	[sflag:s10] =	ssyncset.done $0x0  }
0x26: {  	[sflag:s10] =	ssyncadd.s32 $0xFFFFD800  }
0x27: {  	[bflag:$0x0] =	sbarrier.arrive $0xFFFF  }
0x28: {  	s9 =	rddreg [dreg:$0x4]  }
0x29: {  	s6 =	sadd.s32 $0x0, s9  }
0x2a: {  	[tilespmem:s3], [sflag:$0x5] =	stream.linear.gather [hbm4b:s6+s3], $0x800, $0x38;
	[tilespmem:$0x1D000] =	vst v63  }
0x2b: {  	_ =	swait.ge [sflag:s10], $0x800  }
0x2c: {  	s7 =	rddreg [dreg:$0x3];
	[sflag:s10] =	ssyncset.done $0x0  }
0x2d: {  	[sflag:s10] =	ssyncadd.s32 $0xFFFFF800;
	s6 =	sadd.s32 $0x0, s7  }
0x2e: {  	[tilespmem:s11], [sflag:$0x5] =	stream.linear.gather [hbm4b:s6+s3], $0x800, $0x38;
	[tilespmem:$0x1D000] =	vst v63  }
0x2f: {  	_ =	swait.ge [sflag:s10], $0x800  }
0x30: {  	[sflag:s10] =	ssyncset.done $0x0  }
0x31: {  	[sflag:s10] =	ssyncadd.s32 $0xFFFFF800  }
0x32: {  	[tilespmem:s13], [sflag:$0x1] =	stream.indirect.gather [hbm4b:s4+s12], $0x80, s3, s12, $0xb8;
	[tilespmem:$0x1D000] =	vst v63  }
0x33: {  	_ = 	snop  }
0x34: {  	[tilespmem:s14], [sflag:$0x2] =	stream.indirect.gather [hbm4b:s4+s12], $0x80, s12, s12, $0xb8;
	[tilespmem:$0x1D000] =	vst v63  }
0x35: {  	_ =	swait.ge [sflag:s15], $0x4000  }
0x36: {  	[sflag:s15] =	ssyncset.done $0x0  }
0x37: {  	[sflag:s15] =	ssyncadd.s32 $0xFFFFC000  }
0x38: {  	[spmem:s2] =	stream.indirect.scatter.add.f32 [tilespmem:s13], [sflag:$0x3], $0x80, s11, s12, $0xb8;
	[tilespmem:$0x1D000] =	vst v63  }
0x39: {  	_ =	swait.ge [sflag:s16], $0x4000  }
0x3a: {  	[sflag:s16] =	ssyncset.done $0x0  }
0x3b: {  	s8 =	rddreg [dreg:$0x5];
	[sflag:s16] =	ssyncadd.s32 $0xFFFFC000  }
0x3c: {  	[tilespmem:s13], [sflag:$0x1] =	stream.indirect.gather [hbm4b:s4+s12], $0x80, s8, s12, $0xb8;
	[tilespmem:$0x1D000] =	vst v63  }
0x3d: {  	_ =	swait.ge [sflag:s17], $0x4000  }
0x3e: {  	[sflag:s17] =	ssyncset.done $0x0  }
0x3f: {  	s9 =	rddreg [dreg:$0x6];
	[sflag:s17] =	ssyncadd.s32 $0xFFFFC000  }
0x40: {  	[spmem:s2] =	stream.indirect.scatter.add.f32 [tilespmem:s14], [sflag:$0x4], $0x80, s9, s12, $0xb8;
	[tilespmem:$0x1D000] =	vst v63  }
0x41: {  	_ =	swait.ge [sflag:s18], $0x4000  }
0x42: {  	[sflag:s18] =	ssyncset.done $0x0  }
0x43: {  	s7 =	rddreg [dreg:$0x7];
	[sflag:s18] =	ssyncadd.s32 $0xFFFFC000  }
0x44: {  	[tilespmem:s14], [sflag:$0x2] =	stream.indirect.gather [hbm4b:s4+s12], $0x80, s7, s12, $0xb8;
	[tilespmem:$0x1D000] =	vst v63  }
0x45: {  	_ =	swait.ge [sflag:s15], $0x4000  }
0x46: {  	[sflag:s15] =	ssyncset.done $0x0  }
0x47: {  	s8 =	rddreg [dreg:$0x8];
	[sflag:s15] =	ssyncadd.s32 $0xFFFFC000  }
0x48: {  	[spmem:s2] =	stream.indirect.scatter.add.f32 [tilespmem:s13], [sflag:$0x3], $0x80, s8, s12, $0xb8;
	[tilespmem:$0x1D000] =	vst v63  }
0x49: {  	_ =	swait.ge [sflag:s16], $0x4000  }
0x4a: {  	[sflag:s16] =	ssyncset.done $0x0  }
0x4b: {  	s9 =	rddreg [dreg:$0x9];
	[sflag:s16] =	ssyncadd.s32 $0xFFFFC000  }
0x4c: {  	[tilespmem:s13], [sflag:$0x1] =	stream.indirect.gather [hbm4b:s4+s12], $0x80, s9, s12, $0xb8;
	[tilespmem:$0x1D000] =	vst v63  }
0x4d: {  	_ =	swait.ge [sflag:s17], $0x4000  }
0x4e: {  	[sflag:s17] =	ssyncset.done $0x0  }
0x4f: {  	s7 =	rddreg [dreg:$0xa];
	[sflag:s17] =	ssyncadd.s32 $0xFFFFC000  }
0x50: {  	[spmem:s2] =	stream.indirect.scatter.add.f32 [tilespmem:s14], [sflag:$0x4], $0x80, s7, s12, $0xb8;
	[tilespmem:$0x1D000] =	vst v63  }
0x51: {  	_ =	swait.ge [sflag:s18], $0x4000  }
0x52: {  	[sflag:s18] =	ssyncset.done $0x0  }
0x53: {  	s8 =	rddreg [dreg:$0xb];
	[sflag:s18] =	ssyncadd.s32 $0xFFFFC000  }
0x54: {  	[tilespmem:s14], [sflag:$0x2] =	stream.indirect.gather [hbm4b:s4+s12], $0x80, s8, s12, $0xb8;
	[tilespmem:$0x1D000] =	vst v63  }
0x55: {  	_ =	swait.ge [sflag:s15], $0x4000  }
0x56: {  	[sflag:s15] =	ssyncset.done $0x0  }
0x57: {  	s9 =	rddreg [dreg:$0xc];
	[sflag:s15] =	ssyncadd.s32 $0xFFFFC000  }
0x58: {  	[spmem:s2] =	stream.indirect.scatter.add.f32 [tilespmem:s13], [sflag:$0x3], $0x80, s9, s12, $0xb8;
	[tilespmem:$0x1D000] =	vst v63  }
0x59: {  	_ =	swait.ge [sflag:s16], $0x4000  }
0x5a: {  	[sflag:s16] =	ssyncset.done $0x0  }
0x5b: {  	s7 =	rddreg [dreg:$0xd];
	[sflag:s16] =	ssyncadd.s32 $0xFFFFC000  }
0x5c: {  	[tilespmem:s13], [sflag:$0x1] =	stream.indirect.gather [hbm4b:s4+s12], $0x80, s7, s12, $0xb8;
	[tilespmem:$0x1D000] =	vst v63  }
0x5d: {  	_ =	swait.ge [sflag:s17], $0x4000  }
0x5e: {  	[sflag:s17] =	ssyncset.done $0x0  }
0x5f: {  	s8 =	rddreg [dreg:$0xe];
	[sflag:s17] =	ssyncadd.s32 $0xFFFFC000  }
0x60: {  	[spmem:s2] =	stream.indirect.scatter.add.f32 [tilespmem:s14], [sflag:$0x4], $0x80, s8, s12, $0xb8;
	[tilespmem:$0x1D000] =	vst v63  }
0x61: {  	_ =	swait.ge [sflag:s18], $0x4000  }
0x62: {  	[sflag:s18] =	ssyncset.done $0x0  }
0x63: {  	s9 =	rddreg [dreg:$0xf];
	[sflag:s18] =	ssyncadd.s32 $0xFFFFC000  }
0x64: {  	[tilespmem:s14], [sflag:$0x2] =	stream.indirect.gather [hbm4b:s4+s12], $0x80, s9, s12, $0xb8;
	[tilespmem:$0x1D000] =	vst v63  }
0x65: {  	_ =	swait.ge [sflag:s15], $0x4000  }
0x66: {  	[sflag:s15] =	ssyncset.done $0x0  }
0x67: {  	s7 =	rddreg [dreg:$0x10];
	[sflag:s15] =	ssyncadd.s32 $0xFFFFC000  }
0x68: {  	[spmem:s2] =	stream.indirect.scatter.add.f32 [tilespmem:s13], [sflag:$0x3], $0x80, s7, s12, $0xb8;
	[tilespmem:$0x1D000] =	vst v63  }
0x69: {  	_ =	swait.ge [sflag:s16], $0x4000  }
0x6a: {  	[sflag:s16] =	ssyncset.done $0x0  }
0x6b: {  	s8 =	rddreg [dreg:$0x11];
	[sflag:s16] =	ssyncadd.s32 $0xFFFFC000  }
0x6c: {  	[tilespmem:s13], [sflag:$0x1] =	stream.indirect.gather [hbm4b:s4+s12], $0x80, s8, s12, $0xb8;
	[tilespmem:$0x1D000] =	vst v63  }
0x6d: {  	_ =	swait.ge [sflag:s17], $0x4000  }
0x6e: {  	[sflag:s17] =	ssyncset.done $0x0  }
0x6f: {  	s9 =	rddreg [dreg:$0x12];
	[sflag:s17] =	ssyncadd.s32 $0xFFFFC000  }
0x70: {  	[spmem:s2] =	stream.indirect.scatter.add.f32 [tilespmem:s14], [sflag:$0x4], $0x80, s9, s12, $0xb8;
	[tilespmem:$0x1D000] =	vst v63  }
0x71: {  	_ =	swait.ge [sflag:s18], $0x4000  }
0x72: {  	[sflag:s18] =	ssyncset.done $0x0  }
0x73: {  	[sflag:s18] =	ssyncadd.s32 $0xFFFFC000  }
0x74: {  	[tilespmem:s14], [sflag:$0x2] =	stream.indirect.gather [hbm4b:s4+s12], $0x80, s19, s12, $0xb8;
	[tilespmem:$0x1D000] =	vst v63  }
0x75: {  	_ =	swait.ge [sflag:s15], $0x4000  }
0x76: {  	[sflag:s15] =	ssyncset.done $0x0  }
0x77: {  	[sflag:s15] =	ssyncadd.s32 $0xFFFFC000  }
0x78: {  	[spmem:s2] =	stream.indirect.scatter.add.f32 [tilespmem:s13], [sflag:$0x3], $0x80, s20, s12, $0xb8;
	[tilespmem:$0x1D000] =	vst v63  }
0x79: {  	_ =	swait.ge [sflag:s16], $0x4000  }
0x7a: {  	[sflag:s16] =	ssyncset.done $0x0  }
0x7b: {  	[sflag:s16] =	ssyncadd.s32 $0xFFFFC000  }
0x7c: {  	[tilespmem:s13], [sflag:$0x1] =	stream.indirect.gather [hbm4b:s4+s12], $0x80, s21, s12, $0xb8;
	[tilespmem:$0x1D000] =	vst v63  }
0x7d: {  	_ =	swait.ge [sflag:s17], $0x4000  }
0x7e: {  	[sflag:s17] =	ssyncset.done $0x0  }
0x7f: {  	[sflag:s17] =	ssyncadd.s32 $0xFFFFC000  }
0x80: {  	[spmem:s2] =	stream.indirect.scatter.add.f32 [tilespmem:s14], [sflag:$0x4], $0x80, s22, s12, $0xb8;
	[tilespmem:$0x1D000] =	vst v63  }
0x81: {  	_ =	swait.ge [sflag:s18], $0x4000  }
0x82: {  	[sflag:s18] =	ssyncset.done $0x0  }
0x83: {  	[sflag:s18] =	ssyncadd.s32 $0xFFFFC000  }
0x84: {  	[tilespmem:s14], [sflag:$0x2] =	stream.indirect.gather [hbm4b:s4+s12], $0x80, s23, s12, $0xb8;
	[tilespmem:$0x1D000] =	vst v63  }
0x85: {  	_ =	swait.ge [sflag:s15], $0x4000  }
0x86: {  	[sflag:s15] =	ssyncset.done $0x0  }
0x87: {  	[sflag:s15] =	ssyncadd.s32 $0xFFFFC000  }
0x88: {  	[spmem:s2] =	stream.indirect.scatter.add.f32 [tilespmem:s13], [sflag:$0x3], $0x80, s24, s12, $0xb8;
	[tilespmem:$0x1D000] =	vst v63  }
0x89: {  	_ =	swait.ge [sflag:s16], $0x4000  }
0x8a: {  	[sflag:s16] =	ssyncset.done $0x0  }
0x8b: {  	[sflag:s16] =	ssyncadd.s32 $0xFFFFC000  }
0x8c: {  	[tilespmem:s13], [sflag:$0x1] =	stream.indirect.gather [hbm4b:s4+s12], $0x80, s25, s12, $0xb8;
	[tilespmem:$0x1D000] =	vst v63  }
0x8d: {  	_ =	swait.ge [sflag:s17], $0x4000  }
0x8e: {  	[sflag:s17] =	ssyncset.done $0x0  }
0x8f: {  	[sflag:s17] =	ssyncadd.s32 $0xFFFFC000  }
0x90: {  	[spmem:s2] =	stream.indirect.scatter.add.f32 [tilespmem:s14], [sflag:$0x4], $0x80, s26, s12, $0xb8;
	[tilespmem:$0x1D000] =	vst v63  }
0x91: {  	_ =	swait.ge [sflag:s18], $0x4000  }
0x92: {  	[sflag:s18] =	ssyncset.done $0x0  }
0x93: {  	[sflag:s18] =	ssyncadd.s32 $0xFFFFC000  }
0x94: {  	[tilespmem:s14], [sflag:$0x2] =	stream.indirect.gather [hbm4b:s4+s12], $0x80, s28, s12, $0xb8;
	[tilespmem:$0x1D000] =	vst v63  }
0x95: {  	_ =	swait.ge [sflag:s15], $0x4000  }
0x96: {  	[sflag:s15] =	ssyncset.done $0x0  }
0x97: {  	[sflag:s15] =	ssyncadd.s32 $0xFFFFC000  }
0x98: {  	[spmem:s2] =	stream.indirect.scatter.add.f32 [tilespmem:s13], [sflag:$0x3], $0x80, s29, s12, $0xb8;
	[tilespmem:$0x1D000] =	vst v63  }
0x99: {  	_ =	swait.ge [sflag:s16], $0x4000  }
0x9a: {  	[sflag:s16] =	ssyncset.done $0x0  }
0x9b: {  	[sflag:s16] =	ssyncadd.s32 $0xFFFFC000  }
0x9c: {  	[tilespmem:s13], [sflag:$0x1] =	stream.indirect.gather [hbm4b:s4+s12], $0x80, s30, s12, $0xb8;
	[tilespmem:$0x1D000] =	vst v63  }
0x9d: {  	_ =	swait.ge [sflag:s17], $0x4000  }
0x9e: {  	[sflag:s17] =	ssyncset.done $0x0  }
0x9f: {  	[sflag:s17] =	ssyncadd.s32 $0xFFFFC000  }
0xa0: {  	[spmem:s2] =	stream.indirect.scatter.add.f32 [tilespmem:s14], [sflag:$0x4], $0x80, s31, s12, $0xb8;
	[tilespmem:$0x1D000] =	vst v63  }
0xa1: {  	_ =	swait.ge [sflag:s18], $0x4000  }
0xa2: {  	[sflag:s18] =	ssyncset.done $0x0  }
0xa3: {  	[sflag:s18] =	ssyncadd.s32 $0xFFFFC000  }
0xa4: {  	[tilespmem:s14], [sflag:$0x2] =	stream.indirect.gather [hbm4b:s4+s12], $0x80, s1, s12, $0xb8;
	[tilespmem:$0x1D000] =	vst v63  }
0xa5: {  	_ =	swait.ge [sflag:s15], $0x4000  }
0xa6: {  	[sflag:s15] =	ssyncset.done $0x0  }
0xa7: {  	[sflag:s15] =	ssyncadd.s32 $0xFFFFC000  }
0xa8: {  	[spmem:s2] =	stream.indirect.scatter.add.f32 [tilespmem:s13], [sflag:$0x3], $0x80, s0, s12, $0xb8;
	[tilespmem:$0x1D000] =	vst v63  }
0xa9: {  	_ =	swait.ge [sflag:s17], $0x4000  }
0xaa: {  	[sflag:s17] =	ssyncset.done $0x0  }
0xab: {  	[sflag:s17] =	ssyncadd.s32 $0xFFFFC000  }
0xac: {  	[spmem:s2] =	stream.indirect.scatter.add.f32 [tilespmem:s14], [sflag:$0x4], $0x80, s5, s12, $0xb8;
	[tilespmem:$0x1D000] =	vst v63  }
0xad: {  	_ =	swait.ge [sflag:s16], $0x4000  }
0xae: {  	[sflag:s16] =	ssyncset.done $0x0  }
0xaf: {  	[sflag:s16] =	ssyncadd.s32 $0xFFFFC000  }
0xb0: {  	s6 =	simm.s32 $0x200;
	_ =	swait.ge [sflag:s18], $0x4000  }
0xb1: {  	s8 =	simm.s32 $0x100;
	s9 =	rddreg [dreg:$0x4];
	[sflag:s18] =	ssyncset.done $0x0  }
.LBB2_2:
0xb2: {  	[sflag:s18] =	ssyncadd.s32 $0xFFFFC000;
	s9 =	sadd.s32 s8, s9  }
0xb3: {  	[tilespmem:s3], [sflag:$0x5] =	stream.linear.gather [hbm4b:s9+s3], $0x800, $0x38;
	[tilespmem:$0x1D000] =	vst v63  }
0xb4: {  	_ =	swait.ge [sflag:s10], $0x800  }
0xb5: {  	s9 =	rddreg [dreg:$0x3];
	[sflag:s10] =	ssyncset.done $0x0  }
0xb6: {  	[sflag:s10] =	ssyncadd.s32 $0xFFFFF800;
	s9 =	sadd.s32 s8, s9  }
0xb7: {  	[tilespmem:s11], [sflag:$0x5] =	stream.linear.gather [hbm4b:s9+s3], $0x800, $0x38;
	[tilespmem:$0x1D000] =	vst v63  }
0xb8: {  	_ =	swait.ge [sflag:s10], $0x800  }
0xb9: {  	[sflag:s10] =	ssyncset.done $0x0  }
0xba: {  	[sflag:s10] =	ssyncadd.s32 $0xFFFFF800  }
0xbb: {  	[tilespmem:s13], [sflag:$0x1] =	stream.indirect.gather [hbm4b:s4+s12], $0x80, s3, s12, $0xb8;
	[tilespmem:$0x1D000] =	vst v63  }
0xbc: {  	_ = 	snop  }
0xbd: {  	[tilespmem:s14], [sflag:$0x2] =	stream.indirect.gather [hbm4b:s4+s12], $0x80, s12, s12, $0xb8;
	[tilespmem:$0x1D000] =	vst v63  }
0xbe: {  	_ =	swait.ge [sflag:s15], $0x4000  }
0xbf: {  	[sflag:s15] =	ssyncset.done $0x0  }
0xc0: {  	[sflag:s15] =	ssyncadd.s32 $0xFFFFC000  }
0xc1: {  	[spmem:s2] =	stream.indirect.scatter.add.f32 [tilespmem:s13], [sflag:$0x3], $0x80, s11, s12, $0xb8;
	[tilespmem:$0x1D000] =	vst v63  }
0xc2: {  	_ =	swait.ge [sflag:s16], $0x4000  }
0xc3: {  	[sflag:s16] =	ssyncset.done $0x0  }
0xc4: {  	s9 =	rddreg [dreg:$0x5];
	[sflag:s16] =	ssyncadd.s32 $0xFFFFC000  }
0xc5: {  	[tilespmem:s13], [sflag:$0x1] =	stream.indirect.gather [hbm4b:s4+s12], $0x80, s9, s12, $0xb8;
	[tilespmem:$0x1D000] =	vst v63  }
0xc6: {  	_ =	swait.ge [sflag:s17], $0x4000  }
0xc7: {  	[sflag:s17] =	ssyncset.done $0x0  }
0xc8: {  	s9 =	rddreg [dreg:$0x6];
	[sflag:s17] =	ssyncadd.s32 $0xFFFFC000  }
0xc9: {  	[spmem:s2] =	stream.indirect.scatter.add.f32 [tilespmem:s14], [sflag:$0x4], $0x80, s9, s12, $0xb8;
	[tilespmem:$0x1D000] =	vst v63  }
0xca: {  	_ =	swait.ge [sflag:s18], $0x4000  }
0xcb: {  	[sflag:s18] =	ssyncset.done $0x0  }
0xcc: {  	s9 =	rddreg [dreg:$0x7];
	[sflag:s18] =	ssyncadd.s32 $0xFFFFC000  }
0xcd: {  	[tilespmem:s14], [sflag:$0x2] =	stream.indirect.gather [hbm4b:s4+s12], $0x80, s9, s12, $0xb8;
	[tilespmem:$0x1D000] =	vst v63  }
0xce: {  	_ =	swait.ge [sflag:s15], $0x4000  }
0xcf: {  	[sflag:s15] =	ssyncset.done $0x0  }
0xd0: {  	s9 =	rddreg [dreg:$0x8];
	[sflag:s15] =	ssyncadd.s32 $0xFFFFC000  }
0xd1: {  	[spmem:s2] =	stream.indirect.scatter.add.f32 [tilespmem:s13], [sflag:$0x3], $0x80, s9, s12, $0xb8;
	[tilespmem:$0x1D000] =	vst v63  }
0xd2: {  	_ =	swait.ge [sflag:s16], $0x4000  }
0xd3: {  	[sflag:s16] =	ssyncset.done $0x0  }
0xd4: {  	s9 =	rddreg [dreg:$0x9];
	[sflag:s16] =	ssyncadd.s32 $0xFFFFC000  }
0xd5: {  	[tilespmem:s13], [sflag:$0x1] =	stream.indirect.gather [hbm4b:s4+s12], $0x80, s9, s12, $0xb8;
	[tilespmem:$0x1D000] =	vst v63  }
0xd6: {  	_ =	swait.ge [sflag:s17], $0x4000  }
0xd7: {  	[sflag:s17] =	ssyncset.done $0x0  }
0xd8: {  	s9 =	rddreg [dreg:$0xa];
	[sflag:s17] =	ssyncadd.s32 $0xFFFFC000  }
0xd9: {  	[spmem:s2] =	stream.indirect.scatter.add.f32 [tilespmem:s14], [sflag:$0x4], $0x80, s9, s12, $0xb8;
	[tilespmem:$0x1D000] =	vst v63  }
0xda: {  	_ =	swait.ge [sflag:s18], $0x4000  }
0xdb: {  	[sflag:s18] =	ssyncset.done $0x0  }
0xdc: {  	s9 =	rddreg [dreg:$0xb];
	[sflag:s18] =	ssyncadd.s32 $0xFFFFC000  }
0xdd: {  	[tilespmem:s14], [sflag:$0x2] =	stream.indirect.gather [hbm4b:s4+s12], $0x80, s9, s12, $0xb8;
	[tilespmem:$0x1D000] =	vst v63  }
0xde: {  	_ =	swait.ge [sflag:s15], $0x4000  }
0xdf: {  	[sflag:s15] =	ssyncset.done $0x0  }
0xe0: {  	s9 =	rddreg [dreg:$0xc];
	[sflag:s15] =	ssyncadd.s32 $0xFFFFC000  }
0xe1: {  	[spmem:s2] =	stream.indirect.scatter.add.f32 [tilespmem:s13], [sflag:$0x3], $0x80, s9, s12, $0xb8;
	[tilespmem:$0x1D000] =	vst v63  }
0xe2: {  	_ =	swait.ge [sflag:s16], $0x4000  }
0xe3: {  	[sflag:s16] =	ssyncset.done $0x0  }
0xe4: {  	s9 =	rddreg [dreg:$0xd];
	[sflag:s16] =	ssyncadd.s32 $0xFFFFC000  }
0xe5: {  	[tilespmem:s13], [sflag:$0x1] =	stream.indirect.gather [hbm4b:s4+s12], $0x80, s9, s12, $0xb8;
	[tilespmem:$0x1D000] =	vst v63  }
0xe6: {  	_ =	swait.ge [sflag:s17], $0x4000  }
0xe7: {  	[sflag:s17] =	ssyncset.done $0x0  }
0xe8: {  	s9 =	rddreg [dreg:$0xe];
	[sflag:s17] =	ssyncadd.s32 $0xFFFFC000  }
0xe9: {  	[spmem:s2] =	stream.indirect.scatter.add.f32 [tilespmem:s14], [sflag:$0x4], $0x80, s9, s12, $0xb8;
	[tilespmem:$0x1D000] =	vst v63  }
0xea: {  	_ =	swait.ge [sflag:s18], $0x4000  }
0xeb: {  	[sflag:s18] =	ssyncset.done $0x0  }
0xec: {  	s9 =	rddreg [dreg:$0xf];
	[sflag:s18] =	ssyncadd.s32 $0xFFFFC000  }
0xed: {  	[tilespmem:s14], [sflag:$0x2] =	stream.indirect.gather [hbm4b:s4+s12], $0x80, s9, s12, $0xb8;
	[tilespmem:$0x1D000] =	vst v63  }
0xee: {  	_ =	swait.ge [sflag:s15], $0x4000  }
0xef: {  	[sflag:s15] =	ssyncset.done $0x0  }
0xf0: {  	s9 =	rddreg [dreg:$0x10];
	[sflag:s15] =	ssyncadd.s32 $0xFFFFC000  }
0xf1: {  	[spmem:s2] =	stream.indirect.scatter.add.f32 [tilespmem:s13], [sflag:$0x3], $0x80, s9, s12, $0xb8;
	[tilespmem:$0x1D000] =	vst v63  }
0xf2: {  	_ =	swait.ge [sflag:s16], $0x4000  }
0xf3: {  	[sflag:s16] =	ssyncset.done $0x0  }
0xf4: {  	s9 =	rddreg [dreg:$0x11];
	[sflag:s16] =	ssyncadd.s32 $0xFFFFC000  }
0xf5: {  	[tilespmem:s13], [sflag:$0x1] =	stream.indirect.gather [hbm4b:s4+s12], $0x80, s9, s12, $0xb8;
	[tilespmem:$0x1D000] =	vst v63  }
0xf6: {  	_ =	swait.ge [sflag:s17], $0x4000  }
0xf7: {  	[sflag:s17] =	ssyncset.done $0x0  }
0xf8: {  	s9 =	rddreg [dreg:$0x12];
	[sflag:s17] =	ssyncadd.s32 $0xFFFFC000  }
0xf9: {  	[spmem:s2] =	stream.indirect.scatter.add.f32 [tilespmem:s14], [sflag:$0x4], $0x80, s9, s12, $0xb8;
	[tilespmem:$0x1D000] =	vst v63  }
0xfa: {  	_ =	swait.ge [sflag:s18], $0x4000  }
0xfb: {  	[sflag:s18] =	ssyncset.done $0x0  }
0xfc: {  	[sflag:s18] =	ssyncadd.s32 $0xFFFFC000  }
0xfd: {  	[tilespmem:s14], [sflag:$0x2] =	stream.indirect.gather [hbm4b:s4+s12], $0x80, s19, s12, $0xb8;
	[tilespmem:$0x1D000] =	vst v63  }
0xfe: {  	_ =	swait.ge [sflag:s15], $0x4000  }
0xff: {  	[sflag:s15] =	ssyncset.done $0x0  }
0x100: {  	[sflag:s15] =	ssyncadd.s32 $0xFFFFC000  }
0x101: {  	[spmem:s2] =	stream.indirect.scatter.add.f32 [tilespmem:s13], [sflag:$0x3], $0x80, s20, s12, $0xb8;
	[tilespmem:$0x1D000] =	vst v63  }
0x102: {  	_ =	swait.ge [sflag:s16], $0x4000  }
0x103: {  	[sflag:s16] =	ssyncset.done $0x0  }
0x104: {  	[sflag:s16] =	ssyncadd.s32 $0xFFFFC000  }
0x105: {  	[tilespmem:s13], [sflag:$0x1] =	stream.indirect.gather [hbm4b:s4+s12], $0x80, s21, s12, $0xb8;
	[tilespmem:$0x1D000] =	vst v63  }
0x106: {  	_ =	swait.ge [sflag:s17], $0x4000  }
0x107: {  	[sflag:s17] =	ssyncset.done $0x0  }
0x108: {  	[sflag:s17] =	ssyncadd.s32 $0xFFFFC000  }
0x109: {  	[spmem:s2] =	stream.indirect.scatter.add.f32 [tilespmem:s14], [sflag:$0x4], $0x80, s22, s12, $0xb8;
	[tilespmem:$0x1D000] =	vst v63  }
0x10a: {  	_ =	swait.ge [sflag:s18], $0x4000  }
0x10b: {  	[sflag:s18] =	ssyncset.done $0x0  }
0x10c: {  	[sflag:s18] =	ssyncadd.s32 $0xFFFFC000  }
0x10d: {  	[tilespmem:s14], [sflag:$0x2] =	stream.indirect.gather [hbm4b:s4+s12], $0x80, s23, s12, $0xb8;
	[tilespmem:$0x1D000] =	vst v63  }
0x10e: {  	_ =	swait.ge [sflag:s15], $0x4000  }
0x10f: {  	[sflag:s15] =	ssyncset.done $0x0  }
0x110: {  	[sflag:s15] =	ssyncadd.s32 $0xFFFFC000  }
0x111: {  	[spmem:s2] =	stream.indirect.scatter.add.f32 [tilespmem:s13], [sflag:$0x3], $0x80, s24, s12, $0xb8;
	[tilespmem:$0x1D000] =	vst v63  }
0x112: {  	_ =	swait.ge [sflag:s16], $0x4000  }
0x113: {  	[sflag:s16] =	ssyncset.done $0x0  }
0x114: {  	[sflag:s16] =	ssyncadd.s32 $0xFFFFC000  }
0x115: {  	[tilespmem:s13], [sflag:$0x1] =	stream.indirect.gather [hbm4b:s4+s12], $0x80, s25, s12, $0xb8;
	[tilespmem:$0x1D000] =	vst v63  }
0x116: {  	_ =	swait.ge [sflag:s17], $0x4000  }
0x117: {  	[sflag:s17] =	ssyncset.done $0x0  }
0x118: {  	[sflag:s17] =	ssyncadd.s32 $0xFFFFC000  }
0x119: {  	[spmem:s2] =	stream.indirect.scatter.add.f32 [tilespmem:s14], [sflag:$0x4], $0x80, s26, s12, $0xb8;
	[tilespmem:$0x1D000] =	vst v63  }
0x11a: {  	_ =	swait.ge [sflag:s18], $0x4000  }
0x11b: {  	[sflag:s18] =	ssyncset.done $0x0  }
0x11c: {  	[sflag:s18] =	ssyncadd.s32 $0xFFFFC000  }
0x11d: {  	[tilespmem:s14], [sflag:$0x2] =	stream.indirect.gather [hbm4b:s4+s12], $0x80, s28, s12, $0xb8;
	[tilespmem:$0x1D000] =	vst v63  }
0x11e: {  	_ =	swait.ge [sflag:s15], $0x4000  }
0x11f: {  	[sflag:s15] =	ssyncset.done $0x0  }
0x120: {  	[sflag:s15] =	ssyncadd.s32 $0xFFFFC000  }
0x121: {  	[spmem:s2] =	stream.indirect.scatter.add.f32 [tilespmem:s13], [sflag:$0x3], $0x80, s29, s12, $0xb8;
	[tilespmem:$0x1D000] =	vst v63  }
0x122: {  	_ =	swait.ge [sflag:s16], $0x4000  }
0x123: {  	[sflag:s16] =	ssyncset.done $0x0  }
0x124: {  	[sflag:s16] =	ssyncadd.s32 $0xFFFFC000  }
0x125: {  	[tilespmem:s13], [sflag:$0x1] =	stream.indirect.gather [hbm4b:s4+s12], $0x80, s30, s12, $0xb8;
	[tilespmem:$0x1D000] =	vst v63  }
0x126: {  	_ =	swait.ge [sflag:s17], $0x4000  }
0x127: {  	[sflag:s17] =	ssyncset.done $0x0  }
0x128: {  	[sflag:s17] =	ssyncadd.s32 $0xFFFFC000  }
0x129: {  	[spmem:s2] =	stream.indirect.scatter.add.f32 [tilespmem:s14], [sflag:$0x4], $0x80, s31, s12, $0xb8;
	[tilespmem:$0x1D000] =	vst v63  }
0x12a: {  	_ =	swait.ge [sflag:s18], $0x4000  }
0x12b: {  	[sflag:s18] =	ssyncset.done $0x0  }
0x12c: {  	[sflag:s18] =	ssyncadd.s32 $0xFFFFC000  }
0x12d: {  	[tilespmem:s14], [sflag:$0x2] =	stream.indirect.gather [hbm4b:s4+s12], $0x80, s1, s12, $0xb8;
	[tilespmem:$0x1D000] =	vst v63  }
0x12e: {  	_ =	swait.ge [sflag:s15], $0x4000  }
0x12f: {  	[sflag:s15] =	ssyncset.done $0x0  }
0x130: {  	[sflag:s15] =	ssyncadd.s32 $0xFFFFC000  }
0x131: {  	[spmem:s2] =	stream.indirect.scatter.add.f32 [tilespmem:s13], [sflag:$0x3], $0x80, s0, s12, $0xb8;
	[tilespmem:$0x1D000] =	vst v63  }
0x132: {  	_ =	swait.ge [sflag:s17], $0x4000  }
0x133: {  	[sflag:s17] =	ssyncset.done $0x0  }
0x134: {  	p0 =	sne.s32 s6, $0x900;
	[sflag:s17] =	ssyncadd.s32 $0xFFFFC000  }
0x135: {  	[spmem:s2] =	stream.indirect.scatter.add.f32 [tilespmem:s14], [sflag:$0x4], $0x80, s5, s12, $0xb8;
	[tilespmem:$0x1D000] =	vst v63  }
.Ltmp0:
0x136: {  	_ =	swait.ge [sflag:s16], $0x4000;
	(pc) =	sbr.rel @p0 .LBB2_2-.Ltmp0, $4  }
0x137: {  	[sflag:s16] =	ssyncset.done $0x0  }
0x138: {  	[sflag:s16] =	ssyncadd.s32 $0xFFFFC000  }
0x139: {  	s7 =	smov.u32 s6;
	s6 =	sadd.s32 $0x100, s6;
	_ =	swait.ge [sflag:s18], $0x4000  }
0x13a: {  	s8 =	smov.u32 s7;
	s9 =	rddreg [dreg:$0x4];
	[sflag:s18] =	ssyncset.done $0x0  }
0x13b: {  	[sflag:s18] =	ssyncadd.s32 $0xFFFFC000;
	s6 =	sadd.s32 s8, s9  }
0x13c: {  	[tilespmem:s3], [sflag:$0x5] =	stream.linear.gather [hbm4b:s6+s3], $0x800, $0x38;
	[tilespmem:$0x1D000] =	vst v63  }
0x13d: {  	_ =	swait.ge [sflag:s10], $0x800  }
0x13e: {  	s9 =	rddreg [dreg:$0x3];
	[sflag:s10] =	ssyncset.done $0x0  }
0x13f: {  	s6 =	sadd.s32 s8, s9;
	[sflag:s10] =	ssyncadd.s32 $0xFFFFF800  }
0x140: {  	[tilespmem:s11], [sflag:$0x5] =	stream.linear.gather [hbm4b:s6+s3], $0x800, $0x38;
	[tilespmem:$0x1D000] =	vst v63  }
0x141: {  	_ =	swait.ge [sflag:s10], $0x800  }
0x142: {  	[sflag:s10] =	ssyncset.done $0x0  }
0x143: {  	[sflag:s10] =	ssyncadd.s32 $0xFFFFF800  }
0x144: {  	[tilespmem:s13], [sflag:$0x1] =	stream.indirect.gather [hbm4b:s4+s12], $0x80, s3, s12, $0xb8;
	[tilespmem:$0x1D000] =	vst v63  }
0x145: {  	_ = 	snop  }
0x146: {  	[tilespmem:s14], [sflag:$0x2] =	stream.indirect.gather [hbm4b:s4+s12], $0x80, s12, s12, $0xb8;
	[tilespmem:$0x1D000] =	vst v63  }
0x147: {  	_ =	swait.ge [sflag:s15], $0x4000  }
0x148: {  	[sflag:s15] =	ssyncset.done $0x0  }
0x149: {  	[sflag:s15] =	ssyncadd.s32 $0xFFFFC000  }
0x14a: {  	[spmem:s2] =	stream.indirect.scatter.add.f32 [tilespmem:s13], [sflag:$0x3], $0x80, s11, s12, $0xb8;
	[tilespmem:$0x1D000] =	vst v63  }
0x14b: {  	_ =	swait.ge [sflag:s16], $0x4000  }
0x14c: {  	[sflag:s16] =	ssyncset.done $0x0  }
0x14d: {  	s7 =	rddreg [dreg:$0x5];
	[sflag:s16] =	ssyncadd.s32 $0xFFFFC000  }
0x14e: {  	[tilespmem:s13], [sflag:$0x1] =	stream.indirect.gather [hbm4b:s4+s12], $0x80, s7, s12, $0xb8;
	[tilespmem:$0x1D000] =	vst v63  }
0x14f: {  	_ =	swait.ge [sflag:s17], $0x4000  }
0x150: {  	[sflag:s17] =	ssyncset.done $0x0  }
0x151: {  	s8 =	rddreg [dreg:$0x6];
	[sflag:s17] =	ssyncadd.s32 $0xFFFFC000  }
0x152: {  	[spmem:s2] =	stream.indirect.scatter.add.f32 [tilespmem:s14], [sflag:$0x4], $0x80, s8, s12, $0xb8;
	[tilespmem:$0x1D000] =	vst v63  }
0x153: {  	_ =	swait.ge [sflag:s18], $0x4000  }
0x154: {  	[sflag:s18] =	ssyncset.done $0x0  }
0x155: {  	s9 =	rddreg [dreg:$0x7];
	[sflag:s18] =	ssyncadd.s32 $0xFFFFC000  }
0x156: {  	[tilespmem:s14], [sflag:$0x2] =	stream.indirect.gather [hbm4b:s4+s12], $0x80, s9, s12, $0xb8;
	[tilespmem:$0x1D000] =	vst v63  }
0x157: {  	_ =	swait.ge [sflag:s15], $0x4000  }
0x158: {  	[sflag:s15] =	ssyncset.done $0x0  }
0x159: {  	s7 =	rddreg [dreg:$0x8];
	[sflag:s15] =	ssyncadd.s32 $0xFFFFC000  }
0x15a: {  	[spmem:s2] =	stream.indirect.scatter.add.f32 [tilespmem:s13], [sflag:$0x3], $0x80, s7, s12, $0xb8;
	[tilespmem:$0x1D000] =	vst v63  }
0x15b: {  	_ =	swait.ge [sflag:s16], $0x4000  }
0x15c: {  	[sflag:s16] =	ssyncset.done $0x0  }
0x15d: {  	s8 =	rddreg [dreg:$0x9];
	[sflag:s16] =	ssyncadd.s32 $0xFFFFC000  }
0x15e: {  	[tilespmem:s13], [sflag:$0x1] =	stream.indirect.gather [hbm4b:s4+s12], $0x80, s8, s12, $0xb8;
	[tilespmem:$0x1D000] =	vst v63  }
0x15f: {  	_ =	swait.ge [sflag:s17], $0x4000  }
0x160: {  	[sflag:s17] =	ssyncset.done $0x0  }
0x161: {  	s9 =	rddreg [dreg:$0xa];
	[sflag:s17] =	ssyncadd.s32 $0xFFFFC000  }
0x162: {  	[spmem:s2] =	stream.indirect.scatter.add.f32 [tilespmem:s14], [sflag:$0x4], $0x80, s9, s12, $0xb8;
	[tilespmem:$0x1D000] =	vst v63  }
0x163: {  	_ =	swait.ge [sflag:s18], $0x4000  }
0x164: {  	[sflag:s18] =	ssyncset.done $0x0  }
0x165: {  	s7 =	rddreg [dreg:$0xb];
	[sflag:s18] =	ssyncadd.s32 $0xFFFFC000  }
0x166: {  	[tilespmem:s14], [sflag:$0x2] =	stream.indirect.gather [hbm4b:s4+s12], $0x80, s7, s12, $0xb8;
	[tilespmem:$0x1D000] =	vst v63  }
0x167: {  	_ =	swait.ge [sflag:s15], $0x4000  }
0x168: {  	[sflag:s15] =	ssyncset.done $0x0  }
0x169: {  	s8 =	rddreg [dreg:$0xc];
	[sflag:s15] =	ssyncadd.s32 $0xFFFFC000  }
0x16a: {  	[spmem:s2] =	stream.indirect.scatter.add.f32 [tilespmem:s13], [sflag:$0x3], $0x80, s8, s12, $0xb8;
	[tilespmem:$0x1D000] =	vst v63  }
0x16b: {  	_ =	swait.ge [sflag:s16], $0x4000  }
0x16c: {  	[sflag:s16] =	ssyncset.done $0x0  }
0x16d: {  	s9 =	rddreg [dreg:$0xd];
	[sflag:s16] =	ssyncadd.s32 $0xFFFFC000  }
0x16e: {  	[tilespmem:s13], [sflag:$0x1] =	stream.indirect.gather [hbm4b:s4+s12], $0x80, s9, s12, $0xb8;
	[tilespmem:$0x1D000] =	vst v63  }
0x16f: {  	_ =	swait.ge [sflag:s17], $0x4000  }
0x170: {  	[sflag:s17] =	ssyncset.done $0x0  }
0x171: {  	s7 =	rddreg [dreg:$0xe];
	[sflag:s17] =	ssyncadd.s32 $0xFFFFC000  }
0x172: {  	[spmem:s2] =	stream.indirect.scatter.add.f32 [tilespmem:s14], [sflag:$0x4], $0x80, s7, s12, $0xb8;
	[tilespmem:$0x1D000] =	vst v63  }
0x173: {  	_ =	swait.ge [sflag:s18], $0x4000  }
0x174: {  	[sflag:s18] =	ssyncset.done $0x0  }
0x175: {  	s8 =	rddreg [dreg:$0xf];
	[sflag:s18] =	ssyncadd.s32 $0xFFFFC000  }
0x176: {  	[tilespmem:s14], [sflag:$0x2] =	stream.indirect.gather [hbm4b:s4+s12], $0x80, s8, s12, $0xb8;
	[tilespmem:$0x1D000] =	vst v63  }
0x177: {  	_ =	swait.ge [sflag:s15], $0x4000  }
0x178: {  	[sflag:s15] =	ssyncset.done $0x0  }
0x179: {  	s9 =	rddreg [dreg:$0x10];
	[sflag:s15] =	ssyncadd.s32 $0xFFFFC000  }
0x17a: {  	[spmem:s2] =	stream.indirect.scatter.add.f32 [tilespmem:s13], [sflag:$0x3], $0x80, s9, s12, $0xb8;
	[tilespmem:$0x1D000] =	vst v63  }
0x17b: {  	_ =	swait.ge [sflag:s16], $0x4000  }
0x17c: {  	[sflag:s16] =	ssyncset.done $0x0  }
0x17d: {  	s7 =	rddreg [dreg:$0x11];
	[sflag:s16] =	ssyncadd.s32 $0xFFFFC000  }
0x17e: {  	[tilespmem:s13], [sflag:$0x1] =	stream.indirect.gather [hbm4b:s4+s12], $0x80, s7, s12, $0xb8;
	[tilespmem:$0x1D000] =	vst v63  }
0x17f: {  	_ =	swait.ge [sflag:s17], $0x4000  }
0x180: {  	[sflag:s17] =	ssyncset.done $0x0  }
0x181: {  	s8 =	rddreg [dreg:$0x12];
	[sflag:s17] =	ssyncadd.s32 $0xFFFFC000  }
0x182: {  	[spmem:s2] =	stream.indirect.scatter.add.f32 [tilespmem:s14], [sflag:$0x4], $0x80, s8, s12, $0xb8;
	[tilespmem:$0x1D000] =	vst v63  }
0x183: {  	_ =	swait.ge [sflag:s18], $0x4000  }
0x184: {  	[sflag:s18] =	ssyncset.done $0x0  }
0x185: {  	[sflag:s18] =	ssyncadd.s32 $0xFFFFC000  }
0x186: {  	[tilespmem:s14], [sflag:$0x2] =	stream.indirect.gather [hbm4b:s4+s12], $0x80, s19, s12, $0xb8;
	[tilespmem:$0x1D000] =	vst v63  }
0x187: {  	_ =	swait.ge [sflag:s15], $0x4000  }
0x188: {  	[sflag:s15] =	ssyncset.done $0x0  }
0x189: {  	[sflag:s15] =	ssyncadd.s32 $0xFFFFC000  }
0x18a: {  	[spmem:s2] =	stream.indirect.scatter.add.f32 [tilespmem:s13], [sflag:$0x3], $0x80, s20, s12, $0xb8;
	[tilespmem:$0x1D000] =	vst v63  }
0x18b: {  	_ =	swait.ge [sflag:s16], $0x4000  }
0x18c: {  	[sflag:s16] =	ssyncset.done $0x0  }
0x18d: {  	[sflag:s16] =	ssyncadd.s32 $0xFFFFC000  }
0x18e: {  	[tilespmem:s13], [sflag:$0x1] =	stream.indirect.gather [hbm4b:s4+s12], $0x80, s21, s12, $0xb8;
	[tilespmem:$0x1D000] =	vst v63  }
0x18f: {  	_ =	swait.ge [sflag:s17], $0x4000  }
0x190: {  	[sflag:s17] =	ssyncset.done $0x0  }
0x191: {  	[sflag:s17] =	ssyncadd.s32 $0xFFFFC000  }
0x192: {  	[spmem:s2] =	stream.indirect.scatter.add.f32 [tilespmem:s14], [sflag:$0x4], $0x80, s22, s12, $0xb8;
	[tilespmem:$0x1D000] =	vst v63  }
0x193: {  	_ =	swait.ge [sflag:s18], $0x4000  }
0x194: {  	[sflag:s18] =	ssyncset.done $0x0  }
0x195: {  	[sflag:s18] =	ssyncadd.s32 $0xFFFFC000  }
0x196: {  	[tilespmem:s14], [sflag:$0x2] =	stream.indirect.gather [hbm4b:s4+s12], $0x80, s23, s12, $0xb8;
	[tilespmem:$0x1D000] =	vst v63  }
0x197: {  	_ =	swait.ge [sflag:s15], $0x4000  }
0x198: {  	[sflag:s15] =	ssyncset.done $0x0  }
0x199: {  	[sflag:s15] =	ssyncadd.s32 $0xFFFFC000  }
0x19a: {  	[spmem:s2] =	stream.indirect.scatter.add.f32 [tilespmem:s13], [sflag:$0x3], $0x80, s24, s12, $0xb8;
	[tilespmem:$0x1D000] =	vst v63  }
0x19b: {  	_ =	swait.ge [sflag:s16], $0x4000  }
0x19c: {  	[sflag:s16] =	ssyncset.done $0x0  }
0x19d: {  	[sflag:s16] =	ssyncadd.s32 $0xFFFFC000  }
0x19e: {  	[tilespmem:s13], [sflag:$0x1] =	stream.indirect.gather [hbm4b:s4+s12], $0x80, s25, s12, $0xb8;
	[tilespmem:$0x1D000] =	vst v63  }
0x19f: {  	_ =	swait.ge [sflag:s17], $0x4000  }
0x1a0: {  	[sflag:s17] =	ssyncset.done $0x0  }
0x1a1: {  	[sflag:s17] =	ssyncadd.s32 $0xFFFFC000  }
0x1a2: {  	[spmem:s2] =	stream.indirect.scatter.add.f32 [tilespmem:s14], [sflag:$0x4], $0x80, s26, s12, $0xb8;
	[tilespmem:$0x1D000] =	vst v63  }
0x1a3: {  	_ =	swait.ge [sflag:s18], $0x4000  }
0x1a4: {  	[sflag:s18] =	ssyncset.done $0x0  }
0x1a5: {  	[sflag:s18] =	ssyncadd.s32 $0xFFFFC000  }
0x1a6: {  	[tilespmem:s14], [sflag:$0x2] =	stream.indirect.gather [hbm4b:s4+s12], $0x80, s28, s12, $0xb8;
	[tilespmem:$0x1D000] =	vst v63  }
0x1a7: {  	_ =	swait.ge [sflag:s15], $0x4000  }
0x1a8: {  	[sflag:s15] =	ssyncset.done $0x0  }
0x1a9: {  	[sflag:s15] =	ssyncadd.s32 $0xFFFFC000  }
0x1aa: {  	[spmem:s2] =	stream.indirect.scatter.add.f32 [tilespmem:s13], [sflag:$0x3], $0x80, s29, s12, $0xb8;
	[tilespmem:$0x1D000] =	vst v63  }
0x1ab: {  	_ =	swait.ge [sflag:s16], $0x4000  }
0x1ac: {  	[sflag:s16] =	ssyncset.done $0x0  }
0x1ad: {  	[sflag:s16] =	ssyncadd.s32 $0xFFFFC000  }
0x1ae: {  	[tilespmem:s13], [sflag:$0x1] =	stream.indirect.gather [hbm4b:s4+s12], $0x80, s30, s12, $0xb8;
	[tilespmem:$0x1D000] =	vst v63  }
0x1af: {  	_ =	swait.ge [sflag:s17], $0x4000  }
0x1b0: {  	[sflag:s17] =	ssyncset.done $0x0  }
0x1b1: {  	[sflag:s17] =	ssyncadd.s32 $0xFFFFC000  }
0x1b2: {  	[spmem:s2] =	stream.indirect.scatter.add.f32 [tilespmem:s14], [sflag:$0x4], $0x80, s31, s12, $0xb8;
	[tilespmem:$0x1D000] =	vst v63  }
0x1b3: {  	_ =	swait.ge [sflag:s18], $0x4000  }
0x1b4: {  	[sflag:s18] =	ssyncset.done $0x0  }
0x1b5: {  	[sflag:s18] =	ssyncadd.s32 $0xFFFFC000  }
0x1b6: {  	[tilespmem:s14], [sflag:$0x2] =	stream.indirect.gather [hbm4b:s4+s12], $0x80, s1, s12, $0xb8;
	[tilespmem:$0x1D000] =	vst v63  }
0x1b7: {  	_ =	swait.ge [sflag:s15], $0x4000  }
0x1b8: {  	[sflag:s15] =	ssyncset.done $0x0  }
0x1b9: {  	[sflag:s15] =	ssyncadd.s32 $0xFFFFC000  }
0x1ba: {  	[spmem:s2] =	stream.indirect.scatter.add.f32 [tilespmem:s13], [sflag:$0x3], $0x80, s0, s12, $0xb8;
	[tilespmem:$0x1D000] =	vst v63  }
0x1bb: {  	_ =	swait.ge [sflag:s17], $0x4000  }
0x1bc: {  	[sflag:s17] =	ssyncset.done $0x0  }
0x1bd: {  	[sflag:s17] =	ssyncadd.s32 $0xFFFFC000  }
0x1be: {  	[spmem:s2] =	stream.indirect.scatter.add.f32 [tilespmem:s14], [sflag:$0x4], $0x80, s5, s12, $0xb8;
	[tilespmem:$0x1D000] =	vst v63  }
0x1bf: {  	_ =	swait.ge [sflag:s16], $0x4000  }
0x1c0: {  	[sflag:s16] =	ssyncset.done $0x0  }
0x1c1: {  	[sflag:s16] =	ssyncadd.s32 $0xFFFFC000  }
0x1c2: {  	_ =	swait.ge [sflag:s18], $0x4000  }
0x1c3: {  	[sflag:s18] =	ssyncset.done $0x0  }
0x1c4: {  	[sflag:s18] =	ssyncadd.s32 $0xFFFFC000  }
0x1c5: {  	[bflag:$0x0] =	sbarrier.arrive $0xFFFF  }
0x1c6: {  	s7 =	rddreg [dreg:$0x14]  }
0x1c7: {  	s9 =	rddreg [dreg:$0x15]  }
0x1c8: {  	s8 =	rddreg [dreg:$0x17]  }
0x1c9: {  	[hbm:s9], [sflag:s7] =	dma.local [spmem:s8], $0x2800  }
0x1ca: {  	_ =	swait.ge [sflag:s10], $0x2800  }
0x1cb: {  	s6 =	rddreg [dreg:$0x18]  }
0x1cc: {  	s9 =	sadd.s32 $0x1, s6;
	s6 =	rddreg [dreg:$0x16]  }
0x1cd: {  	p0 =	sne.s32 s9, s6  }
.Ltmp1:
0x1ce: {  	_ = 	snop;
	(pc) =	sbr.rel @p0 .LBB2_1-.Ltmp1, $3  }
0x1cf: {  	_ =	sdelay $0x1  }
0x1d0: {  	[sflag:s10] =	ssyncset.done $0x0  }
0x1d1: {  	[sflag:s10] =	ssyncadd.s32 $0xFFFFD800  }
0x1d2: {  	_ =	sfence.sel $0x180000  }
0x1d3: {  	[bflag:$0x0] =	sbarrier.arrive $0xFFFF  }
0x1d4: {  	_ =	strace $0x90000050  }
0x1d5: {  	s0 =	stileid.u32;
	[bflag:$0x2] =	sbarrier.arrive $0xFFFF  }
0x1d6: {  	p0 =	sne.s32 s0, $0x0;
	s0 =	rddreg [dreg:$0x2]  }
0x1d7: {  	s0 =	sadd.s32 @!p0 $0x100000, s0  }
0x1d8: {  	[sflag:s0] =	ssyncadd.tile.s32 @!p0 $0x1;
	_ =	shalt  }
.Lfunc_end2:
_tile_overlayer_lowered:
.L_overlay_start_2:
0x1d9: {  	(tag) =	ssettag $0x2  }
0x1da: {  	s0 =	rddreg [dreg:$0x0];
	s2 =	stileid.u32  }
0x1db: {  	s1 =	rddreg [dreg:$0x1];
	p0 =	sne.s32 s2, $0x0  }
0x1dc: {  	s3 =	rddreg [dreg:$0x2];
	[bflag:$0x3] =	sbarrier.arrive $0xFFFF;
	s2 =	simm.s32 @!p0 $0x1C05  }
0x1dd: {  	[timem:s3], [sflag:s2] =	dma.local @!p0 [hbm:s0], s1  }
0x1de: {  	s0 =	simm.s32 @!p0 $0x5  }
0x1df: {  	_ =	swait.ge @!p0 [sflag:s0], s1  }
0x1e0: {  	s1 =	ssub.s32 @!p0 $0x0, s1;
	[sflag:s0] =	ssyncset.done @!p0 $0x0  }
0x1e1: {  	[sflag:s0] =	ssyncadd.s32 @!p0 s1  }
0x1e2: {  	[bflag:$0x3] =	sbarrier.arrive $0xFFFF  }
0x1e3: {  	_ =	shalt  }

</sc_bundles>
